<compile_context>
chip_gen: v7x
topology: tpu7x:2x2x1
jax: 0.10.2.dev20260603
libtpu: 0.0.44.dev20260713+nightly
codegen_flags: <defaults>
</compile_context>

<pallas_src>
import functools

import jax
import jax.numpy as jnp
from jax import lax
from jax.experimental import pallas as pl
from jax.experimental.pallas import tpu as pltpu
from jax.experimental.pallas import tpu_sc as plsc

N_NODES = 10000
N_EDGES = 320000
D_FEAT = 128
D_EDGE = 16
HID = 128

NC, NS = 2, 16
NW = NC * NS
E_HALF = N_EDGES // 2
EPW = E_HALF // NW
GCH = 40
NCH = EPW // GCH
N_PAD = 10240
NPS = N_PAD // NS
L = 16

_SC_PARAMS = pltpu.CompilerParams(use_tc_tiling_on_sc=False)
_SC_PARAMS_NL = pltpu.CompilerParams(use_tc_tiling_on_sc=False,
                                     needs_layout_passes=False)


@functools.cache
def _mesh():
    return plsc.VectorSubcoreMesh(
        core_axis_name="c", subcore_axis_name="s",
        num_cores=NC, num_subcores=NS)



def _prelude_body(nodes_ref, wsq_ref, p_ref, q_ref):
    pq = jnp.dot(nodes_ref[...], wsq_ref[...],
                 preferred_element_type=jnp.float32)
    p_ref[...] = pq[:, :HID]
    q_ref[...] = pq[:, HID:]


def _msg_body(e_ref, sr_ref, w1e_ref, b1_ref, w2_ref, b2_ref,
              wg1_ref, bg1_ref, wg2p_ref, bg2_ref, m_ref, x_ref):
    h = sr_ref[...] + jnp.dot(e_ref[...], w1e_ref[...],
                              preferred_element_type=jnp.float32) + b1_ref[...]
    h = jnp.maximum(h, 0.0)
    msgs = jnp.dot(h, w2_ref[...], preferred_element_type=jnp.float32) + b2_ref[...]
    g = jnp.maximum(jnp.dot(msgs, wg1_ref[...],
                            preferred_element_type=jnp.float32) + bg1_ref[...], 0.0)
    gate = jnp.dot(g, wg2p_ref[...],
                   preferred_element_type=jnp.float32) + bg2_ref[...]
    ex16 = jnp.exp(gate)
    m_ref[...] = ex16[:, 0:1] * msgs
    x_ref[...] = ex16[:, 0:1].reshape(x_ref.shape)


def _upd_body(nodes_ref, ama_ref, amb_ref, ae_ref, ones_ref, wu1a_ref,
              wu1b_ref, bu1_ref, wu2_ref, bu2_ref, out_ref):
    ama = ama_ref[...]
    amb = amb_ref[...]
    num = (ama[0] + ama[1]) + (amb[0] + amb[1])
    den = jnp.dot(ae_ref[...], ones_ref[...],
                  preferred_element_type=jnp.float32)
    aggr = jnp.where(den > 0.0, num / den, 0.0)
    u = (jnp.dot(nodes_ref[...], wu1a_ref[...], preferred_element_type=jnp.float32)
         + jnp.dot(aggr, wu1b_ref[...], preferred_element_type=jnp.float32)
         + bu1_ref[...])
    u = jnp.maximum(u, 0.0)
    out_ref[...] = jnp.dot(u, wu2_ref[...],
                           preferred_element_type=jnp.float32) + bu2_ref[...]



@functools.cache
def _gather_kernel():
    return pl.kernel(
        _gather_body,
        out_type=jax.ShapeDtypeStruct((E_HALF, HID), jnp.float32),
        mesh=_mesh(),
        compiler_params=_SC_PARAMS,
        scratch_types=(
            [pltpu.VMEM((NCH, GCH), jnp.int32)] * 2
            + [pltpu.VMEM((GCH, HID), jnp.float32)] * 4
            + [pltpu.SemaphoreType.DMA] * 4
        ),
    )


def _gather_body(p_hbm, q_hbm, s3_hbm, r3_hbm, dep_hbm, out_hbm,
                 sidx2, ridx2, pb0, qb0, pb1, qb1, gs0, gs1, ws0, ws1):
    del dep_hbm
    wid = lax.axis_index("s") * NC + lax.axis_index("c")
    base0 = wid * EPW
    pltpu.sync_copy(s3_hbm.at[wid], sidx2)
    pltpu.sync_copy(r3_hbm.at[wid], ridx2)

    def issue(ci, pb, qb, gs):
        pltpu.async_copy(p_hbm.at[sidx2.at[ci]], pb, gs)
        pltpu.async_copy(q_hbm.at[ridx2.at[ci]], qb, gs)

    def gwait(pb, qb, gs):
        pltpu.make_async_copy(p_hbm.at[sidx2.at[0]], pb, gs).wait()
        pltpu.make_async_copy(q_hbm.at[ridx2.at[0]], qb, gs).wait()

    def add_rows(pb, qb):
        @pl.loop(0, GCH)
        def _r(e):
            for c in range(0, HID, L):
                pb[e, pl.ds(c, L)] = pb[e, pl.ds(c, L)] + qb[e, pl.ds(c, L)]

    def wstart(ci, pb, ws):
        pltpu.async_copy(pb, out_hbm.at[pl.ds(base0 + ci * GCH, GCH)], ws)

    def wwait(pb, ws):
        pltpu.make_async_copy(pb, out_hbm.at[pl.ds(base0, GCH)], ws).wait()

    issue(0, pb0, qb0, gs0)
    issue(1, pb1, qb1, gs1)

    @pl.loop(0, (NCH - 1) // 2)
    def _k(k):
        gwait(pb0, qb0, gs0)
        add_rows(pb0, qb0)
        wstart(2 * k, pb0, ws0)
        wwait(pb0, ws0)
        issue(2 * k + 2, pb0, qb0, gs0)

        gwait(pb1, qb1, gs1)
        add_rows(pb1, qb1)
        wstart(2 * k + 1, pb1, ws1)
        wwait(pb1, ws1)
        issue(jnp.minimum(2 * k + 3, NCH - 1), pb1, qb1, gs1)

    gwait(pb0, qb0, gs0)
    add_rows(pb0, qb0)
    wstart(NCH - 1, pb0, ws0)
    wwait(pb0, ws0)
    gwait(pb1, qb1, gs1)



@functools.cache
def _scatter_kernel():
    return pl.kernel(
        _scatter_body,
        out_type=[
            jax.ShapeDtypeStruct((NC, N_PAD, HID), jnp.float32),
            jax.ShapeDtypeStruct((NW, N_PAD), jnp.float32),
        ],
        mesh=_mesh(),
        compiler_params=_SC_PARAMS_NL,
        scratch_types=[
            pltpu.VMEM((EPW + L,), jnp.int32),
            pltpu.VMEM((GCH, HID), jnp.float32),
            pltpu.VMEM((GCH + L,), jnp.float32),
            pltpu.VMEM((GCH, HID), jnp.float32),
            pltpu.VMEM((GCH + L,), jnp.float32),
            pltpu.VMEM((N_PAD,), jnp.float32),
            pltpu.VMEM_SHARED((N_PAD, HID), jnp.float32),
            pltpu.SemaphoreType.DMA,
            pltpu.SemaphoreType.DMA,
            pltpu.SemaphoreType.DMA,
            pltpu.SemaphoreType.DMA,
        ],
    )


def _scatter_body(exm_hbm, ex_hbm, r2_hbm, z_hbm, dep_hbm, om_hbm, oe_hbm,
                  ridx, mb0, xb0, mb1, xb1, den, accm,
                  ls0, ls1, ss0, ss1):
    del dep_hbm
    cid = lax.axis_index("c")
    sid = lax.axis_index("s")
    wid = sid * NC + cid
    base0 = wid * EPW

    @pl.loop(0, N_PAD // L)
    def _zd(i):
        den[pl.ds(i * L, L)] = jnp.zeros((L,), jnp.float32)

    pltpu.sync_copy(z_hbm, mb0)

    @pl.loop(0, NPS // GCH)
    def _zc(j):
        pltpu.sync_copy(mb0, accm.at[pl.ds(sid * NPS + j * GCH, GCH)])

    pltpu.sync_copy(r2_hbm.at[wid], ridx.at[pl.ds(0, EPW)])
    plsc.subcore_barrier()

    def lissue(ci, mb, xb, ls):
        pltpu.async_copy(exm_hbm.at[pl.ds(base0 + ci * GCH, GCH)], mb, ls)
        pltpu.async_copy(ex_hbm.at[wid, pl.ds(ci * GCH, GCH)],
                         xb.at[pl.ds(0, GCH)], ls)

    def lwait(mb, xb, ls):
        pltpu.make_async_copy(exm_hbm.at[pl.ds(base0, GCH)], mb, ls).wait()
        pltpu.make_async_copy(ex_hbm.at[wid, pl.ds(0, GCH)],
                              xb.at[pl.ds(0, GCH)], ls).wait()

    def den_scatter(ci, xb):
        @pl.loop(0, GCH // L)
        def _j(j):
            idxv = ridx[pl.ds(ci * GCH + j * L, L)]
            exv = xb[pl.ds(j * L, L)]
            plsc.addupdate_scatter(den, [idxv], exv)
        if GCH % L:
            tail = (GCH // L) * L
            mask = lax.iota(jnp.int32, L) < (GCH % L)
            idxv = ridx[pl.ds(ci * GCH + tail, L)]
            exv = xb[pl.ds(tail, L)]
            plsc.addupdate_scatter(den, [idxv], exv, mask=mask)

    def sstart(ci, mb, ss):
        pltpu.async_copy(mb, accm.at[ridx.at[pl.ds(ci * GCH, GCH)]], ss,
                         add=True)

    def swait(ci, mb, ss):
        pltpu.make_async_copy(mb, accm.at[ridx.at[pl.ds(ci * GCH, GCH)]],
                              ss).wait()

    lissue(0, mb0, xb0, ls0)
    lissue(1, mb1, xb1, ls1)

    @pl.loop(0, (NCH - 1) // 2)
    def _k(k):
        lwait(mb0, xb0, ls0)
        sstart(2 * k, mb0, ss0)
        den_scatter(2 * k, xb0)
        swait(2 * k, mb0, ss0)
        lissue(2 * k + 2, mb0, xb0, ls0)

        lwait(mb1, xb1, ls1)
        sstart(2 * k + 1, mb1, ss1)
        den_scatter(2 * k + 1, xb1)
        swait(2 * k + 1, mb1, ss1)
        lissue(jnp.minimum(2 * k + 3, NCH - 1), mb1, xb1, ls1)

    lwait(mb0, xb0, ls0)
    sstart(NCH - 1, mb0, ss0)
    den_scatter(NCH - 1, xb0)
    swait(NCH - 1, mb0, ss0)
    lwait(mb1, xb1, ls1)

    plsc.subcore_barrier()
    pltpu.sync_copy(accm.at[pl.ds(sid * NPS, NPS)],
                    om_hbm.at[cid, pl.ds(sid * NPS, NPS)])
    pltpu.sync_copy(den, oe_hbm.at[wid])



def kernel(nodes, edges, W1, b1, W2, b2, Wg1, bg1, Wg2, bg2,
           Wu1, bu1, Wu2, bu2, senders, receivers):
    f32 = jnp.float32
    si = senders.astype(jnp.int32)
    ri = receivers.astype(jnp.int32)
    s3 = [si[h * E_HALF:(h + 1) * E_HALF].reshape(NW, NCH, GCH)
          for h in range(2)]
    r3 = [ri[h * E_HALF:(h + 1) * E_HALF].reshape(NW, NCH, GCH)
          for h in range(2)]
    r2 = [ri[h * E_HALF:(h + 1) * E_HALF].reshape(NW, EPW) for h in range(2)]

    wsq = W1[D_EDGE:, :]
    wsq = jnp.concatenate([wsq[:D_FEAT], wsq[D_FEAT:]], axis=1)
    w1e = W1[:D_EDGE, :]
    wg2p = jnp.tile(Wg2, (1, L))

    NB = 2000
    p, q = pl.pallas_call(
        _prelude_body,
        grid=(N_NODES // NB,),
        in_specs=[
            pl.BlockSpec((NB, D_FEAT), lambda i: (i, 0)),
            pl.BlockSpec((D_FEAT, 2 * HID), lambda i: (0, 0)),
        ],
        out_specs=[
            pl.BlockSpec((NB, HID), lambda i: (i, 0)),
            pl.BlockSpec((NB, HID), lambda i: (i, 0)),
        ],
        out_shape=[
            jax.ShapeDtypeStruct((N_NODES, HID), f32),
            jax.ShapeDtypeStruct((N_NODES, HID), f32),
        ],
    )(nodes, wsq)

    gather = _gather_kernel()
    sr = [gather(p, q, s3[0], r3[0], q)]
    sr.append(gather(p, q, s3[1], r3[1], sr[0]))

    EB = 1280
    msg_call = pl.pallas_call(
        _msg_body,
        grid=(E_HALF // EB,),
        in_specs=[
            pl.BlockSpec((EB, D_EDGE), lambda i: (i, 0)),
            pl.BlockSpec((EB, HID), lambda i: (i, 0)),
            pl.BlockSpec((D_EDGE, HID), lambda i: (0, 0)),
            pl.BlockSpec((1, HID), lambda i: (0, 0)),
            pl.BlockSpec((HID, HID), lambda i: (0, 0)),
            pl.BlockSpec((1, HID), lambda i: (0, 0)),
            pl.BlockSpec((HID, HID), lambda i: (0, 0)),
            pl.BlockSpec((1, HID), lambda i: (0, 0)),
            pl.BlockSpec((HID, L), lambda i: (0, 0)),
            pl.BlockSpec((1, 1), lambda i: (0, 0)),
        ],
        out_specs=[
            pl.BlockSpec((EB, HID), lambda i: (i, 0)),
            pl.BlockSpec((1, EB // 128, 128), lambda i: (i, 0, 0)),
        ],
        out_shape=[
            jax.ShapeDtypeStruct((E_HALF, HID), f32),
            jax.ShapeDtypeStruct((E_HALF // EB, EB // 128, 128), f32),
        ],
    )

    zeros = jnp.zeros((GCH, HID), f32)
    scatter = _scatter_kernel()
    exs = []
    for h in range(2):
        exm, ex = msg_call(
            edges[h * E_HALF:(h + 1) * E_HALF], sr[h], w1e,
            b1.reshape(1, HID), W2, b2.reshape(1, HID), Wg1,
            bg1.reshape(1, HID), wg2p, bg2.reshape(1, 1))
        exs.append((exm, ex))
    parts_ma, parts_ea = scatter(exs[0][0], exs[0][1].reshape(NW, EPW),
                                 r2[0], zeros, sr[1])
    parts_mb, parts_eb = scatter(exs[1][0], exs[1][1].reshape(NW, EPW),
                                 r2[1], zeros, parts_ea)
    parts_e = jnp.concatenate([parts_ea.T, parts_eb.T], axis=1)

    UB = 2000
    out = pl.pallas_call(
        _upd_body,
        grid=(N_NODES // UB,),
        in_specs=[
            pl.BlockSpec((UB, D_FEAT), lambda i: (i, 0)),
            pl.BlockSpec((NC, UB, HID), lambda i: (0, i, 0)),
            pl.BlockSpec((NC, UB, HID), lambda i: (0, i, 0)),
            pl.BlockSpec((UB, 2 * NW), lambda i: (i, 0)),
            pl.BlockSpec((2 * NW, 1), lambda i: (0, 0)),
            pl.BlockSpec((D_FEAT, HID), lambda i: (0, 0)),
            pl.BlockSpec((HID, HID), lambda i: (0, 0)),
            pl.BlockSpec((1, HID), lambda i: (0, 0)),
            pl.BlockSpec((HID, HID), lambda i: (0, 0)),
            pl.BlockSpec((1, HID), lambda i: (0, 0)),
        ],
        out_specs=pl.BlockSpec((UB, HID), lambda i: (i, 0)),
        out_shape=jax.ShapeDtypeStruct((N_NODES, HID), f32),
    )(nodes, parts_ma, parts_mb, parts_e, jnp.ones((2 * NW, 1), f32),
      Wu1[:D_FEAT], Wu1[D_FEAT:], bu1.reshape(1, HID), Wu2,
      bu2.reshape(1, HID))

    return out

# --- scband reference (transcript-rebuilt; emitter-appended) ---
"""Pipeline reference for scband-attention-aggregation-34978213659048 (READ-ONLY COPY).

The authoritative reference and input builder live on the scoring server;
editing this copy changes nothing except your own understanding.
"""

import jax, jax.numpy as jnp
import numpy as np

N_NODES = 10000
N_EDGES = 320000
D_FEAT = 128
D_EDGE = 16
HIDDEN = 128
MSG_DIM = 128
OUT_DIM = 128


def _dense_init(key, fan_in, fan_out):
    kw, kb = jax.random.split(key)
    W = jax.random.normal(kw, (fan_in, fan_out), dtype=jnp.float32) / jnp.sqrt(fan_in)
    b = jnp.zeros((fan_out,), dtype=jnp.float32)
    return W, b


def setup_inputs(seed: int = 0) -> dict:
    key = jax.random.key(seed)
    ks = jax.random.split(key, 12)
    nodes = jax.random.normal(ks[0], (N_NODES, D_FEAT), dtype=jnp.float32)
    edges = jax.random.normal(ks[1], (N_EDGES, D_EDGE), dtype=jnp.float32)
    senders = jax.random.randint(ks[2], (N_EDGES,), 0, N_NODES, dtype=jnp.int32).astype(jnp.int64)
    receivers = jax.random.randint(ks[3], (N_EDGES,), 0, N_NODES, dtype=jnp.int32).astype(jnp.int64)
    # message net: msg_net_cls (Dense(HIDDEN)+relu) then Dense(msg_dim)
    W1, b1 = _dense_init(ks[4], D_EDGE + 2 * D_FEAT, HIDDEN)
    W2, b2 = _dense_init(ks[5], HIDDEN, MSG_DIM)
    # aggr net: aggr_net_cls (Dense(HIDDEN)+relu) then Dense(1) gate
    Wg1, bg1 = _dense_init(ks[6], MSG_DIM, HIDDEN)
    Wg2, bg2 = _dense_init(ks[7], HIDDEN, 1)
    # update net: update_net_cls (Dense(HIDDEN)+relu) then Dense(out_dim)
    Wu1, bu1 = _dense_init(ks[8], D_FEAT + MSG_DIM, HIDDEN)
    Wu2, bu2 = _dense_init(ks[9], HIDDEN, OUT_DIM)
    return {
        "nodes": nodes, "edges": edges,
        "W1": W1, "b1": b1, "W2": W2, "b2": b2,
        "Wg1": Wg1, "bg1": bg1, "Wg2": Wg2, "bg2": bg2,
        "Wu1": Wu1, "bu1": bu1, "Wu2": Wu2, "bu2": bu2,
        "senders": senders, "receivers": receivers,
    }


def _segment_softmax(logits, segment_ids, num_segments):
    seg_max = jax.ops.segment_max(logits, segment_ids, num_segments=num_segments)
    seg_max = jnp.where(jnp.isfinite(seg_max), seg_max, 0.0)
    shifted = logits - seg_max[segment_ids]
    ex = jnp.exp(shifted)
    denom = jax.ops.segment_sum(ex, segment_ids, num_segments=num_segments)
    return ex / denom[segment_ids]


def reference(nodes, edges, W1, b1, W2, b2, Wg1, bg1, Wg2, bg2, Wu1, bu1, Wu2, bu2, senders, receivers):
    num_nodes = nodes.shape[0]
    # gather (safe_get)
    sender_feats = jnp.take(nodes, senders, axis=0)
    receiver_feats = jnp.take(nodes, receivers, axis=0)
    # message
    feats = jnp.concatenate([edges, sender_feats, receiver_feats], axis=-1)
    h = jax.nn.relu(feats @ W1 + b1)
    msgs = h @ W2 + b2
    # aggregate with attention (jraph.segment_softmax + segment_sum)
    g = jax.nn.relu(msgs @ Wg1 + bg1)
    gate = (g @ Wg2 + bg2).squeeze(-1)
    attn = _segment_softmax(gate, receivers, num_nodes)
    aggr_msg = jax.ops.segment_sum(attn[:, None] * msgs, receivers, num_segments=num_nodes)
    # update
    u = jnp.concatenate([nodes, aggr_msg], axis=-1)
    hu = jax.nn.relu(u @ Wu1 + bu1)
    new_nodes = hu @ Wu2 + bu2
    return new_nodes

if __name__ == "__main__":
    import jax
    _d = setup_inputs()
    print(jax.jit(kernel)(*tuple(_d.values())))

</pallas_src>

<mosaic_0001>
#map = affine_map<(d0, d1) -> (0, 0)>
#map1 = affine_map<(d0, d1) -> (0, 0, 0)>
module attributes {stable_mosaic.version = 14 : i64} {
  func.func @_gather_body(%arg0: i32, %arg1: i32, %arg2: memref<10000x128xf32, #tpu.memory_space<hbm>>, %arg3: memref<10000x128xf32, #tpu.memory_space<hbm>>, %arg4: memref<32x125x40xi32, #tpu.memory_space<hbm>>, %arg5: memref<32x125x40xi32, #tpu.memory_space<hbm>>, %arg6: memref<160000x128xf32, #tpu.memory_space<hbm>>, %arg7: memref<160000x128xf32, #tpu.memory_space<hbm>>, %arg8: memref<125x40xi32, #tpu.memory_space<vmem>>, %arg9: memref<125x40xi32, #tpu.memory_space<vmem>>, %arg10: memref<40x128xf32, #tpu.memory_space<vmem>>, %arg11: memref<40x128xf32, #tpu.memory_space<vmem>>, %arg12: memref<40x128xf32, #tpu.memory_space<vmem>>, %arg13: memref<40x128xf32, #tpu.memory_space<vmem>>, %arg14: memref<!tpu.dma_semaphore, #tpu.memory_space<semaphore_mem>>, %arg15: memref<!tpu.dma_semaphore, #tpu.memory_space<semaphore_mem>>, %arg16: memref<!tpu.dma_semaphore, #tpu.memory_space<semaphore_mem>>, %arg17: memref<!tpu.dma_semaphore, #tpu.memory_space<semaphore_mem>>) attributes {dimension_semantics = [#tpu.dimension_semantics<core_parallel>, #tpu.dimension_semantics<subcore_parallel>], iteration_bounds = array<i64: 2, 16>, scalar_prefetch = 0 : i64, scratch_operands = 10 : i64, tpu.core_type = #tpu.core_type<sc_vector_subcore>, window_params = [{transform_indices = #map}, {transform_indices = #map}, {transform_indices = #map1}, {transform_indices = #map1}, {transform_indices = #map}, {transform_indices = #map}]} {
    %mul3A = arith.constant 2 : i32
    %mul3A_0 = arith.muli %arg1, %mul3A : i32
    %add3A = arith.addi %mul3A_0, %arg0 : i32
    %mul3A_1 = arith.constant 5000 : i32
    %mul3A_2 = arith.muli %add3A, %mul3A_1 : i32
    "tpu.region"() ({
      %run_scoped3A = tpu.sem_alloc : memref<!tpu.dma_semaphore, #tpu.memory_space<semaphore_mem>>
      %dma_start3A_76 = arith.constant 0 : i32
      %dma_start3A_77 = arith.constant 0 : i32
      %dma_start3A_78 = tpu.memref_slice %arg4[%add3A, %dma_start3A_76, %dma_start3A_77] : memref<32x125x40xi32, #tpu.memory_space<hbm>> -> memref<1x125x40xi32, #tpu.memory_space<hbm>>
      %dma_start3A_79 = tpu.memref_squeeze %dma_start3A_78 : memref<1x125x40xi32, #tpu.memory_space<hbm>> -> memref<125x40xi32, #tpu.memory_space<hbm>>
      %dma_start3A_80 = arith.constant 0 : i32
      %dma_start3A_81 = arith.constant 0 : i32
      %dma_start3A_82 = tpu.memref_slice %arg4[%add3A, %dma_start3A_80, %dma_start3A_81] : memref<32x125x40xi32, #tpu.memory_space<hbm>> -> memref<1x125x40xi32, #tpu.memory_space<hbm>>
      %dma_start3A_83 = tpu.memref_squeeze %dma_start3A_82 : memref<1x125x40xi32, #tpu.memory_space<hbm>> -> memref<125x40xi32, #tpu.memory_space<hbm>>
      tpu.enqueue_dma source(%dma_start3A_83 : memref<125x40xi32, #tpu.memory_space<hbm>>) target(%arg8 : memref<125x40xi32, #tpu.memory_space<vmem>>) target_semaphore(%run_scoped3A : memref<!tpu.dma_semaphore, #tpu.memory_space<semaphore_mem>>)
      %dma_wait3A_84 = arith.constant 0 : i32
      %dma_wait3A_85 = arith.constant 0 : i32
      %dma_wait3A_86 = tpu.memref_slice %arg4[%add3A, %dma_wait3A_84, %dma_wait3A_85] : memref<32x125x40xi32, #tpu.memory_space<hbm>> -> memref<1x125x40xi32, #tpu.memory_space<hbm>>
      %dma_wait3A_87 = tpu.memref_squeeze %dma_wait3A_86 : memref<1x125x40xi32, #tpu.memory_space<hbm>> -> memref<125x40xi32, #tpu.memory_space<hbm>>
      %dma_wait3A_88 = arith.constant 0 : i32
      %dma_wait3A_89 = arith.constant 0 : i32
      %dma_wait3A_90 = tpu.memref_slice %arg4[%add3A, %dma_wait3A_88, %dma_wait3A_89] : memref<32x125x40xi32, #tpu.memory_space<hbm>> -> memref<1x125x40xi32, #tpu.memory_space<hbm>>
      %dma_wait3A_91 = tpu.memref_squeeze %dma_wait3A_90 : memref<1x125x40xi32, #tpu.memory_space<hbm>> -> memref<125x40xi32, #tpu.memory_space<hbm>>
      tpu.wait_dma2 semaphore(%run_scoped3A : memref<!tpu.dma_semaphore, #tpu.memory_space<semaphore_mem>>) src(%dma_wait3A_91 : memref<125x40xi32, #tpu.memory_space<hbm>>) dst(%arg8 : memref<125x40xi32, #tpu.memory_space<vmem>>)
      tpu.yield
    }) : () -> ()
    "tpu.region"() ({
      %run_scoped3A = tpu.sem_alloc : memref<!tpu.dma_semaphore, #tpu.memory_space<semaphore_mem>>
      %dma_start3A_76 = arith.constant 0 : i32
      %dma_start3A_77 = arith.constant 0 : i32
      %dma_start3A_78 = tpu.memref_slice %arg5[%add3A, %dma_start3A_76, %dma_start3A_77] : memref<32x125x40xi32, #tpu.memory_space<hbm>> -> memref<1x125x40xi32, #tpu.memory_space<hbm>>
      %dma_start3A_79 = tpu.memref_squeeze %dma_start3A_78 : memref<1x125x40xi32, #tpu.memory_space<hbm>> -> memref<125x40xi32, #tpu.memory_space<hbm>>
      %dma_start3A_80 = arith.constant 0 : i32
      %dma_start3A_81 = arith.constant 0 : i32
      %dma_start3A_82 = tpu.memref_slice %arg5[%add3A, %dma_start3A_80, %dma_start3A_81] : memref<32x125x40xi32, #tpu.memory_space<hbm>> -> memref<1x125x40xi32, #tpu.memory_space<hbm>>
      %dma_start3A_83 = tpu.memref_squeeze %dma_start3A_82 : memref<1x125x40xi32, #tpu.memory_space<hbm>> -> memref<125x40xi32, #tpu.memory_space<hbm>>
      tpu.enqueue_dma source(%dma_start3A_83 : memref<125x40xi32, #tpu.memory_space<hbm>>) target(%arg9 : memref<125x40xi32, #tpu.memory_space<vmem>>) target_semaphore(%run_scoped3A : memref<!tpu.dma_semaphore, #tpu.memory_space<semaphore_mem>>)
      %dma_wait3A_84 = arith.constant 0 : i32
      %dma_wait3A_85 = arith.constant 0 : i32
      %dma_wait3A_86 = tpu.memref_slice %arg5[%add3A, %dma_wait3A_84, %dma_wait3A_85] : memref<32x125x40xi32, #tpu.memory_space<hbm>> -> memref<1x125x40xi32, #tpu.memory_space<hbm>>
      %dma_wait3A_87 = tpu.memref_squeeze %dma_wait3A_86 : memref<1x125x40xi32, #tpu.memory_space<hbm>> -> memref<125x40xi32, #tpu.memory_space<hbm>>
      %dma_wait3A_88 = arith.constant 0 : i32
      %dma_wait3A_89 = arith.constant 0 : i32
      %dma_wait3A_90 = tpu.memref_slice %arg5[%add3A, %dma_wait3A_88, %dma_wait3A_89] : memref<32x125x40xi32, #tpu.memory_space<hbm>> -> memref<1x125x40xi32, #tpu.memory_space<hbm>>
      %dma_wait3A_91 = tpu.memref_squeeze %dma_wait3A_90 : memref<1x125x40xi32, #tpu.memory_space<hbm>> -> memref<125x40xi32, #tpu.memory_space<hbm>>
      tpu.wait_dma2 semaphore(%run_scoped3A : memref<!tpu.dma_semaphore, #tpu.memory_space<semaphore_mem>>) src(%dma_wait3A_91 : memref<125x40xi32, #tpu.memory_space<hbm>>) dst(%arg9 : memref<125x40xi32, #tpu.memory_space<vmem>>)
      tpu.yield
    }) : () -> ()
    %dma_start3A = arith.constant 0 : i32
    %dma_start3A_3 = arith.constant 0 : i32
    %dma_start3A_4 = tpu.memref_slice %arg8[%dma_start3A, %dma_start3A_3] : memref<125x40xi32, #tpu.memory_space<vmem>> -> memref<1x40xi32, #tpu.memory_space<vmem>>
    %dma_start3A_5 = tpu.memref_squeeze %dma_start3A_4 : memref<1x40xi32, #tpu.memory_space<vmem>> -> memref<40xi32, #tpu.memory_space<vmem>>
    %dma_start3A_6 = arith.constant 0 : i32
    %dma_start3A_7 = arith.constant 0 : i32
    %dma_start3A_8 = tpu.memref_slice %arg2[%dma_start3A_6, %dma_start3A_7] : memref<10000x128xf32, #tpu.memory_space<hbm>> -> memref<10000x128xf32, #tpu.memory_space<hbm>>
    tpu.enqueue_indirect_dma source(%dma_start3A_8 : memref<10000x128xf32, #tpu.memory_space<hbm>>) target(%arg10 : memref<40x128xf32, #tpu.memory_space<vmem>>) offsets(%dma_start3A_5 : memref<40xi32, #tpu.memory_space<vmem>>) semaphore(%arg14 : memref<!tpu.dma_semaphore, #tpu.memory_space<semaphore_mem>>)
    %dma_start3A_9 = arith.constant 0 : i32
    %dma_start3A_10 = arith.constant 0 : i32
    %dma_start3A_11 = tpu.memref_slice %arg9[%dma_start3A_9, %dma_start3A_10] : memref<125x40xi32, #tpu.memory_space<vmem>> -> memref<1x40xi32, #tpu.memory_space<vmem>>
    %dma_start3A_12 = tpu.memref_squeeze %dma_start3A_11 : memref<1x40xi32, #tpu.memory_space<vmem>> -> memref<40xi32, #tpu.memory_space<vmem>>
    %dma_start3A_13 = arith.constant 0 : i32
    %dma_start3A_14 = arith.constant 0 : i32
    %dma_start3A_15 = tpu.memref_slice %arg3[%dma_start3A_13, %dma_start3A_14] : memref<10000x128xf32, #tpu.memory_space<hbm>> -> memref<10000x128xf32, #tpu.memory_space<hbm>>
    tpu.enqueue_indirect_dma source(%dma_start3A_15 : memref<10000x128xf32, #tpu.memory_space<hbm>>) target(%arg11 : memref<40x128xf32, #tpu.memory_space<vmem>>) offsets(%dma_start3A_12 : memref<40xi32, #tpu.memory_space<vmem>>) semaphore(%arg14 : memref<!tpu.dma_semaphore, #tpu.memory_space<semaphore_mem>>)
    %dma_start3A_16 = arith.constant 1 : i32
    %dma_start3A_17 = arith.constant 0 : i32
    %dma_start3A_18 = tpu.memref_slice %arg8[%dma_start3A_16, %dma_start3A_17] : memref<125x40xi32, #tpu.memory_space<vmem>> -> memref<1x40xi32, #tpu.memory_space<vmem>>
    %dma_start3A_19 = tpu.memref_squeeze %dma_start3A_18 : memref<1x40xi32, #tpu.memory_space<vmem>> -> memref<40xi32, #tpu.memory_space<vmem>>
    %dma_start3A_20 = arith.constant 0 : i32
    %dma_start3A_21 = arith.constant 0 : i32
    %dma_start3A_22 = tpu.memref_slice %arg2[%dma_start3A_20, %dma_start3A_21] : memref<10000x128xf32, #tpu.memory_space<hbm>> -> memref<10000x128xf32, #tpu.memory_space<hbm>>
    tpu.enqueue_indirect_dma source(%dma_start3A_22 : memref<10000x128xf32, #tpu.memory_space<hbm>>) target(%arg12 : memref<40x128xf32, #tpu.memory_space<vmem>>) offsets(%dma_start3A_19 : memref<40xi32, #tpu.memory_space<vmem>>) semaphore(%arg15 : memref<!tpu.dma_semaphore, #tpu.memory_space<semaphore_mem>>)
    %dma_start3A_23 = arith.constant 1 : i32
    %dma_start3A_24 = arith.constant 0 : i32
    %dma_start3A_25 = tpu.memref_slice %arg9[%dma_start3A_23, %dma_start3A_24] : memref<125x40xi32, #tpu.memory_space<vmem>> -> memref<1x40xi32, #tpu.memory_space<vmem>>
    %dma_start3A_26 = tpu.memref_squeeze %dma_start3A_25 : memref<1x40xi32, #tpu.memory_space<vmem>> -> memref<40xi32, #tpu.memory_space<vmem>>
    %dma_start3A_27 = arith.constant 0 : i32
    %dma_start3A_28 = arith.constant 0 : i32
    %dma_start3A_29 = tpu.memref_slice %arg3[%dma_start3A_27, %dma_start3A_28] : memref<10000x128xf32, #tpu.memory_space<hbm>> -> memref<10000x128xf32, #tpu.memory_space<hbm>>
    tpu.enqueue_indirect_dma source(%dma_start3A_29 : memref<10000x128xf32, #tpu.memory_space<hbm>>) target(%arg13 : memref<40x128xf32, #tpu.memory_space<vmem>>) offsets(%dma_start3A_26 : memref<40xi32, #tpu.memory_space<vmem>>) semaphore(%arg15 : memref<!tpu.dma_semaphore, #tpu.memory_space<semaphore_mem>>)
    %scan3A = arith.constant 0 : i32
    %scan3A_30 = arith.constant 62 : i32
    %scan3A_31 = arith.addi %scan3A, %scan3A_30 : i32
    %scan3A_32 = arith.constant 1 : i32
    scf.for %scan3A_76 = %scan3A to %scan3A_31 step %scan3A_32  : i32 {
      %mul3A_77 = arith.constant 1 : i32
      %mul3A_78 = arith.muli %scan3A_76, %mul3A_77 : i32
      %add3A_79 = arith.constant 0 : i32
      %add3A_80 = arith.addi %add3A_79, %mul3A_78 : i32
      %dma_wait3A_81 = arith.constant 0 : i32
      %dma_wait3A_82 = arith.constant 0 : i32
      %dma_wait3A_83 = tpu.memref_slice %arg8[%dma_wait3A_81, %dma_wait3A_82] : memref<125x40xi32, #tpu.memory_space<vmem>> -> memref<1x40xi32, #tpu.memory_space<vmem>>
      %dma_wait3A_84 = tpu.memref_squeeze %dma_wait3A_83 : memref<1x40xi32, #tpu.memory_space<vmem>> -> memref<40xi32, #tpu.memory_space<vmem>>
      %dma_wait3A_85 = arith.constant 0 : i32
      %dma_wait3A_86 = arith.constant 0 : i32
      %dma_wait3A_87 = tpu.memref_slice %arg2[%dma_wait3A_85, %dma_wait3A_86] : memref<10000x128xf32, #tpu.memory_space<hbm>> -> memref<10000x128xf32, #tpu.memory_space<hbm>>
      tpu.wait_indirect_dma semaphore(%arg14 : memref<!tpu.dma_semaphore, #tpu.memory_space<semaphore_mem>>) src(%dma_wait3A_87 : memref<10000x128xf32, #tpu.memory_space<hbm>>) dst(%arg10 : memref<40x128xf32, #tpu.memory_space<vmem>>)
      %dma_wait3A_88 = arith.constant 0 : i32
      %dma_wait3A_89 = arith.constant 0 : i32
      %dma_wait3A_90 = tpu.memref_slice %arg9[%dma_wait3A_88, %dma_wait3A_89] : memref<125x40xi32, #tpu.memory_space<vmem>> -> memref<1x40xi32, #tpu.memory_space<vmem>>
      %dma_wait3A_91 = tpu.memref_squeeze %dma_wait3A_90 : memref<1x40xi32, #tpu.memory_space<vmem>> -> memref<40xi32, #tpu.memory_space<vmem>>
      %dma_wait3A_92 = arith.constant 0 : i32
      %dma_wait3A_93 = arith.constant 0 : i32
      %dma_wait3A_94 = tpu.memref_slice %arg3[%dma_wait3A_92, %dma_wait3A_93] : memref<10000x128xf32, #tpu.memory_space<hbm>> -> memref<10000x128xf32, #tpu.memory_space<hbm>>
      tpu.wait_indirect_dma semaphore(%arg14 : memref<!tpu.dma_semaphore, #tpu.memory_space<semaphore_mem>>) src(%dma_wait3A_94 : memref<10000x128xf32, #tpu.memory_space<hbm>>) dst(%arg11 : memref<40x128xf32, #tpu.memory_space<vmem>>)
      %scan3A_95 = arith.constant 0 : i32
      %scan3A_96 = arith.constant 40 : i32
      %scan3A_97 = arith.addi %scan3A_95, %scan3A_96 : i32
      %scan3A_98 = arith.constant 1 : i32
      scf.for %scan3A_180 = %scan3A_95 to %scan3A_97 step %scan3A_98  : i32 {
        %mul3A_181 = arith.constant 1 : i32
        %mul3A_182 = arith.muli %scan3A_180, %mul3A_181 : i32
        %add3A_183 = arith.constant 0 : i32
        %add3A_184 = arith.addi %add3A_183, %mul3A_182 : i32
        %get3A = arith.index_cast %add3A_184 : i32 to index
        %get3A_185 = arith.constant 0 : index
        %get3A_186 = tpu.vector_load %arg10[%get3A, %get3A_185] {strides = array<i32>} : memref<40x128xf32, #tpu.memory_space<vmem>>, vector<1x16xf32>,
        %get3A_187 = vector.shape_cast %get3A_186 : vector<1x16xf32> to vector<16xf32>
        %get3A_188 = arith.index_cast %add3A_184 : i32 to index
        %get3A_189 = arith.constant 0 : index
        %get3A_190 = tpu.vector_load %arg11[%get3A_188, %get3A_189] {strides = array<i32>} : memref<40x128xf32, #tpu.memory_space<vmem>>, vector<1x16xf32>,
        %get3A_191 = vector.shape_cast %get3A_190 : vector<1x16xf32> to vector<16xf32>
        %add3A_192 = arith.addf %get3A_187, %get3A_191 : vector<16xf32>
        %swap3A = arith.index_cast %add3A_184 : i32 to index
        %swap3A_193 = arith.constant 0 : index
        %swap3A_194 = tpu.vector_load %arg10[%swap3A, %swap3A_193] {strides = array<i32>} : memref<40x128xf32, #tpu.memory_space<vmem>>, vector<1x16xf32>,
        %swap3A_195 = vector.shape_cast %swap3A_194 : vector<1x16xf32> to vector<16xf32>
        %swap3A_196 = vector.shape_cast %add3A_192 : vector<16xf32> to vector<1x16xf32>
        tpu.vector_store %arg10[%swap3A, %swap3A_193], %swap3A_196 {strides = array<i32>} : memref<40x128xf32, #tpu.memory_space<vmem>>, vector<1x16xf32>,
        %get3A_197 = arith.index_cast %add3A_184 : i32 to index
        %get3A_198 = arith.constant 16 : index
        %get3A_199 = tpu.vector_load %arg10[%get3A_197, %get3A_198] {strides = array<i32>} : memref<40x128xf32, #tpu.memory_space<vmem>>, vector<1x16xf32>,
        %get3A_200 = vector.shape_cast %get3A_199 : vector<1x16xf32> to vector<16xf32>
        %get3A_201 = arith.index_cast %add3A_184 : i32 to index
        %get3A_202 = arith.constant 16 : index
        %get3A_203 = tpu.vector_load %arg11[%get3A_201, %get3A_202] {strides = array<i32>} : memref<40x128xf32, #tpu.memory_space<vmem>>, vector<1x16xf32>,
        %get3A_204 = vector.shape_cast %get3A_203 : vector<1x16xf32> to vector<16xf32>
        %add3A_205 = arith.addf %get3A_200, %get3A_204 : vector<16xf32>
        %swap3A_206 = arith.index_cast %add3A_184 : i32 to index
        %swap3A_207 = arith.constant 16 : index
        %swap3A_208 = tpu.vector_load %arg10[%swap3A_206, %swap3A_207] {strides = array<i32>} : memref<40x128xf32, #tpu.memory_space<vmem>>, vector<1x16xf32>,
        %swap3A_209 = vector.shape_cast %swap3A_208 : vector<1x16xf32> to vector<16xf32>
        %swap3A_210 = vector.shape_cast %add3A_205 : vector<16xf32> to vector<1x16xf32>
        tpu.vector_store %arg10[%swap3A_206, %swap3A_207], %swap3A_210 {strides = array<i32>} : memref<40x128xf32, #tpu.memory_space<vmem>>, vector<1x16xf32>,
        %get3A_211 = arith.index_cast %add3A_184 : i32 to index
        %get3A_212 = arith.constant 32 : index
        %get3A_213 = tpu.vector_load %arg10[%get3A_211, %get3A_212] {strides = array<i32>} : memref<40x128xf32, #tpu.memory_space<vmem>>, vector<1x16xf32>,
        %get3A_214 = vector.shape_cast %get3A_213 : vector<1x16xf32> to vector<16xf32>
        %get3A_215 = arith.index_cast %add3A_184 : i32 to index
        %get3A_216 = arith.constant 32 : index
        %get3A_217 = tpu.vector_load %arg11[%get3A_215, %get3A_216] {strides = array<i32>} : memref<40x128xf32, #tpu.memory_space<vmem>>, vector<1x16xf32>,
        %get3A_218 = vector.shape_cast %get3A_217 : vector<1x16xf32> to vector<16xf32>
        %add3A_219 = arith.addf %get3A_214, %get3A_218 : vector<16xf32>
        %swap3A_220 = arith.index_cast %add3A_184 : i32 to index
        %swap3A_221 = arith.constant 32 : index
        %swap3A_222 = tpu.vector_load %arg10[%swap3A_220, %swap3A_221] {strides = array<i32>} : memref<40x128xf32, #tpu.memory_space<vmem>>, vector<1x16xf32>,
        %swap3A_223 = vector.shape_cast %swap3A_222 : vector<1x16xf32> to vector<16xf32>
        %swap3A_224 = vector.shape_cast %add3A_219 : vector<16xf32> to vector<1x16xf32>
        tpu.vector_store %arg10[%swap3A_220, %swap3A_221], %swap3A_224 {strides = array<i32>} : memref<40x128xf32, #tpu.memory_space<vmem>>, vector<1x16xf32>,
        %get3A_225 = arith.index_cast %add3A_184 : i32 to index
        %get3A_226 = arith.constant 48 : index
        %get3A_227 = tpu.vector_load %arg10[%get3A_225, %get3A_226] {strides = array<i32>} : memref<40x128xf32, #tpu.memory_space<vmem>>, vector<1x16xf32>,
        %get3A_228 = vector.shape_cast %get3A_227 : vector<1x16xf32> to vector<16xf32>
        %get3A_229 = arith.index_cast %add3A_184 : i32 to index
        %get3A_230 = arith.constant 48 : index
        %get3A_231 = tpu.vector_load %arg11[%get3A_229, %get3A_230] {strides = array<i32>} : memref<40x128xf32, #tpu.memory_space<vmem>>, vector<1x16xf32>,
        %get3A_232 = vector.shape_cast %get3A_231 : vector<1x16xf32> to vector<16xf32>
        %add3A_233 = arith.addf %get3A_228, %get3A_232 : vector<16xf32>
        %swap3A_234 = arith.index_cast %add3A_184 : i32 to index
        %swap3A_235 = arith.constant 48 : index
        %swap3A_236 = tpu.vector_load %arg10[%swap3A_234, %swap3A_235] {strides = array<i32>} : memref<40x128xf32, #tpu.memory_space<vmem>>, vector<1x16xf32>,
        %swap3A_237 = vector.shape_cast %swap3A_236 : vector<1x16xf32> to vector<16xf32>
        %swap3A_238 = vector.shape_cast %add3A_233 : vector<16xf32> to vector<1x16xf32>
        tpu.vector_store %arg10[%swap3A_234, %swap3A_235], %swap3A_238 {strides = array<i32>} : memref<40x128xf32, #tpu.memory_space<vmem>>, vector<1x16xf32>,
        %get3A_239 = arith.index_cast %add3A_184 : i32 to index
        %get3A_240 = arith.constant 64 : index
        %get3A_241 = tpu.vector_load %arg10[%get3A_239, %get3A_240] {strides = array<i32>} : memref<40x128xf32, #tpu.memory_space<vmem>>, vector<1x16xf32>,
        %get3A_242 = vector.shape_cast %get3A_241 : vector<1x16xf32> to vector<16xf32>
        %get3A_243 = arith.index_cast %add3A_184 : i32 to index
        %get3A_244 = arith.constant 64 : index
        %get3A_245 = tpu.vector_load %arg11[%get3A_243, %get3A_244] {strides = array<i32>} : memref<40x128xf32, #tpu.memory_space<vmem>>, vector<1x16xf32>,
        %get3A_246 = vector.shape_cast %get3A_245 : vector<1x16xf32> to vector<16xf32>
        %add3A_247 = arith.addf %get3A_242, %get3A_246 : vector<16xf32>
        %swap3A_248 = arith.index_cast %add3A_184 : i32 to index
        %swap3A_249 = arith.constant 64 : index
        %swap3A_250 = tpu.vector_load %arg10[%swap3A_248, %swap3A_249] {strides = array<i32>} : memref<40x128xf32, #tpu.memory_space<vmem>>, vector<1x16xf32>,
        %swap3A_251 = vector.shape_cast %swap3A_250 : vector<1x16xf32> to vector<16xf32>
        %swap3A_252 = vector.shape_cast %add3A_247 : vector<16xf32> to vector<1x16xf32>
        tpu.vector_store %arg10[%swap3A_248, %swap3A_249], %swap3A_252 {strides = array<i32>} : memref<40x128xf32, #tpu.memory_space<vmem>>, vector<1x16xf32>,
        %get3A_253 = arith.index_cast %add3A_184 : i32 to index
        %get3A_254 = arith.constant 80 : index
        %get3A_255 = tpu.vector_load %arg10[%get3A_253, %get3A_254] {strides = array<i32>} : memref<40x128xf32, #tpu.memory_space<vmem>>, vector<1x16xf32>,
        %get3A_256 = vector.shape_cast %get3A_255 : vector<1x16xf32> to vector<16xf32>
        %get3A_257 = arith.index_cast %add3A_184 : i32 to index
        %get3A_258 = arith.constant 80 : index
        %get3A_259 = tpu.vector_load %arg11[%get3A_257, %get3A_258] {strides = array<i32>} : memref<40x128xf32, #tpu.memory_space<vmem>>, vector<1x16xf32>,
        %get3A_260 = vector.shape_cast %get3A_259 : vector<1x16xf32> to vector<16xf32>
        %add3A_261 = arith.addf %get3A_256, %get3A_260 : vector<16xf32>
        %swap3A_262 = arith.index_cast %add3A_184 : i32 to index
        %swap3A_263 = arith.constant 80 : index
        %swap3A_264 = tpu.vector_load %arg10[%swap3A_262, %swap3A_263] {strides = array<i32>} : memref<40x128xf32, #tpu.memory_space<vmem>>, vector<1x16xf32>,
        %swap3A_265 = vector.shape_cast %swap3A_264 : vector<1x16xf32> to vector<16xf32>
        %swap3A_266 = vector.shape_cast %add3A_261 : vector<16xf32> to vector<1x16xf32>
        tpu.vector_store %arg10[%swap3A_262, %swap3A_263], %swap3A_266 {strides = array<i32>} : memref<40x128xf32, #tpu.memory_space<vmem>>, vector<1x16xf32>,
        %get3A_267 = arith.index_cast %add3A_184 : i32 to index
        %get3A_268 = arith.constant 96 : index
        %get3A_269 = tpu.vector_load %arg10[%get3A_267, %get3A_268] {strides = array<i32>} : memref<40x128xf32, #tpu.memory_space<vmem>>, vector<1x16xf32>,
        %get3A_270 = vector.shape_cast %get3A_269 : vector<1x16xf32> to vector<16xf32>
        %get3A_271 = arith.index_cast %add3A_184 : i32 to index
        %get3A_272 = arith.constant 96 : index
        %get3A_273 = tpu.vector_load %arg11[%get3A_271, %get3A_272] {strides = array<i32>} : memref<40x128xf32, #tpu.memory_space<vmem>>, vector<1x16xf32>,
        %get3A_274 = vector.shape_cast %get3A_273 : vector<1x16xf32> to vector<16xf32>
        %add3A_275 = arith.addf %get3A_270, %get3A_274 : vector<16xf32>
        %swap3A_276 = arith.index_cast %add3A_184 : i32 to index
        %swap3A_277 = arith.constant 96 : index
        %swap3A_278 = tpu.vector_load %arg10[%swap3A_276, %swap3A_277] {strides = array<i32>} : memref<40x128xf32, #tpu.memory_space<vmem>>, vector<1x16xf32>,
        %swap3A_279 = vector.shape_cast %swap3A_278 : vector<1x16xf32> to vector<16xf32>
        %swap3A_280 = vector.shape_cast %add3A_275 : vector<16xf32> to vector<1x16xf32>
        tpu.vector_store %arg10[%swap3A_276, %swap3A_277], %swap3A_280 {strides = array<i32>} : memref<40x128xf32, #tpu.memory_space<vmem>>, vector<1x16xf32>,
        %get3A_281 = arith.index_cast %add3A_184 : i32 to index
        %get3A_282 = arith.constant 112 : index
        %get3A_283 = tpu.vector_load %arg10[%get3A_281, %get3A_282] {strides = array<i32>} : memref<40x128xf32, #tpu.memory_space<vmem>>, vector<1x16xf32>,
        %get3A_284 = vector.shape_cast %get3A_283 : vector<1x16xf32> to vector<16xf32>
        %get3A_285 = arith.index_cast %add3A_184 : i32 to index
        %get3A_286 = arith.constant 112 : index
        %get3A_287 = tpu.vector_load %arg11[%get3A_285, %get3A_286] {strides = array<i32>} : memref<40x128xf32, #tpu.memory_space<vmem>>, vector<1x16xf32>,
        %get3A_288 = vector.shape_cast %get3A_287 : vector<1x16xf32> to vector<16xf32>
        %add3A_289 = arith.addf %get3A_284, %get3A_288 : vector<16xf32>
        %swap3A_290 = arith.index_cast %add3A_184 : i32 to index
        %swap3A_291 = arith.constant 112 : index
        %swap3A_292 = tpu.vector_load %arg10[%swap3A_290, %swap3A_291] {strides = array<i32>} : memref<40x128xf32, #tpu.memory_space<vmem>>, vector<1x16xf32>,
        %swap3A_293 = vector.shape_cast %swap3A_292 : vector<1x16xf32> to vector<16xf32>
        %swap3A_294 = vector.shape_cast %add3A_289 : vector<16xf32> to vector<1x16xf32>
        tpu.vector_store %arg10[%swap3A_290, %swap3A_291], %swap3A_294 {strides = array<i32>} : memref<40x128xf32, #tpu.memory_space<vmem>>, vector<1x16xf32>,
      }
      %scan3A_99 = arith.constant 40 : i32
      %mul3A_100 = arith.constant 2 : i32
      %mul3A_101 = arith.muli %mul3A_100, %add3A_80 : i32
      %mul3A_102 = arith.constant 40 : i32
      %mul3A_103 = arith.muli %mul3A_101, %mul3A_102 : i32
      %add3A_104 = arith.addi %mul3A_2, %mul3A_103 : i32
      %dma_start3A_105 = arith.constant 0 : i32
      %dma_start3A_106 = tpu.memref_slice %arg7[%add3A_104, %dma_start3A_105] : memref<160000x128xf32, #tpu.memory_space<hbm>> -> memref<40x128xf32, #tpu.memory_space<hbm>>
      %dma_start3A_107 = arith.constant 0 : i32
      %dma_start3A_108 = tpu.memref_slice %arg7[%add3A_104, %dma_start3A_107] : memref<160000x128xf32, #tpu.memory_space<hbm>> -> memref<40x128xf32, #tpu.memory_space<hbm>>
      tpu.enqueue_dma source(%arg10 : memref<40x128xf32, #tpu.memory_space<vmem>>) target(%dma_start3A_108 : memref<40x128xf32, #tpu.memory_space<hbm>>) target_semaphore(%arg16 : memref<!tpu.dma_semaphore, #tpu.memory_space<semaphore_mem>>)
      %dma_wait3A_109 = arith.constant 0 : i32
      %dma_wait3A_110 = tpu.memref_slice %arg7[%mul3A_2, %dma_wait3A_109] : memref<160000x128xf32, #tpu.memory_space<hbm>> -> memref<40x128xf32, #tpu.memory_space<hbm>>
      %dma_wait3A_111 = arith.constant 0 : i32
      %dma_wait3A_112 = tpu.memref_slice %arg7[%mul3A_2, %dma_wait3A_111] : memref<160000x128xf32, #tpu.memory_space<hbm>> -> memref<40x128xf32, #tpu.memory_space<hbm>>
      tpu.wait_dma2 semaphore(%arg16 : memref<!tpu.dma_semaphore, #tpu.memory_space<semaphore_mem>>) src(%arg10 : memref<40x128xf32, #tpu.memory_space<vmem>>) dst(%dma_wait3A_112 : memref<40x128xf32, #tpu.memory_space<hbm>>)
      %mul3A_113 = arith.constant 2 : i32
      %mul3A_114 = arith.muli %mul3A_113, %add3A_80 : i32
      %add3A_115 = arith.constant 2 : i32
      %add3A_116 = arith.addi %mul3A_114, %add3A_115 : i32
      %dma_start3A_117 = arith.constant 0 : i32
      %dma_start3A_118 = tpu.memref_slice %arg8[%add3A_116, %dma_start3A_117] : memref<125x40xi32, #tpu.memory_space<vmem>> -> memref<1x40xi32, #tpu.memory_space<vmem>>
      %dma_start3A_119 = tpu.memref_squeeze %dma_start3A_118 : memref<1x40xi32, #tpu.memory_space<vmem>> -> memref<40xi32, #tpu.memory_space<vmem>>
      %dma_start3A_120 = arith.constant 0 : i32
      %dma_start3A_121 = arith.constant 0 : i32
      %dma_start3A_122 = tpu.memref_slice %arg2[%dma_start3A_120, %dma_start3A_121] : memref<10000x128xf32, #tpu.memory_space<hbm>> -> memref<10000x128xf32, #tpu.memory_space<hbm>>
      tpu.enqueue_indirect_dma source(%dma_start3A_122 : memref<10000x128xf32, #tpu.memory_space<hbm>>) target(%arg10 : memref<40x128xf32, #tpu.memory_space<vmem>>) offsets(%dma_start3A_119 : memref<40xi32, #tpu.memory_space<vmem>>) semaphore(%arg14 : memref<!tpu.dma_semaphore, #tpu.memory_space<semaphore_mem>>)
      %dma_start3A_123 = arith.constant 0 : i32
      %dma_start3A_124 = tpu.memref_slice %arg9[%add3A_116, %dma_start3A_123] : memref<125x40xi32, #tpu.memory_space<vmem>> -> memref<1x40xi32, #tpu.memory_space<vmem>>
      %dma_start3A_125 = tpu.memref_squeeze %dma_start3A_124 : memref<1x40xi32, #tpu.memory_space<vmem>> -> memref<40xi32, #tpu.memory_space<vmem>>
      %dma_start3A_126 = arith.constant 0 : i32
      %dma_start3A_127 = arith.constant 0 : i32
      %dma_start3A_128 = tpu.memref_slice %arg3[%dma_start3A_126, %dma_start3A_127] : memref<10000x128xf32, #tpu.memory_space<hbm>> -> memref<10000x128xf32, #tpu.memory_space<hbm>>
      tpu.enqueue_indirect_dma source(%dma_start3A_128 : memref<10000x128xf32, #tpu.memory_space<hbm>>) target(%arg11 : memref<40x128xf32, #tpu.memory_space<vmem>>) offsets(%dma_start3A_125 : memref<40xi32, #tpu.memory_space<vmem>>) semaphore(%arg14 : memref<!tpu.dma_semaphore, #tpu.memory_space<semaphore_mem>>)
      %dma_wait3A_129 = arith.constant 0 : i32
      %dma_wait3A_130 = arith.constant 0 : i32
      %dma_wait3A_131 = tpu.memref_slice %arg8[%dma_wait3A_129, %dma_wait3A_130] : memref<125x40xi32, #tpu.memory_space<vmem>> -> memref<1x40xi32, #tpu.memory_space<vmem>>
      %dma_wait3A_132 = tpu.memref_squeeze %dma_wait3A_131 : memref<1x40xi32, #tpu.memory_space<vmem>> -> memref<40xi32, #tpu.memory_space<vmem>>
      %dma_wait3A_133 = arith.constant 0 : i32
      %dma_wait3A_134 = arith.constant 0 : i32
      %dma_wait3A_135 = tpu.memref_slice %arg2[%dma_wait3A_133, %dma_wait3A_134] : memref<10000x128xf32, #tpu.memory_space<hbm>> -> memref<10000x128xf32, #tpu.memory_space<hbm>>
      tpu.wait_indirect_dma semaphore(%arg15 : memref<!tpu.dma_semaphore, #tpu.memory_space<semaphore_mem>>) src(%dma_wait3A_135 : memref<10000x128xf32, #tpu.memory_space<hbm>>) dst(%arg12 : memref<40x128xf32, #tpu.memory_space<vmem>>)
      %dma_wait3A_136 = arith.constant 0 : i32
      %dma_wait3A_137 = arith.constant 0 : i32
      %dma_wait3A_138 = tpu.memref_slice %arg9[%dma_wait3A_136, %dma_wait3A_137] : memref<125x40xi32, #tpu.memory_space<vmem>> -> memref<1x40xi32, #tpu.memory_space<vmem>>
      %dma_wait3A_139 = tpu.memref_squeeze %dma_wait3A_138 : memref<1x40xi32, #tpu.memory_space<vmem>> -> memref<40xi32, #tpu.memory_space<vmem>>
      %dma_wait3A_140 = arith.constant 0 : i32
      %dma_wait3A_141 = arith.constant 0 : i32
      %dma_wait3A_142 = tpu.memref_slice %arg3[%dma_wait3A_140, %dma_wait3A_141] : memref<10000x128xf32, #tpu.memory_space<hbm>> -> memref<10000x128xf32, #tpu.memory_space<hbm>>
      tpu.wait_indirect_dma semaphore(%arg15 : memref<!tpu.dma_semaphore, #tpu.memory_space<semaphore_mem>>) src(%dma_wait3A_142 : memref<10000x128xf32, #tpu.memory_space<hbm>>) dst(%arg13 : memref<40x128xf32, #tpu.memory_space<vmem>>)
      %scan3A_143 = arith.constant 0 : i32
      %scan3A_144 = arith.constant 40 : i32
      %scan3A_145 = arith.addi %scan3A_143, %scan3A_144 : i32
      %scan3A_146 = arith.constant 1 : i32
      scf.for %scan3A_180 = %scan3A_143 to %scan3A_145 step %scan3A_146  : i32 {
        %mul3A_181 = arith.constant 1 : i32
        %mul3A_182 = arith.muli %scan3A_180, %mul3A_181 : i32
        %add3A_183 = arith.constant 0 : i32
        %add3A_184 = arith.addi %add3A_183, %mul3A_182 : i32
        %get3A = arith.index_cast %add3A_184 : i32 to index
        %get3A_185 = arith.constant 0 : index
        %get3A_186 = tpu.vector_load %arg12[%get3A, %get3A_185] {strides = array<i32>} : memref<40x128xf32, #tpu.memory_space<vmem>>, vector<1x16xf32>,
        %get3A_187 = vector.shape_cast %get3A_186 : vector<1x16xf32> to vector<16xf32>
        %get3A_188 = arith.index_cast %add3A_184 : i32 to index
        %get3A_189 = arith.constant 0 : index
        %get3A_190 = tpu.vector_load %arg13[%get3A_188, %get3A_189] {strides = array<i32>} : memref<40x128xf32, #tpu.memory_space<vmem>>, vector<1x16xf32>,
        %get3A_191 = vector.shape_cast %get3A_190 : vector<1x16xf32> to vector<16xf32>
        %add3A_192 = arith.addf %get3A_187, %get3A_191 : vector<16xf32>
        %swap3A = arith.index_cast %add3A_184 : i32 to index
        %swap3A_193 = arith.constant 0 : index
        %swap3A_194 = tpu.vector_load %arg12[%swap3A, %swap3A_193] {strides = array<i32>} : memref<40x128xf32, #tpu.memory_space<vmem>>, vector<1x16xf32>,
        %swap3A_195 = vector.shape_cast %swap3A_194 : vector<1x16xf32> to vector<16xf32>
        %swap3A_196 = vector.shape_cast %add3A_192 : vector<16xf32> to vector<1x16xf32>
        tpu.vector_store %arg12[%swap3A, %swap3A_193], %swap3A_196 {strides = array<i32>} : memref<40x128xf32, #tpu.memory_space<vmem>>, vector<1x16xf32>,
        %get3A_197 = arith.index_cast %add3A_184 : i32 to index
        %get3A_198 = arith.constant 16 : index
        %get3A_199 = tpu.vector_load %arg12[%get3A_197, %get3A_198] {strides = array<i32>} : memref<40x128xf32, #tpu.memory_space<vmem>>, vector<1x16xf32>,
        %get3A_200 = vector.shape_cast %get3A_199 : vector<1x16xf32> to vector<16xf32>
        %get3A_201 = arith.index_cast %add3A_184 : i32 to index
        %get3A_202 = arith.constant 16 : index
        %get3A_203 = tpu.vector_load %arg13[%get3A_201, %get3A_202] {strides = array<i32>} : memref<40x128xf32, #tpu.memory_space<vmem>>, vector<1x16xf32>,
        %get3A_204 = vector.shape_cast %get3A_203 : vector<1x16xf32> to vector<16xf32>
        %add3A_205 = arith.addf %get3A_200, %get3A_204 : vector<16xf32>
        %swap3A_206 = arith.index_cast %add3A_184 : i32 to index
        %swap3A_207 = arith.constant 16 : index
        %swap3A_208 = tpu.vector_load %arg12[%swap3A_206, %swap3A_207] {strides = array<i32>} : memref<40x128xf32, #tpu.memory_space<vmem>>, vector<1x16xf32>,
        %swap3A_209 = vector.shape_cast %swap3A_208 : vector<1x16xf32> to vector<16xf32>
        %swap3A_210 = vector.shape_cast %add3A_205 : vector<16xf32> to vector<1x16xf32>
        tpu.vector_store %arg12[%swap3A_206, %swap3A_207], %swap3A_210 {strides = array<i32>} : memref<40x128xf32, #tpu.memory_space<vmem>>, vector<1x16xf32>,
        %get3A_211 = arith.index_cast %add3A_184 : i32 to index
        %get3A_212 = arith.constant 32 : index
        %get3A_213 = tpu.vector_load %arg12[%get3A_211, %get3A_212] {strides = array<i32>} : memref<40x128xf32, #tpu.memory_space<vmem>>, vector<1x16xf32>,
        %get3A_214 = vector.shape_cast %get3A_213 : vector<1x16xf32> to vector<16xf32>
        %get3A_215 = arith.index_cast %add3A_184 : i32 to index
        %get3A_216 = arith.constant 32 : index
        %get3A_217 = tpu.vector_load %arg13[%get3A_215, %get3A_216] {strides = array<i32>} : memref<40x128xf32, #tpu.memory_space<vmem>>, vector<1x16xf32>,
        %get3A_218 = vector.shape_cast %get3A_217 : vector<1x16xf32> to vector<16xf32>
        %add3A_219 = arith.addf %get3A_214, %get3A_218 : vector<16xf32>
        %swap3A_220 = arith.index_cast %add3A_184 : i32 to index
        %swap3A_221 = arith.constant 32 : index
        %swap3A_222 = tpu.vector_load %arg12[%swap3A_220, %swap3A_221] {strides = array<i32>} : memref<40x128xf32, #tpu.memory_space<vmem>>, vector<1x16xf32>,
        %swap3A_223 = vector.shape_cast %swap3A_222 : vector<1x16xf32> to vector<16xf32>
        %swap3A_224 = vector.shape_cast %add3A_219 : vector<16xf32> to vector<1x16xf32>
        tpu.vector_store %arg12[%swap3A_220, %swap3A_221], %swap3A_224 {strides = array<i32>} : memref<40x128xf32, #tpu.memory_space<vmem>>, vector<1x16xf32>,
        %get3A_225 = arith.index_cast %add3A_184 : i32 to index
        %get3A_226 = arith.constant 48 : index
        %get3A_227 = tpu.vector_load %arg12[%get3A_225, %get3A_226] {strides = array<i32>} : memref<40x128xf32, #tpu.memory_space<vmem>>, vector<1x16xf32>,
        %get3A_228 = vector.shape_cast %get3A_227 : vector<1x16xf32> to vector<16xf32>
        %get3A_229 = arith.index_cast %add3A_184 : i32 to index
        %get3A_230 = arith.constant 48 : index
        %get3A_231 = tpu.vector_load %arg13[%get3A_229, %get3A_230] {strides = array<i32>} : memref<40x128xf32, #tpu.memory_space<vmem>>, vector<1x16xf32>,
        %get3A_232 = vector.shape_cast %get3A_231 : vector<1x16xf32> to vector<16xf32>
        %add3A_233 = arith.addf %get3A_228, %get3A_232 : vector<16xf32>
        %swap3A_234 = arith.index_cast %add3A_184 : i32 to index
        %swap3A_235 = arith.constant 48 : index
        %swap3A_236 = tpu.vector_load %arg12[%swap3A_234, %swap3A_235] {strides = array<i32>} : memref<40x128xf32, #tpu.memory_space<vmem>>, vector<1x16xf32>,
        %swap3A_237 = vector.shape_cast %swap3A_236 : vector<1x16xf32> to vector<16xf32>
        %swap3A_238 = vector.shape_cast %add3A_233 : vector<16xf32> to vector<1x16xf32>
        tpu.vector_store %arg12[%swap3A_234, %swap3A_235], %swap3A_238 {strides = array<i32>} : memref<40x128xf32, #tpu.memory_space<vmem>>, vector<1x16xf32>,
        %get3A_239 = arith.index_cast %add3A_184 : i32 to index
        %get3A_240 = arith.constant 64 : index
        %get3A_241 = tpu.vector_load %arg12[%get3A_239, %get3A_240] {strides = array<i32>} : memref<40x128xf32, #tpu.memory_space<vmem>>, vector<1x16xf32>,
        %get3A_242 = vector.shape_cast %get3A_241 : vector<1x16xf32> to vector<16xf32>
        %get3A_243 = arith.index_cast %add3A_184 : i32 to index
        %get3A_244 = arith.constant 64 : index
        %get3A_245 = tpu.vector_load %arg13[%get3A_243, %get3A_244] {strides = array<i32>} : memref<40x128xf32, #tpu.memory_space<vmem>>, vector<1x16xf32>,
        %get3A_246 = vector.shape_cast %get3A_245 : vector<1x16xf32> to vector<16xf32>
        %add3A_247 = arith.addf %get3A_242, %get3A_246 : vector<16xf32>
        %swap3A_248 = arith.index_cast %add3A_184 : i32 to index
        %swap3A_249 = arith.constant 64 : index
        %swap3A_250 = tpu.vector_load %arg12[%swap3A_248, %swap3A_249] {strides = array<i32>} : memref<40x128xf32, #tpu.memory_space<vmem>>, vector<1x16xf32>,
        %swap3A_251 = vector.shape_cast %swap3A_250 : vector<1x16xf32> to vector<16xf32>
        %swap3A_252 = vector.shape_cast %add3A_247 : vector<16xf32> to vector<1x16xf32>
        tpu.vector_store %arg12[%swap3A_248, %swap3A_249], %swap3A_252 {strides = array<i32>} : memref<40x128xf32, #tpu.memory_space<vmem>>, vector<1x16xf32>,
        %get3A_253 = arith.index_cast %add3A_184 : i32 to index
        %get3A_254 = arith.constant 80 : index
        %get3A_255 = tpu.vector_load %arg12[%get3A_253, %get3A_254] {strides = array<i32>} : memref<40x128xf32, #tpu.memory_space<vmem>>, vector<1x16xf32>,
        %get3A_256 = vector.shape_cast %get3A_255 : vector<1x16xf32> to vector<16xf32>
        %get3A_257 = arith.index_cast %add3A_184 : i32 to index
        %get3A_258 = arith.constant 80 : index
        %get3A_259 = tpu.vector_load %arg13[%get3A_257, %get3A_258] {strides = array<i32>} : memref<40x128xf32, #tpu.memory_space<vmem>>, vector<1x16xf32>,
        %get3A_260 = vector.shape_cast %get3A_259 : vector<1x16xf32> to vector<16xf32>
        %add3A_261 = arith.addf %get3A_256, %get3A_260 : vector<16xf32>
        %swap3A_262 = arith.index_cast %add3A_184 : i32 to index
        %swap3A_263 = arith.constant 80 : index
        %swap3A_264 = tpu.vector_load %arg12[%swap3A_262, %swap3A_263] {strides = array<i32>} : memref<40x128xf32, #tpu.memory_space<vmem>>, vector<1x16xf32>,
        %swap3A_265 = vector.shape_cast %swap3A_264 : vector<1x16xf32> to vector<16xf32>
        %swap3A_266 = vector.shape_cast %add3A_261 : vector<16xf32> to vector<1x16xf32>
        tpu.vector_store %arg12[%swap3A_262, %swap3A_263], %swap3A_266 {strides = array<i32>} : memref<40x128xf32, #tpu.memory_space<vmem>>, vector<1x16xf32>,
        %get3A_267 = arith.index_cast %add3A_184 : i32 to index
        %get3A_268 = arith.constant 96 : index
        %get3A_269 = tpu.vector_load %arg12[%get3A_267, %get3A_268] {strides = array<i32>} : memref<40x128xf32, #tpu.memory_space<vmem>>, vector<1x16xf32>,
        %get3A_270 = vector.shape_cast %get3A_269 : vector<1x16xf32> to vector<16xf32>
        %get3A_271 = arith.index_cast %add3A_184 : i32 to index
        %get3A_272 = arith.constant 96 : index
        %get3A_273 = tpu.vector_load %arg13[%get3A_271, %get3A_272] {strides = array<i32>} : memref<40x128xf32, #tpu.memory_space<vmem>>, vector<1x16xf32>,
        %get3A_274 = vector.shape_cast %get3A_273 : vector<1x16xf32> to vector<16xf32>
        %add3A_275 = arith.addf %get3A_270, %get3A_274 : vector<16xf32>
        %swap3A_276 = arith.index_cast %add3A_184 : i32 to index
        %swap3A_277 = arith.constant 96 : index
        %swap3A_278 = tpu.vector_load %arg12[%swap3A_276, %swap3A_277] {strides = array<i32>} : memref<40x128xf32, #tpu.memory_space<vmem>>, vector<1x16xf32>,
        %swap3A_279 = vector.shape_cast %swap3A_278 : vector<1x16xf32> to vector<16xf32>
        %swap3A_280 = vector.shape_cast %add3A_275 : vector<16xf32> to vector<1x16xf32>
        tpu.vector_store %arg12[%swap3A_276, %swap3A_277], %swap3A_280 {strides = array<i32>} : memref<40x128xf32, #tpu.memory_space<vmem>>, vector<1x16xf32>,
        %get3A_281 = arith.index_cast %add3A_184 : i32 to index
        %get3A_282 = arith.constant 112 : index
        %get3A_283 = tpu.vector_load %arg12[%get3A_281, %get3A_282] {strides = array<i32>} : memref<40x128xf32, #tpu.memory_space<vmem>>, vector<1x16xf32>,
        %get3A_284 = vector.shape_cast %get3A_283 : vector<1x16xf32> to vector<16xf32>
        %get3A_285 = arith.index_cast %add3A_184 : i32 to index
        %get3A_286 = arith.constant 112 : index
        %get3A_287 = tpu.vector_load %arg13[%get3A_285, %get3A_286] {strides = array<i32>} : memref<40x128xf32, #tpu.memory_space<vmem>>, vector<1x16xf32>,
        %get3A_288 = vector.shape_cast %get3A_287 : vector<1x16xf32> to vector<16xf32>
        %add3A_289 = arith.addf %get3A_284, %get3A_288 : vector<16xf32>
        %swap3A_290 = arith.index_cast %add3A_184 : i32 to index
        %swap3A_291 = arith.constant 112 : index
        %swap3A_292 = tpu.vector_load %arg12[%swap3A_290, %swap3A_291] {strides = array<i32>} : memref<40x128xf32, #tpu.memory_space<vmem>>, vector<1x16xf32>,
        %swap3A_293 = vector.shape_cast %swap3A_292 : vector<1x16xf32> to vector<16xf32>
        %swap3A_294 = vector.shape_cast %add3A_289 : vector<16xf32> to vector<1x16xf32>
        tpu.vector_store %arg12[%swap3A_290, %swap3A_291], %swap3A_294 {strides = array<i32>} : memref<40x128xf32, #tpu.memory_space<vmem>>, vector<1x16xf32>,
      }
      %scan3A_147 = arith.constant 40 : i32
      %mul3A_148 = arith.constant 2 : i32
      %mul3A_149 = arith.muli %mul3A_148, %add3A_80 : i32
      %add3A_150 = arith.constant 1 : i32
      %add3A_151 = arith.addi %mul3A_149, %add3A_150 : i32
      %mul3A_152 = arith.constant 40 : i32
      %mul3A_153 = arith.muli %add3A_151, %mul3A_152 : i32
      %add3A_154 = arith.addi %mul3A_2, %mul3A_153 : i32
      %dma_start3A_155 = arith.constant 0 : i32
      %dma_start3A_156 = tpu.memref_slice %arg7[%add3A_154, %dma_start3A_155] : memref<160000x128xf32, #tpu.memory_space<hbm>> -> memref<40x128xf32, #tpu.memory_space<hbm>>
      %dma_start3A_157 = arith.constant 0 : i32
      %dma_start3A_158 = tpu.memref_slice %arg7[%add3A_154, %dma_start3A_157] : memref<160000x128xf32, #tpu.memory_space<hbm>> -> memref<40x128xf32, #tpu.memory_space<hbm>>
      tpu.enqueue_dma source(%arg12 : memref<40x128xf32, #tpu.memory_space<vmem>>) target(%dma_start3A_158 : memref<40x128xf32, #tpu.memory_space<hbm>>) target_semaphore(%arg17 : memref<!tpu.dma_semaphore, #tpu.memory_space<semaphore_mem>>)
      %dma_wait3A_159 = arith.constant 0 : i32
      %dma_wait3A_160 = tpu.memref_slice %arg7[%mul3A_2, %dma_wait3A_159] : memref<160000x128xf32, #tpu.memory_space<hbm>> -> memref<40x128xf32, #tpu.memory_space<hbm>>
      %dma_wait3A_161 = arith.constant 0 : i32
      %dma_wait3A_162 = tpu.memref_slice %arg7[%mul3A_2, %dma_wait3A_161] : memref<160000x128xf32, #tpu.memory_space<hbm>> -> memref<40x128xf32, #tpu.memory_space<hbm>>
      tpu.wait_dma2 semaphore(%arg17 : memref<!tpu.dma_semaphore, #tpu.memory_space<semaphore_mem>>) src(%arg12 : memref<40x128xf32, #tpu.memory_space<vmem>>) dst(%dma_wait3A_162 : memref<40x128xf32, #tpu.memory_space<hbm>>)
      %mul3A_163 = arith.constant 2 : i32
      %mul3A_164 = arith.muli %mul3A_163, %add3A_80 : i32
      %add3A_165 = arith.constant 3 : i32
      %add3A_166 = arith.addi %mul3A_164, %add3A_165 : i32
      %min3A = arith.constant 124 : i32
      %min3A_167 = arith.minsi %add3A_166, %min3A : i32
      %dma_start3A_168 = arith.constant 0 : i32
      %dma_start3A_169 = tpu.memref_slice %arg8[%min3A_167, %dma_start3A_168] : memref<125x40xi32, #tpu.memory_space<vmem>> -> memref<1x40xi32, #tpu.memory_space<vmem>>
      %dma_start3A_170 = tpu.memref_squeeze %dma_start3A_169 : memref<1x40xi32, #tpu.memory_space<vmem>> -> memref<40xi32, #tpu.memory_space<vmem>>
      %dma_start3A_171 = arith.constant 0 : i32
      %dma_start3A_172 = arith.constant 0 : i32
      %dma_start3A_173 = tpu.memref_slice %arg2[%dma_start3A_171, %dma_start3A_172] : memref<10000x128xf32, #tpu.memory_space<hbm>> -> memref<10000x128xf32, #tpu.memory_space<hbm>>
      tpu.enqueue_indirect_dma source(%dma_start3A_173 : memref<10000x128xf32, #tpu.memory_space<hbm>>) target(%arg12 : memref<40x128xf32, #tpu.memory_space<vmem>>) offsets(%dma_start3A_170 : memref<40xi32, #tpu.memory_space<vmem>>) semaphore(%arg15 : memref<!tpu.dma_semaphore, #tpu.memory_space<semaphore_mem>>)
      %dma_start3A_174 = arith.constant 0 : i32
      %dma_start3A_175 = tpu.memref_slice %arg9[%min3A_167, %dma_start3A_174] : memref<125x40xi32, #tpu.memory_space<vmem>> -> memref<1x40xi32, #tpu.memory_space<vmem>>
      %dma_start3A_176 = tpu.memref_squeeze %dma_start3A_175 : memref<1x40xi32, #tpu.memory_space<vmem>> -> memref<40xi32, #tpu.memory_space<vmem>>
      %dma_start3A_177 = arith.constant 0 : i32
      %dma_start3A_178 = arith.constant 0 : i32
      %dma_start3A_179 = tpu.memref_slice %arg3[%dma_start3A_177, %dma_start3A_178] : memref<10000x128xf32, #tpu.memory_space<hbm>> -> memref<10000x128xf32, #tpu.memory_space<hbm>>
      tpu.enqueue_indirect_dma source(%dma_start3A_179 : memref<10000x128xf32, #tpu.memory_space<hbm>>) target(%arg13 : memref<40x128xf32, #tpu.memory_space<vmem>>) offsets(%dma_start3A_176 : memref<40xi32, #tpu.memory_space<vmem>>) semaphore(%arg15 : memref<!tpu.dma_semaphore, #tpu.memory_space<semaphore_mem>>)
    }
    %scan3A_33 = arith.constant 62 : i32
    %dma_wait3A = arith.constant 0 : i32
    %dma_wait3A_34 = arith.constant 0 : i32
    %dma_wait3A_35 = tpu.memref_slice %arg8[%dma_wait3A, %dma_wait3A_34] : memref<125x40xi32, #tpu.memory_space<vmem>> -> memref<1x40xi32, #tpu.memory_space<vmem>>
    %dma_wait3A_36 = tpu.memref_squeeze %dma_wait3A_35 : memref<1x40xi32, #tpu.memory_space<vmem>> -> memref<40xi32, #tpu.memory_space<vmem>>
    %dma_wait3A_37 = arith.constant 0 : i32
    %dma_wait3A_38 = arith.constant 0 : i32
    %dma_wait3A_39 = tpu.memref_slice %arg2[%dma_wait3A_37, %dma_wait3A_38] : memref<10000x128xf32, #tpu.memory_space<hbm>> -> memref<10000x128xf32, #tpu.memory_space<hbm>>
    tpu.wait_indirect_dma semaphore(%arg14 : memref<!tpu.dma_semaphore, #tpu.memory_space<semaphore_mem>>) src(%dma_wait3A_39 : memref<10000x128xf32, #tpu.memory_space<hbm>>) dst(%arg10 : memref<40x128xf32, #tpu.memory_space<vmem>>)
    %dma_wait3A_40 = arith.constant 0 : i32
    %dma_wait3A_41 = arith.constant 0 : i32
    %dma_wait3A_42 = tpu.memref_slice %arg9[%dma_wait3A_40, %dma_wait3A_41] : memref<125x40xi32, #tpu.memory_space<vmem>> -> memref<1x40xi32, #tpu.memory_space<vmem>>
    %dma_wait3A_43 = tpu.memref_squeeze %dma_wait3A_42 : memref<1x40xi32, #tpu.memory_space<vmem>> -> memref<40xi32, #tpu.memory_space<vmem>>
    %dma_wait3A_44 = arith.constant 0 : i32
    %dma_wait3A_45 = arith.constant 0 : i32
    %dma_wait3A_46 = tpu.memref_slice %arg3[%dma_wait3A_44, %dma_wait3A_45] : memref<10000x128xf32, #tpu.memory_space<hbm>> -> memref<10000x128xf32, #tpu.memory_space<hbm>>
    tpu.wait_indirect_dma semaphore(%arg14 : memref<!tpu.dma_semaphore, #tpu.memory_space<semaphore_mem>>) src(%dma_wait3A_46 : memref<10000x128xf32, #tpu.memory_space<hbm>>) dst(%arg11 : memref<40x128xf32, #tpu.memory_space<vmem>>)
    %scan3A_47 = arith.constant 0 : i32
    %scan3A_48 = arith.constant 40 : i32
    %scan3A_49 = arith.addi %scan3A_47, %scan3A_48 : i32
    %scan3A_50 = arith.constant 1 : i32
    scf.for %scan3A_76 = %scan3A_47 to %scan3A_49 step %scan3A_50  : i32 {
      %mul3A_77 = arith.constant 1 : i32
      %mul3A_78 = arith.muli %scan3A_76, %mul3A_77 : i32
      %add3A_79 = arith.constant 0 : i32
      %add3A_80 = arith.addi %add3A_79, %mul3A_78 : i32
      %get3A = arith.index_cast %add3A_80 : i32 to index
      %get3A_81 = arith.constant 0 : index
      %get3A_82 = tpu.vector_load %arg10[%get3A, %get3A_81] {strides = array<i32>} : memref<40x128xf32, #tpu.memory_space<vmem>>, vector<1x16xf32>,
      %get3A_83 = vector.shape_cast %get3A_82 : vector<1x16xf32> to vector<16xf32>
      %get3A_84 = arith.index_cast %add3A_80 : i32 to index
      %get3A_85 = arith.constant 0 : index
      %get3A_86 = tpu.vector_load %arg11[%get3A_84, %get3A_85] {strides = array<i32>} : memref<40x128xf32, #tpu.memory_space<vmem>>, vector<1x16xf32>,
      %get3A_87 = vector.shape_cast %get3A_86 : vector<1x16xf32> to vector<16xf32>
      %add3A_88 = arith.addf %get3A_83, %get3A_87 : vector<16xf32>
      %swap3A = arith.index_cast %add3A_80 : i32 to index
      %swap3A_89 = arith.constant 0 : index
      %swap3A_90 = tpu.vector_load %arg10[%swap3A, %swap3A_89] {strides = array<i32>} : memref<40x128xf32, #tpu.memory_space<vmem>>, vector<1x16xf32>,
      %swap3A_91 = vector.shape_cast %swap3A_90 : vector<1x16xf32> to vector<16xf32>
      %swap3A_92 = vector.shape_cast %add3A_88 : vector<16xf32> to vector<1x16xf32>
      tpu.vector_store %arg10[%swap3A, %swap3A_89], %swap3A_92 {strides = array<i32>} : memref<40x128xf32, #tpu.memory_space<vmem>>, vector<1x16xf32>,
      %get3A_93 = arith.index_cast %add3A_80 : i32 to index
      %get3A_94 = arith.constant 16 : index
      %get3A_95 = tpu.vector_load %arg10[%get3A_93, %get3A_94] {strides = array<i32>} : memref<40x128xf32, #tpu.memory_space<vmem>>, vector<1x16xf32>,
      %get3A_96 = vector.shape_cast %get3A_95 : vector<1x16xf32> to vector<16xf32>
      %get3A_97 = arith.index_cast %add3A_80 : i32 to index
      %get3A_98 = arith.constant 16 : index
      %get3A_99 = tpu.vector_load %arg11[%get3A_97, %get3A_98] {strides = array<i32>} : memref<40x128xf32, #tpu.memory_space<vmem>>, vector<1x16xf32>,
      %get3A_100 = vector.shape_cast %get3A_99 : vector<1x16xf32> to vector<16xf32>
      %add3A_101 = arith.addf %get3A_96, %get3A_100 : vector<16xf32>
      %swap3A_102 = arith.index_cast %add3A_80 : i32 to index
      %swap3A_103 = arith.constant 16 : index
      %swap3A_104 = tpu.vector_load %arg10[%swap3A_102, %swap3A_103] {strides = array<i32>} : memref<40x128xf32, #tpu.memory_space<vmem>>, vector<1x16xf32>,
      %swap3A_105 = vector.shape_cast %swap3A_104 : vector<1x16xf32> to vector<16xf32>
      %swap3A_106 = vector.shape_cast %add3A_101 : vector<16xf32> to vector<1x16xf32>
      tpu.vector_store %arg10[%swap3A_102, %swap3A_103], %swap3A_106 {strides = array<i32>} : memref<40x128xf32, #tpu.memory_space<vmem>>, vector<1x16xf32>,
      %get3A_107 = arith.index_cast %add3A_80 : i32 to index
      %get3A_108 = arith.constant 32 : index
      %get3A_109 = tpu.vector_load %arg10[%get3A_107, %get3A_108] {strides = array<i32>} : memref<40x128xf32, #tpu.memory_space<vmem>>, vector<1x16xf32>,
      %get3A_110 = vector.shape_cast %get3A_109 : vector<1x16xf32> to vector<16xf32>
      %get3A_111 = arith.index_cast %add3A_80 : i32 to index
      %get3A_112 = arith.constant 32 : index
      %get3A_113 = tpu.vector_load %arg11[%get3A_111, %get3A_112] {strides = array<i32>} : memref<40x128xf32, #tpu.memory_space<vmem>>, vector<1x16xf32>,
      %get3A_114 = vector.shape_cast %get3A_113 : vector<1x16xf32> to vector<16xf32>
      %add3A_115 = arith.addf %get3A_110, %get3A_114 : vector<16xf32>
      %swap3A_116 = arith.index_cast %add3A_80 : i32 to index
      %swap3A_117 = arith.constant 32 : index
      %swap3A_118 = tpu.vector_load %arg10[%swap3A_116, %swap3A_117] {strides = array<i32>} : memref<40x128xf32, #tpu.memory_space<vmem>>, vector<1x16xf32>,
      %swap3A_119 = vector.shape_cast %swap3A_118 : vector<1x16xf32> to vector<16xf32>
      %swap3A_120 = vector.shape_cast %add3A_115 : vector<16xf32> to vector<1x16xf32>
      tpu.vector_store %arg10[%swap3A_116, %swap3A_117], %swap3A_120 {strides = array<i32>} : memref<40x128xf32, #tpu.memory_space<vmem>>, vector<1x16xf32>,
      %get3A_121 = arith.index_cast %add3A_80 : i32 to index
      %get3A_122 = arith.constant 48 : index
      %get3A_123 = tpu.vector_load %arg10[%get3A_121, %get3A_122] {strides = array<i32>} : memref<40x128xf32, #tpu.memory_space<vmem>>, vector<1x16xf32>,
      %get3A_124 = vector.shape_cast %get3A_123 : vector<1x16xf32> to vector<16xf32>
      %get3A_125 = arith.index_cast %add3A_80 : i32 to index
      %get3A_126 = arith.constant 48 : index
      %get3A_127 = tpu.vector_load %arg11[%get3A_125, %get3A_126] {strides = array<i32>} : memref<40x128xf32, #tpu.memory_space<vmem>>, vector<1x16xf32>,
      %get3A_128 = vector.shape_cast %get3A_127 : vector<1x16xf32> to vector<16xf32>
      %add3A_129 = arith.addf %get3A_124, %get3A_128 : vector<16xf32>
      %swap3A_130 = arith.index_cast %add3A_80 : i32 to index
      %swap3A_131 = arith.constant 48 : index
      %swap3A_132 = tpu.vector_load %arg10[%swap3A_130, %swap3A_131] {strides = array<i32>} : memref<40x128xf32, #tpu.memory_space<vmem>>, vector<1x16xf32>,
      %swap3A_133 = vector.shape_cast %swap3A_132 : vector<1x16xf32> to vector<16xf32>
      %swap3A_134 = vector.shape_cast %add3A_129 : vector<16xf32> to vector<1x16xf32>
      tpu.vector_store %arg10[%swap3A_130, %swap3A_131], %swap3A_134 {strides = array<i32>} : memref<40x128xf32, #tpu.memory_space<vmem>>, vector<1x16xf32>,
      %get3A_135 = arith.index_cast %add3A_80 : i32 to index
      %get3A_136 = arith.constant 64 : index
      %get3A_137 = tpu.vector_load %arg10[%get3A_135, %get3A_136] {strides = array<i32>} : memref<40x128xf32, #tpu.memory_space<vmem>>, vector<1x16xf32>,
      %get3A_138 = vector.shape_cast %get3A_137 : vector<1x16xf32> to vector<16xf32>
      %get3A_139 = arith.index_cast %add3A_80 : i32 to index
      %get3A_140 = arith.constant 64 : index
      %get3A_141 = tpu.vector_load %arg11[%get3A_139, %get3A_140] {strides = array<i32>} : memref<40x128xf32, #tpu.memory_space<vmem>>, vector<1x16xf32>,
      %get3A_142 = vector.shape_cast %get3A_141 : vector<1x16xf32> to vector<16xf32>
      %add3A_143 = arith.addf %get3A_138, %get3A_142 : vector<16xf32>
      %swap3A_144 = arith.index_cast %add3A_80 : i32 to index
      %swap3A_145 = arith.constant 64 : index
      %swap3A_146 = tpu.vector_load %arg10[%swap3A_144, %swap3A_145] {strides = array<i32>} : memref<40x128xf32, #tpu.memory_space<vmem>>, vector<1x16xf32>,
      %swap3A_147 = vector.shape_cast %swap3A_146 : vector<1x16xf32> to vector<16xf32>
      %swap3A_148 = vector.shape_cast %add3A_143 : vector<16xf32> to vector<1x16xf32>
      tpu.vector_store %arg10[%swap3A_144, %swap3A_145], %swap3A_148 {strides = array<i32>} : memref<40x128xf32, #tpu.memory_space<vmem>>, vector<1x16xf32>,
      %get3A_149 = arith.index_cast %add3A_80 : i32 to index
      %get3A_150 = arith.constant 80 : index
      %get3A_151 = tpu.vector_load %arg10[%get3A_149, %get3A_150] {strides = array<i32>} : memref<40x128xf32, #tpu.memory_space<vmem>>, vector<1x16xf32>,
      %get3A_152 = vector.shape_cast %get3A_151 : vector<1x16xf32> to vector<16xf32>
      %get3A_153 = arith.index_cast %add3A_80 : i32 to index
      %get3A_154 = arith.constant 80 : index
      %get3A_155 = tpu.vector_load %arg11[%get3A_153, %get3A_154] {strides = array<i32>} : memref<40x128xf32, #tpu.memory_space<vmem>>, vector<1x16xf32>,
      %get3A_156 = vector.shape_cast %get3A_155 : vector<1x16xf32> to vector<16xf32>
      %add3A_157 = arith.addf %get3A_152, %get3A_156 : vector<16xf32>
      %swap3A_158 = arith.index_cast %add3A_80 : i32 to index
      %swap3A_159 = arith.constant 80 : index
      %swap3A_160 = tpu.vector_load %arg10[%swap3A_158, %swap3A_159] {strides = array<i32>} : memref<40x128xf32, #tpu.memory_space<vmem>>, vector<1x16xf32>,
      %swap3A_161 = vector.shape_cast %swap3A_160 : vector<1x16xf32> to vector<16xf32>
      %swap3A_162 = vector.shape_cast %add3A_157 : vector<16xf32> to vector<1x16xf32>
      tpu.vector_store %arg10[%swap3A_158, %swap3A_159], %swap3A_162 {strides = array<i32>} : memref<40x128xf32, #tpu.memory_space<vmem>>, vector<1x16xf32>,
      %get3A_163 = arith.index_cast %add3A_80 : i32 to index
      %get3A_164 = arith.constant 96 : index
      %get3A_165 = tpu.vector_load %arg10[%get3A_163, %get3A_164] {strides = array<i32>} : memref<40x128xf32, #tpu.memory_space<vmem>>, vector<1x16xf32>,
      %get3A_166 = vector.shape_cast %get3A_165 : vector<1x16xf32> to vector<16xf32>
      %get3A_167 = arith.index_cast %add3A_80 : i32 to index
      %get3A_168 = arith.constant 96 : index
      %get3A_169 = tpu.vector_load %arg11[%get3A_167, %get3A_168] {strides = array<i32>} : memref<40x128xf32, #tpu.memory_space<vmem>>, vector<1x16xf32>,
      %get3A_170 = vector.shape_cast %get3A_169 : vector<1x16xf32> to vector<16xf32>
      %add3A_171 = arith.addf %get3A_166, %get3A_170 : vector<16xf32>
      %swap3A_172 = arith.index_cast %add3A_80 : i32 to index
      %swap3A_173 = arith.constant 96 : index
      %swap3A_174 = tpu.vector_load %arg10[%swap3A_172, %swap3A_173] {strides = array<i32>} : memref<40x128xf32, #tpu.memory_space<vmem>>, vector<1x16xf32>,
      %swap3A_175 = vector.shape_cast %swap3A_174 : vector<1x16xf32> to vector<16xf32>
      %swap3A_176 = vector.shape_cast %add3A_171 : vector<16xf32> to vector<1x16xf32>
      tpu.vector_store %arg10[%swap3A_172, %swap3A_173], %swap3A_176 {strides = array<i32>} : memref<40x128xf32, #tpu.memory_space<vmem>>, vector<1x16xf32>,
      %get3A_177 = arith.index_cast %add3A_80 : i32 to index
      %get3A_178 = arith.constant 112 : index
      %get3A_179 = tpu.vector_load %arg10[%get3A_177, %get3A_178] {strides = array<i32>} : memref<40x128xf32, #tpu.memory_space<vmem>>, vector<1x16xf32>,
      %get3A_180 = vector.shape_cast %get3A_179 : vector<1x16xf32> to vector<16xf32>
      %get3A_181 = arith.index_cast %add3A_80 : i32 to index
      %get3A_182 = arith.constant 112 : index
      %get3A_183 = tpu.vector_load %arg11[%get3A_181, %get3A_182] {strides = array<i32>} : memref<40x128xf32, #tpu.memory_space<vmem>>, vector<1x16xf32>,
      %get3A_184 = vector.shape_cast %get3A_183 : vector<1x16xf32> to vector<16xf32>
      %add3A_185 = arith.addf %get3A_180, %get3A_184 : vector<16xf32>
      %swap3A_186 = arith.index_cast %add3A_80 : i32 to index
      %swap3A_187 = arith.constant 112 : index
      %swap3A_188 = tpu.vector_load %arg10[%swap3A_186, %swap3A_187] {strides = array<i32>} : memref<40x128xf32, #tpu.memory_space<vmem>>, vector<1x16xf32>,
      %swap3A_189 = vector.shape_cast %swap3A_188 : vector<1x16xf32> to vector<16xf32>
      %swap3A_190 = vector.shape_cast %add3A_185 : vector<16xf32> to vector<1x16xf32>
      tpu.vector_store %arg10[%swap3A_186, %swap3A_187], %swap3A_190 {strides = array<i32>} : memref<40x128xf32, #tpu.memory_space<vmem>>, vector<1x16xf32>,
    }
    %scan3A_51 = arith.constant 40 : i32
    %add3A_52 = arith.constant 4960 : i32
    %add3A_53 = arith.addi %mul3A_2, %add3A_52 : i32
    %dma_start3A_54 = arith.constant 0 : i32
    %dma_start3A_55 = tpu.memref_slice %arg7[%add3A_53, %dma_start3A_54] : memref<160000x128xf32, #tpu.memory_space<hbm>> -> memref<40x128xf32, #tpu.memory_space<hbm>>
    %dma_start3A_56 = arith.constant 0 : i32
    %dma_start3A_57 = tpu.memref_slice %arg7[%add3A_53, %dma_start3A_56] : memref<160000x128xf32, #tpu.memory_space<hbm>> -> memref<40x128xf32, #tpu.memory_space<hbm>>
    tpu.enqueue_dma source(%arg10 : memref<40x128xf32, #tpu.memory_space<vmem>>) target(%dma_start3A_57 : memref<40x128xf32, #tpu.memory_space<hbm>>) target_semaphore(%arg16 : memref<!tpu.dma_semaphore, #tpu.memory_space<semaphore_mem>>)
    %dma_wait3A_58 = arith.constant 0 : i32
    %dma_wait3A_59 = tpu.memref_slice %arg7[%mul3A_2, %dma_wait3A_58] : memref<160000x128xf32, #tpu.memory_space<hbm>> -> memref<40x128xf32, #tpu.memory_space<hbm>>
    %dma_wait3A_60 = arith.constant 0 : i32
    %dma_wait3A_61 = tpu.memref_slice %arg7[%mul3A_2, %dma_wait3A_60] : memref<160000x128xf32, #tpu.memory_space<hbm>> -> memref<40x128xf32, #tpu.memory_space<hbm>>
    tpu.wait_dma2 semaphore(%arg16 : memref<!tpu.dma_semaphore, #tpu.memory_space<semaphore_mem>>) src(%arg10 : memref<40x128xf32, #tpu.memory_space<vmem>>) dst(%dma_wait3A_61 : memref<40x128xf32, #tpu.memory_space<hbm>>)
    %dma_wait3A_62 = arith.constant 0 : i32
    %dma_wait3A_63 = arith.constant 0 : i32
    %dma_wait3A_64 = tpu.memref_slice %arg8[%dma_wait3A_62, %dma_wait3A_63] : memref<125x40xi32, #tpu.memory_space<vmem>> -> memref<1x40xi32, #tpu.memory_space<vmem>>
    %dma_wait3A_65 = tpu.memref_squeeze %dma_wait3A_64 : memref<1x40xi32, #tpu.memory_space<vmem>> -> memref<40xi32, #tpu.memory_space<vmem>>
    %dma_wait3A_66 = arith.constant 0 : i32
    %dma_wait3A_67 = arith.constant 0 : i32
    %dma_wait3A_68 = tpu.memref_slice %arg2[%dma_wait3A_66, %dma_wait3A_67] : memref<10000x128xf32, #tpu.memory_space<hbm>> -> memref<10000x128xf32, #tpu.memory_space<hbm>>
    tpu.wait_indirect_dma semaphore(%arg15 : memref<!tpu.dma_semaphore, #tpu.memory_space<semaphore_mem>>) src(%dma_wait3A_68 : memref<10000x128xf32, #tpu.memory_space<hbm>>) dst(%arg12 : memref<40x128xf32, #tpu.memory_space<vmem>>)
    %dma_wait3A_69 = arith.constant 0 : i32
    %dma_wait3A_70 = arith.constant 0 : i32
    %dma_wait3A_71 = tpu.memref_slice %arg9[%dma_wait3A_69, %dma_wait3A_70] : memref<125x40xi32, #tpu.memory_space<vmem>> -> memref<1x40xi32, #tpu.memory_space<vmem>>
    %dma_wait3A_72 = tpu.memref_squeeze %dma_wait3A_71 : memref<1x40xi32, #tpu.memory_space<vmem>> -> memref<40xi32, #tpu.memory_space<vmem>>
    %dma_wait3A_73 = arith.constant 0 : i32
    %dma_wait3A_74 = arith.constant 0 : i32
    %dma_wait3A_75 = tpu.memref_slice %arg3[%dma_wait3A_73, %dma_wait3A_74] : memref<10000x128xf32, #tpu.memory_space<hbm>> -> memref<10000x128xf32, #tpu.memory_space<hbm>>
    tpu.wait_indirect_dma semaphore(%arg15 : memref<!tpu.dma_semaphore, #tpu.memory_space<semaphore_mem>>) src(%dma_wait3A_75 : memref<10000x128xf32, #tpu.memory_space<hbm>>) dst(%arg13 : memref<40x128xf32, #tpu.memory_space<vmem>>)
    return
  }
}

#map = affine_map<(d0, d1) -> (0, 0)>
#map1 = affine_map<(d0, d1) -> (0, 0, 0)>
module attributes {stable_mosaic.version = 14 : i64} {
  func.func @_scatter_body(%arg0: i32, %arg1: i32, %arg2: memref<160000x128xf32, #tpu.memory_space<hbm>>, %arg3: memref<32x5000xf32, #tpu.memory_space<hbm>>, %arg4: memref<32x5000xi32, #tpu.memory_space<hbm>>, %arg5: memref<40x128xf32, #tpu.memory_space<hbm>>, %arg6: memref<160000x128xf32, #tpu.memory_space<hbm>>, %arg7: memref<2x10240x128xf32, #tpu.memory_space<hbm>>, %arg8: memref<32x10240xf32, #tpu.memory_space<hbm>>, %arg9: memref<5016xi32, #tpu.memory_space<vmem>>, %arg10: memref<40x128xf32, #tpu.memory_space<vmem>>, %arg11: memref<56xf32, #tpu.memory_space<vmem>>, %arg12: memref<40x128xf32, #tpu.memory_space<vmem>>, %arg13: memref<56xf32, #tpu.memory_space<vmem>>, %arg14: memref<10240xf32, #tpu.memory_space<vmem>>, %arg15: memref<10240x128xf32, #tpu.memory_space<vmem_shared>>, %arg16: memref<!tpu.dma_semaphore, #tpu.memory_space<semaphore_mem>>, %arg17: memref<!tpu.dma_semaphore, #tpu.memory_space<semaphore_mem>>, %arg18: memref<!tpu.dma_semaphore, #tpu.memory_space<semaphore_mem>>, %arg19: memref<!tpu.dma_semaphore, #tpu.memory_space<semaphore_mem>>) attributes {dimension_semantics = [#tpu.dimension_semantics<core_parallel>, #tpu.dimension_semantics<subcore_parallel>], iteration_bounds = array<i64: 2, 16>, scalar_prefetch = 0 : i64, scratch_operands = 11 : i64, tpu.core_type = #tpu.core_type<sc_vector_subcore>, window_params = [{transform_indices = #map}, {transform_indices = #map}, {transform_indices = #map}, {transform_indices = #map}, {transform_indices = #map}, {transform_indices = #map1}, {transform_indices = #map}]} {
    %mul3A = arith.constant 2 : i32
    %mul3A_0 = arith.muli %arg1, %mul3A : i32
    %add3A = arith.addi %mul3A_0, %arg0 : i32
    %mul3A_1 = arith.constant 5000 : i32
    %mul3A_2 = arith.muli %add3A, %mul3A_1 : i32
    %scan3A = arith.constant 0 : i32
    %scan3A_3 = arith.constant 640 : i32
    %scan3A_4 = arith.addi %scan3A, %scan3A_3 : i32
    %scan3A_5 = arith.constant 1 : i32
    scf.for %scan3A_100 = %scan3A to %scan3A_4 step %scan3A_5  : i32 {
      %mul3A_101 = arith.constant 1 : i32
      %mul3A_102 = arith.muli %scan3A_100, %mul3A_101 : i32
      %add3A_103 = arith.constant 0 : i32
      %add3A_104 = arith.addi %add3A_103, %mul3A_102 : i32
      %broadcast_in_dim3A = arith.constant 0.000000e+00 : f32
      %broadcast_in_dim3A_105 = vector.broadcast %broadcast_in_dim3A : f32 to vector<16xf32>
      %mul3A_106 = arith.constant 16 : i32
      %mul3A_107 = arith.muli %add3A_104, %mul3A_106 : i32
      %swap3A = arith.index_cast %mul3A_107 : i32 to index
      %swap3A_108 = tpu.vector_load %arg14[%swap3A] {strides = array<i32>} : memref<10240xf32, #tpu.memory_space<vmem>>, vector<16xf32>,
      tpu.vector_store %arg14[%swap3A], %broadcast_in_dim3A_105 {strides = array<i32>} : memref<10240xf32, #tpu.memory_space<vmem>>, vector<16xf32>,
    }
    %scan3A_6 = arith.constant 640 : i32
    "tpu.region"() ({
      %run_scoped3A = tpu.sem_alloc : memref<!tpu.dma_semaphore, #tpu.memory_space<semaphore_mem>>
      tpu.enqueue_dma source(%arg5 : memref<40x128xf32, #tpu.memory_space<hbm>>) target(%arg10 : memref<40x128xf32, #tpu.memory_space<vmem>>) target_semaphore(%run_scoped3A : memref<!tpu.dma_semaphore, #tpu.memory_space<semaphore_mem>>)
      tpu.wait_dma2 semaphore(%run_scoped3A : memref<!tpu.dma_semaphore, #tpu.memory_space<semaphore_mem>>) src(%arg5 : memref<40x128xf32, #tpu.memory_space<hbm>>) dst(%arg10 : memref<40x128xf32, #tpu.memory_space<vmem>>)
      tpu.yield
    }) : () -> ()
    %scan3A_7 = arith.constant 0 : i32
    %scan3A_8 = arith.constant 16 : i32
    %scan3A_9 = arith.addi %scan3A_7, %scan3A_8 : i32
    %scan3A_10 = arith.constant 1 : i32
    scf.for %scan3A_100 = %scan3A_7 to %scan3A_9 step %scan3A_10  : i32 {
      %mul3A_101 = arith.constant 1 : i32
      %mul3A_102 = arith.muli %scan3A_100, %mul3A_101 : i32
      %add3A_103 = arith.constant 0 : i32
      %add3A_104 = arith.addi %add3A_103, %mul3A_102 : i32
      %mul3A_105 = arith.constant 640 : i32
      %mul3A_106 = arith.muli %arg1, %mul3A_105 : i32
      %mul3A_107 = arith.constant 40 : i32
      %mul3A_108 = arith.muli %add3A_104, %mul3A_107 : i32
      %add3A_109 = arith.addi %mul3A_106, %mul3A_108 : i32
      "tpu.region"() ({
        %run_scoped3A = tpu.sem_alloc : memref<!tpu.dma_semaphore, #tpu.memory_space<semaphore_mem>>
        %dma_start3A_110 = arith.constant 0 : i32
        %dma_start3A_111 = tpu.memref_slice %arg15[%add3A_109, %dma_start3A_110] : memref<10240x128xf32, #tpu.memory_space<vmem_shared>> -> memref<40x128xf32, #tpu.memory_space<vmem_shared>>
        %dma_start3A_112 = arith.constant 0 : i32
        %dma_start3A_113 = tpu.memref_slice %arg15[%add3A_109, %dma_start3A_112] : memref<10240x128xf32, #tpu.memory_space<vmem_shared>> -> memref<40x128xf32, #tpu.memory_space<vmem_shared>>
        tpu.enqueue_dma source(%arg10 : memref<40x128xf32, #tpu.memory_space<vmem>>) target(%dma_start3A_113 : memref<40x128xf32, #tpu.memory_space<vmem_shared>>) target_semaphore(%run_scoped3A : memref<!tpu.dma_semaphore, #tpu.memory_space<semaphore_mem>>)
        %dma_wait3A_114 = arith.constant 0 : i32
        %dma_wait3A_115 = tpu.memref_slice %arg15[%add3A_109, %dma_wait3A_114] : memref<10240x128xf32, #tpu.memory_space<vmem_shared>> -> memref<40x128xf32, #tpu.memory_space<vmem_shared>>
        %dma_wait3A_116 = arith.constant 0 : i32
        %dma_wait3A_117 = tpu.memref_slice %arg15[%add3A_109, %dma_wait3A_116] : memref<10240x128xf32, #tpu.memory_space<vmem_shared>> -> memref<40x128xf32, #tpu.memory_space<vmem_shared>>
        tpu.wait_dma2 semaphore(%run_scoped3A : memref<!tpu.dma_semaphore, #tpu.memory_space<semaphore_mem>>) src(%arg10 : memref<40x128xf32, #tpu.memory_space<vmem>>) dst(%dma_wait3A_117 : memref<40x128xf32, #tpu.memory_space<vmem_shared>>)
        tpu.yield
      }) : () -> ()
    }
    %scan3A_11 = arith.constant 16 : i32
    "tpu.region"() ({
      %run_scoped3A = tpu.sem_alloc : memref<!tpu.dma_semaphore, #tpu.memory_space<semaphore_mem>>
      %dma_start3A_100 = arith.constant 0 : i32
      %dma_start3A_101 = tpu.memref_slice %arg9[%dma_start3A_100] : memref<5016xi32, #tpu.memory_space<vmem>> -> memref<5000xi32, #tpu.memory_space<vmem>>
      %dma_start3A_102 = arith.constant 0 : i32
      %dma_start3A_103 = tpu.memref_slice %arg4[%add3A, %dma_start3A_102] : memref<32x5000xi32, #tpu.memory_space<hbm>> -> memref<1x5000xi32, #tpu.memory_space<hbm>>
      %dma_start3A_104 = tpu.memref_squeeze %dma_start3A_103 : memref<1x5000xi32, #tpu.memory_space<hbm>> -> memref<5000xi32, #tpu.memory_space<hbm>>
      %dma_start3A_105 = arith.constant 0 : i32
      %dma_start3A_106 = tpu.memref_slice %arg9[%dma_start3A_105] : memref<5016xi32, #tpu.memory_space<vmem>> -> memref<5000xi32, #tpu.memory_space<vmem>>
      %dma_start3A_107 = arith.constant 0 : i32
      %dma_start3A_108 = tpu.memref_slice %arg4[%add3A, %dma_start3A_107] : memref<32x5000xi32, #tpu.memory_space<hbm>> -> memref<1x5000xi32, #tpu.memory_space<hbm>>
      %dma_start3A_109 = tpu.memref_squeeze %dma_start3A_108 : memref<1x5000xi32, #tpu.memory_space<hbm>> -> memref<5000xi32, #tpu.memory_space<hbm>>
      tpu.enqueue_dma source(%dma_start3A_109 : memref<5000xi32, #tpu.memory_space<hbm>>) target(%dma_start3A_106 : memref<5000xi32, #tpu.memory_space<vmem>>) target_semaphore(%run_scoped3A : memref<!tpu.dma_semaphore, #tpu.memory_space<semaphore_mem>>)
      %dma_wait3A_110 = arith.constant 0 : i32
      %dma_wait3A_111 = tpu.memref_slice %arg9[%dma_wait3A_110] : memref<5016xi32, #tpu.memory_space<vmem>> -> memref<5000xi32, #tpu.memory_space<vmem>>
      %dma_wait3A_112 = arith.constant 0 : i32
      %dma_wait3A_113 = tpu.memref_slice %arg4[%add3A, %dma_wait3A_112] : memref<32x5000xi32, #tpu.memory_space<hbm>> -> memref<1x5000xi32, #tpu.memory_space<hbm>>
      %dma_wait3A_114 = tpu.memref_squeeze %dma_wait3A_113 : memref<1x5000xi32, #tpu.memory_space<hbm>> -> memref<5000xi32, #tpu.memory_space<hbm>>
      %dma_wait3A_115 = arith.constant 0 : i32
      %dma_wait3A_116 = tpu.memref_slice %arg9[%dma_wait3A_115] : memref<5016xi32, #tpu.memory_space<vmem>> -> memref<5000xi32, #tpu.memory_space<vmem>>
      %dma_wait3A_117 = arith.constant 0 : i32
      %dma_wait3A_118 = tpu.memref_slice %arg4[%add3A, %dma_wait3A_117] : memref<32x5000xi32, #tpu.memory_space<hbm>> -> memref<1x5000xi32, #tpu.memory_space<hbm>>
      %dma_wait3A_119 = tpu.memref_squeeze %dma_wait3A_118 : memref<1x5000xi32, #tpu.memory_space<hbm>> -> memref<5000xi32, #tpu.memory_space<hbm>>
      tpu.wait_dma2 semaphore(%run_scoped3A : memref<!tpu.dma_semaphore, #tpu.memory_space<semaphore_mem>>) src(%dma_wait3A_119 : memref<5000xi32, #tpu.memory_space<hbm>>) dst(%dma_wait3A_116 : memref<5000xi32, #tpu.memory_space<vmem>>)
      tpu.yield
    }) : () -> ()
    %barrier3A = arith.constant 0 : index
    tpu.barrier barrier_id(%barrier3A)
    %add3A_12 = arith.constant 0 : i32
    %add3A_13 = arith.addi %mul3A_2, %add3A_12 : i32
    %dma_start3A = arith.constant 0 : i32
    %dma_start3A_14 = tpu.memref_slice %arg2[%add3A_13, %dma_start3A] : memref<160000x128xf32, #tpu.memory_space<hbm>> -> memref<40x128xf32, #tpu.memory_space<hbm>>
    %dma_start3A_15 = arith.constant 0 : i32
    %dma_start3A_16 = tpu.memref_slice %arg2[%add3A_13, %dma_start3A_15] : memref<160000x128xf32, #tpu.memory_space<hbm>> -> memref<40x128xf32, #tpu.memory_space<hbm>>
    tpu.enqueue_dma source(%dma_start3A_16 : memref<40x128xf32, #tpu.memory_space<hbm>>) target(%arg10 : memref<40x128xf32, #tpu.memory_space<vmem>>) target_semaphore(%arg16 : memref<!tpu.dma_semaphore, #tpu.memory_space<semaphore_mem>>)
    %dma_start3A_17 = arith.constant 0 : i32
    %dma_start3A_18 = tpu.memref_slice %arg11[%dma_start3A_17] : memref<56xf32, #tpu.memory_space<vmem>> -> memref<40xf32, #tpu.memory_space<vmem>>
    %dma_start3A_19 = arith.constant 0 : i32
    %dma_start3A_20 = tpu.memref_slice %arg3[%add3A, %dma_start3A_19] : memref<32x5000xf32, #tpu.memory_space<hbm>> -> memref<1x40xf32, #tpu.memory_space<hbm>>
    %dma_start3A_21 = tpu.memref_squeeze %dma_start3A_20 : memref<1x40xf32, #tpu.memory_space<hbm>> -> memref<40xf32, #tpu.memory_space<hbm>>
    %dma_start3A_22 = arith.constant 0 : i32
    %dma_start3A_23 = tpu.memref_slice %arg11[%dma_start3A_22] : memref<56xf32, #tpu.memory_space<vmem>> -> memref<40xf32, #tpu.memory_space<vmem>>
    %dma_start3A_24 = arith.constant 0 : i32
    %dma_start3A_25 = tpu.memref_slice %arg3[%add3A, %dma_start3A_24] : memref<32x5000xf32, #tpu.memory_space<hbm>> -> memref<1x40xf32, #tpu.memory_space<hbm>>
    %dma_start3A_26 = tpu.memref_squeeze %dma_start3A_25 : memref<1x40xf32, #tpu.memory_space<hbm>> -> memref<40xf32, #tpu.memory_space<hbm>>
    tpu.enqueue_dma source(%dma_start3A_26 : memref<40xf32, #tpu.memory_space<hbm>>) target(%dma_start3A_23 : memref<40xf32, #tpu.memory_space<vmem>>) target_semaphore(%arg16 : memref<!tpu.dma_semaphore, #tpu.memory_space<semaphore_mem>>)
    %add3A_27 = arith.constant 40 : i32
    %add3A_28 = arith.addi %mul3A_2, %add3A_27 : i32
    %dma_start3A_29 = arith.constant 0 : i32
    %dma_start3A_30 = tpu.memref_slice %arg2[%add3A_28, %dma_start3A_29] : memref<160000x128xf32, #tpu.memory_space<hbm>> -> memref<40x128xf32, #tpu.memory_space<hbm>>
    %dma_start3A_31 = arith.constant 0 : i32
    %dma_start3A_32 = tpu.memref_slice %arg2[%add3A_28, %dma_start3A_31] : memref<160000x128xf32, #tpu.memory_space<hbm>> -> memref<40x128xf32, #tpu.memory_space<hbm>>
    tpu.enqueue_dma source(%dma_start3A_32 : memref<40x128xf32, #tpu.memory_space<hbm>>) target(%arg12 : memref<40x128xf32, #tpu.memory_space<vmem>>) target_semaphore(%arg17 : memref<!tpu.dma_semaphore, #tpu.memory_space<semaphore_mem>>)
    %dma_start3A_33 = arith.constant 0 : i32
    %dma_start3A_34 = tpu.memref_slice %arg13[%dma_start3A_33] : memref<56xf32, #tpu.memory_space<vmem>> -> memref<40xf32, #tpu.memory_space<vmem>>
    %dma_start3A_35 = arith.constant 40 : i32
    %dma_start3A_36 = tpu.memref_slice %arg3[%add3A, %dma_start3A_35] : memref<32x5000xf32, #tpu.memory_space<hbm>> -> memref<1x40xf32, #tpu.memory_space<hbm>>
    %dma_start3A_37 = tpu.memref_squeeze %dma_start3A_36 : memref<1x40xf32, #tpu.memory_space<hbm>> -> memref<40xf32, #tpu.memory_space<hbm>>
    %dma_start3A_38 = arith.constant 0 : i32
    %dma_start3A_39 = tpu.memref_slice %arg13[%dma_start3A_38] : memref<56xf32, #tpu.memory_space<vmem>> -> memref<40xf32, #tpu.memory_space<vmem>>
    %dma_start3A_40 = arith.constant 40 : i32
    %dma_start3A_41 = tpu.memref_slice %arg3[%add3A, %dma_start3A_40] : memref<32x5000xf32, #tpu.memory_space<hbm>> -> memref<1x40xf32, #tpu.memory_space<hbm>>
    %dma_start3A_42 = tpu.memref_squeeze %dma_start3A_41 : memref<1x40xf32, #tpu.memory_space<hbm>> -> memref<40xf32, #tpu.memory_space<hbm>>
    tpu.enqueue_dma source(%dma_start3A_42 : memref<40xf32, #tpu.memory_space<hbm>>) target(%dma_start3A_39 : memref<40xf32, #tpu.memory_space<vmem>>) target_semaphore(%arg17 : memref<!tpu.dma_semaphore, #tpu.memory_space<semaphore_mem>>)
    %scan3A_43 = arith.constant 0 : i32
    %scan3A_44 = arith.constant 62 : i32
    %scan3A_45 = arith.addi %scan3A_43, %scan3A_44 : i32
    %scan3A_46 = arith.constant 1 : i32
    scf.for %scan3A_100 = %scan3A_43 to %scan3A_45 step %scan3A_46  : i32 {
      %mul3A_101 = arith.constant 1 : i32
      %mul3A_102 = arith.muli %scan3A_100, %mul3A_101 : i32
      %add3A_103 = arith.constant 0 : i32
      %add3A_104 = arith.addi %add3A_103, %mul3A_102 : i32
      %dma_wait3A_105 = arith.constant 0 : i32
      %dma_wait3A_106 = tpu.memref_slice %arg2[%mul3A_2, %dma_wait3A_105] : memref<160000x128xf32, #tpu.memory_space<hbm>> -> memref<40x128xf32, #tpu.memory_space<hbm>>
      %dma_wait3A_107 = arith.constant 0 : i32
      %dma_wait3A_108 = tpu.memref_slice %arg2[%mul3A_2, %dma_wait3A_107] : memref<160000x128xf32, #tpu.memory_space<hbm>> -> memref<40x128xf32, #tpu.memory_space<hbm>>
      tpu.wait_dma2 semaphore(%arg16 : memref<!tpu.dma_semaphore, #tpu.memory_space<semaphore_mem>>) src(%dma_wait3A_108 : memref<40x128xf32, #tpu.memory_space<hbm>>) dst(%arg10 : memref<40x128xf32, #tpu.memory_space<vmem>>)
      %dma_wait3A_109 = arith.constant 0 : i32
      %dma_wait3A_110 = tpu.memref_slice %arg11[%dma_wait3A_109] : memref<56xf32, #tpu.memory_space<vmem>> -> memref<40xf32, #tpu.memory_space<vmem>>
      %dma_wait3A_111 = arith.constant 0 : i32
      %dma_wait3A_112 = tpu.memref_slice %arg3[%add3A, %dma_wait3A_111] : memref<32x5000xf32, #tpu.memory_space<hbm>> -> memref<1x40xf32, #tpu.memory_space<hbm>>
      %dma_wait3A_113 = tpu.memref_squeeze %dma_wait3A_112 : memref<1x40xf32, #tpu.memory_space<hbm>> -> memref<40xf32, #tpu.memory_space<hbm>>
      %dma_wait3A_114 = arith.constant 0 : i32
      %dma_wait3A_115 = tpu.memref_slice %arg11[%dma_wait3A_114] : memref<56xf32, #tpu.memory_space<vmem>> -> memref<40xf32, #tpu.memory_space<vmem>>
      %dma_wait3A_116 = arith.constant 0 : i32
      %dma_wait3A_117 = tpu.memref_slice %arg3[%add3A, %dma_wait3A_116] : memref<32x5000xf32, #tpu.memory_space<hbm>> -> memref<1x40xf32, #tpu.memory_space<hbm>>
      %dma_wait3A_118 = tpu.memref_squeeze %dma_wait3A_117 : memref<1x40xf32, #tpu.memory_space<hbm>> -> memref<40xf32, #tpu.memory_space<hbm>>
      tpu.wait_dma2 semaphore(%arg16 : memref<!tpu.dma_semaphore, #tpu.memory_space<semaphore_mem>>) src(%dma_wait3A_118 : memref<40xf32, #tpu.memory_space<hbm>>) dst(%dma_wait3A_115 : memref<40xf32, #tpu.memory_space<vmem>>)
      %mul3A_119 = arith.constant 2 : i32
      %mul3A_120 = arith.muli %mul3A_119, %add3A_104 : i32
      %mul3A_121 = arith.constant 40 : i32
      %mul3A_122 = arith.muli %mul3A_120, %mul3A_121 : i32
      %dma_start3A_123 = tpu.memref_slice %arg9[%mul3A_122] : memref<5016xi32, #tpu.memory_space<vmem>> -> memref<40xi32, #tpu.memory_space<vmem>>
      %dma_start3A_124 = arith.constant 0 : i32
      %dma_start3A_125 = arith.constant 0 : i32
      %dma_start3A_126 = tpu.memref_slice %arg15[%dma_start3A_124, %dma_start3A_125] : memref<10240x128xf32, #tpu.memory_space<vmem_shared>> -> memref<10240x128xf32, #tpu.memory_space<vmem_shared>>
      tpu.enqueue_indirect_dma source(%arg10 : memref<40x128xf32, #tpu.memory_space<vmem>>) target(%dma_start3A_126 : memref<10240x128xf32, #tpu.memory_space<vmem_shared>>) offsets(%dma_start3A_123 : memref<40xi32, #tpu.memory_space<vmem>>) semaphore(%arg18 : memref<!tpu.dma_semaphore, #tpu.memory_space<semaphore_mem>>) {add = true}
      %mul3A_127 = arith.constant 2 : i32
      %mul3A_128 = arith.muli %mul3A_127, %add3A_104 : i32
      %scan3A_129 = arith.constant 0 : i32
      %scan3A_130 = arith.constant 2 : i32
      %scan3A_131 = arith.addi %scan3A_129, %scan3A_130 : i32
      %scan3A_132 = arith.constant 1 : i32
      scf.for %scan3A_252 = %scan3A_129 to %scan3A_131 step %scan3A_132  : i32 {
        %mul3A_253 = arith.constant 1 : i32
        %mul3A_254 = arith.muli %scan3A_252, %mul3A_253 : i32
        %add3A_255 = arith.constant 0 : i32
        %add3A_256 = arith.addi %add3A_255, %mul3A_254 : i32
        %mul3A_257 = arith.constant 40 : i32
        %mul3A_258 = arith.muli %mul3A_128, %mul3A_257 : i32
        %mul3A_259 = arith.constant 16 : i32
        %mul3A_260 = arith.muli %add3A_256, %mul3A_259 : i32
        %add3A_261 = arith.addi %mul3A_258, %mul3A_260 : i32
        %get3A_262 = arith.index_cast %add3A_261 : i32 to index
        %get3A_263 = tpu.vector_load %arg9[%get3A_262] {strides = array<i32>} : memref<5016xi32, #tpu.memory_space<vmem>>, vector<16xi32>,
        %mul3A_264 = arith.constant 16 : i32
        %mul3A_265 = arith.muli %add3A_256, %mul3A_264 : i32
        %get3A_266 = arith.index_cast %mul3A_265 : i32 to index
        %get3A_267 = tpu.vector_load %arg11[%get3A_266] {strides = array<i32>} : memref<56xf32, #tpu.memory_space<vmem>>, vector<16xf32>,
        tpu.vector_store_idx %arg14[%get3A_263], %get3A_267 {add = true} : memref<10240xf32, #tpu.memory_space<vmem>>[vector<16xi32>], vector<16xf32>,
      }
      %scan3A_133 = arith.constant 2 : i32
      %iota3A_134 = tpu.iota {dimensions = array<i32: 0>} : vector<16xi32>
      %lt3A_135 = arith.constant 8 : i32
      %lt3A_136 = vector.broadcast %lt3A_135 : i32 to vector<16xi32>
      %lt3A_137 = arith.cmpi slt, %iota3A_134, %lt3A_136 : vector<16xi32>
      %mul3A_138 = arith.constant 40 : i32
      %mul3A_139 = arith.muli %mul3A_128, %mul3A_138 : i32
      %add3A_140 = arith.constant 32 : i32
      %add3A_141 = arith.addi %mul3A_139, %add3A_140 : i32
      %get3A_142 = arith.index_cast %add3A_141 : i32 to index
      %get3A_143 = tpu.vector_load %arg9[%get3A_142] {strides = array<i32>} : memref<5016xi32, #tpu.memory_space<vmem>>, vector<16xi32>,
      %get3A_144 = arith.constant 32 : index
      %get3A_145 = tpu.vector_load %arg11[%get3A_144] {strides = array<i32>} : memref<56xf32, #tpu.memory_space<vmem>>, vector<16xf32>,
      tpu.vector_store_idx %arg14[%get3A_143], %get3A_145 masked %lt3A_137 {add = true} : memref<10240xf32, #tpu.memory_space<vmem>>[vector<16xi32>], vector<16xf32>, vector<16xi1>
      %mul3A_146 = arith.constant 2 : i32
      %mul3A_147 = arith.muli %mul3A_146, %add3A_104 : i32
      %mul3A_148 = arith.constant 40 : i32
      %mul3A_149 = arith.muli %mul3A_147, %mul3A_148 : i32
      %dma_wait3A_150 = tpu.memref_slice %arg9[%mul3A_149] : memref<5016xi32, #tpu.memory_space<vmem>> -> memref<40xi32, #tpu.memory_space<vmem>>
      %dma_wait3A_151 = arith.constant 0 : i32
      %dma_wait3A_152 = arith.constant 0 : i32
      %dma_wait3A_153 = tpu.memref_slice %arg15[%dma_wait3A_151, %dma_wait3A_152] : memref<10240x128xf32, #tpu.memory_space<vmem_shared>> -> memref<10240x128xf32, #tpu.memory_space<vmem_shared>>
      tpu.wait_indirect_dma semaphore(%arg18 : memref<!tpu.dma_semaphore, #tpu.memory_space<semaphore_mem>>) src(%arg10 : memref<40x128xf32, #tpu.memory_space<vmem>>) dst(%dma_wait3A_153 : memref<10240x128xf32, #tpu.memory_space<vmem_shared>>)
      %mul3A_154 = arith.constant 2 : i32
      %mul3A_155 = arith.muli %mul3A_154, %add3A_104 : i32
      %add3A_156 = arith.constant 2 : i32
      %add3A_157 = arith.addi %mul3A_155, %add3A_156 : i32
      %mul3A_158 = arith.constant 40 : i32
      %mul3A_159 = arith.muli %add3A_157, %mul3A_158 : i32
      %add3A_160 = arith.addi %mul3A_2, %mul3A_159 : i32
      %dma_start3A_161 = arith.constant 0 : i32
      %dma_start3A_162 = tpu.memref_slice %arg2[%add3A_160, %dma_start3A_161] : memref<160000x128xf32, #tpu.memory_space<hbm>> -> memref<40x128xf32, #tpu.memory_space<hbm>>
      %dma_start3A_163 = arith.constant 0 : i32
      %dma_start3A_164 = tpu.memref_slice %arg2[%add3A_160, %dma_start3A_163] : memref<160000x128xf32, #tpu.memory_space<hbm>> -> memref<40x128xf32, #tpu.memory_space<hbm>>
      tpu.enqueue_dma source(%dma_start3A_164 : memref<40x128xf32, #tpu.memory_space<hbm>>) target(%arg10 : memref<40x128xf32, #tpu.memory_space<vmem>>) target_semaphore(%arg16 : memref<!tpu.dma_semaphore, #tpu.memory_space<semaphore_mem>>)
      %mul3A_165 = arith.constant 40 : i32
      %mul3A_166 = arith.muli %add3A_157, %mul3A_165 : i32
      %dma_start3A_167 = arith.constant 0 : i32
      %dma_start3A_168 = tpu.memref_slice %arg11[%dma_start3A_167] : memref<56xf32, #tpu.memory_space<vmem>> -> memref<40xf32, #tpu.memory_space<vmem>>
      %dma_start3A_169 = tpu.memref_slice %arg3[%add3A, %mul3A_166] : memref<32x5000xf32, #tpu.memory_space<hbm>> -> memref<1x40xf32, #tpu.memory_space<hbm>>
      %dma_start3A_170 = tpu.memref_squeeze %dma_start3A_169 : memref<1x40xf32, #tpu.memory_space<hbm>> -> memref<40xf32, #tpu.memory_space<hbm>>
      %dma_start3A_171 = arith.constant 0 : i32
      %dma_start3A_172 = tpu.memref_slice %arg11[%dma_start3A_171] : memref<56xf32, #tpu.memory_space<vmem>> -> memref<40xf32, #tpu.memory_space<vmem>>
      %dma_start3A_173 = tpu.memref_slice %arg3[%add3A, %mul3A_166] : memref<32x5000xf32, #tpu.memory_space<hbm>> -> memref<1x40xf32, #tpu.memory_space<hbm>>
      %dma_start3A_174 = tpu.memref_squeeze %dma_start3A_173 : memref<1x40xf32, #tpu.memory_space<hbm>> -> memref<40xf32, #tpu.memory_space<hbm>>
      tpu.enqueue_dma source(%dma_start3A_174 : memref<40xf32, #tpu.memory_space<hbm>>) target(%dma_start3A_172 : memref<40xf32, #tpu.memory_space<vmem>>) target_semaphore(%arg16 : memref<!tpu.dma_semaphore, #tpu.memory_space<semaphore_mem>>)
      %dma_wait3A_175 = arith.constant 0 : i32
      %dma_wait3A_176 = tpu.memref_slice %arg2[%mul3A_2, %dma_wait3A_175] : memref<160000x128xf32, #tpu.memory_space<hbm>> -> memref<40x128xf32, #tpu.memory_space<hbm>>
      %dma_wait3A_177 = arith.constant 0 : i32
      %dma_wait3A_178 = tpu.memref_slice %arg2[%mul3A_2, %dma_wait3A_177] : memref<160000x128xf32, #tpu.memory_space<hbm>> -> memref<40x128xf32, #tpu.memory_space<hbm>>
      tpu.wait_dma2 semaphore(%arg17 : memref<!tpu.dma_semaphore, #tpu.memory_space<semaphore_mem>>) src(%dma_wait3A_178 : memref<40x128xf32, #tpu.memory_space<hbm>>) dst(%arg12 : memref<40x128xf32, #tpu.memory_space<vmem>>)
      %dma_wait3A_179 = arith.constant 0 : i32
      %dma_wait3A_180 = tpu.memref_slice %arg13[%dma_wait3A_179] : memref<56xf32, #tpu.memory_space<vmem>> -> memref<40xf32, #tpu.memory_space<vmem>>
      %dma_wait3A_181 = arith.constant 0 : i32
      %dma_wait3A_182 = tpu.memref_slice %arg3[%add3A, %dma_wait3A_181] : memref<32x5000xf32, #tpu.memory_space<hbm>> -> memref<1x40xf32, #tpu.memory_space<hbm>>
      %dma_wait3A_183 = tpu.memref_squeeze %dma_wait3A_182 : memref<1x40xf32, #tpu.memory_space<hbm>> -> memref<40xf32, #tpu.memory_space<hbm>>
      %dma_wait3A_184 = arith.constant 0 : i32
      %dma_wait3A_185 = tpu.memref_slice %arg13[%dma_wait3A_184] : memref<56xf32, #tpu.memory_space<vmem>> -> memref<40xf32, #tpu.memory_space<vmem>>
      %dma_wait3A_186 = arith.constant 0 : i32
      %dma_wait3A_187 = tpu.memref_slice %arg3[%add3A, %dma_wait3A_186] : memref<32x5000xf32, #tpu.memory_space<hbm>> -> memref<1x40xf32, #tpu.memory_space<hbm>>
      %dma_wait3A_188 = tpu.memref_squeeze %dma_wait3A_187 : memref<1x40xf32, #tpu.memory_space<hbm>> -> memref<40xf32, #tpu.memory_space<hbm>>
      tpu.wait_dma2 semaphore(%arg17 : memref<!tpu.dma_semaphore, #tpu.memory_space<semaphore_mem>>) src(%dma_wait3A_188 : memref<40xf32, #tpu.memory_space<hbm>>) dst(%dma_wait3A_185 : memref<40xf32, #tpu.memory_space<vmem>>)
      %mul3A_189 = arith.constant 2 : i32
      %mul3A_190 = arith.muli %mul3A_189, %add3A_104 : i32
      %add3A_191 = arith.constant 1 : i32
      %add3A_192 = arith.addi %mul3A_190, %add3A_191 : i32
      %mul3A_193 = arith.constant 40 : i32
      %mul3A_194 = arith.muli %add3A_192, %mul3A_193 : i32
      %dma_start3A_195 = tpu.memref_slice %arg9[%mul3A_194] : memref<5016xi32, #tpu.memory_space<vmem>> -> memref<40xi32, #tpu.memory_space<vmem>>
      %dma_start3A_196 = arith.constant 0 : i32
      %dma_start3A_197 = arith.constant 0 : i32
      %dma_start3A_198 = tpu.memref_slice %arg15[%dma_start3A_196, %dma_start3A_197] : memref<10240x128xf32, #tpu.memory_space<vmem_shared>> -> memref<10240x128xf32, #tpu.memory_space<vmem_shared>>
      tpu.enqueue_indirect_dma source(%arg12 : memref<40x128xf32, #tpu.memory_space<vmem>>) target(%dma_start3A_198 : memref<10240x128xf32, #tpu.memory_space<vmem_shared>>) offsets(%dma_start3A_195 : memref<40xi32, #tpu.memory_space<vmem>>) semaphore(%arg19 : memref<!tpu.dma_semaphore, #tpu.memory_space<semaphore_mem>>) {add = true}
      %mul3A_199 = arith.constant 2 : i32
      %mul3A_200 = arith.muli %mul3A_199, %add3A_104 : i32
      %add3A_201 = arith.constant 1 : i32
      %add3A_202 = arith.addi %mul3A_200, %add3A_201 : i32
      %scan3A_203 = arith.constant 0 : i32
      %scan3A_204 = arith.constant 2 : i32
      %scan3A_205 = arith.addi %scan3A_203, %scan3A_204 : i32
      %scan3A_206 = arith.constant 1 : i32
      scf.for %scan3A_252 = %scan3A_203 to %scan3A_205 step %scan3A_206  : i32 {
        %mul3A_253 = arith.constant 1 : i32
        %mul3A_254 = arith.muli %scan3A_252, %mul3A_253 : i32
        %add3A_255 = arith.constant 0 : i32
        %add3A_256 = arith.addi %add3A_255, %mul3A_254 : i32
        %mul3A_257 = arith.constant 40 : i32
        %mul3A_258 = arith.muli %add3A_202, %mul3A_257 : i32
        %mul3A_259 = arith.constant 16 : i32
        %mul3A_260 = arith.muli %add3A_256, %mul3A_259 : i32
        %add3A_261 = arith.addi %mul3A_258, %mul3A_260 : i32
        %get3A_262 = arith.index_cast %add3A_261 : i32 to index
        %get3A_263 = tpu.vector_load %arg9[%get3A_262] {strides = array<i32>} : memref<5016xi32, #tpu.memory_space<vmem>>, vector<16xi32>,
        %mul3A_264 = arith.constant 16 : i32
        %mul3A_265 = arith.muli %add3A_256, %mul3A_264 : i32
        %get3A_266 = arith.index_cast %mul3A_265 : i32 to index
        %get3A_267 = tpu.vector_load %arg13[%get3A_266] {strides = array<i32>} : memref<56xf32, #tpu.memory_space<vmem>>, vector<16xf32>,
        tpu.vector_store_idx %arg14[%get3A_263], %get3A_267 {add = true} : memref<10240xf32, #tpu.memory_space<vmem>>[vector<16xi32>], vector<16xf32>,
      }
      %scan3A_207 = arith.constant 2 : i32
      %iota3A_208 = tpu.iota {dimensions = array<i32: 0>} : vector<16xi32>
      %lt3A_209 = arith.constant 8 : i32
      %lt3A_210 = vector.broadcast %lt3A_209 : i32 to vector<16xi32>
      %lt3A_211 = arith.cmpi slt, %iota3A_208, %lt3A_210 : vector<16xi32>
      %mul3A_212 = arith.constant 40 : i32
      %mul3A_213 = arith.muli %add3A_202, %mul3A_212 : i32
      %add3A_214 = arith.constant 32 : i32
      %add3A_215 = arith.addi %mul3A_213, %add3A_214 : i32
      %get3A_216 = arith.index_cast %add3A_215 : i32 to index
      %get3A_217 = tpu.vector_load %arg9[%get3A_216] {strides = array<i32>} : memref<5016xi32, #tpu.memory_space<vmem>>, vector<16xi32>,
      %get3A_218 = arith.constant 32 : index
      %get3A_219 = tpu.vector_load %arg13[%get3A_218] {strides = array<i32>} : memref<56xf32, #tpu.memory_space<vmem>>, vector<16xf32>,
      tpu.vector_store_idx %arg14[%get3A_217], %get3A_219 masked %lt3A_211 {add = true} : memref<10240xf32, #tpu.memory_space<vmem>>[vector<16xi32>], vector<16xf32>, vector<16xi1>
      %mul3A_220 = arith.constant 2 : i32
      %mul3A_221 = arith.muli %mul3A_220, %add3A_104 : i32
      %add3A_222 = arith.constant 1 : i32
      %add3A_223 = arith.addi %mul3A_221, %add3A_222 : i32
      %mul3A_224 = arith.constant 40 : i32
      %mul3A_225 = arith.muli %add3A_223, %mul3A_224 : i32
      %dma_wait3A_226 = tpu.memref_slice %arg9[%mul3A_225] : memref<5016xi32, #tpu.memory_space<vmem>> -> memref<40xi32, #tpu.memory_space<vmem>>
      %dma_wait3A_227 = arith.constant 0 : i32
      %dma_wait3A_228 = arith.constant 0 : i32
      %dma_wait3A_229 = tpu.memref_slice %arg15[%dma_wait3A_227, %dma_wait3A_228] : memref<10240x128xf32, #tpu.memory_space<vmem_shared>> -> memref<10240x128xf32, #tpu.memory_space<vmem_shared>>
      tpu.wait_indirect_dma semaphore(%arg19 : memref<!tpu.dma_semaphore, #tpu.memory_space<semaphore_mem>>) src(%arg12 : memref<40x128xf32, #tpu.memory_space<vmem>>) dst(%dma_wait3A_229 : memref<10240x128xf32, #tpu.memory_space<vmem_shared>>)
      %mul3A_230 = arith.constant 2 : i32
      %mul3A_231 = arith.muli %mul3A_230, %add3A_104 : i32
      %add3A_232 = arith.constant 3 : i32
      %add3A_233 = arith.addi %mul3A_231, %add3A_232 : i32
      %min3A = arith.constant 124 : i32
      %min3A_234 = arith.minsi %add3A_233, %min3A : i32
      %mul3A_235 = arith.constant 40 : i32
      %mul3A_236 = arith.muli %min3A_234, %mul3A_235 : i32
      %add3A_237 = arith.addi %mul3A_2, %mul3A_236 : i32
      %dma_start3A_238 = arith.constant 0 : i32
      %dma_start3A_239 = tpu.memref_slice %arg2[%add3A_237, %dma_start3A_238] : memref<160000x128xf32, #tpu.memory_space<hbm>> -> memref<40x128xf32, #tpu.memory_space<hbm>>
      %dma_start3A_240 = arith.constant 0 : i32
      %dma_start3A_241 = tpu.memref_slice %arg2[%add3A_237, %dma_start3A_240] : memref<160000x128xf32, #tpu.memory_space<hbm>> -> memref<40x128xf32, #tpu.memory_space<hbm>>
      tpu.enqueue_dma source(%dma_start3A_241 : memref<40x128xf32, #tpu.memory_space<hbm>>) target(%arg12 : memref<40x128xf32, #tpu.memory_space<vmem>>) target_semaphore(%arg17 : memref<!tpu.dma_semaphore, #tpu.memory_space<semaphore_mem>>)
      %mul3A_242 = arith.constant 40 : i32
      %mul3A_243 = arith.muli %min3A_234, %mul3A_242 : i32
      %dma_start3A_244 = arith.constant 0 : i32
      %dma_start3A_245 = tpu.memref_slice %arg13[%dma_start3A_244] : memref<56xf32, #tpu.memory_space<vmem>> -> memref<40xf32, #tpu.memory_space<vmem>>
      %dma_start3A_246 = tpu.memref_slice %arg3[%add3A, %mul3A_243] : memref<32x5000xf32, #tpu.memory_space<hbm>> -> memref<1x40xf32, #tpu.memory_space<hbm>>
      %dma_start3A_247 = tpu.memref_squeeze %dma_start3A_246 : memref<1x40xf32, #tpu.memory_space<hbm>> -> memref<40xf32, #tpu.memory_space<hbm>>
      %dma_start3A_248 = arith.constant 0 : i32
      %dma_start3A_249 = tpu.memref_slice %arg13[%dma_start3A_248] : memref<56xf32, #tpu.memory_space<vmem>> -> memref<40xf32, #tpu.memory_space<vmem>>
      %dma_start3A_250 = tpu.memref_slice %arg3[%add3A, %mul3A_243] : memref<32x5000xf32, #tpu.memory_space<hbm>> -> memref<1x40xf32, #tpu.memory_space<hbm>>
      %dma_start3A_251 = tpu.memref_squeeze %dma_start3A_250 : memref<1x40xf32, #tpu.memory_space<hbm>> -> memref<40xf32, #tpu.memory_space<hbm>>
      tpu.enqueue_dma source(%dma_start3A_251 : memref<40xf32, #tpu.memory_space<hbm>>) target(%dma_start3A_249 : memref<40xf32, #tpu.memory_space<vmem>>) target_semaphore(%arg17 : memref<!tpu.dma_semaphore, #tpu.memory_space<semaphore_mem>>)
    }
    %scan3A_47 = arith.constant 62 : i32
    %dma_wait3A = arith.constant 0 : i32
    %dma_wait3A_48 = tpu.memref_slice %arg2[%mul3A_2, %dma_wait3A] : memref<160000x128xf32, #tpu.memory_space<hbm>> -> memref<40x128xf32, #tpu.memory_space<hbm>>
    %dma_wait3A_49 = arith.constant 0 : i32
    %dma_wait3A_50 = tpu.memref_slice %arg2[%mul3A_2, %dma_wait3A_49] : memref<160000x128xf32, #tpu.memory_space<hbm>> -> memref<40x128xf32, #tpu.memory_space<hbm>>
    tpu.wait_dma2 semaphore(%arg16 : memref<!tpu.dma_semaphore, #tpu.memory_space<semaphore_mem>>) src(%dma_wait3A_50 : memref<40x128xf32, #tpu.memory_space<hbm>>) dst(%arg10 : memref<40x128xf32, #tpu.memory_space<vmem>>)
    %dma_wait3A_51 = arith.constant 0 : i32
    %dma_wait3A_52 = tpu.memref_slice %arg11[%dma_wait3A_51] : memref<56xf32, #tpu.memory_space<vmem>> -> memref<40xf32, #tpu.memory_space<vmem>>
    %dma_wait3A_53 = arith.constant 0 : i32
    %dma_wait3A_54 = tpu.memref_slice %arg3[%add3A, %dma_wait3A_53] : memref<32x5000xf32, #tpu.memory_space<hbm>> -> memref<1x40xf32, #tpu.memory_space<hbm>>
    %dma_wait3A_55 = tpu.memref_squeeze %dma_wait3A_54 : memref<1x40xf32, #tpu.memory_space<hbm>> -> memref<40xf32, #tpu.memory_space<hbm>>
    %dma_wait3A_56 = arith.constant 0 : i32
    %dma_wait3A_57 = tpu.memref_slice %arg11[%dma_wait3A_56] : memref<56xf32, #tpu.memory_space<vmem>> -> memref<40xf32, #tpu.memory_space<vmem>>
    %dma_wait3A_58 = arith.constant 0 : i32
    %dma_wait3A_59 = tpu.memref_slice %arg3[%add3A, %dma_wait3A_58] : memref<32x5000xf32, #tpu.memory_space<hbm>> -> memref<1x40xf32, #tpu.memory_space<hbm>>
    %dma_wait3A_60 = tpu.memref_squeeze %dma_wait3A_59 : memref<1x40xf32, #tpu.memory_space<hbm>> -> memref<40xf32, #tpu.memory_space<hbm>>
    tpu.wait_dma2 semaphore(%arg16 : memref<!tpu.dma_semaphore, #tpu.memory_space<semaphore_mem>>) src(%dma_wait3A_60 : memref<40xf32, #tpu.memory_space<hbm>>) dst(%dma_wait3A_57 : memref<40xf32, #tpu.memory_space<vmem>>)
    %dma_start3A_61 = arith.constant 4960 : i32
    %dma_start3A_62 = tpu.memref_slice %arg9[%dma_start3A_61] : memref<5016xi32, #tpu.memory_space<vmem>> -> memref<40xi32, #tpu.memory_space<vmem>>
    %dma_start3A_63 = arith.constant 0 : i32
    %dma_start3A_64 = arith.constant 0 : i32
    %dma_start3A_65 = tpu.memref_slice %arg15[%dma_start3A_63, %dma_start3A_64] : memref<10240x128xf32, #tpu.memory_space<vmem_shared>> -> memref<10240x128xf32, #tpu.memory_space<vmem_shared>>
    tpu.enqueue_indirect_dma source(%arg10 : memref<40x128xf32, #tpu.memory_space<vmem>>) target(%dma_start3A_65 : memref<10240x128xf32, #tpu.memory_space<vmem_shared>>) offsets(%dma_start3A_62 : memref<40xi32, #tpu.memory_space<vmem>>) semaphore(%arg18 : memref<!tpu.dma_semaphore, #tpu.memory_space<semaphore_mem>>) {add = true}
    %scan3A_66 = arith.constant 0 : i32
    %scan3A_67 = arith.constant 2 : i32
    %scan3A_68 = arith.addi %scan3A_66, %scan3A_67 : i32
    %scan3A_69 = arith.constant 1 : i32
    scf.for %scan3A_100 = %scan3A_66 to %scan3A_68 step %scan3A_69  : i32 {
      %mul3A_101 = arith.constant 1 : i32
      %mul3A_102 = arith.muli %scan3A_100, %mul3A_101 : i32
      %add3A_103 = arith.constant 0 : i32
      %add3A_104 = arith.addi %add3A_103, %mul3A_102 : i32
      %mul3A_105 = arith.constant 16 : i32
      %mul3A_106 = arith.muli %add3A_104, %mul3A_105 : i32
      %add3A_107 = arith.constant 4960 : i32
      %add3A_108 = arith.addi %add3A_107, %mul3A_106 : i32
      %get3A_109 = arith.index_cast %add3A_108 : i32 to index
      %get3A_110 = tpu.vector_load %arg9[%get3A_109] {strides = array<i32>} : memref<5016xi32, #tpu.memory_space<vmem>>, vector<16xi32>,
      %mul3A_111 = arith.constant 16 : i32
      %mul3A_112 = arith.muli %add3A_104, %mul3A_111 : i32
      %get3A_113 = arith.index_cast %mul3A_112 : i32 to index
      %get3A_114 = tpu.vector_load %arg11[%get3A_113] {strides = array<i32>} : memref<56xf32, #tpu.memory_space<vmem>>, vector<16xf32>,
      tpu.vector_store_idx %arg14[%get3A_110], %get3A_114 {add = true} : memref<10240xf32, #tpu.memory_space<vmem>>[vector<16xi32>], vector<16xf32>,
    }
    %scan3A_70 = arith.constant 2 : i32
    %iota3A = tpu.iota {dimensions = array<i32: 0>} : vector<16xi32>
    %lt3A = arith.constant 8 : i32
    %lt3A_71 = vector.broadcast %lt3A : i32 to vector<16xi32>
    %lt3A_72 = arith.cmpi slt, %iota3A, %lt3A_71 : vector<16xi32>
    %get3A = arith.constant 4992 : index
    %get3A_73 = tpu.vector_load %arg9[%get3A] {strides = array<i32>} : memref<5016xi32, #tpu.memory_space<vmem>>, vector<16xi32>,
    %get3A_74 = arith.constant 32 : index
    %get3A_75 = tpu.vector_load %arg11[%get3A_74] {strides = array<i32>} : memref<56xf32, #tpu.memory_space<vmem>>, vector<16xf32>,
    tpu.vector_store_idx %arg14[%get3A_73], %get3A_75 masked %lt3A_72 {add = true} : memref<10240xf32, #tpu.memory_space<vmem>>[vector<16xi32>], vector<16xf32>, vector<16xi1>
    %dma_wait3A_76 = arith.constant 4960 : i32
    %dma_wait3A_77 = tpu.memref_slice %arg9[%dma_wait3A_76] : memref<5016xi32, #tpu.memory_space<vmem>> -> memref<40xi32, #tpu.memory_space<vmem>>
    %dma_wait3A_78 = arith.constant 0 : i32
    %dma_wait3A_79 = arith.constant 0 : i32
    %dma_wait3A_80 = tpu.memref_slice %arg15[%dma_wait3A_78, %dma_wait3A_79] : memref<10240x128xf32, #tpu.memory_space<vmem_shared>> -> memref<10240x128xf32, #tpu.memory_space<vmem_shared>>
    tpu.wait_indirect_dma semaphore(%arg18 : memref<!tpu.dma_semaphore, #tpu.memory_space<semaphore_mem>>) src(%arg10 : memref<40x128xf32, #tpu.memory_space<vmem>>) dst(%dma_wait3A_80 : memref<10240x128xf32, #tpu.memory_space<vmem_shared>>)
    %dma_wait3A_81 = arith.constant 0 : i32
    %dma_wait3A_82 = tpu.memref_slice %arg2[%mul3A_2, %dma_wait3A_81] : memref<160000x128xf32, #tpu.memory_space<hbm>> -> memref<40x128xf32, #tpu.memory_space<hbm>>
    %dma_wait3A_83 = arith.constant 0 : i32
    %dma_wait3A_84 = tpu.memref_slice %arg2[%mul3A_2, %dma_wait3A_83] : memref<160000x128xf32, #tpu.memory_space<hbm>> -> memref<40x128xf32, #tpu.memory_space<hbm>>
    tpu.wait_dma2 semaphore(%arg17 : memref<!tpu.dma_semaphore, #tpu.memory_space<semaphore_mem>>) src(%dma_wait3A_84 : memref<40x128xf32, #tpu.memory_space<hbm>>) dst(%arg12 : memref<40x128xf32, #tpu.memory_space<vmem>>)
    %dma_wait3A_85 = arith.constant 0 : i32
    %dma_wait3A_86 = tpu.memref_slice %arg13[%dma_wait3A_85] : memref<56xf32, #tpu.memory_space<vmem>> -> memref<40xf32, #tpu.memory_space<vmem>>
    %dma_wait3A_87 = arith.constant 0 : i32
    %dma_wait3A_88 = tpu.memref_slice %arg3[%add3A, %dma_wait3A_87] : memref<32x5000xf32, #tpu.memory_space<hbm>> -> memref<1x40xf32, #tpu.memory_space<hbm>>
    %dma_wait3A_89 = tpu.memref_squeeze %dma_wait3A_88 : memref<1x40xf32, #tpu.memory_space<hbm>> -> memref<40xf32, #tpu.memory_space<hbm>>
    %dma_wait3A_90 = arith.constant 0 : i32
    %dma_wait3A_91 = tpu.memref_slice %arg13[%dma_wait3A_90] : memref<56xf32, #tpu.memory_space<vmem>> -> memref<40xf32, #tpu.memory_space<vmem>>
    %dma_wait3A_92 = arith.constant 0 : i32
    %dma_wait3A_93 = tpu.memref_slice %arg3[%add3A, %dma_wait3A_92] : memref<32x5000xf32, #tpu.memory_space<hbm>> -> memref<1x40xf32, #tpu.memory_space<hbm>>
    %dma_wait3A_94 = tpu.memref_squeeze %dma_wait3A_93 : memref<1x40xf32, #tpu.memory_space<hbm>> -> memref<40xf32, #tpu.memory_space<hbm>>
    tpu.wait_dma2 semaphore(%arg17 : memref<!tpu.dma_semaphore, #tpu.memory_space<semaphore_mem>>) src(%dma_wait3A_94 : memref<40xf32, #tpu.memory_space<hbm>>) dst(%dma_wait3A_91 : memref<40xf32, #tpu.memory_space<vmem>>)
    %barrier3A_95 = arith.constant 0 : index
    tpu.barrier barrier_id(%barrier3A_95)
    %mul3A_96 = arith.constant 640 : i32
    %mul3A_97 = arith.muli %arg1, %mul3A_96 : i32
    %mul3A_98 = arith.constant 640 : i32
    %mul3A_99 = arith.muli %arg1, %mul3A_98 : i32
    "tpu.region"() ({
      %run_scoped3A = tpu.sem_alloc : memref<!tpu.dma_semaphore, #tpu.memory_space<semaphore_mem>>
      %dma_start3A_100 = arith.constant 0 : i32
      %dma_start3A_101 = tpu.memref_slice %arg7[%arg0, %mul3A_99, %dma_start3A_100] : memref<2x10240x128xf32, #tpu.memory_space<hbm>> -> memref<1x640x128xf32, #tpu.memory_space<hbm>>
      %dma_start3A_102 = tpu.memref_squeeze %dma_start3A_101 : memref<1x640x128xf32, #tpu.memory_space<hbm>> -> memref<640x128xf32, #tpu.memory_space<hbm>>
      %dma_start3A_103 = arith.constant 0 : i32
      %dma_start3A_104 = tpu.memref_slice %arg15[%mul3A_97, %dma_start3A_103] : memref<10240x128xf32, #tpu.memory_space<vmem_shared>> -> memref<640x128xf32, #tpu.memory_space<vmem_shared>>
      tpu.enqueue_dma source(%dma_start3A_104 : memref<640x128xf32, #tpu.memory_space<vmem_shared>>) target(%dma_start3A_102 : memref<640x128xf32, #tpu.memory_space<hbm>>) target_semaphore(%run_scoped3A : memref<!tpu.dma_semaphore, #tpu.memory_space<semaphore_mem>>)
      %dma_wait3A_105 = arith.constant 0 : i32
      %dma_wait3A_106 = tpu.memref_slice %arg7[%arg0, %mul3A_99, %dma_wait3A_105] : memref<2x10240x128xf32, #tpu.memory_space<hbm>> -> memref<1x640x128xf32, #tpu.memory_space<hbm>>
      %dma_wait3A_107 = tpu.memref_squeeze %dma_wait3A_106 : memref<1x640x128xf32, #tpu.memory_space<hbm>> -> memref<640x128xf32, #tpu.memory_space<hbm>>
      %dma_wait3A_108 = arith.constant 0 : i32
      %dma_wait3A_109 = tpu.memref_slice %arg15[%mul3A_97, %dma_wait3A_108] : memref<10240x128xf32, #tpu.memory_space<vmem_shared>> -> memref<640x128xf32, #tpu.memory_space<vmem_shared>>
      tpu.wait_dma2 semaphore(%run_scoped3A : memref<!tpu.dma_semaphore, #tpu.memory_space<semaphore_mem>>) src(%dma_wait3A_109 : memref<640x128xf32, #tpu.memory_space<vmem_shared>>) dst(%dma_wait3A_107 : memref<640x128xf32, #tpu.memory_space<hbm>>)
      tpu.yield
    }) : () -> ()
    "tpu.region"() ({
      %run_scoped3A = tpu.sem_alloc : memref<!tpu.dma_semaphore, #tpu.memory_space<semaphore_mem>>
      %dma_start3A_100 = arith.constant 0 : i32
      %dma_start3A_101 = tpu.memref_slice %arg8[%add3A, %dma_start3A_100] : memref<32x10240xf32, #tpu.memory_space<hbm>> -> memref<1x10240xf32, #tpu.memory_space<hbm>>
      %dma_start3A_102 = tpu.memref_squeeze %dma_start3A_101 : memref<1x10240xf32, #tpu.memory_space<hbm>> -> memref<10240xf32, #tpu.memory_space<hbm>>
      %dma_start3A_103 = arith.constant 0 : i32
      %dma_start3A_104 = tpu.memref_slice %arg8[%add3A, %dma_start3A_103] : memref<32x10240xf32, #tpu.memory_space<hbm>> -> memref<1x10240xf32, #tpu.memory_space<hbm>>
      %dma_start3A_105 = tpu.memref_squeeze %dma_start3A_104 : memref<1x10240xf32, #tpu.memory_space<hbm>> -> memref<10240xf32, #tpu.memory_space<hbm>>
      tpu.enqueue_dma source(%arg14 : memref<10240xf32, #tpu.memory_space<vmem>>) target(%dma_start3A_105 : memref<10240xf32, #tpu.memory_space<hbm>>) target_semaphore(%run_scoped3A : memref<!tpu.dma_semaphore, #tpu.memory_space<semaphore_mem>>)
      %dma_wait3A_106 = arith.constant 0 : i32
      %dma_wait3A_107 = tpu.memref_slice %arg8[%add3A, %dma_wait3A_106] : memref<32x10240xf32, #tpu.memory_space<hbm>> -> memref<1x10240xf32, #tpu.memory_space<hbm>>
      %dma_wait3A_108 = tpu.memref_squeeze %dma_wait3A_107 : memref<1x10240xf32, #tpu.memory_space<hbm>> -> memref<10240xf32, #tpu.memory_space<hbm>>
      %dma_wait3A_109 = arith.constant 0 : i32
      %dma_wait3A_110 = tpu.memref_slice %arg8[%add3A, %dma_wait3A_109] : memref<32x10240xf32, #tpu.memory_space<hbm>> -> memref<1x10240xf32, #tpu.memory_space<hbm>>
      %dma_wait3A_111 = tpu.memref_squeeze %dma_wait3A_110 : memref<1x10240xf32, #tpu.memory_space<hbm>> -> memref<10240xf32, #tpu.memory_space<hbm>>
      tpu.wait_dma2 semaphore(%run_scoped3A : memref<!tpu.dma_semaphore, #tpu.memory_space<semaphore_mem>>) src(%arg14 : memref<10240xf32, #tpu.memory_space<vmem>>) dst(%dma_wait3A_111 : memref<10240xf32, #tpu.memory_space<hbm>>)
      tpu.yield
    }) : () -> ()
    return
  }
}

#map = affine_map<(d0, d1) -> (0, 0)>
#map1 = affine_map<(d0, d1) -> (0, 0, 0)>
module attributes {stable_mosaic.version = 14 : i64} {
  func.func @_scatter_body(%arg0: i32, %arg1: i32, %arg2: memref<160000x128xf32, #tpu.memory_space<hbm>>, %arg3: memref<32x5000xf32, #tpu.memory_space<hbm>>, %arg4: memref<32x5000xi32, #tpu.memory_space<hbm>>, %arg5: memref<40x128xf32, #tpu.memory_space<hbm>>, %arg6: memref<32x10240xf32, #tpu.memory_space<hbm>>, %arg7: memref<2x10240x128xf32, #tpu.memory_space<hbm>>, %arg8: memref<32x10240xf32, #tpu.memory_space<hbm>>, %arg9: memref<5016xi32, #tpu.memory_space<vmem>>, %arg10: memref<40x128xf32, #tpu.memory_space<vmem>>, %arg11: memref<56xf32, #tpu.memory_space<vmem>>, %arg12: memref<40x128xf32, #tpu.memory_space<vmem>>, %arg13: memref<56xf32, #tpu.memory_space<vmem>>, %arg14: memref<10240xf32, #tpu.memory_space<vmem>>, %arg15: memref<10240x128xf32, #tpu.memory_space<vmem_shared>>, %arg16: memref<!tpu.dma_semaphore, #tpu.memory_space<semaphore_mem>>, %arg17: memref<!tpu.dma_semaphore, #tpu.memory_space<semaphore_mem>>, %arg18: memref<!tpu.dma_semaphore, #tpu.memory_space<semaphore_mem>>, %arg19: memref<!tpu.dma_semaphore, #tpu.memory_space<semaphore_mem>>) attributes {dimension_semantics = [#tpu.dimension_semantics<core_parallel>, #tpu.dimension_semantics<subcore_parallel>], iteration_bounds = array<i64: 2, 16>, scalar_prefetch = 0 : i64, scratch_operands = 11 : i64, tpu.core_type = #tpu.core_type<sc_vector_subcore>, window_params = [{transform_indices = #map}, {transform_indices = #map}, {transform_indices = #map}, {transform_indices = #map}, {transform_indices = #map}, {transform_indices = #map1}, {transform_indices = #map}]} {
    %mul3A = arith.constant 2 : i32
    %mul3A_0 = arith.muli %arg1, %mul3A : i32
    %add3A = arith.addi %mul3A_0, %arg0 : i32
    %mul3A_1 = arith.constant 5000 : i32
    %mul3A_2 = arith.muli %add3A, %mul3A_1 : i32
    %scan3A = arith.constant 0 : i32
    %scan3A_3 = arith.constant 640 : i32
    %scan3A_4 = arith.addi %scan3A, %scan3A_3 : i32
    %scan3A_5 = arith.constant 1 : i32
    scf.for %scan3A_100 = %scan3A to %scan3A_4 step %scan3A_5  : i32 {
      %mul3A_101 = arith.constant 1 : i32
      %mul3A_102 = arith.muli %scan3A_100, %mul3A_101 : i32
      %add3A_103 = arith.constant 0 : i32
      %add3A_104 = arith.addi %add3A_103, %mul3A_102 : i32
      %broadcast_in_dim3A = arith.constant 0.000000e+00 : f32
      %broadcast_in_dim3A_105 = vector.broadcast %broadcast_in_dim3A : f32 to vector<16xf32>
      %mul3A_106 = arith.constant 16 : i32
      %mul3A_107 = arith.muli %add3A_104, %mul3A_106 : i32
      %swap3A = arith.index_cast %mul3A_107 : i32 to index
      %swap3A_108 = tpu.vector_load %arg14[%swap3A] {strides = array<i32>} : memref<10240xf32, #tpu.memory_space<vmem>>, vector<16xf32>,
      tpu.vector_store %arg14[%swap3A], %broadcast_in_dim3A_105 {strides = array<i32>} : memref<10240xf32, #tpu.memory_space<vmem>>, vector<16xf32>,
    }
    %scan3A_6 = arith.constant 640 : i32
    "tpu.region"() ({
      %run_scoped3A = tpu.sem_alloc : memref<!tpu.dma_semaphore, #tpu.memory_space<semaphore_mem>>
      tpu.enqueue_dma source(%arg5 : memref<40x128xf32, #tpu.memory_space<hbm>>) target(%arg10 : memref<40x128xf32, #tpu.memory_space<vmem>>) target_semaphore(%run_scoped3A : memref<!tpu.dma_semaphore, #tpu.memory_space<semaphore_mem>>)
      tpu.wait_dma2 semaphore(%run_scoped3A : memref<!tpu.dma_semaphore, #tpu.memory_space<semaphore_mem>>) src(%arg5 : memref<40x128xf32, #tpu.memory_space<hbm>>) dst(%arg10 : memref<40x128xf32, #tpu.memory_space<vmem>>)
      tpu.yield
    }) : () -> ()
    %scan3A_7 = arith.constant 0 : i32
    %scan3A_8 = arith.constant 16 : i32
    %scan3A_9 = arith.addi %scan3A_7, %scan3A_8 : i32
    %scan3A_10 = arith.constant 1 : i32
    scf.for %scan3A_100 = %scan3A_7 to %scan3A_9 step %scan3A_10  : i32 {
      %mul3A_101 = arith.constant 1 : i32
      %mul3A_102 = arith.muli %scan3A_100, %mul3A_101 : i32
      %add3A_103 = arith.constant 0 : i32
      %add3A_104 = arith.addi %add3A_103, %mul3A_102 : i32
      %mul3A_105 = arith.constant 640 : i32
      %mul3A_106 = arith.muli %arg1, %mul3A_105 : i32
      %mul3A_107 = arith.constant 40 : i32
      %mul3A_108 = arith.muli %add3A_104, %mul3A_107 : i32
      %add3A_109 = arith.addi %mul3A_106, %mul3A_108 : i32
      "tpu.region"() ({
        %run_scoped3A = tpu.sem_alloc : memref<!tpu.dma_semaphore, #tpu.memory_space<semaphore_mem>>
        %dma_start3A_110 = arith.constant 0 : i32
        %dma_start3A_111 = tpu.memref_slice %arg15[%add3A_109, %dma_start3A_110] : memref<10240x128xf32, #tpu.memory_space<vmem_shared>> -> memref<40x128xf32, #tpu.memory_space<vmem_shared>>
        %dma_start3A_112 = arith.constant 0 : i32
        %dma_start3A_113 = tpu.memref_slice %arg15[%add3A_109, %dma_start3A_112] : memref<10240x128xf32, #tpu.memory_space<vmem_shared>> -> memref<40x128xf32, #tpu.memory_space<vmem_shared>>
        tpu.enqueue_dma source(%arg10 : memref<40x128xf32, #tpu.memory_space<vmem>>) target(%dma_start3A_113 : memref<40x128xf32, #tpu.memory_space<vmem_shared>>) target_semaphore(%run_scoped3A : memref<!tpu.dma_semaphore, #tpu.memory_space<semaphore_mem>>)
        %dma_wait3A_114 = arith.constant 0 : i32
        %dma_wait3A_115 = tpu.memref_slice %arg15[%add3A_109, %dma_wait3A_114] : memref<10240x128xf32, #tpu.memory_space<vmem_shared>> -> memref<40x128xf32, #tpu.memory_space<vmem_shared>>
        %dma_wait3A_116 = arith.constant 0 : i32
        %dma_wait3A_117 = tpu.memref_slice %arg15[%add3A_109, %dma_wait3A_116] : memref<10240x128xf32, #tpu.memory_space<vmem_shared>> -> memref<40x128xf32, #tpu.memory_space<vmem_shared>>
        tpu.wait_dma2 semaphore(%run_scoped3A : memref<!tpu.dma_semaphore, #tpu.memory_space<semaphore_mem>>) src(%arg10 : memref<40x128xf32, #tpu.memory_space<vmem>>) dst(%dma_wait3A_117 : memref<40x128xf32, #tpu.memory_space<vmem_shared>>)
        tpu.yield
      }) : () -> ()
    }
    %scan3A_11 = arith.constant 16 : i32
    "tpu.region"() ({
      %run_scoped3A = tpu.sem_alloc : memref<!tpu.dma_semaphore, #tpu.memory_space<semaphore_mem>>
      %dma_start3A_100 = arith.constant 0 : i32
      %dma_start3A_101 = tpu.memref_slice %arg9[%dma_start3A_100] : memref<5016xi32, #tpu.memory_space<vmem>> -> memref<5000xi32, #tpu.memory_space<vmem>>
      %dma_start3A_102 = arith.constant 0 : i32
      %dma_start3A_103 = tpu.memref_slice %arg4[%add3A, %dma_start3A_102] : memref<32x5000xi32, #tpu.memory_space<hbm>> -> memref<1x5000xi32, #tpu.memory_space<hbm>>
      %dma_start3A_104 = tpu.memref_squeeze %dma_start3A_103 : memref<1x5000xi32, #tpu.memory_space<hbm>> -> memref<5000xi32, #tpu.memory_space<hbm>>
      %dma_start3A_105 = arith.constant 0 : i32
      %dma_start3A_106 = tpu.memref_slice %arg9[%dma_start3A_105] : memref<5016xi32, #tpu.memory_space<vmem>> -> memref<5000xi32, #tpu.memory_space<vmem>>
      %dma_start3A_107 = arith.constant 0 : i32
      %dma_start3A_108 = tpu.memref_slice %arg4[%add3A, %dma_start3A_107] : memref<32x5000xi32, #tpu.memory_space<hbm>> -> memref<1x5000xi32, #tpu.memory_space<hbm>>
      %dma_start3A_109 = tpu.memref_squeeze %dma_start3A_108 : memref<1x5000xi32, #tpu.memory_space<hbm>> -> memref<5000xi32, #tpu.memory_space<hbm>>
      tpu.enqueue_dma source(%dma_start3A_109 : memref<5000xi32, #tpu.memory_space<hbm>>) target(%dma_start3A_106 : memref<5000xi32, #tpu.memory_space<vmem>>) target_semaphore(%run_scoped3A : memref<!tpu.dma_semaphore, #tpu.memory_space<semaphore_mem>>)
      %dma_wait3A_110 = arith.constant 0 : i32
      %dma_wait3A_111 = tpu.memref_slice %arg9[%dma_wait3A_110] : memref<5016xi32, #tpu.memory_space<vmem>> -> memref<5000xi32, #tpu.memory_space<vmem>>
      %dma_wait3A_112 = arith.constant 0 : i32
      %dma_wait3A_113 = tpu.memref_slice %arg4[%add3A, %dma_wait3A_112] : memref<32x5000xi32, #tpu.memory_space<hbm>> -> memref<1x5000xi32, #tpu.memory_space<hbm>>
      %dma_wait3A_114 = tpu.memref_squeeze %dma_wait3A_113 : memref<1x5000xi32, #tpu.memory_space<hbm>> -> memref<5000xi32, #tpu.memory_space<hbm>>
      %dma_wait3A_115 = arith.constant 0 : i32
      %dma_wait3A_116 = tpu.memref_slice %arg9[%dma_wait3A_115] : memref<5016xi32, #tpu.memory_space<vmem>> -> memref<5000xi32, #tpu.memory_space<vmem>>
      %dma_wait3A_117 = arith.constant 0 : i32
      %dma_wait3A_118 = tpu.memref_slice %arg4[%add3A, %dma_wait3A_117] : memref<32x5000xi32, #tpu.memory_space<hbm>> -> memref<1x5000xi32, #tpu.memory_space<hbm>>
      %dma_wait3A_119 = tpu.memref_squeeze %dma_wait3A_118 : memref<1x5000xi32, #tpu.memory_space<hbm>> -> memref<5000xi32, #tpu.memory_space<hbm>>
      tpu.wait_dma2 semaphore(%run_scoped3A : memref<!tpu.dma_semaphore, #tpu.memory_space<semaphore_mem>>) src(%dma_wait3A_119 : memref<5000xi32, #tpu.memory_space<hbm>>) dst(%dma_wait3A_116 : memref<5000xi32, #tpu.memory_space<vmem>>)
      tpu.yield
    }) : () -> ()
    %barrier3A = arith.constant 0 : index
    tpu.barrier barrier_id(%barrier3A)
    %add3A_12 = arith.constant 0 : i32
    %add3A_13 = arith.addi %mul3A_2, %add3A_12 : i32
    %dma_start3A = arith.constant 0 : i32
    %dma_start3A_14 = tpu.memref_slice %arg2[%add3A_13, %dma_start3A] : memref<160000x128xf32, #tpu.memory_space<hbm>> -> memref<40x128xf32, #tpu.memory_space<hbm>>
    %dma_start3A_15 = arith.constant 0 : i32
    %dma_start3A_16 = tpu.memref_slice %arg2[%add3A_13, %dma_start3A_15] : memref<160000x128xf32, #tpu.memory_space<hbm>> -> memref<40x128xf32, #tpu.memory_space<hbm>>
    tpu.enqueue_dma source(%dma_start3A_16 : memref<40x128xf32, #tpu.memory_space<hbm>>) target(%arg10 : memref<40x128xf32, #tpu.memory_space<vmem>>) target_semaphore(%arg16 : memref<!tpu.dma_semaphore, #tpu.memory_space<semaphore_mem>>)
    %dma_start3A_17 = arith.constant 0 : i32
    %dma_start3A_18 = tpu.memref_slice %arg11[%dma_start3A_17] : memref<56xf32, #tpu.memory_space<vmem>> -> memref<40xf32, #tpu.memory_space<vmem>>
    %dma_start3A_19 = arith.constant 0 : i32
    %dma_start3A_20 = tpu.memref_slice %arg3[%add3A, %dma_start3A_19] : memref<32x5000xf32, #tpu.memory_space<hbm>> -> memref<1x40xf32, #tpu.memory_space<hbm>>
    %dma_start3A_21 = tpu.memref_squeeze %dma_start3A_20 : memref<1x40xf32, #tpu.memory_space<hbm>> -> memref<40xf32, #tpu.memory_space<hbm>>
    %dma_start3A_22 = arith.constant 0 : i32
    %dma_start3A_23 = tpu.memref_slice %arg11[%dma_start3A_22] : memref<56xf32, #tpu.memory_space<vmem>> -> memref<40xf32, #tpu.memory_space<vmem>>
    %dma_start3A_24 = arith.constant 0 : i32
    %dma_start3A_25 = tpu.memref_slice %arg3[%add3A, %dma_start3A_24] : memref<32x5000xf32, #tpu.memory_space<hbm>> -> memref<1x40xf32, #tpu.memory_space<hbm>>
    %dma_start3A_26 = tpu.memref_squeeze %dma_start3A_25 : memref<1x40xf32, #tpu.memory_space<hbm>> -> memref<40xf32, #tpu.memory_space<hbm>>
    tpu.enqueue_dma source(%dma_start3A_26 : memref<40xf32, #tpu.memory_space<hbm>>) target(%dma_start3A_23 : memref<40xf32, #tpu.memory_space<vmem>>) target_semaphore(%arg16 : memref<!tpu.dma_semaphore, #tpu.memory_space<semaphore_mem>>)
    %add3A_27 = arith.constant 40 : i32
    %add3A_28 = arith.addi %mul3A_2, %add3A_27 : i32
    %dma_start3A_29 = arith.constant 0 : i32
    %dma_start3A_30 = tpu.memref_slice %arg2[%add3A_28, %dma_start3A_29] : memref<160000x128xf32, #tpu.memory_space<hbm>> -> memref<40x128xf32, #tpu.memory_space<hbm>>
    %dma_start3A_31 = arith.constant 0 : i32
    %dma_start3A_32 = tpu.memref_slice %arg2[%add3A_28, %dma_start3A_31] : memref<160000x128xf32, #tpu.memory_space<hbm>> -> memref<40x128xf32, #tpu.memory_space<hbm>>
    tpu.enqueue_dma source(%dma_start3A_32 : memref<40x128xf32, #tpu.memory_space<hbm>>) target(%arg12 : memref<40x128xf32, #tpu.memory_space<vmem>>) target_semaphore(%arg17 : memref<!tpu.dma_semaphore, #tpu.memory_space<semaphore_mem>>)
    %dma_start3A_33 = arith.constant 0 : i32
    %dma_start3A_34 = tpu.memref_slice %arg13[%dma_start3A_33] : memref<56xf32, #tpu.memory_space<vmem>> -> memref<40xf32, #tpu.memory_space<vmem>>
    %dma_start3A_35 = arith.constant 40 : i32
    %dma_start3A_36 = tpu.memref_slice %arg3[%add3A, %dma_start3A_35] : memref<32x5000xf32, #tpu.memory_space<hbm>> -> memref<1x40xf32, #tpu.memory_space<hbm>>
    %dma_start3A_37 = tpu.memref_squeeze %dma_start3A_36 : memref<1x40xf32, #tpu.memory_space<hbm>> -> memref<40xf32, #tpu.memory_space<hbm>>
    %dma_start3A_38 = arith.constant 0 : i32
    %dma_start3A_39 = tpu.memref_slice %arg13[%dma_start3A_38] : memref<56xf32, #tpu.memory_space<vmem>> -> memref<40xf32, #tpu.memory_space<vmem>>
    %dma_start3A_40 = arith.constant 40 : i32
    %dma_start3A_41 = tpu.memref_slice %arg3[%add3A, %dma_start3A_40] : memref<32x5000xf32, #tpu.memory_space<hbm>> -> memref<1x40xf32, #tpu.memory_space<hbm>>
    %dma_start3A_42 = tpu.memref_squeeze %dma_start3A_41 : memref<1x40xf32, #tpu.memory_space<hbm>> -> memref<40xf32, #tpu.memory_space<hbm>>
    tpu.enqueue_dma source(%dma_start3A_42 : memref<40xf32, #tpu.memory_space<hbm>>) target(%dma_start3A_39 : memref<40xf32, #tpu.memory_space<vmem>>) target_semaphore(%arg17 : memref<!tpu.dma_semaphore, #tpu.memory_space<semaphore_mem>>)
    %scan3A_43 = arith.constant 0 : i32
    %scan3A_44 = arith.constant 62 : i32
    %scan3A_45 = arith.addi %scan3A_43, %scan3A_44 : i32
    %scan3A_46 = arith.constant 1 : i32
    scf.for %scan3A_100 = %scan3A_43 to %scan3A_45 step %scan3A_46  : i32 {
      %mul3A_101 = arith.constant 1 : i32
      %mul3A_102 = arith.muli %scan3A_100, %mul3A_101 : i32
      %add3A_103 = arith.constant 0 : i32
      %add3A_104 = arith.addi %add3A_103, %mul3A_102 : i32
      %dma_wait3A_105 = arith.constant 0 : i32
      %dma_wait3A_106 = tpu.memref_slice %arg2[%mul3A_2, %dma_wait3A_105] : memref<160000x128xf32, #tpu.memory_space<hbm>> -> memref<40x128xf32, #tpu.memory_space<hbm>>
      %dma_wait3A_107 = arith.constant 0 : i32
      %dma_wait3A_108 = tpu.memref_slice %arg2[%mul3A_2, %dma_wait3A_107] : memref<160000x128xf32, #tpu.memory_space<hbm>> -> memref<40x128xf32, #tpu.memory_space<hbm>>
      tpu.wait_dma2 semaphore(%arg16 : memref<!tpu.dma_semaphore, #tpu.memory_space<semaphore_mem>>) src(%dma_wait3A_108 : memref<40x128xf32, #tpu.memory_space<hbm>>) dst(%arg10 : memref<40x128xf32, #tpu.memory_space<vmem>>)
      %dma_wait3A_109 = arith.constant 0 : i32
      %dma_wait3A_110 = tpu.memref_slice %arg11[%dma_wait3A_109] : memref<56xf32, #tpu.memory_space<vmem>> -> memref<40xf32, #tpu.memory_space<vmem>>
      %dma_wait3A_111 = arith.constant 0 : i32
      %dma_wait3A_112 = tpu.memref_slice %arg3[%add3A, %dma_wait3A_111] : memref<32x5000xf32, #tpu.memory_space<hbm>> -> memref<1x40xf32, #tpu.memory_space<hbm>>
      %dma_wait3A_113 = tpu.memref_squeeze %dma_wait3A_112 : memref<1x40xf32, #tpu.memory_space<hbm>> -> memref<40xf32, #tpu.memory_space<hbm>>
      %dma_wait3A_114 = arith.constant 0 : i32
      %dma_wait3A_115 = tpu.memref_slice %arg11[%dma_wait3A_114] : memref<56xf32, #tpu.memory_space<vmem>> -> memref<40xf32, #tpu.memory_space<vmem>>
      %dma_wait3A_116 = arith.constant 0 : i32
      %dma_wait3A_117 = tpu.memref_slice %arg3[%add3A, %dma_wait3A_116] : memref<32x5000xf32, #tpu.memory_space<hbm>> -> memref<1x40xf32, #tpu.memory_space<hbm>>
      %dma_wait3A_118 = tpu.memref_squeeze %dma_wait3A_117 : memref<1x40xf32, #tpu.memory_space<hbm>> -> memref<40xf32, #tpu.memory_space<hbm>>
      tpu.wait_dma2 semaphore(%arg16 : memref<!tpu.dma_semaphore, #tpu.memory_space<semaphore_mem>>) src(%dma_wait3A_118 : memref<40xf32, #tpu.memory_space<hbm>>) dst(%dma_wait3A_115 : memref<40xf32, #tpu.memory_space<vmem>>)
      %mul3A_119 = arith.constant 2 : i32
      %mul3A_120 = arith.muli %mul3A_119, %add3A_104 : i32
      %mul3A_121 = arith.constant 40 : i32
      %mul3A_122 = arith.muli %mul3A_120, %mul3A_121 : i32
      %dma_start3A_123 = tpu.memref_slice %arg9[%mul3A_122] : memref<5016xi32, #tpu.memory_space<vmem>> -> memref<40xi32, #tpu.memory_space<vmem>>
      %dma_start3A_124 = arith.constant 0 : i32
      %dma_start3A_125 = arith.constant 0 : i32
      %dma_start3A_126 = tpu.memref_slice %arg15[%dma_start3A_124, %dma_start3A_125] : memref<10240x128xf32, #tpu.memory_space<vmem_shared>> -> memref<10240x128xf32, #tpu.memory_space<vmem_shared>>
      tpu.enqueue_indirect_dma source(%arg10 : memref<40x128xf32, #tpu.memory_space<vmem>>) target(%dma_start3A_126 : memref<10240x128xf32, #tpu.memory_space<vmem_shared>>) offsets(%dma_start3A_123 : memref<40xi32, #tpu.memory_space<vmem>>) semaphore(%arg18 : memref<!tpu.dma_semaphore, #tpu.memory_space<semaphore_mem>>) {add = true}
      %mul3A_127 = arith.constant 2 : i32
      %mul3A_128 = arith.muli %mul3A_127, %add3A_104 : i32
      %scan3A_129 = arith.constant 0 : i32
      %scan3A_130 = arith.constant 2 : i32
      %scan3A_131 = arith.addi %scan3A_129, %scan3A_130 : i32
      %scan3A_132 = arith.constant 1 : i32
      scf.for %scan3A_252 = %scan3A_129 to %scan3A_131 step %scan3A_132  : i32 {
        %mul3A_253 = arith.constant 1 : i32
        %mul3A_254 = arith.muli %scan3A_252, %mul3A_253 : i32
        %add3A_255 = arith.constant 0 : i32
        %add3A_256 = arith.addi %add3A_255, %mul3A_254 : i32
        %mul3A_257 = arith.constant 40 : i32
        %mul3A_258 = arith.muli %mul3A_128, %mul3A_257 : i32
        %mul3A_259 = arith.constant 16 : i32
        %mul3A_260 = arith.muli %add3A_256, %mul3A_259 : i32
        %add3A_261 = arith.addi %mul3A_258, %mul3A_260 : i32
        %get3A_262 = arith.index_cast %add3A_261 : i32 to index
        %get3A_263 = tpu.vector_load %arg9[%get3A_262] {strides = array<i32>} : memref<5016xi32, #tpu.memory_space<vmem>>, vector<16xi32>,
        %mul3A_264 = arith.constant 16 : i32
        %mul3A_265 = arith.muli %add3A_256, %mul3A_264 : i32
        %get3A_266 = arith.index_cast %mul3A_265 : i32 to index
        %get3A_267 = tpu.vector_load %arg11[%get3A_266] {strides = array<i32>} : memref<56xf32, #tpu.memory_space<vmem>>, vector<16xf32>,
        tpu.vector_store_idx %arg14[%get3A_263], %get3A_267 {add = true} : memref<10240xf32, #tpu.memory_space<vmem>>[vector<16xi32>], vector<16xf32>,
      }
      %scan3A_133 = arith.constant 2 : i32
      %iota3A_134 = tpu.iota {dimensions = array<i32: 0>} : vector<16xi32>
      %lt3A_135 = arith.constant 8 : i32
      %lt3A_136 = vector.broadcast %lt3A_135 : i32 to vector<16xi32>
      %lt3A_137 = arith.cmpi slt, %iota3A_134, %lt3A_136 : vector<16xi32>
      %mul3A_138 = arith.constant 40 : i32
      %mul3A_139 = arith.muli %mul3A_128, %mul3A_138 : i32
      %add3A_140 = arith.constant 32 : i32
      %add3A_141 = arith.addi %mul3A_139, %add3A_140 : i32
      %get3A_142 = arith.index_cast %add3A_141 : i32 to index
      %get3A_143 = tpu.vector_load %arg9[%get3A_142] {strides = array<i32>} : memref<5016xi32, #tpu.memory_space<vmem>>, vector<16xi32>,
      %get3A_144 = arith.constant 32 : index
      %get3A_145 = tpu.vector_load %arg11[%get3A_144] {strides = array<i32>} : memref<56xf32, #tpu.memory_space<vmem>>, vector<16xf32>,
      tpu.vector_store_idx %arg14[%get3A_143], %get3A_145 masked %lt3A_137 {add = true} : memref<10240xf32, #tpu.memory_space<vmem>>[vector<16xi32>], vector<16xf32>, vector<16xi1>
      %mul3A_146 = arith.constant 2 : i32
      %mul3A_147 = arith.muli %mul3A_146, %add3A_104 : i32
      %mul3A_148 = arith.constant 40 : i32
      %mul3A_149 = arith.muli %mul3A_147, %mul3A_148 : i32
      %dma_wait3A_150 = tpu.memref_slice %arg9[%mul3A_149] : memref<5016xi32, #tpu.memory_space<vmem>> -> memref<40xi32, #tpu.memory_space<vmem>>
      %dma_wait3A_151 = arith.constant 0 : i32
      %dma_wait3A_152 = arith.constant 0 : i32
      %dma_wait3A_153 = tpu.memref_slice %arg15[%dma_wait3A_151, %dma_wait3A_152] : memref<10240x128xf32, #tpu.memory_space<vmem_shared>> -> memref<10240x128xf32, #tpu.memory_space<vmem_shared>>
      tpu.wait_indirect_dma semaphore(%arg18 : memref<!tpu.dma_semaphore, #tpu.memory_space<semaphore_mem>>) src(%arg10 : memref<40x128xf32, #tpu.memory_space<vmem>>) dst(%dma_wait3A_153 : memref<10240x128xf32, #tpu.memory_space<vmem_shared>>)
      %mul3A_154 = arith.constant 2 : i32
      %mul3A_155 = arith.muli %mul3A_154, %add3A_104 : i32
      %add3A_156 = arith.constant 2 : i32
      %add3A_157 = arith.addi %mul3A_155, %add3A_156 : i32
      %mul3A_158 = arith.constant 40 : i32
      %mul3A_159 = arith.muli %add3A_157, %mul3A_158 : i32
      %add3A_160 = arith.addi %mul3A_2, %mul3A_159 : i32
      %dma_start3A_161 = arith.constant 0 : i32
      %dma_start3A_162 = tpu.memref_slice %arg2[%add3A_160, %dma_start3A_161] : memref<160000x128xf32, #tpu.memory_space<hbm>> -> memref<40x128xf32, #tpu.memory_space<hbm>>
      %dma_start3A_163 = arith.constant 0 : i32
      %dma_start3A_164 = tpu.memref_slice %arg2[%add3A_160, %dma_start3A_163] : memref<160000x128xf32, #tpu.memory_space<hbm>> -> memref<40x128xf32, #tpu.memory_space<hbm>>
      tpu.enqueue_dma source(%dma_start3A_164 : memref<40x128xf32, #tpu.memory_space<hbm>>) target(%arg10 : memref<40x128xf32, #tpu.memory_space<vmem>>) target_semaphore(%arg16 : memref<!tpu.dma_semaphore, #tpu.memory_space<semaphore_mem>>)
      %mul3A_165 = arith.constant 40 : i32
      %mul3A_166 = arith.muli %add3A_157, %mul3A_165 : i32
      %dma_start3A_167 = arith.constant 0 : i32
      %dma_start3A_168 = tpu.memref_slice %arg11[%dma_start3A_167] : memref<56xf32, #tpu.memory_space<vmem>> -> memref<40xf32, #tpu.memory_space<vmem>>
      %dma_start3A_169 = tpu.memref_slice %arg3[%add3A, %mul3A_166] : memref<32x5000xf32, #tpu.memory_space<hbm>> -> memref<1x40xf32, #tpu.memory_space<hbm>>
      %dma_start3A_170 = tpu.memref_squeeze %dma_start3A_169 : memref<1x40xf32, #tpu.memory_space<hbm>> -> memref<40xf32, #tpu.memory_space<hbm>>
      %dma_start3A_171 = arith.constant 0 : i32
      %dma_start3A_172 = tpu.memref_slice %arg11[%dma_start3A_171] : memref<56xf32, #tpu.memory_space<vmem>> -> memref<40xf32, #tpu.memory_space<vmem>>
      %dma_start3A_173 = tpu.memref_slice %arg3[%add3A, %mul3A_166] : memref<32x5000xf32, #tpu.memory_space<hbm>> -> memref<1x40xf32, #tpu.memory_space<hbm>>
      %dma_start3A_174 = tpu.memref_squeeze %dma_start3A_173 : memref<1x40xf32, #tpu.memory_space<hbm>> -> memref<40xf32, #tpu.memory_space<hbm>>
      tpu.enqueue_dma source(%dma_start3A_174 : memref<40xf32, #tpu.memory_space<hbm>>) target(%dma_start3A_172 : memref<40xf32, #tpu.memory_space<vmem>>) target_semaphore(%arg16 : memref<!tpu.dma_semaphore, #tpu.memory_space<semaphore_mem>>)
      %dma_wait3A_175 = arith.constant 0 : i32
      %dma_wait3A_176 = tpu.memref_slice %arg2[%mul3A_2, %dma_wait3A_175] : memref<160000x128xf32, #tpu.memory_space<hbm>> -> memref<40x128xf32, #tpu.memory_space<hbm>>
      %dma_wait3A_177 = arith.constant 0 : i32
      %dma_wait3A_178 = tpu.memref_slice %arg2[%mul3A_2, %dma_wait3A_177] : memref<160000x128xf32, #tpu.memory_space<hbm>> -> memref<40x128xf32, #tpu.memory_space<hbm>>
      tpu.wait_dma2 semaphore(%arg17 : memref<!tpu.dma_semaphore, #tpu.memory_space<semaphore_mem>>) src(%dma_wait3A_178 : memref<40x128xf32, #tpu.memory_space<hbm>>) dst(%arg12 : memref<40x128xf32, #tpu.memory_space<vmem>>)
      %dma_wait3A_179 = arith.constant 0 : i32
      %dma_wait3A_180 = tpu.memref_slice %arg13[%dma_wait3A_179] : memref<56xf32, #tpu.memory_space<vmem>> -> memref<40xf32, #tpu.memory_space<vmem>>
      %dma_wait3A_181 = arith.constant 0 : i32
      %dma_wait3A_182 = tpu.memref_slice %arg3[%add3A, %dma_wait3A_181] : memref<32x5000xf32, #tpu.memory_space<hbm>> -> memref<1x40xf32, #tpu.memory_space<hbm>>
      %dma_wait3A_183 = tpu.memref_squeeze %dma_wait3A_182 : memref<1x40xf32, #tpu.memory_space<hbm>> -> memref<40xf32, #tpu.memory_space<hbm>>
      %dma_wait3A_184 = arith.constant 0 : i32
      %dma_wait3A_185 = tpu.memref_slice %arg13[%dma_wait3A_184] : memref<56xf32, #tpu.memory_space<vmem>> -> memref<40xf32, #tpu.memory_space<vmem>>
      %dma_wait3A_186 = arith.constant 0 : i32
      %dma_wait3A_187 = tpu.memref_slice %arg3[%add3A, %dma_wait3A_186] : memref<32x5000xf32, #tpu.memory_space<hbm>> -> memref<1x40xf32, #tpu.memory_space<hbm>>
      %dma_wait3A_188 = tpu.memref_squeeze %dma_wait3A_187 : memref<1x40xf32, #tpu.memory_space<hbm>> -> memref<40xf32, #tpu.memory_space<hbm>>
      tpu.wait_dma2 semaphore(%arg17 : memref<!tpu.dma_semaphore, #tpu.memory_space<semaphore_mem>>) src(%dma_wait3A_188 : memref<40xf32, #tpu.memory_space<hbm>>) dst(%dma_wait3A_185 : memref<40xf32, #tpu.memory_space<vmem>>)
      %mul3A_189 = arith.constant 2 : i32
      %mul3A_190 = arith.muli %mul3A_189, %add3A_104 : i32
      %add3A_191 = arith.constant 1 : i32
      %add3A_192 = arith.addi %mul3A_190, %add3A_191 : i32
      %mul3A_193 = arith.constant 40 : i32
      %mul3A_194 = arith.muli %add3A_192, %mul3A_193 : i32
      %dma_start3A_195 = tpu.memref_slice %arg9[%mul3A_194] : memref<5016xi32, #tpu.memory_space<vmem>> -> memref<40xi32, #tpu.memory_space<vmem>>
      %dma_start3A_196 = arith.constant 0 : i32
      %dma_start3A_197 = arith.constant 0 : i32
      %dma_start3A_198 = tpu.memref_slice %arg15[%dma_start3A_196, %dma_start3A_197] : memref<10240x128xf32, #tpu.memory_space<vmem_shared>> -> memref<10240x128xf32, #tpu.memory_space<vmem_shared>>
      tpu.enqueue_indirect_dma source(%arg12 : memref<40x128xf32, #tpu.memory_space<vmem>>) target(%dma_start3A_198 : memref<10240x128xf32, #tpu.memory_space<vmem_shared>>) offsets(%dma_start3A_195 : memref<40xi32, #tpu.memory_space<vmem>>) semaphore(%arg19 : memref<!tpu.dma_semaphore, #tpu.memory_space<semaphore_mem>>) {add = true}
      %mul3A_199 = arith.constant 2 : i32
      %mul3A_200 = arith.muli %mul3A_199, %add3A_104 : i32
      %add3A_201 = arith.constant 1 : i32
      %add3A_202 = arith.addi %mul3A_200, %add3A_201 : i32
      %scan3A_203 = arith.constant 0 : i32
      %scan3A_204 = arith.constant 2 : i32
      %scan3A_205 = arith.addi %scan3A_203, %scan3A_204 : i32
      %scan3A_206 = arith.constant 1 : i32
      scf.for %scan3A_252 = %scan3A_203 to %scan3A_205 step %scan3A_206  : i32 {
        %mul3A_253 = arith.constant 1 : i32
        %mul3A_254 = arith.muli %scan3A_252, %mul3A_253 : i32
        %add3A_255 = arith.constant 0 : i32
        %add3A_256 = arith.addi %add3A_255, %mul3A_254 : i32
        %mul3A_257 = arith.constant 40 : i32
        %mul3A_258 = arith.muli %add3A_202, %mul3A_257 : i32
        %mul3A_259 = arith.constant 16 : i32
        %mul3A_260 = arith.muli %add3A_256, %mul3A_259 : i32
        %add3A_261 = arith.addi %mul3A_258, %mul3A_260 : i32
        %get3A_262 = arith.index_cast %add3A_261 : i32 to index
        %get3A_263 = tpu.vector_load %arg9[%get3A_262] {strides = array<i32>} : memref<5016xi32, #tpu.memory_space<vmem>>, vector<16xi32>,
        %mul3A_264 = arith.constant 16 : i32
        %mul3A_265 = arith.muli %add3A_256, %mul3A_264 : i32
        %get3A_266 = arith.index_cast %mul3A_265 : i32 to index
        %get3A_267 = tpu.vector_load %arg13[%get3A_266] {strides = array<i32>} : memref<56xf32, #tpu.memory_space<vmem>>, vector<16xf32>,
        tpu.vector_store_idx %arg14[%get3A_263], %get3A_267 {add = true} : memref<10240xf32, #tpu.memory_space<vmem>>[vector<16xi32>], vector<16xf32>,
      }
      %scan3A_207 = arith.constant 2 : i32
      %iota3A_208 = tpu.iota {dimensions = array<i32: 0>} : vector<16xi32>
      %lt3A_209 = arith.constant 8 : i32
      %lt3A_210 = vector.broadcast %lt3A_209 : i32 to vector<16xi32>
      %lt3A_211 = arith.cmpi slt, %iota3A_208, %lt3A_210 : vector<16xi32>
      %mul3A_212 = arith.constant 40 : i32
      %mul3A_213 = arith.muli %add3A_202, %mul3A_212 : i32
      %add3A_214 = arith.constant 32 : i32
      %add3A_215 = arith.addi %mul3A_213, %add3A_214 : i32
      %get3A_216 = arith.index_cast %add3A_215 : i32 to index
      %get3A_217 = tpu.vector_load %arg9[%get3A_216] {strides = array<i32>} : memref<5016xi32, #tpu.memory_space<vmem>>, vector<16xi32>,
      %get3A_218 = arith.constant 32 : index
      %get3A_219 = tpu.vector_load %arg13[%get3A_218] {strides = array<i32>} : memref<56xf32, #tpu.memory_space<vmem>>, vector<16xf32>,
      tpu.vector_store_idx %arg14[%get3A_217], %get3A_219 masked %lt3A_211 {add = true} : memref<10240xf32, #tpu.memory_space<vmem>>[vector<16xi32>], vector<16xf32>, vector<16xi1>
      %mul3A_220 = arith.constant 2 : i32
      %mul3A_221 = arith.muli %mul3A_220, %add3A_104 : i32
      %add3A_222 = arith.constant 1 : i32
      %add3A_223 = arith.addi %mul3A_221, %add3A_222 : i32
      %mul3A_224 = arith.constant 40 : i32
      %mul3A_225 = arith.muli %add3A_223, %mul3A_224 : i32
      %dma_wait3A_226 = tpu.memref_slice %arg9[%mul3A_225] : memref<5016xi32, #tpu.memory_space<vmem>> -> memref<40xi32, #tpu.memory_space<vmem>>
      %dma_wait3A_227 = arith.constant 0 : i32
      %dma_wait3A_228 = arith.constant 0 : i32
      %dma_wait3A_229 = tpu.memref_slice %arg15[%dma_wait3A_227, %dma_wait3A_228] : memref<10240x128xf32, #tpu.memory_space<vmem_shared>> -> memref<10240x128xf32, #tpu.memory_space<vmem_shared>>
      tpu.wait_indirect_dma semaphore(%arg19 : memref<!tpu.dma_semaphore, #tpu.memory_space<semaphore_mem>>) src(%arg12 : memref<40x128xf32, #tpu.memory_space<vmem>>) dst(%dma_wait3A_229 : memref<10240x128xf32, #tpu.memory_space<vmem_shared>>)
      %mul3A_230 = arith.constant 2 : i32
      %mul3A_231 = arith.muli %mul3A_230, %add3A_104 : i32
      %add3A_232 = arith.constant 3 : i32
      %add3A_233 = arith.addi %mul3A_231, %add3A_232 : i32
      %min3A = arith.constant 124 : i32
      %min3A_234 = arith.minsi %add3A_233, %min3A : i32
      %mul3A_235 = arith.constant 40 : i32
      %mul3A_236 = arith.muli %min3A_234, %mul3A_235 : i32
      %add3A_237 = arith.addi %mul3A_2, %mul3A_236 : i32
      %dma_start3A_238 = arith.constant 0 : i32
      %dma_start3A_239 = tpu.memref_slice %arg2[%add3A_237, %dma_start3A_238] : memref<160000x128xf32, #tpu.memory_space<hbm>> -> memref<40x128xf32, #tpu.memory_space<hbm>>
      %dma_start3A_240 = arith.constant 0 : i32
      %dma_start3A_241 = tpu.memref_slice %arg2[%add3A_237, %dma_start3A_240] : memref<160000x128xf32, #tpu.memory_space<hbm>> -> memref<40x128xf32, #tpu.memory_space<hbm>>
      tpu.enqueue_dma source(%dma_start3A_241 : memref<40x128xf32, #tpu.memory_space<hbm>>) target(%arg12 : memref<40x128xf32, #tpu.memory_space<vmem>>) target_semaphore(%arg17 : memref<!tpu.dma_semaphore, #tpu.memory_space<semaphore_mem>>)
      %mul3A_242 = arith.constant 40 : i32
      %mul3A_243 = arith.muli %min3A_234, %mul3A_242 : i32
      %dma_start3A_244 = arith.constant 0 : i32
      %dma_start3A_245 = tpu.memref_slice %arg13[%dma_start3A_244] : memref<56xf32, #tpu.memory_space<vmem>> -> memref<40xf32, #tpu.memory_space<vmem>>
      %dma_start3A_246 = tpu.memref_slice %arg3[%add3A, %mul3A_243] : memref<32x5000xf32, #tpu.memory_space<hbm>> -> memref<1x40xf32, #tpu.memory_space<hbm>>
      %dma_start3A_247 = tpu.memref_squeeze %dma_start3A_246 : memref<1x40xf32, #tpu.memory_space<hbm>> -> memref<40xf32, #tpu.memory_space<hbm>>
      %dma_start3A_248 = arith.constant 0 : i32
      %dma_start3A_249 = tpu.memref_slice %arg13[%dma_start3A_248] : memref<56xf32, #tpu.memory_space<vmem>> -> memref<40xf32, #tpu.memory_space<vmem>>
      %dma_start3A_250 = tpu.memref_slice %arg3[%add3A, %mul3A_243] : memref<32x5000xf32, #tpu.memory_space<hbm>> -> memref<1x40xf32, #tpu.memory_space<hbm>>
      %dma_start3A_251 = tpu.memref_squeeze %dma_start3A_250 : memref<1x40xf32, #tpu.memory_space<hbm>> -> memref<40xf32, #tpu.memory_space<hbm>>
      tpu.enqueue_dma source(%dma_start3A_251 : memref<40xf32, #tpu.memory_space<hbm>>) target(%dma_start3A_249 : memref<40xf32, #tpu.memory_space<vmem>>) target_semaphore(%arg17 : memref<!tpu.dma_semaphore, #tpu.memory_space<semaphore_mem>>)
    }
    %scan3A_47 = arith.constant 62 : i32
    %dma_wait3A = arith.constant 0 : i32
    %dma_wait3A_48 = tpu.memref_slice %arg2[%mul3A_2, %dma_wait3A] : memref<160000x128xf32, #tpu.memory_space<hbm>> -> memref<40x128xf32, #tpu.memory_space<hbm>>
    %dma_wait3A_49 = arith.constant 0 : i32
    %dma_wait3A_50 = tpu.memref_slice %arg2[%mul3A_2, %dma_wait3A_49] : memref<160000x128xf32, #tpu.memory_space<hbm>> -> memref<40x128xf32, #tpu.memory_space<hbm>>
    tpu.wait_dma2 semaphore(%arg16 : memref<!tpu.dma_semaphore, #tpu.memory_space<semaphore_mem>>) src(%dma_wait3A_50 : memref<40x128xf32, #tpu.memory_space<hbm>>) dst(%arg10 : memref<40x128xf32, #tpu.memory_space<vmem>>)
    %dma_wait3A_51 = arith.constant 0 : i32
    %dma_wait3A_52 = tpu.memref_slice %arg11[%dma_wait3A_51] : memref<56xf32, #tpu.memory_space<vmem>> -> memref<40xf32, #tpu.memory_space<vmem>>
    %dma_wait3A_53 = arith.constant 0 : i32
    %dma_wait3A_54 = tpu.memref_slice %arg3[%add3A, %dma_wait3A_53] : memref<32x5000xf32, #tpu.memory_space<hbm>> -> memref<1x40xf32, #tpu.memory_space<hbm>>
    %dma_wait3A_55 = tpu.memref_squeeze %dma_wait3A_54 : memref<1x40xf32, #tpu.memory_space<hbm>> -> memref<40xf32, #tpu.memory_space<hbm>>
    %dma_wait3A_56 = arith.constant 0 : i32
    %dma_wait3A_57 = tpu.memref_slice %arg11[%dma_wait3A_56] : memref<56xf32, #tpu.memory_space<vmem>> -> memref<40xf32, #tpu.memory_space<vmem>>
    %dma_wait3A_58 = arith.constant 0 : i32
    %dma_wait3A_59 = tpu.memref_slice %arg3[%add3A, %dma_wait3A_58] : memref<32x5000xf32, #tpu.memory_space<hbm>> -> memref<1x40xf32, #tpu.memory_space<hbm>>
    %dma_wait3A_60 = tpu.memref_squeeze %dma_wait3A_59 : memref<1x40xf32, #tpu.memory_space<hbm>> -> memref<40xf32, #tpu.memory_space<hbm>>
    tpu.wait_dma2 semaphore(%arg16 : memref<!tpu.dma_semaphore, #tpu.memory_space<semaphore_mem>>) src(%dma_wait3A_60 : memref<40xf32, #tpu.memory_space<hbm>>) dst(%dma_wait3A_57 : memref<40xf32, #tpu.memory_space<vmem>>)
    %dma_start3A_61 = arith.constant 4960 : i32
    %dma_start3A_62 = tpu.memref_slice %arg9[%dma_start3A_61] : memref<5016xi32, #tpu.memory_space<vmem>> -> memref<40xi32, #tpu.memory_space<vmem>>
    %dma_start3A_63 = arith.constant 0 : i32
    %dma_start3A_64 = arith.constant 0 : i32
    %dma_start3A_65 = tpu.memref_slice %arg15[%dma_start3A_63, %dma_start3A_64] : memref<10240x128xf32, #tpu.memory_space<vmem_shared>> -> memref<10240x128xf32, #tpu.memory_space<vmem_shared>>
    tpu.enqueue_indirect_dma source(%arg10 : memref<40x128xf32, #tpu.memory_space<vmem>>) target(%dma_start3A_65 : memref<10240x128xf32, #tpu.memory_space<vmem_shared>>) offsets(%dma_start3A_62 : memref<40xi32, #tpu.memory_space<vmem>>) semaphore(%arg18 : memref<!tpu.dma_semaphore, #tpu.memory_space<semaphore_mem>>) {add = true}
    %scan3A_66 = arith.constant 0 : i32
    %scan3A_67 = arith.constant 2 : i32
    %scan3A_68 = arith.addi %scan3A_66, %scan3A_67 : i32
    %scan3A_69 = arith.constant 1 : i32
    scf.for %scan3A_100 = %scan3A_66 to %scan3A_68 step %scan3A_69  : i32 {
      %mul3A_101 = arith.constant 1 : i32
      %mul3A_102 = arith.muli %scan3A_100, %mul3A_101 : i32
      %add3A_103 = arith.constant 0 : i32
      %add3A_104 = arith.addi %add3A_103, %mul3A_102 : i32
      %mul3A_105 = arith.constant 16 : i32
      %mul3A_106 = arith.muli %add3A_104, %mul3A_105 : i32
      %add3A_107 = arith.constant 4960 : i32
      %add3A_108 = arith.addi %add3A_107, %mul3A_106 : i32
      %get3A_109 = arith.index_cast %add3A_108 : i32 to index
      %get3A_110 = tpu.vector_load %arg9[%get3A_109] {strides = array<i32>} : memref<5016xi32, #tpu.memory_space<vmem>>, vector<16xi32>,
      %mul3A_111 = arith.constant 16 : i32
      %mul3A_112 = arith.muli %add3A_104, %mul3A_111 : i32
      %get3A_113 = arith.index_cast %mul3A_112 : i32 to index
      %get3A_114 = tpu.vector_load %arg11[%get3A_113] {strides = array<i32>} : memref<56xf32, #tpu.memory_space<vmem>>, vector<16xf32>,
      tpu.vector_store_idx %arg14[%get3A_110], %get3A_114 {add = true} : memref<10240xf32, #tpu.memory_space<vmem>>[vector<16xi32>], vector<16xf32>,
    }
    %scan3A_70 = arith.constant 2 : i32
    %iota3A = tpu.iota {dimensions = array<i32: 0>} : vector<16xi32>
    %lt3A = arith.constant 8 : i32
    %lt3A_71 = vector.broadcast %lt3A : i32 to vector<16xi32>
    %lt3A_72 = arith.cmpi slt, %iota3A, %lt3A_71 : vector<16xi32>
    %get3A = arith.constant 4992 : index
    %get3A_73 = tpu.vector_load %arg9[%get3A] {strides = array<i32>} : memref<5016xi32, #tpu.memory_space<vmem>>, vector<16xi32>,
    %get3A_74 = arith.constant 32 : index
    %get3A_75 = tpu.vector_load %arg11[%get3A_74] {strides = array<i32>} : memref<56xf32, #tpu.memory_space<vmem>>, vector<16xf32>,
    tpu.vector_store_idx %arg14[%get3A_73], %get3A_75 masked %lt3A_72 {add = true} : memref<10240xf32, #tpu.memory_space<vmem>>[vector<16xi32>], vector<16xf32>, vector<16xi1>
    %dma_wait3A_76 = arith.constant 4960 : i32
    %dma_wait3A_77 = tpu.memref_slice %arg9[%dma_wait3A_76] : memref<5016xi32, #tpu.memory_space<vmem>> -> memref<40xi32, #tpu.memory_space<vmem>>
    %dma_wait3A_78 = arith.constant 0 : i32
    %dma_wait3A_79 = arith.constant 0 : i32
    %dma_wait3A_80 = tpu.memref_slice %arg15[%dma_wait3A_78, %dma_wait3A_79] : memref<10240x128xf32, #tpu.memory_space<vmem_shared>> -> memref<10240x128xf32, #tpu.memory_space<vmem_shared>>
    tpu.wait_indirect_dma semaphore(%arg18 : memref<!tpu.dma_semaphore, #tpu.memory_space<semaphore_mem>>) src(%arg10 : memref<40x128xf32, #tpu.memory_space<vmem>>) dst(%dma_wait3A_80 : memref<10240x128xf32, #tpu.memory_space<vmem_shared>>)
    %dma_wait3A_81 = arith.constant 0 : i32
    %dma_wait3A_82 = tpu.memref_slice %arg2[%mul3A_2, %dma_wait3A_81] : memref<160000x128xf32, #tpu.memory_space<hbm>> -> memref<40x128xf32, #tpu.memory_space<hbm>>
    %dma_wait3A_83 = arith.constant 0 : i32
    %dma_wait3A_84 = tpu.memref_slice %arg2[%mul3A_2, %dma_wait3A_83] : memref<160000x128xf32, #tpu.memory_space<hbm>> -> memref<40x128xf32, #tpu.memory_space<hbm>>
    tpu.wait_dma2 semaphore(%arg17 : memref<!tpu.dma_semaphore, #tpu.memory_space<semaphore_mem>>) src(%dma_wait3A_84 : memref<40x128xf32, #tpu.memory_space<hbm>>) dst(%arg12 : memref<40x128xf32, #tpu.memory_space<vmem>>)
    %dma_wait3A_85 = arith.constant 0 : i32
    %dma_wait3A_86 = tpu.memref_slice %arg13[%dma_wait3A_85] : memref<56xf32, #tpu.memory_space<vmem>> -> memref<40xf32, #tpu.memory_space<vmem>>
    %dma_wait3A_87 = arith.constant 0 : i32
    %dma_wait3A_88 = tpu.memref_slice %arg3[%add3A, %dma_wait3A_87] : memref<32x5000xf32, #tpu.memory_space<hbm>> -> memref<1x40xf32, #tpu.memory_space<hbm>>
    %dma_wait3A_89 = tpu.memref_squeeze %dma_wait3A_88 : memref<1x40xf32, #tpu.memory_space<hbm>> -> memref<40xf32, #tpu.memory_space<hbm>>
    %dma_wait3A_90 = arith.constant 0 : i32
    %dma_wait3A_91 = tpu.memref_slice %arg13[%dma_wait3A_90] : memref<56xf32, #tpu.memory_space<vmem>> -> memref<40xf32, #tpu.memory_space<vmem>>
    %dma_wait3A_92 = arith.constant 0 : i32
    %dma_wait3A_93 = tpu.memref_slice %arg3[%add3A, %dma_wait3A_92] : memref<32x5000xf32, #tpu.memory_space<hbm>> -> memref<1x40xf32, #tpu.memory_space<hbm>>
    %dma_wait3A_94 = tpu.memref_squeeze %dma_wait3A_93 : memref<1x40xf32, #tpu.memory_space<hbm>> -> memref<40xf32, #tpu.memory_space<hbm>>
    tpu.wait_dma2 semaphore(%arg17 : memref<!tpu.dma_semaphore, #tpu.memory_space<semaphore_mem>>) src(%dma_wait3A_94 : memref<40xf32, #tpu.memory_space<hbm>>) dst(%dma_wait3A_91 : memref<40xf32, #tpu.memory_space<vmem>>)
    %barrier3A_95 = arith.constant 0 : index
    tpu.barrier barrier_id(%barrier3A_95)
    %mul3A_96 = arith.constant 640 : i32
    %mul3A_97 = arith.muli %arg1, %mul3A_96 : i32
    %mul3A_98 = arith.constant 640 : i32
    %mul3A_99 = arith.muli %arg1, %mul3A_98 : i32
    "tpu.region"() ({
      %run_scoped3A = tpu.sem_alloc : memref<!tpu.dma_semaphore, #tpu.memory_space<semaphore_mem>>
      %dma_start3A_100 = arith.constant 0 : i32
      %dma_start3A_101 = tpu.memref_slice %arg7[%arg0, %mul3A_99, %dma_start3A_100] : memref<2x10240x128xf32, #tpu.memory_space<hbm>> -> memref<1x640x128xf32, #tpu.memory_space<hbm>>
      %dma_start3A_102 = tpu.memref_squeeze %dma_start3A_101 : memref<1x640x128xf32, #tpu.memory_space<hbm>> -> memref<640x128xf32, #tpu.memory_space<hbm>>
      %dma_start3A_103 = arith.constant 0 : i32
      %dma_start3A_104 = tpu.memref_slice %arg15[%mul3A_97, %dma_start3A_103] : memref<10240x128xf32, #tpu.memory_space<vmem_shared>> -> memref<640x128xf32, #tpu.memory_space<vmem_shared>>
      tpu.enqueue_dma source(%dma_start3A_104 : memref<640x128xf32, #tpu.memory_space<vmem_shared>>) target(%dma_start3A_102 : memref<640x128xf32, #tpu.memory_space<hbm>>) target_semaphore(%run_scoped3A : memref<!tpu.dma_semaphore, #tpu.memory_space<semaphore_mem>>)
      %dma_wait3A_105 = arith.constant 0 : i32
      %dma_wait3A_106 = tpu.memref_slice %arg7[%arg0, %mul3A_99, %dma_wait3A_105] : memref<2x10240x128xf32, #tpu.memory_space<hbm>> -> memref<1x640x128xf32, #tpu.memory_space<hbm>>
      %dma_wait3A_107 = tpu.memref_squeeze %dma_wait3A_106 : memref<1x640x128xf32, #tpu.memory_space<hbm>> -> memref<640x128xf32, #tpu.memory_space<hbm>>
      %dma_wait3A_108 = arith.constant 0 : i32
      %dma_wait3A_109 = tpu.memref_slice %arg15[%mul3A_97, %dma_wait3A_108] : memref<10240x128xf32, #tpu.memory_space<vmem_shared>> -> memref<640x128xf32, #tpu.memory_space<vmem_shared>>
      tpu.wait_dma2 semaphore(%run_scoped3A : memref<!tpu.dma_semaphore, #tpu.memory_space<semaphore_mem>>) src(%dma_wait3A_109 : memref<640x128xf32, #tpu.memory_space<vmem_shared>>) dst(%dma_wait3A_107 : memref<640x128xf32, #tpu.memory_space<hbm>>)
      tpu.yield
    }) : () -> ()
    "tpu.region"() ({
      %run_scoped3A = tpu.sem_alloc : memref<!tpu.dma_semaphore, #tpu.memory_space<semaphore_mem>>
      %dma_start3A_100 = arith.constant 0 : i32
      %dma_start3A_101 = tpu.memref_slice %arg8[%add3A, %dma_start3A_100] : memref<32x10240xf32, #tpu.memory_space<hbm>> -> memref<1x10240xf32, #tpu.memory_space<hbm>>
      %dma_start3A_102 = tpu.memref_squeeze %dma_start3A_101 : memref<1x10240xf32, #tpu.memory_space<hbm>> -> memref<10240xf32, #tpu.memory_space<hbm>>
      %dma_start3A_103 = arith.constant 0 : i32
      %dma_start3A_104 = tpu.memref_slice %arg8[%add3A, %dma_start3A_103] : memref<32x10240xf32, #tpu.memory_space<hbm>> -> memref<1x10240xf32, #tpu.memory_space<hbm>>
      %dma_start3A_105 = tpu.memref_squeeze %dma_start3A_104 : memref<1x10240xf32, #tpu.memory_space<hbm>> -> memref<10240xf32, #tpu.memory_space<hbm>>
      tpu.enqueue_dma source(%arg14 : memref<10240xf32, #tpu.memory_space<vmem>>) target(%dma_start3A_105 : memref<10240xf32, #tpu.memory_space<hbm>>) target_semaphore(%run_scoped3A : memref<!tpu.dma_semaphore, #tpu.memory_space<semaphore_mem>>)
      %dma_wait3A_106 = arith.constant 0 : i32
      %dma_wait3A_107 = tpu.memref_slice %arg8[%add3A, %dma_wait3A_106] : memref<32x10240xf32, #tpu.memory_space<hbm>> -> memref<1x10240xf32, #tpu.memory_space<hbm>>
      %dma_wait3A_108 = tpu.memref_squeeze %dma_wait3A_107 : memref<1x10240xf32, #tpu.memory_space<hbm>> -> memref<10240xf32, #tpu.memory_space<hbm>>
      %dma_wait3A_109 = arith.constant 0 : i32
      %dma_wait3A_110 = tpu.memref_slice %arg8[%add3A, %dma_wait3A_109] : memref<32x10240xf32, #tpu.memory_space<hbm>> -> memref<1x10240xf32, #tpu.memory_space<hbm>>
      %dma_wait3A_111 = tpu.memref_squeeze %dma_wait3A_110 : memref<1x10240xf32, #tpu.memory_space<hbm>> -> memref<10240xf32, #tpu.memory_space<hbm>>
      tpu.wait_dma2 semaphore(%run_scoped3A : memref<!tpu.dma_semaphore, #tpu.memory_space<semaphore_mem>>) src(%arg14 : memref<10240xf32, #tpu.memory_space<vmem>>) dst(%dma_wait3A_111 : memref<10240xf32, #tpu.memory_space<hbm>>)
      tpu.yield
    }) : () -> ()
    return
  }
}

#map = affine_map<(d0, d1) -> (0, 0)>
#map1 = affine_map<(d0, d1) -> (0, 0, 0)>
module attributes {stable_mosaic.version = 14 : i64} {
  func.func @_gather_body(%arg0: i32, %arg1: i32, %arg2: memref<10000x128xf32, #tpu.memory_space<hbm>>, %arg3: memref<10000x128xf32, #tpu.memory_space<hbm>>, %arg4: memref<32x125x40xi32, #tpu.memory_space<hbm>>, %arg5: memref<32x125x40xi32, #tpu.memory_space<hbm>>, %arg6: memref<10000x128xf32, #tpu.memory_space<hbm>>, %arg7: memref<160000x128xf32, #tpu.memory_space<hbm>>, %arg8: memref<125x40xi32, #tpu.memory_space<vmem>>, %arg9: memref<125x40xi32, #tpu.memory_space<vmem>>, %arg10: memref<40x128xf32, #tpu.memory_space<vmem>>, %arg11: memref<40x128xf32, #tpu.memory_space<vmem>>, %arg12: memref<40x128xf32, #tpu.memory_space<vmem>>, %arg13: memref<40x128xf32, #tpu.memory_space<vmem>>, %arg14: memref<!tpu.dma_semaphore, #tpu.memory_space<semaphore_mem>>, %arg15: memref<!tpu.dma_semaphore, #tpu.memory_space<semaphore_mem>>, %arg16: memref<!tpu.dma_semaphore, #tpu.memory_space<semaphore_mem>>, %arg17: memref<!tpu.dma_semaphore, #tpu.memory_space<semaphore_mem>>) attributes {dimension_semantics = [#tpu.dimension_semantics<core_parallel>, #tpu.dimension_semantics<subcore_parallel>], iteration_bounds = array<i64: 2, 16>, scalar_prefetch = 0 : i64, scratch_operands = 10 : i64, tpu.core_type = #tpu.core_type<sc_vector_subcore>, window_params = [{transform_indices = #map}, {transform_indices = #map}, {transform_indices = #map1}, {transform_indices = #map1}, {transform_indices = #map}, {transform_indices = #map}]} {
    %mul3A = arith.constant 2 : i32
    %mul3A_0 = arith.muli %arg1, %mul3A : i32
    %add3A = arith.addi %mul3A_0, %arg0 : i32
    %mul3A_1 = arith.constant 5000 : i32
    %mul3A_2 = arith.muli %add3A, %mul3A_1 : i32
    "tpu.region"() ({
      %run_scoped3A = tpu.sem_alloc : memref<!tpu.dma_semaphore, #tpu.memory_space<semaphore_mem>>
      %dma_start3A_76 = arith.constant 0 : i32
      %dma_start3A_77 = arith.constant 0 : i32
      %dma_start3A_78 = tpu.memref_slice %arg4[%add3A, %dma_start3A_76, %dma_start3A_77] : memref<32x125x40xi32, #tpu.memory_space<hbm>> -> memref<1x125x40xi32, #tpu.memory_space<hbm>>
      %dma_start3A_79 = tpu.memref_squeeze %dma_start3A_78 : memref<1x125x40xi32, #tpu.memory_space<hbm>> -> memref<125x40xi32, #tpu.memory_space<hbm>>
      %dma_start3A_80 = arith.constant 0 : i32
      %dma_start3A_81 = arith.constant 0 : i32
      %dma_start3A_82 = tpu.memref_slice %arg4[%add3A, %dma_start3A_80, %dma_start3A_81] : memref<32x125x40xi32, #tpu.memory_space<hbm>> -> memref<1x125x40xi32, #tpu.memory_space<hbm>>
      %dma_start3A_83 = tpu.memref_squeeze %dma_start3A_82 : memref<1x125x40xi32, #tpu.memory_space<hbm>> -> memref<125x40xi32, #tpu.memory_space<hbm>>
      tpu.enqueue_dma source(%dma_start3A_83 : memref<125x40xi32, #tpu.memory_space<hbm>>) target(%arg8 : memref<125x40xi32, #tpu.memory_space<vmem>>) target_semaphore(%run_scoped3A : memref<!tpu.dma_semaphore, #tpu.memory_space<semaphore_mem>>)
      %dma_wait3A_84 = arith.constant 0 : i32
      %dma_wait3A_85 = arith.constant 0 : i32
      %dma_wait3A_86 = tpu.memref_slice %arg4[%add3A, %dma_wait3A_84, %dma_wait3A_85] : memref<32x125x40xi32, #tpu.memory_space<hbm>> -> memref<1x125x40xi32, #tpu.memory_space<hbm>>
      %dma_wait3A_87 = tpu.memref_squeeze %dma_wait3A_86 : memref<1x125x40xi32, #tpu.memory_space<hbm>> -> memref<125x40xi32, #tpu.memory_space<hbm>>
      %dma_wait3A_88 = arith.constant 0 : i32
      %dma_wait3A_89 = arith.constant 0 : i32
      %dma_wait3A_90 = tpu.memref_slice %arg4[%add3A, %dma_wait3A_88, %dma_wait3A_89] : memref<32x125x40xi32, #tpu.memory_space<hbm>> -> memref<1x125x40xi32, #tpu.memory_space<hbm>>
      %dma_wait3A_91 = tpu.memref_squeeze %dma_wait3A_90 : memref<1x125x40xi32, #tpu.memory_space<hbm>> -> memref<125x40xi32, #tpu.memory_space<hbm>>
      tpu.wait_dma2 semaphore(%run_scoped3A : memref<!tpu.dma_semaphore, #tpu.memory_space<semaphore_mem>>) src(%dma_wait3A_91 : memref<125x40xi32, #tpu.memory_space<hbm>>) dst(%arg8 : memref<125x40xi32, #tpu.memory_space<vmem>>)
      tpu.yield
    }) : () -> ()
    "tpu.region"() ({
      %run_scoped3A = tpu.sem_alloc : memref<!tpu.dma_semaphore, #tpu.memory_space<semaphore_mem>>
      %dma_start3A_76 = arith.constant 0 : i32
      %dma_start3A_77 = arith.constant 0 : i32
      %dma_start3A_78 = tpu.memref_slice %arg5[%add3A, %dma_start3A_76, %dma_start3A_77] : memref<32x125x40xi32, #tpu.memory_space<hbm>> -> memref<1x125x40xi32, #tpu.memory_space<hbm>>
      %dma_start3A_79 = tpu.memref_squeeze %dma_start3A_78 : memref<1x125x40xi32, #tpu.memory_space<hbm>> -> memref<125x40xi32, #tpu.memory_space<hbm>>
      %dma_start3A_80 = arith.constant 0 : i32
      %dma_start3A_81 = arith.constant 0 : i32
      %dma_start3A_82 = tpu.memref_slice %arg5[%add3A, %dma_start3A_80, %dma_start3A_81] : memref<32x125x40xi32, #tpu.memory_space<hbm>> -> memref<1x125x40xi32, #tpu.memory_space<hbm>>
      %dma_start3A_83 = tpu.memref_squeeze %dma_start3A_82 : memref<1x125x40xi32, #tpu.memory_space<hbm>> -> memref<125x40xi32, #tpu.memory_space<hbm>>
      tpu.enqueue_dma source(%dma_start3A_83 : memref<125x40xi32, #tpu.memory_space<hbm>>) target(%arg9 : memref<125x40xi32, #tpu.memory_space<vmem>>) target_semaphore(%run_scoped3A : memref<!tpu.dma_semaphore, #tpu.memory_space<semaphore_mem>>)
      %dma_wait3A_84 = arith.constant 0 : i32
      %dma_wait3A_85 = arith.constant 0 : i32
      %dma_wait3A_86 = tpu.memref_slice %arg5[%add3A, %dma_wait3A_84, %dma_wait3A_85] : memref<32x125x40xi32, #tpu.memory_space<hbm>> -> memref<1x125x40xi32, #tpu.memory_space<hbm>>
      %dma_wait3A_87 = tpu.memref_squeeze %dma_wait3A_86 : memref<1x125x40xi32, #tpu.memory_space<hbm>> -> memref<125x40xi32, #tpu.memory_space<hbm>>
      %dma_wait3A_88 = arith.constant 0 : i32
      %dma_wait3A_89 = arith.constant 0 : i32
      %dma_wait3A_90 = tpu.memref_slice %arg5[%add3A, %dma_wait3A_88, %dma_wait3A_89] : memref<32x125x40xi32, #tpu.memory_space<hbm>> -> memref<1x125x40xi32, #tpu.memory_space<hbm>>
      %dma_wait3A_91 = tpu.memref_squeeze %dma_wait3A_90 : memref<1x125x40xi32, #tpu.memory_space<hbm>> -> memref<125x40xi32, #tpu.memory_space<hbm>>
      tpu.wait_dma2 semaphore(%run_scoped3A : memref<!tpu.dma_semaphore, #tpu.memory_space<semaphore_mem>>) src(%dma_wait3A_91 : memref<125x40xi32, #tpu.memory_space<hbm>>) dst(%arg9 : memref<125x40xi32, #tpu.memory_space<vmem>>)
      tpu.yield
    }) : () -> ()
    %dma_start3A = arith.constant 0 : i32
    %dma_start3A_3 = arith.constant 0 : i32
    %dma_start3A_4 = tpu.memref_slice %arg8[%dma_start3A, %dma_start3A_3] : memref<125x40xi32, #tpu.memory_space<vmem>> -> memref<1x40xi32, #tpu.memory_space<vmem>>
    %dma_start3A_5 = tpu.memref_squeeze %dma_start3A_4 : memref<1x40xi32, #tpu.memory_space<vmem>> -> memref<40xi32, #tpu.memory_space<vmem>>
    %dma_start3A_6 = arith.constant 0 : i32
    %dma_start3A_7 = arith.constant 0 : i32
    %dma_start3A_8 = tpu.memref_slice %arg2[%dma_start3A_6, %dma_start3A_7] : memref<10000x128xf32, #tpu.memory_space<hbm>> -> memref<10000x128xf32, #tpu.memory_space<hbm>>
    tpu.enqueue_indirect_dma source(%dma_start3A_8 : memref<10000x128xf32, #tpu.memory_space<hbm>>) target(%arg10 : memref<40x128xf32, #tpu.memory_space<vmem>>) offsets(%dma_start3A_5 : memref<40xi32, #tpu.memory_space<vmem>>) semaphore(%arg14 : memref<!tpu.dma_semaphore, #tpu.memory_space<semaphore_mem>>)
    %dma_start3A_9 = arith.constant 0 : i32
    %dma_start3A_10 = arith.constant 0 : i32
    %dma_start3A_11 = tpu.memref_slice %arg9[%dma_start3A_9, %dma_start3A_10] : memref<125x40xi32, #tpu.memory_space<vmem>> -> memref<1x40xi32, #tpu.memory_space<vmem>>
    %dma_start3A_12 = tpu.memref_squeeze %dma_start3A_11 : memref<1x40xi32, #tpu.memory_space<vmem>> -> memref<40xi32, #tpu.memory_space<vmem>>
    %dma_start3A_13 = arith.constant 0 : i32
    %dma_start3A_14 = arith.constant 0 : i32
    %dma_start3A_15 = tpu.memref_slice %arg3[%dma_start3A_13, %dma_start3A_14] : memref<10000x128xf32, #tpu.memory_space<hbm>> -> memref<10000x128xf32, #tpu.memory_space<hbm>>
    tpu.enqueue_indirect_dma source(%dma_start3A_15 : memref<10000x128xf32, #tpu.memory_space<hbm>>) target(%arg11 : memref<40x128xf32, #tpu.memory_space<vmem>>) offsets(%dma_start3A_12 : memref<40xi32, #tpu.memory_space<vmem>>) semaphore(%arg14 : memref<!tpu.dma_semaphore, #tpu.memory_space<semaphore_mem>>)
    %dma_start3A_16 = arith.constant 1 : i32
    %dma_start3A_17 = arith.constant 0 : i32
    %dma_start3A_18 = tpu.memref_slice %arg8[%dma_start3A_16, %dma_start3A_17] : memref<125x40xi32, #tpu.memory_space<vmem>> -> memref<1x40xi32, #tpu.memory_space<vmem>>
    %dma_start3A_19 = tpu.memref_squeeze %dma_start3A_18 : memref<1x40xi32, #tpu.memory_space<vmem>> -> memref<40xi32, #tpu.memory_space<vmem>>
    %dma_start3A_20 = arith.constant 0 : i32
    %dma_start3A_21 = arith.constant 0 : i32
    %dma_start3A_22 = tpu.memref_slice %arg2[%dma_start3A_20, %dma_start3A_21] : memref<10000x128xf32, #tpu.memory_space<hbm>> -> memref<10000x128xf32, #tpu.memory_space<hbm>>
    tpu.enqueue_indirect_dma source(%dma_start3A_22 : memref<10000x128xf32, #tpu.memory_space<hbm>>) target(%arg12 : memref<40x128xf32, #tpu.memory_space<vmem>>) offsets(%dma_start3A_19 : memref<40xi32, #tpu.memory_space<vmem>>) semaphore(%arg15 : memref<!tpu.dma_semaphore, #tpu.memory_space<semaphore_mem>>)
    %dma_start3A_23 = arith.constant 1 : i32
    %dma_start3A_24 = arith.constant 0 : i32
    %dma_start3A_25 = tpu.memref_slice %arg9[%dma_start3A_23, %dma_start3A_24] : memref<125x40xi32, #tpu.memory_space<vmem>> -> memref<1x40xi32, #tpu.memory_space<vmem>>
    %dma_start3A_26 = tpu.memref_squeeze %dma_start3A_25 : memref<1x40xi32, #tpu.memory_space<vmem>> -> memref<40xi32, #tpu.memory_space<vmem>>
    %dma_start3A_27 = arith.constant 0 : i32
    %dma_start3A_28 = arith.constant 0 : i32
    %dma_start3A_29 = tpu.memref_slice %arg3[%dma_start3A_27, %dma_start3A_28] : memref<10000x128xf32, #tpu.memory_space<hbm>> -> memref<10000x128xf32, #tpu.memory_space<hbm>>
    tpu.enqueue_indirect_dma source(%dma_start3A_29 : memref<10000x128xf32, #tpu.memory_space<hbm>>) target(%arg13 : memref<40x128xf32, #tpu.memory_space<vmem>>) offsets(%dma_start3A_26 : memref<40xi32, #tpu.memory_space<vmem>>) semaphore(%arg15 : memref<!tpu.dma_semaphore, #tpu.memory_space<semaphore_mem>>)
    %scan3A = arith.constant 0 : i32
    %scan3A_30 = arith.constant 62 : i32
    %scan3A_31 = arith.addi %scan3A, %scan3A_30 : i32
    %scan3A_32 = arith.constant 1 : i32
    scf.for %scan3A_76 = %scan3A to %scan3A_31 step %scan3A_32  : i32 {
      %mul3A_77 = arith.constant 1 : i32
      %mul3A_78 = arith.muli %scan3A_76, %mul3A_77 : i32
      %add3A_79 = arith.constant 0 : i32
      %add3A_80 = arith.addi %add3A_79, %mul3A_78 : i32
      %dma_wait3A_81 = arith.constant 0 : i32
      %dma_wait3A_82 = arith.constant 0 : i32
      %dma_wait3A_83 = tpu.memref_slice %arg8[%dma_wait3A_81, %dma_wait3A_82] : memref<125x40xi32, #tpu.memory_space<vmem>> -> memref<1x40xi32, #tpu.memory_space<vmem>>
      %dma_wait3A_84 = tpu.memref_squeeze %dma_wait3A_83 : memref<1x40xi32, #tpu.memory_space<vmem>> -> memref<40xi32, #tpu.memory_space<vmem>>
      %dma_wait3A_85 = arith.constant 0 : i32
      %dma_wait3A_86 = arith.constant 0 : i32
      %dma_wait3A_87 = tpu.memref_slice %arg2[%dma_wait3A_85, %dma_wait3A_86] : memref<10000x128xf32, #tpu.memory_space<hbm>> -> memref<10000x128xf32, #tpu.memory_space<hbm>>
      tpu.wait_indirect_dma semaphore(%arg14 : memref<!tpu.dma_semaphore, #tpu.memory_space<semaphore_mem>>) src(%dma_wait3A_87 : memref<10000x128xf32, #tpu.memory_space<hbm>>) dst(%arg10 : memref<40x128xf32, #tpu.memory_space<vmem>>)
      %dma_wait3A_88 = arith.constant 0 : i32
      %dma_wait3A_89 = arith.constant 0 : i32
      %dma_wait3A_90 = tpu.memref_slice %arg9[%dma_wait3A_88, %dma_wait3A_89] : memref<125x40xi32, #tpu.memory_space<vmem>> -> memref<1x40xi32, #tpu.memory_space<vmem>>
      %dma_wait3A_91 = tpu.memref_squeeze %dma_wait3A_90 : memref<1x40xi32, #tpu.memory_space<vmem>> -> memref<40xi32, #tpu.memory_space<vmem>>
      %dma_wait3A_92 = arith.constant 0 : i32
      %dma_wait3A_93 = arith.constant 0 : i32
      %dma_wait3A_94 = tpu.memref_slice %arg3[%dma_wait3A_92, %dma_wait3A_93] : memref<10000x128xf32, #tpu.memory_space<hbm>> -> memref<10000x128xf32, #tpu.memory_space<hbm>>
      tpu.wait_indirect_dma semaphore(%arg14 : memref<!tpu.dma_semaphore, #tpu.memory_space<semaphore_mem>>) src(%dma_wait3A_94 : memref<10000x128xf32, #tpu.memory_space<hbm>>) dst(%arg11 : memref<40x128xf32, #tpu.memory_space<vmem>>)
      %scan3A_95 = arith.constant 0 : i32
      %scan3A_96 = arith.constant 40 : i32
      %scan3A_97 = arith.addi %scan3A_95, %scan3A_96 : i32
      %scan3A_98 = arith.constant 1 : i32
      scf.for %scan3A_180 = %scan3A_95 to %scan3A_97 step %scan3A_98  : i32 {
        %mul3A_181 = arith.constant 1 : i32
        %mul3A_182 = arith.muli %scan3A_180, %mul3A_181 : i32
        %add3A_183 = arith.constant 0 : i32
        %add3A_184 = arith.addi %add3A_183, %mul3A_182 : i32
        %get3A = arith.index_cast %add3A_184 : i32 to index
        %get3A_185 = arith.constant 0 : index
        %get3A_186 = tpu.vector_load %arg10[%get3A, %get3A_185] {strides = array<i32>} : memref<40x128xf32, #tpu.memory_space<vmem>>, vector<1x16xf32>,
        %get3A_187 = vector.shape_cast %get3A_186 : vector<1x16xf32> to vector<16xf32>
        %get3A_188 = arith.index_cast %add3A_184 : i32 to index
        %get3A_189 = arith.constant 0 : index
        %get3A_190 = tpu.vector_load %arg11[%get3A_188, %get3A_189] {strides = array<i32>} : memref<40x128xf32, #tpu.memory_space<vmem>>, vector<1x16xf32>,
        %get3A_191 = vector.shape_cast %get3A_190 : vector<1x16xf32> to vector<16xf32>
        %add3A_192 = arith.addf %get3A_187, %get3A_191 : vector<16xf32>
        %swap3A = arith.index_cast %add3A_184 : i32 to index
        %swap3A_193 = arith.constant 0 : index
        %swap3A_194 = tpu.vector_load %arg10[%swap3A, %swap3A_193] {strides = array<i32>} : memref<40x128xf32, #tpu.memory_space<vmem>>, vector<1x16xf32>,
        %swap3A_195 = vector.shape_cast %swap3A_194 : vector<1x16xf32> to vector<16xf32>
        %swap3A_196 = vector.shape_cast %add3A_192 : vector<16xf32> to vector<1x16xf32>
        tpu.vector_store %arg10[%swap3A, %swap3A_193], %swap3A_196 {strides = array<i32>} : memref<40x128xf32, #tpu.memory_space<vmem>>, vector<1x16xf32>,
        %get3A_197 = arith.index_cast %add3A_184 : i32 to index
        %get3A_198 = arith.constant 16 : index
        %get3A_199 = tpu.vector_load %arg10[%get3A_197, %get3A_198] {strides = array<i32>} : memref<40x128xf32, #tpu.memory_space<vmem>>, vector<1x16xf32>,
        %get3A_200 = vector.shape_cast %get3A_199 : vector<1x16xf32> to vector<16xf32>
        %get3A_201 = arith.index_cast %add3A_184 : i32 to index
        %get3A_202 = arith.constant 16 : index
        %get3A_203 = tpu.vector_load %arg11[%get3A_201, %get3A_202] {strides = array<i32>} : memref<40x128xf32, #tpu.memory_space<vmem>>, vector<1x16xf32>,
        %get3A_204 = vector.shape_cast %get3A_203 : vector<1x16xf32> to vector<16xf32>
        %add3A_205 = arith.addf %get3A_200, %get3A_204 : vector<16xf32>
        %swap3A_206 = arith.index_cast %add3A_184 : i32 to index
        %swap3A_207 = arith.constant 16 : index
        %swap3A_208 = tpu.vector_load %arg10[%swap3A_206, %swap3A_207] {strides = array<i32>} : memref<40x128xf32, #tpu.memory_space<vmem>>, vector<1x16xf32>,
        %swap3A_209 = vector.shape_cast %swap3A_208 : vector<1x16xf32> to vector<16xf32>
        %swap3A_210 = vector.shape_cast %add3A_205 : vector<16xf32> to vector<1x16xf32>
        tpu.vector_store %arg10[%swap3A_206, %swap3A_207], %swap3A_210 {strides = array<i32>} : memref<40x128xf32, #tpu.memory_space<vmem>>, vector<1x16xf32>,
        %get3A_211 = arith.index_cast %add3A_184 : i32 to index
        %get3A_212 = arith.constant 32 : index
        %get3A_213 = tpu.vector_load %arg10[%get3A_211, %get3A_212] {strides = array<i32>} : memref<40x128xf32, #tpu.memory_space<vmem>>, vector<1x16xf32>,
        %get3A_214 = vector.shape_cast %get3A_213 : vector<1x16xf32> to vector<16xf32>
        %get3A_215 = arith.index_cast %add3A_184 : i32 to index
        %get3A_216 = arith.constant 32 : index
        %get3A_217 = tpu.vector_load %arg11[%get3A_215, %get3A_216] {strides = array<i32>} : memref<40x128xf32, #tpu.memory_space<vmem>>, vector<1x16xf32>,
        %get3A_218 = vector.shape_cast %get3A_217 : vector<1x16xf32> to vector<16xf32>
        %add3A_219 = arith.addf %get3A_214, %get3A_218 : vector<16xf32>
        %swap3A_220 = arith.index_cast %add3A_184 : i32 to index
        %swap3A_221 = arith.constant 32 : index
        %swap3A_222 = tpu.vector_load %arg10[%swap3A_220, %swap3A_221] {strides = array<i32>} : memref<40x128xf32, #tpu.memory_space<vmem>>, vector<1x16xf32>,
        %swap3A_223 = vector.shape_cast %swap3A_222 : vector<1x16xf32> to vector<16xf32>
        %swap3A_224 = vector.shape_cast %add3A_219 : vector<16xf32> to vector<1x16xf32>
        tpu.vector_store %arg10[%swap3A_220, %swap3A_221], %swap3A_224 {strides = array<i32>} : memref<40x128xf32, #tpu.memory_space<vmem>>, vector<1x16xf32>,
        %get3A_225 = arith.index_cast %add3A_184 : i32 to index
        %get3A_226 = arith.constant 48 : index
        %get3A_227 = tpu.vector_load %arg10[%get3A_225, %get3A_226] {strides = array<i32>} : memref<40x128xf32, #tpu.memory_space<vmem>>, vector<1x16xf32>,
        %get3A_228 = vector.shape_cast %get3A_227 : vector<1x16xf32> to vector<16xf32>
        %get3A_229 = arith.index_cast %add3A_184 : i32 to index
        %get3A_230 = arith.constant 48 : index
        %get3A_231 = tpu.vector_load %arg11[%get3A_229, %get3A_230] {strides = array<i32>} : memref<40x128xf32, #tpu.memory_space<vmem>>, vector<1x16xf32>,
        %get3A_232 = vector.shape_cast %get3A_231 : vector<1x16xf32> to vector<16xf32>
        %add3A_233 = arith.addf %get3A_228, %get3A_232 : vector<16xf32>
        %swap3A_234 = arith.index_cast %add3A_184 : i32 to index
        %swap3A_235 = arith.constant 48 : index
        %swap3A_236 = tpu.vector_load %arg10[%swap3A_234, %swap3A_235] {strides = array<i32>} : memref<40x128xf32, #tpu.memory_space<vmem>>, vector<1x16xf32>,
        %swap3A_237 = vector.shape_cast %swap3A_236 : vector<1x16xf32> to vector<16xf32>
        %swap3A_238 = vector.shape_cast %add3A_233 : vector<16xf32> to vector<1x16xf32>
        tpu.vector_store %arg10[%swap3A_234, %swap3A_235], %swap3A_238 {strides = array<i32>} : memref<40x128xf32, #tpu.memory_space<vmem>>, vector<1x16xf32>,
        %get3A_239 = arith.index_cast %add3A_184 : i32 to index
        %get3A_240 = arith.constant 64 : index
        %get3A_241 = tpu.vector_load %arg10[%get3A_239, %get3A_240] {strides = array<i32>} : memref<40x128xf32, #tpu.memory_space<vmem>>, vector<1x16xf32>,
        %get3A_242 = vector.shape_cast %get3A_241 : vector<1x16xf32> to vector<16xf32>
        %get3A_243 = arith.index_cast %add3A_184 : i32 to index
        %get3A_244 = arith.constant 64 : index
        %get3A_245 = tpu.vector_load %arg11[%get3A_243, %get3A_244] {strides = array<i32>} : memref<40x128xf32, #tpu.memory_space<vmem>>, vector<1x16xf32>,
        %get3A_246 = vector.shape_cast %get3A_245 : vector<1x16xf32> to vector<16xf32>
        %add3A_247 = arith.addf %get3A_242, %get3A_246 : vector<16xf32>
        %swap3A_248 = arith.index_cast %add3A_184 : i32 to index
        %swap3A_249 = arith.constant 64 : index
        %swap3A_250 = tpu.vector_load %arg10[%swap3A_248, %swap3A_249] {strides = array<i32>} : memref<40x128xf32, #tpu.memory_space<vmem>>, vector<1x16xf32>,
        %swap3A_251 = vector.shape_cast %swap3A_250 : vector<1x16xf32> to vector<16xf32>
        %swap3A_252 = vector.shape_cast %add3A_247 : vector<16xf32> to vector<1x16xf32>
        tpu.vector_store %arg10[%swap3A_248, %swap3A_249], %swap3A_252 {strides = array<i32>} : memref<40x128xf32, #tpu.memory_space<vmem>>, vector<1x16xf32>,
        %get3A_253 = arith.index_cast %add3A_184 : i32 to index
        %get3A_254 = arith.constant 80 : index
        %get3A_255 = tpu.vector_load %arg10[%get3A_253, %get3A_254] {strides = array<i32>} : memref<40x128xf32, #tpu.memory_space<vmem>>, vector<1x16xf32>,
        %get3A_256 = vector.shape_cast %get3A_255 : vector<1x16xf32> to vector<16xf32>
        %get3A_257 = arith.index_cast %add3A_184 : i32 to index
        %get3A_258 = arith.constant 80 : index
        %get3A_259 = tpu.vector_load %arg11[%get3A_257, %get3A_258] {strides = array<i32>} : memref<40x128xf32, #tpu.memory_space<vmem>>, vector<1x16xf32>,
        %get3A_260 = vector.shape_cast %get3A_259 : vector<1x16xf32> to vector<16xf32>
        %add3A_261 = arith.addf %get3A_256, %get3A_260 : vector<16xf32>
        %swap3A_262 = arith.index_cast %add3A_184 : i32 to index
        %swap3A_263 = arith.constant 80 : index
        %swap3A_264 = tpu.vector_load %arg10[%swap3A_262, %swap3A_263] {strides = array<i32>} : memref<40x128xf32, #tpu.memory_space<vmem>>, vector<1x16xf32>,
        %swap3A_265 = vector.shape_cast %swap3A_264 : vector<1x16xf32> to vector<16xf32>
        %swap3A_266 = vector.shape_cast %add3A_261 : vector<16xf32> to vector<1x16xf32>
        tpu.vector_store %arg10[%swap3A_262, %swap3A_263], %swap3A_266 {strides = array<i32>} : memref<40x128xf32, #tpu.memory_space<vmem>>, vector<1x16xf32>,
        %get3A_267 = arith.index_cast %add3A_184 : i32 to index
        %get3A_268 = arith.constant 96 : index
        %get3A_269 = tpu.vector_load %arg10[%get3A_267, %get3A_268] {strides = array<i32>} : memref<40x128xf32, #tpu.memory_space<vmem>>, vector<1x16xf32>,
        %get3A_270 = vector.shape_cast %get3A_269 : vector<1x16xf32> to vector<16xf32>
        %get3A_271 = arith.index_cast %add3A_184 : i32 to index
        %get3A_272 = arith.constant 96 : index
        %get3A_273 = tpu.vector_load %arg11[%get3A_271, %get3A_272] {strides = array<i32>} : memref<40x128xf32, #tpu.memory_space<vmem>>, vector<1x16xf32>,
        %get3A_274 = vector.shape_cast %get3A_273 : vector<1x16xf32> to vector<16xf32>
        %add3A_275 = arith.addf %get3A_270, %get3A_274 : vector<16xf32>
        %swap3A_276 = arith.index_cast %add3A_184 : i32 to index
        %swap3A_277 = arith.constant 96 : index
        %swap3A_278 = tpu.vector_load %arg10[%swap3A_276, %swap3A_277] {strides = array<i32>} : memref<40x128xf32, #tpu.memory_space<vmem>>, vector<1x16xf32>,
        %swap3A_279 = vector.shape_cast %swap3A_278 : vector<1x16xf32> to vector<16xf32>
        %swap3A_280 = vector.shape_cast %add3A_275 : vector<16xf32> to vector<1x16xf32>
        tpu.vector_store %arg10[%swap3A_276, %swap3A_277], %swap3A_280 {strides = array<i32>} : memref<40x128xf32, #tpu.memory_space<vmem>>, vector<1x16xf32>,
        %get3A_281 = arith.index_cast %add3A_184 : i32 to index
        %get3A_282 = arith.constant 112 : index
        %get3A_283 = tpu.vector_load %arg10[%get3A_281, %get3A_282] {strides = array<i32>} : memref<40x128xf32, #tpu.memory_space<vmem>>, vector<1x16xf32>,
        %get3A_284 = vector.shape_cast %get3A_283 : vector<1x16xf32> to vector<16xf32>
        %get3A_285 = arith.index_cast %add3A_184 : i32 to index
        %get3A_286 = arith.constant 112 : index
        %get3A_287 = tpu.vector_load %arg11[%get3A_285, %get3A_286] {strides = array<i32>} : memref<40x128xf32, #tpu.memory_space<vmem>>, vector<1x16xf32>,
        %get3A_288 = vector.shape_cast %get3A_287 : vector<1x16xf32> to vector<16xf32>
        %add3A_289 = arith.addf %get3A_284, %get3A_288 : vector<16xf32>
        %swap3A_290 = arith.index_cast %add3A_184 : i32 to index
        %swap3A_291 = arith.constant 112 : index
        %swap3A_292 = tpu.vector_load %arg10[%swap3A_290, %swap3A_291] {strides = array<i32>} : memref<40x128xf32, #tpu.memory_space<vmem>>, vector<1x16xf32>,
        %swap3A_293 = vector.shape_cast %swap3A_292 : vector<1x16xf32> to vector<16xf32>
        %swap3A_294 = vector.shape_cast %add3A_289 : vector<16xf32> to vector<1x16xf32>
        tpu.vector_store %arg10[%swap3A_290, %swap3A_291], %swap3A_294 {strides = array<i32>} : memref<40x128xf32, #tpu.memory_space<vmem>>, vector<1x16xf32>,
      }
      %scan3A_99 = arith.constant 40 : i32
      %mul3A_100 = arith.constant 2 : i32
      %mul3A_101 = arith.muli %mul3A_100, %add3A_80 : i32
      %mul3A_102 = arith.constant 40 : i32
      %mul3A_103 = arith.muli %mul3A_101, %mul3A_102 : i32
      %add3A_104 = arith.addi %mul3A_2, %mul3A_103 : i32
      %dma_start3A_105 = arith.constant 0 : i32
      %dma_start3A_106 = tpu.memref_slice %arg7[%add3A_104, %dma_start3A_105] : memref<160000x128xf32, #tpu.memory_space<hbm>> -> memref<40x128xf32, #tpu.memory_space<hbm>>
      %dma_start3A_107 = arith.constant 0 : i32
      %dma_start3A_108 = tpu.memref_slice %arg7[%add3A_104, %dma_start3A_107] : memref<160000x128xf32, #tpu.memory_space<hbm>> -> memref<40x128xf32, #tpu.memory_space<hbm>>
      tpu.enqueue_dma source(%arg10 : memref<40x128xf32, #tpu.memory_space<vmem>>) target(%dma_start3A_108 : memref<40x128xf32, #tpu.memory_space<hbm>>) target_semaphore(%arg16 : memref<!tpu.dma_semaphore, #tpu.memory_space<semaphore_mem>>)
      %dma_wait3A_109 = arith.constant 0 : i32
      %dma_wait3A_110 = tpu.memref_slice %arg7[%mul3A_2, %dma_wait3A_109] : memref<160000x128xf32, #tpu.memory_space<hbm>> -> memref<40x128xf32, #tpu.memory_space<hbm>>
      %dma_wait3A_111 = arith.constant 0 : i32
      %dma_wait3A_112 = tpu.memref_slice %arg7[%mul3A_2, %dma_wait3A_111] : memref<160000x128xf32, #tpu.memory_space<hbm>> -> memref<40x128xf32, #tpu.memory_space<hbm>>
      tpu.wait_dma2 semaphore(%arg16 : memref<!tpu.dma_semaphore, #tpu.memory_space<semaphore_mem>>) src(%arg10 : memref<40x128xf32, #tpu.memory_space<vmem>>) dst(%dma_wait3A_112 : memref<40x128xf32, #tpu.memory_space<hbm>>)
      %mul3A_113 = arith.constant 2 : i32
      %mul3A_114 = arith.muli %mul3A_113, %add3A_80 : i32
      %add3A_115 = arith.constant 2 : i32
      %add3A_116 = arith.addi %mul3A_114, %add3A_115 : i32
      %dma_start3A_117 = arith.constant 0 : i32
      %dma_start3A_118 = tpu.memref_slice %arg8[%add3A_116, %dma_start3A_117] : memref<125x40xi32, #tpu.memory_space<vmem>> -> memref<1x40xi32, #tpu.memory_space<vmem>>
      %dma_start3A_119 = tpu.memref_squeeze %dma_start3A_118 : memref<1x40xi32, #tpu.memory_space<vmem>> -> memref<40xi32, #tpu.memory_space<vmem>>
      %dma_start3A_120 = arith.constant 0 : i32
      %dma_start3A_121 = arith.constant 0 : i32
      %dma_start3A_122 = tpu.memref_slice %arg2[%dma_start3A_120, %dma_start3A_121] : memref<10000x128xf32, #tpu.memory_space<hbm>> -> memref<10000x128xf32, #tpu.memory_space<hbm>>
      tpu.enqueue_indirect_dma source(%dma_start3A_122 : memref<10000x128xf32, #tpu.memory_space<hbm>>) target(%arg10 : memref<40x128xf32, #tpu.memory_space<vmem>>) offsets(%dma_start3A_119 : memref<40xi32, #tpu.memory_space<vmem>>) semaphore(%arg14 : memref<!tpu.dma_semaphore, #tpu.memory_space<semaphore_mem>>)
      %dma_start3A_123 = arith.constant 0 : i32
      %dma_start3A_124 = tpu.memref_slice %arg9[%add3A_116, %dma_start3A_123] : memref<125x40xi32, #tpu.memory_space<vmem>> -> memref<1x40xi32, #tpu.memory_space<vmem>>
      %dma_start3A_125 = tpu.memref_squeeze %dma_start3A_124 : memref<1x40xi32, #tpu.memory_space<vmem>> -> memref<40xi32, #tpu.memory_space<vmem>>
      %dma_start3A_126 = arith.constant 0 : i32
      %dma_start3A_127 = arith.constant 0 : i32
      %dma_start3A_128 = tpu.memref_slice %arg3[%dma_start3A_126, %dma_start3A_127] : memref<10000x128xf32, #tpu.memory_space<hbm>> -> memref<10000x128xf32, #tpu.memory_space<hbm>>
      tpu.enqueue_indirect_dma source(%dma_start3A_128 : memref<10000x128xf32, #tpu.memory_space<hbm>>) target(%arg11 : memref<40x128xf32, #tpu.memory_space<vmem>>) offsets(%dma_start3A_125 : memref<40xi32, #tpu.memory_space<vmem>>) semaphore(%arg14 : memref<!tpu.dma_semaphore, #tpu.memory_space<semaphore_mem>>)
      %dma_wait3A_129 = arith.constant 0 : i32
      %dma_wait3A_130 = arith.constant 0 : i32
      %dma_wait3A_131 = tpu.memref_slice %arg8[%dma_wait3A_129, %dma_wait3A_130] : memref<125x40xi32, #tpu.memory_space<vmem>> -> memref<1x40xi32, #tpu.memory_space<vmem>>
      %dma_wait3A_132 = tpu.memref_squeeze %dma_wait3A_131 : memref<1x40xi32, #tpu.memory_space<vmem>> -> memref<40xi32, #tpu.memory_space<vmem>>
      %dma_wait3A_133 = arith.constant 0 : i32
      %dma_wait3A_134 = arith.constant 0 : i32
      %dma_wait3A_135 = tpu.memref_slice %arg2[%dma_wait3A_133, %dma_wait3A_134] : memref<10000x128xf32, #tpu.memory_space<hbm>> -> memref<10000x128xf32, #tpu.memory_space<hbm>>
      tpu.wait_indirect_dma semaphore(%arg15 : memref<!tpu.dma_semaphore, #tpu.memory_space<semaphore_mem>>) src(%dma_wait3A_135 : memref<10000x128xf32, #tpu.memory_space<hbm>>) dst(%arg12 : memref<40x128xf32, #tpu.memory_space<vmem>>)
      %dma_wait3A_136 = arith.constant 0 : i32
      %dma_wait3A_137 = arith.constant 0 : i32
      %dma_wait3A_138 = tpu.memref_slice %arg9[%dma_wait3A_136, %dma_wait3A_137] : memref<125x40xi32, #tpu.memory_space<vmem>> -> memref<1x40xi32, #tpu.memory_space<vmem>>
      %dma_wait3A_139 = tpu.memref_squeeze %dma_wait3A_138 : memref<1x40xi32, #tpu.memory_space<vmem>> -> memref<40xi32, #tpu.memory_space<vmem>>
      %dma_wait3A_140 = arith.constant 0 : i32
      %dma_wait3A_141 = arith.constant 0 : i32
      %dma_wait3A_142 = tpu.memref_slice %arg3[%dma_wait3A_140, %dma_wait3A_141] : memref<10000x128xf32, #tpu.memory_space<hbm>> -> memref<10000x128xf32, #tpu.memory_space<hbm>>
      tpu.wait_indirect_dma semaphore(%arg15 : memref<!tpu.dma_semaphore, #tpu.memory_space<semaphore_mem>>) src(%dma_wait3A_142 : memref<10000x128xf32, #tpu.memory_space<hbm>>) dst(%arg13 : memref<40x128xf32, #tpu.memory_space<vmem>>)
      %scan3A_143 = arith.constant 0 : i32
      %scan3A_144 = arith.constant 40 : i32
      %scan3A_145 = arith.addi %scan3A_143, %scan3A_144 : i32
      %scan3A_146 = arith.constant 1 : i32
      scf.for %scan3A_180 = %scan3A_143 to %scan3A_145 step %scan3A_146  : i32 {
        %mul3A_181 = arith.constant 1 : i32
        %mul3A_182 = arith.muli %scan3A_180, %mul3A_181 : i32
        %add3A_183 = arith.constant 0 : i32
        %add3A_184 = arith.addi %add3A_183, %mul3A_182 : i32
        %get3A = arith.index_cast %add3A_184 : i32 to index
        %get3A_185 = arith.constant 0 : index
        %get3A_186 = tpu.vector_load %arg12[%get3A, %get3A_185] {strides = array<i32>} : memref<40x128xf32, #tpu.memory_space<vmem>>, vector<1x16xf32>,
        %get3A_187 = vector.shape_cast %get3A_186 : vector<1x16xf32> to vector<16xf32>
        %get3A_188 = arith.index_cast %add3A_184 : i32 to index
        %get3A_189 = arith.constant 0 : index
        %get3A_190 = tpu.vector_load %arg13[%get3A_188, %get3A_189] {strides = array<i32>} : memref<40x128xf32, #tpu.memory_space<vmem>>, vector<1x16xf32>,
        %get3A_191 = vector.shape_cast %get3A_190 : vector<1x16xf32> to vector<16xf32>
        %add3A_192 = arith.addf %get3A_187, %get3A_191 : vector<16xf32>
        %swap3A = arith.index_cast %add3A_184 : i32 to index
        %swap3A_193 = arith.constant 0 : index
        %swap3A_194 = tpu.vector_load %arg12[%swap3A, %swap3A_193] {strides = array<i32>} : memref<40x128xf32, #tpu.memory_space<vmem>>, vector<1x16xf32>,
        %swap3A_195 = vector.shape_cast %swap3A_194 : vector<1x16xf32> to vector<16xf32>
        %swap3A_196 = vector.shape_cast %add3A_192 : vector<16xf32> to vector<1x16xf32>
        tpu.vector_store %arg12[%swap3A, %swap3A_193], %swap3A_196 {strides = array<i32>} : memref<40x128xf32, #tpu.memory_space<vmem>>, vector<1x16xf32>,
        %get3A_197 = arith.index_cast %add3A_184 : i32 to index
        %get3A_198 = arith.constant 16 : index
        %get3A_199 = tpu.vector_load %arg12[%get3A_197, %get3A_198] {strides = array<i32>} : memref<40x128xf32, #tpu.memory_space<vmem>>, vector<1x16xf32>,
        %get3A_200 = vector.shape_cast %get3A_199 : vector<1x16xf32> to vector<16xf32>
        %get3A_201 = arith.index_cast %add3A_184 : i32 to index
        %get3A_202 = arith.constant 16 : index
        %get3A_203 = tpu.vector_load %arg13[%get3A_201, %get3A_202] {strides = array<i32>} : memref<40x128xf32, #tpu.memory_space<vmem>>, vector<1x16xf32>,
        %get3A_204 = vector.shape_cast %get3A_203 : vector<1x16xf32> to vector<16xf32>
        %add3A_205 = arith.addf %get3A_200, %get3A_204 : vector<16xf32>
        %swap3A_206 = arith.index_cast %add3A_184 : i32 to index
        %swap3A_207 = arith.constant 16 : index
        %swap3A_208 = tpu.vector_load %arg12[%swap3A_206, %swap3A_207] {strides = array<i32>} : memref<40x128xf32, #tpu.memory_space<vmem>>, vector<1x16xf32>,
        %swap3A_209 = vector.shape_cast %swap3A_208 : vector<1x16xf32> to vector<16xf32>
        %swap3A_210 = vector.shape_cast %add3A_205 : vector<16xf32> to vector<1x16xf32>
        tpu.vector_store %arg12[%swap3A_206, %swap3A_207], %swap3A_210 {strides = array<i32>} : memref<40x128xf32, #tpu.memory_space<vmem>>, vector<1x16xf32>,
        %get3A_211 = arith.index_cast %add3A_184 : i32 to index
        %get3A_212 = arith.constant 32 : index
        %get3A_213 = tpu.vector_load %arg12[%get3A_211, %get3A_212] {strides = array<i32>} : memref<40x128xf32, #tpu.memory_space<vmem>>, vector<1x16xf32>,
        %get3A_214 = vector.shape_cast %get3A_213 : vector<1x16xf32> to vector<16xf32>
        %get3A_215 = arith.index_cast %add3A_184 : i32 to index
        %get3A_216 = arith.constant 32 : index
        %get3A_217 = tpu.vector_load %arg13[%get3A_215, %get3A_216] {strides = array<i32>} : memref<40x128xf32, #tpu.memory_space<vmem>>, vector<1x16xf32>,
        %get3A_218 = vector.shape_cast %get3A_217 : vector<1x16xf32> to vector<16xf32>
        %add3A_219 = arith.addf %get3A_214, %get3A_218 : vector<16xf32>
        %swap3A_220 = arith.index_cast %add3A_184 : i32 to index
        %swap3A_221 = arith.constant 32 : index
        %swap3A_222 = tpu.vector_load %arg12[%swap3A_220, %swap3A_221] {strides = array<i32>} : memref<40x128xf32, #tpu.memory_space<vmem>>, vector<1x16xf32>,
        %swap3A_223 = vector.shape_cast %swap3A_222 : vector<1x16xf32> to vector<16xf32>
        %swap3A_224 = vector.shape_cast %add3A_219 : vector<16xf32> to vector<1x16xf32>
        tpu.vector_store %arg12[%swap3A_220, %swap3A_221], %swap3A_224 {strides = array<i32>} : memref<40x128xf32, #tpu.memory_space<vmem>>, vector<1x16xf32>,
        %get3A_225 = arith.index_cast %add3A_184 : i32 to index
        %get3A_226 = arith.constant 48 : index
        %get3A_227 = tpu.vector_load %arg12[%get3A_225, %get3A_226] {strides = array<i32>} : memref<40x128xf32, #tpu.memory_space<vmem>>, vector<1x16xf32>,
        %get3A_228 = vector.shape_cast %get3A_227 : vector<1x16xf32> to vector<16xf32>
        %get3A_229 = arith.index_cast %add3A_184 : i32 to index
        %get3A_230 = arith.constant 48 : index
        %get3A_231 = tpu.vector_load %arg13[%get3A_229, %get3A_230] {strides = array<i32>} : memref<40x128xf32, #tpu.memory_space<vmem>>, vector<1x16xf32>,
        %get3A_232 = vector.shape_cast %get3A_231 : vector<1x16xf32> to vector<16xf32>
        %add3A_233 = arith.addf %get3A_228, %get3A_232 : vector<16xf32>
        %swap3A_234 = arith.index_cast %add3A_184 : i32 to index
        %swap3A_235 = arith.constant 48 : index
        %swap3A_236 = tpu.vector_load %arg12[%swap3A_234, %swap3A_235] {strides = array<i32>} : memref<40x128xf32, #tpu.memory_space<vmem>>, vector<1x16xf32>,
        %swap3A_237 = vector.shape_cast %swap3A_236 : vector<1x16xf32> to vector<16xf32>
        %swap3A_238 = vector.shape_cast %add3A_233 : vector<16xf32> to vector<1x16xf32>
        tpu.vector_store %arg12[%swap3A_234, %swap3A_235], %swap3A_238 {strides = array<i32>} : memref<40x128xf32, #tpu.memory_space<vmem>>, vector<1x16xf32>,
        %get3A_239 = arith.index_cast %add3A_184 : i32 to index
        %get3A_240 = arith.constant 64 : index
        %get3A_241 = tpu.vector_load %arg12[%get3A_239, %get3A_240] {strides = array<i32>} : memref<40x128xf32, #tpu.memory_space<vmem>>, vector<1x16xf32>,
        %get3A_242 = vector.shape_cast %get3A_241 : vector<1x16xf32> to vector<16xf32>
        %get3A_243 = arith.index_cast %add3A_184 : i32 to index
        %get3A_244 = arith.constant 64 : index
        %get3A_245 = tpu.vector_load %arg13[%get3A_243, %get3A_244] {strides = array<i32>} : memref<40x128xf32, #tpu.memory_space<vmem>>, vector<1x16xf32>,
        %get3A_246 = vector.shape_cast %get3A_245 : vector<1x16xf32> to vector<16xf32>
        %add3A_247 = arith.addf %get3A_242, %get3A_246 : vector<16xf32>
        %swap3A_248 = arith.index_cast %add3A_184 : i32 to index
        %swap3A_249 = arith.constant 64 : index
        %swap3A_250 = tpu.vector_load %arg12[%swap3A_248, %swap3A_249] {strides = array<i32>} : memref<40x128xf32, #tpu.memory_space<vmem>>, vector<1x16xf32>,
        %swap3A_251 = vector.shape_cast %swap3A_250 : vector<1x16xf32> to vector<16xf32>
        %swap3A_252 = vector.shape_cast %add3A_247 : vector<16xf32> to vector<1x16xf32>
        tpu.vector_store %arg12[%swap3A_248, %swap3A_249], %swap3A_252 {strides = array<i32>} : memref<40x128xf32, #tpu.memory_space<vmem>>, vector<1x16xf32>,
        %get3A_253 = arith.index_cast %add3A_184 : i32 to index
        %get3A_254 = arith.constant 80 : index
        %get3A_255 = tpu.vector_load %arg12[%get3A_253, %get3A_254] {strides = array<i32>} : memref<40x128xf32, #tpu.memory_space<vmem>>, vector<1x16xf32>,
        %get3A_256 = vector.shape_cast %get3A_255 : vector<1x16xf32> to vector<16xf32>
        %get3A_257 = arith.index_cast %add3A_184 : i32 to index
        %get3A_258 = arith.constant 80 : index
        %get3A_259 = tpu.vector_load %arg13[%get3A_257, %get3A_258] {strides = array<i32>} : memref<40x128xf32, #tpu.memory_space<vmem>>, vector<1x16xf32>,
        %get3A_260 = vector.shape_cast %get3A_259 : vector<1x16xf32> to vector<16xf32>
        %add3A_261 = arith.addf %get3A_256, %get3A_260 : vector<16xf32>
        %swap3A_262 = arith.index_cast %add3A_184 : i32 to index
        %swap3A_263 = arith.constant 80 : index
        %swap3A_264 = tpu.vector_load %arg12[%swap3A_262, %swap3A_263] {strides = array<i32>} : memref<40x128xf32, #tpu.memory_space<vmem>>, vector<1x16xf32>,
        %swap3A_265 = vector.shape_cast %swap3A_264 : vector<1x16xf32> to vector<16xf32>
        %swap3A_266 = vector.shape_cast %add3A_261 : vector<16xf32> to vector<1x16xf32>
        tpu.vector_store %arg12[%swap3A_262, %swap3A_263], %swap3A_266 {strides = array<i32>} : memref<40x128xf32, #tpu.memory_space<vmem>>, vector<1x16xf32>,
        %get3A_267 = arith.index_cast %add3A_184 : i32 to index
        %get3A_268 = arith.constant 96 : index
        %get3A_269 = tpu.vector_load %arg12[%get3A_267, %get3A_268] {strides = array<i32>} : memref<40x128xf32, #tpu.memory_space<vmem>>, vector<1x16xf32>,
        %get3A_270 = vector.shape_cast %get3A_269 : vector<1x16xf32> to vector<16xf32>
        %get3A_271 = arith.index_cast %add3A_184 : i32 to index
        %get3A_272 = arith.constant 96 : index
        %get3A_273 = tpu.vector_load %arg13[%get3A_271, %get3A_272] {strides = array<i32>} : memref<40x128xf32, #tpu.memory_space<vmem>>, vector<1x16xf32>,
        %get3A_274 = vector.shape_cast %get3A_273 : vector<1x16xf32> to vector<16xf32>
        %add3A_275 = arith.addf %get3A_270, %get3A_274 : vector<16xf32>
        %swap3A_276 = arith.index_cast %add3A_184 : i32 to index
        %swap3A_277 = arith.constant 96 : index
        %swap3A_278 = tpu.vector_load %arg12[%swap3A_276, %swap3A_277] {strides = array<i32>} : memref<40x128xf32, #tpu.memory_space<vmem>>, vector<1x16xf32>,
        %swap3A_279 = vector.shape_cast %swap3A_278 : vector<1x16xf32> to vector<16xf32>
        %swap3A_280 = vector.shape_cast %add3A_275 : vector<16xf32> to vector<1x16xf32>
        tpu.vector_store %arg12[%swap3A_276, %swap3A_277], %swap3A_280 {strides = array<i32>} : memref<40x128xf32, #tpu.memory_space<vmem>>, vector<1x16xf32>,
        %get3A_281 = arith.index_cast %add3A_184 : i32 to index
        %get3A_282 = arith.constant 112 : index
        %get3A_283 = tpu.vector_load %arg12[%get3A_281, %get3A_282] {strides = array<i32>} : memref<40x128xf32, #tpu.memory_space<vmem>>, vector<1x16xf32>,
        %get3A_284 = vector.shape_cast %get3A_283 : vector<1x16xf32> to vector<16xf32>
        %get3A_285 = arith.index_cast %add3A_184 : i32 to index
        %get3A_286 = arith.constant 112 : index
        %get3A_287 = tpu.vector_load %arg13[%get3A_285, %get3A_286] {strides = array<i32>} : memref<40x128xf32, #tpu.memory_space<vmem>>, vector<1x16xf32>,
        %get3A_288 = vector.shape_cast %get3A_287 : vector<1x16xf32> to vector<16xf32>
        %add3A_289 = arith.addf %get3A_284, %get3A_288 : vector<16xf32>
        %swap3A_290 = arith.index_cast %add3A_184 : i32 to index
        %swap3A_291 = arith.constant 112 : index
        %swap3A_292 = tpu.vector_load %arg12[%swap3A_290, %swap3A_291] {strides = array<i32>} : memref<40x128xf32, #tpu.memory_space<vmem>>, vector<1x16xf32>,
        %swap3A_293 = vector.shape_cast %swap3A_292 : vector<1x16xf32> to vector<16xf32>
        %swap3A_294 = vector.shape_cast %add3A_289 : vector<16xf32> to vector<1x16xf32>
        tpu.vector_store %arg12[%swap3A_290, %swap3A_291], %swap3A_294 {strides = array<i32>} : memref<40x128xf32, #tpu.memory_space<vmem>>, vector<1x16xf32>,
      }
      %scan3A_147 = arith.constant 40 : i32
      %mul3A_148 = arith.constant 2 : i32
      %mul3A_149 = arith.muli %mul3A_148, %add3A_80 : i32
      %add3A_150 = arith.constant 1 : i32
      %add3A_151 = arith.addi %mul3A_149, %add3A_150 : i32
      %mul3A_152 = arith.constant 40 : i32
      %mul3A_153 = arith.muli %add3A_151, %mul3A_152 : i32
      %add3A_154 = arith.addi %mul3A_2, %mul3A_153 : i32
      %dma_start3A_155 = arith.constant 0 : i32
      %dma_start3A_156 = tpu.memref_slice %arg7[%add3A_154, %dma_start3A_155] : memref<160000x128xf32, #tpu.memory_space<hbm>> -> memref<40x128xf32, #tpu.memory_space<hbm>>
      %dma_start3A_157 = arith.constant 0 : i32
      %dma_start3A_158 = tpu.memref_slice %arg7[%add3A_154, %dma_start3A_157] : memref<160000x128xf32, #tpu.memory_space<hbm>> -> memref<40x128xf32, #tpu.memory_space<hbm>>
      tpu.enqueue_dma source(%arg12 : memref<40x128xf32, #tpu.memory_space<vmem>>) target(%dma_start3A_158 : memref<40x128xf32, #tpu.memory_space<hbm>>) target_semaphore(%arg17 : memref<!tpu.dma_semaphore, #tpu.memory_space<semaphore_mem>>)
      %dma_wait3A_159 = arith.constant 0 : i32
      %dma_wait3A_160 = tpu.memref_slice %arg7[%mul3A_2, %dma_wait3A_159] : memref<160000x128xf32, #tpu.memory_space<hbm>> -> memref<40x128xf32, #tpu.memory_space<hbm>>
      %dma_wait3A_161 = arith.constant 0 : i32
      %dma_wait3A_162 = tpu.memref_slice %arg7[%mul3A_2, %dma_wait3A_161] : memref<160000x128xf32, #tpu.memory_space<hbm>> -> memref<40x128xf32, #tpu.memory_space<hbm>>
      tpu.wait_dma2 semaphore(%arg17 : memref<!tpu.dma_semaphore, #tpu.memory_space<semaphore_mem>>) src(%arg12 : memref<40x128xf32, #tpu.memory_space<vmem>>) dst(%dma_wait3A_162 : memref<40x128xf32, #tpu.memory_space<hbm>>)
      %mul3A_163 = arith.constant 2 : i32
      %mul3A_164 = arith.muli %mul3A_163, %add3A_80 : i32
      %add3A_165 = arith.constant 3 : i32
      %add3A_166 = arith.addi %mul3A_164, %add3A_165 : i32
      %min3A = arith.constant 124 : i32
      %min3A_167 = arith.minsi %add3A_166, %min3A : i32
      %dma_start3A_168 = arith.constant 0 : i32
      %dma_start3A_169 = tpu.memref_slice %arg8[%min3A_167, %dma_start3A_168] : memref<125x40xi32, #tpu.memory_space<vmem>> -> memref<1x40xi32, #tpu.memory_space<vmem>>
      %dma_start3A_170 = tpu.memref_squeeze %dma_start3A_169 : memref<1x40xi32, #tpu.memory_space<vmem>> -> memref<40xi32, #tpu.memory_space<vmem>>
      %dma_start3A_171 = arith.constant 0 : i32
      %dma_start3A_172 = arith.constant 0 : i32
      %dma_start3A_173 = tpu.memref_slice %arg2[%dma_start3A_171, %dma_start3A_172] : memref<10000x128xf32, #tpu.memory_space<hbm>> -> memref<10000x128xf32, #tpu.memory_space<hbm>>
      tpu.enqueue_indirect_dma source(%dma_start3A_173 : memref<10000x128xf32, #tpu.memory_space<hbm>>) target(%arg12 : memref<40x128xf32, #tpu.memory_space<vmem>>) offsets(%dma_start3A_170 : memref<40xi32, #tpu.memory_space<vmem>>) semaphore(%arg15 : memref<!tpu.dma_semaphore, #tpu.memory_space<semaphore_mem>>)
      %dma_start3A_174 = arith.constant 0 : i32
      %dma_start3A_175 = tpu.memref_slice %arg9[%min3A_167, %dma_start3A_174] : memref<125x40xi32, #tpu.memory_space<vmem>> -> memref<1x40xi32, #tpu.memory_space<vmem>>
      %dma_start3A_176 = tpu.memref_squeeze %dma_start3A_175 : memref<1x40xi32, #tpu.memory_space<vmem>> -> memref<40xi32, #tpu.memory_space<vmem>>
      %dma_start3A_177 = arith.constant 0 : i32
      %dma_start3A_178 = arith.constant 0 : i32
      %dma_start3A_179 = tpu.memref_slice %arg3[%dma_start3A_177, %dma_start3A_178] : memref<10000x128xf32, #tpu.memory_space<hbm>> -> memref<10000x128xf32, #tpu.memory_space<hbm>>
      tpu.enqueue_indirect_dma source(%dma_start3A_179 : memref<10000x128xf32, #tpu.memory_space<hbm>>) target(%arg13 : memref<40x128xf32, #tpu.memory_space<vmem>>) offsets(%dma_start3A_176 : memref<40xi32, #tpu.memory_space<vmem>>) semaphore(%arg15 : memref<!tpu.dma_semaphore, #tpu.memory_space<semaphore_mem>>)
    }
    %scan3A_33 = arith.constant 62 : i32
    %dma_wait3A = arith.constant 0 : i32
    %dma_wait3A_34 = arith.constant 0 : i32
    %dma_wait3A_35 = tpu.memref_slice %arg8[%dma_wait3A, %dma_wait3A_34] : memref<125x40xi32, #tpu.memory_space<vmem>> -> memref<1x40xi32, #tpu.memory_space<vmem>>
    %dma_wait3A_36 = tpu.memref_squeeze %dma_wait3A_35 : memref<1x40xi32, #tpu.memory_space<vmem>> -> memref<40xi32, #tpu.memory_space<vmem>>
    %dma_wait3A_37 = arith.constant 0 : i32
    %dma_wait3A_38 = arith.constant 0 : i32
    %dma_wait3A_39 = tpu.memref_slice %arg2[%dma_wait3A_37, %dma_wait3A_38] : memref<10000x128xf32, #tpu.memory_space<hbm>> -> memref<10000x128xf32, #tpu.memory_space<hbm>>
    tpu.wait_indirect_dma semaphore(%arg14 : memref<!tpu.dma_semaphore, #tpu.memory_space<semaphore_mem>>) src(%dma_wait3A_39 : memref<10000x128xf32, #tpu.memory_space<hbm>>) dst(%arg10 : memref<40x128xf32, #tpu.memory_space<vmem>>)
    %dma_wait3A_40 = arith.constant 0 : i32
    %dma_wait3A_41 = arith.constant 0 : i32
    %dma_wait3A_42 = tpu.memref_slice %arg9[%dma_wait3A_40, %dma_wait3A_41] : memref<125x40xi32, #tpu.memory_space<vmem>> -> memref<1x40xi32, #tpu.memory_space<vmem>>
    %dma_wait3A_43 = tpu.memref_squeeze %dma_wait3A_42 : memref<1x40xi32, #tpu.memory_space<vmem>> -> memref<40xi32, #tpu.memory_space<vmem>>
    %dma_wait3A_44 = arith.constant 0 : i32
    %dma_wait3A_45 = arith.constant 0 : i32
    %dma_wait3A_46 = tpu.memref_slice %arg3[%dma_wait3A_44, %dma_wait3A_45] : memref<10000x128xf32, #tpu.memory_space<hbm>> -> memref<10000x128xf32, #tpu.memory_space<hbm>>
    tpu.wait_indirect_dma semaphore(%arg14 : memref<!tpu.dma_semaphore, #tpu.memory_space<semaphore_mem>>) src(%dma_wait3A_46 : memref<10000x128xf32, #tpu.memory_space<hbm>>) dst(%arg11 : memref<40x128xf32, #tpu.memory_space<vmem>>)
    %scan3A_47 = arith.constant 0 : i32
    %scan3A_48 = arith.constant 40 : i32
    %scan3A_49 = arith.addi %scan3A_47, %scan3A_48 : i32
    %scan3A_50 = arith.constant 1 : i32
    scf.for %scan3A_76 = %scan3A_47 to %scan3A_49 step %scan3A_50  : i32 {
      %mul3A_77 = arith.constant 1 : i32
      %mul3A_78 = arith.muli %scan3A_76, %mul3A_77 : i32
      %add3A_79 = arith.constant 0 : i32
      %add3A_80 = arith.addi %add3A_79, %mul3A_78 : i32
      %get3A = arith.index_cast %add3A_80 : i32 to index
      %get3A_81 = arith.constant 0 : index
      %get3A_82 = tpu.vector_load %arg10[%get3A, %get3A_81] {strides = array<i32>} : memref<40x128xf32, #tpu.memory_space<vmem>>, vector<1x16xf32>,
      %get3A_83 = vector.shape_cast %get3A_82 : vector<1x16xf32> to vector<16xf32>
      %get3A_84 = arith.index_cast %add3A_80 : i32 to index
      %get3A_85 = arith.constant 0 : index
      %get3A_86 = tpu.vector_load %arg11[%get3A_84, %get3A_85] {strides = array<i32>} : memref<40x128xf32, #tpu.memory_space<vmem>>, vector<1x16xf32>,
      %get3A_87 = vector.shape_cast %get3A_86 : vector<1x16xf32> to vector<16xf32>
      %add3A_88 = arith.addf %get3A_83, %get3A_87 : vector<16xf32>
      %swap3A = arith.index_cast %add3A_80 : i32 to index
      %swap3A_89 = arith.constant 0 : index
      %swap3A_90 = tpu.vector_load %arg10[%swap3A, %swap3A_89] {strides = array<i32>} : memref<40x128xf32, #tpu.memory_space<vmem>>, vector<1x16xf32>,
      %swap3A_91 = vector.shape_cast %swap3A_90 : vector<1x16xf32> to vector<16xf32>
      %swap3A_92 = vector.shape_cast %add3A_88 : vector<16xf32> to vector<1x16xf32>
      tpu.vector_store %arg10[%swap3A, %swap3A_89], %swap3A_92 {strides = array<i32>} : memref<40x128xf32, #tpu.memory_space<vmem>>, vector<1x16xf32>,
      %get3A_93 = arith.index_cast %add3A_80 : i32 to index
      %get3A_94 = arith.constant 16 : index
      %get3A_95 = tpu.vector_load %arg10[%get3A_93, %get3A_94] {strides = array<i32>} : memref<40x128xf32, #tpu.memory_space<vmem>>, vector<1x16xf32>,
      %get3A_96 = vector.shape_cast %get3A_95 : vector<1x16xf32> to vector<16xf32>
      %get3A_97 = arith.index_cast %add3A_80 : i32 to index
      %get3A_98 = arith.constant 16 : index
      %get3A_99 = tpu.vector_load %arg11[%get3A_97, %get3A_98] {strides = array<i32>} : memref<40x128xf32, #tpu.memory_space<vmem>>, vector<1x16xf32>,
      %get3A_100 = vector.shape_cast %get3A_99 : vector<1x16xf32> to vector<16xf32>
      %add3A_101 = arith.addf %get3A_96, %get3A_100 : vector<16xf32>
      %swap3A_102 = arith.index_cast %add3A_80 : i32 to index
      %swap3A_103 = arith.constant 16 : index
      %swap3A_104 = tpu.vector_load %arg10[%swap3A_102, %swap3A_103] {strides = array<i32>} : memref<40x128xf32, #tpu.memory_space<vmem>>, vector<1x16xf32>,
      %swap3A_105 = vector.shape_cast %swap3A_104 : vector<1x16xf32> to vector<16xf32>
      %swap3A_106 = vector.shape_cast %add3A_101 : vector<16xf32> to vector<1x16xf32>
      tpu.vector_store %arg10[%swap3A_102, %swap3A_103], %swap3A_106 {strides = array<i32>} : memref<40x128xf32, #tpu.memory_space<vmem>>, vector<1x16xf32>,
      %get3A_107 = arith.index_cast %add3A_80 : i32 to index
      %get3A_108 = arith.constant 32 : index
      %get3A_109 = tpu.vector_load %arg10[%get3A_107, %get3A_108] {strides = array<i32>} : memref<40x128xf32, #tpu.memory_space<vmem>>, vector<1x16xf32>,
      %get3A_110 = vector.shape_cast %get3A_109 : vector<1x16xf32> to vector<16xf32>
      %get3A_111 = arith.index_cast %add3A_80 : i32 to index
      %get3A_112 = arith.constant 32 : index
      %get3A_113 = tpu.vector_load %arg11[%get3A_111, %get3A_112] {strides = array<i32>} : memref<40x128xf32, #tpu.memory_space<vmem>>, vector<1x16xf32>,
      %get3A_114 = vector.shape_cast %get3A_113 : vector<1x16xf32> to vector<16xf32>
      %add3A_115 = arith.addf %get3A_110, %get3A_114 : vector<16xf32>
      %swap3A_116 = arith.index_cast %add3A_80 : i32 to index
      %swap3A_117 = arith.constant 32 : index
      %swap3A_118 = tpu.vector_load %arg10[%swap3A_116, %swap3A_117] {strides = array<i32>} : memref<40x128xf32, #tpu.memory_space<vmem>>, vector<1x16xf32>,
      %swap3A_119 = vector.shape_cast %swap3A_118 : vector<1x16xf32> to vector<16xf32>
      %swap3A_120 = vector.shape_cast %add3A_115 : vector<16xf32> to vector<1x16xf32>
      tpu.vector_store %arg10[%swap3A_116, %swap3A_117], %swap3A_120 {strides = array<i32>} : memref<40x128xf32, #tpu.memory_space<vmem>>, vector<1x16xf32>,
      %get3A_121 = arith.index_cast %add3A_80 : i32 to index
      %get3A_122 = arith.constant 48 : index
      %get3A_123 = tpu.vector_load %arg10[%get3A_121, %get3A_122] {strides = array<i32>} : memref<40x128xf32, #tpu.memory_space<vmem>>, vector<1x16xf32>,
      %get3A_124 = vector.shape_cast %get3A_123 : vector<1x16xf32> to vector<16xf32>
      %get3A_125 = arith.index_cast %add3A_80 : i32 to index
      %get3A_126 = arith.constant 48 : index
      %get3A_127 = tpu.vector_load %arg11[%get3A_125, %get3A_126] {strides = array<i32>} : memref<40x128xf32, #tpu.memory_space<vmem>>, vector<1x16xf32>,
      %get3A_128 = vector.shape_cast %get3A_127 : vector<1x16xf32> to vector<16xf32>
      %add3A_129 = arith.addf %get3A_124, %get3A_128 : vector<16xf32>
      %swap3A_130 = arith.index_cast %add3A_80 : i32 to index
      %swap3A_131 = arith.constant 48 : index
      %swap3A_132 = tpu.vector_load %arg10[%swap3A_130, %swap3A_131] {strides = array<i32>} : memref<40x128xf32, #tpu.memory_space<vmem>>, vector<1x16xf32>,
      %swap3A_133 = vector.shape_cast %swap3A_132 : vector<1x16xf32> to vector<16xf32>
      %swap3A_134 = vector.shape_cast %add3A_129 : vector<16xf32> to vector<1x16xf32>
      tpu.vector_store %arg10[%swap3A_130, %swap3A_131], %swap3A_134 {strides = array<i32>} : memref<40x128xf32, #tpu.memory_space<vmem>>, vector<1x16xf32>,
      %get3A_135 = arith.index_cast %add3A_80 : i32 to index
      %get3A_136 = arith.constant 64 : index
      %get3A_137 = tpu.vector_load %arg10[%get3A_135, %get3A_136] {strides = array<i32>} : memref<40x128xf32, #tpu.memory_space<vmem>>, vector<1x16xf32>,
      %get3A_138 = vector.shape_cast %get3A_137 : vector<1x16xf32> to vector<16xf32>
      %get3A_139 = arith.index_cast %add3A_80 : i32 to index
      %get3A_140 = arith.constant 64 : index
      %get3A_141 = tpu.vector_load %arg11[%get3A_139, %get3A_140] {strides = array<i32>} : memref<40x128xf32, #tpu.memory_space<vmem>>, vector<1x16xf32>,
      %get3A_142 = vector.shape_cast %get3A_141 : vector<1x16xf32> to vector<16xf32>
      %add3A_143 = arith.addf %get3A_138, %get3A_142 : vector<16xf32>
      %swap3A_144 = arith.index_cast %add3A_80 : i32 to index
      %swap3A_145 = arith.constant 64 : index
      %swap3A_146 = tpu.vector_load %arg10[%swap3A_144, %swap3A_145] {strides = array<i32>} : memref<40x128xf32, #tpu.memory_space<vmem>>, vector<1x16xf32>,
      %swap3A_147 = vector.shape_cast %swap3A_146 : vector<1x16xf32> to vector<16xf32>
      %swap3A_148 = vector.shape_cast %add3A_143 : vector<16xf32> to vector<1x16xf32>
      tpu.vector_store %arg10[%swap3A_144, %swap3A_145], %swap3A_148 {strides = array<i32>} : memref<40x128xf32, #tpu.memory_space<vmem>>, vector<1x16xf32>,
      %get3A_149 = arith.index_cast %add3A_80 : i32 to index
      %get3A_150 = arith.constant 80 : index
      %get3A_151 = tpu.vector_load %arg10[%get3A_149, %get3A_150] {strides = array<i32>} : memref<40x128xf32, #tpu.memory_space<vmem>>, vector<1x16xf32>,
      %get3A_152 = vector.shape_cast %get3A_151 : vector<1x16xf32> to vector<16xf32>
      %get3A_153 = arith.index_cast %add3A_80 : i32 to index
      %get3A_154 = arith.constant 80 : index
      %get3A_155 = tpu.vector_load %arg11[%get3A_153, %get3A_154] {strides = array<i32>} : memref<40x128xf32, #tpu.memory_space<vmem>>, vector<1x16xf32>,
      %get3A_156 = vector.shape_cast %get3A_155 : vector<1x16xf32> to vector<16xf32>
      %add3A_157 = arith.addf %get3A_152, %get3A_156 : vector<16xf32>
      %swap3A_158 = arith.index_cast %add3A_80 : i32 to index
      %swap3A_159 = arith.constant 80 : index
      %swap3A_160 = tpu.vector_load %arg10[%swap3A_158, %swap3A_159] {strides = array<i32>} : memref<40x128xf32, #tpu.memory_space<vmem>>, vector<1x16xf32>,
      %swap3A_161 = vector.shape_cast %swap3A_160 : vector<1x16xf32> to vector<16xf32>
      %swap3A_162 = vector.shape_cast %add3A_157 : vector<16xf32> to vector<1x16xf32>
      tpu.vector_store %arg10[%swap3A_158, %swap3A_159], %swap3A_162 {strides = array<i32>} : memref<40x128xf32, #tpu.memory_space<vmem>>, vector<1x16xf32>,
      %get3A_163 = arith.index_cast %add3A_80 : i32 to index
      %get3A_164 = arith.constant 96 : index
      %get3A_165 = tpu.vector_load %arg10[%get3A_163, %get3A_164] {strides = array<i32>} : memref<40x128xf32, #tpu.memory_space<vmem>>, vector<1x16xf32>,
      %get3A_166 = vector.shape_cast %get3A_165 : vector<1x16xf32> to vector<16xf32>
      %get3A_167 = arith.index_cast %add3A_80 : i32 to index
      %get3A_168 = arith.constant 96 : index
      %get3A_169 = tpu.vector_load %arg11[%get3A_167, %get3A_168] {strides = array<i32>} : memref<40x128xf32, #tpu.memory_space<vmem>>, vector<1x16xf32>,
      %get3A_170 = vector.shape_cast %get3A_169 : vector<1x16xf32> to vector<16xf32>
      %add3A_171 = arith.addf %get3A_166, %get3A_170 : vector<16xf32>
      %swap3A_172 = arith.index_cast %add3A_80 : i32 to index
      %swap3A_173 = arith.constant 96 : index
      %swap3A_174 = tpu.vector_load %arg10[%swap3A_172, %swap3A_173] {strides = array<i32>} : memref<40x128xf32, #tpu.memory_space<vmem>>, vector<1x16xf32>,
      %swap3A_175 = vector.shape_cast %swap3A_174 : vector<1x16xf32> to vector<16xf32>
      %swap3A_176 = vector.shape_cast %add3A_171 : vector<16xf32> to vector<1x16xf32>
      tpu.vector_store %arg10[%swap3A_172, %swap3A_173], %swap3A_176 {strides = array<i32>} : memref<40x128xf32, #tpu.memory_space<vmem>>, vector<1x16xf32>,
      %get3A_177 = arith.index_cast %add3A_80 : i32 to index
      %get3A_178 = arith.constant 112 : index
      %get3A_179 = tpu.vector_load %arg10[%get3A_177, %get3A_178] {strides = array<i32>} : memref<40x128xf32, #tpu.memory_space<vmem>>, vector<1x16xf32>,
      %get3A_180 = vector.shape_cast %get3A_179 : vector<1x16xf32> to vector<16xf32>
      %get3A_181 = arith.index_cast %add3A_80 : i32 to index
      %get3A_182 = arith.constant 112 : index
      %get3A_183 = tpu.vector_load %arg11[%get3A_181, %get3A_182] {strides = array<i32>} : memref<40x128xf32, #tpu.memory_space<vmem>>, vector<1x16xf32>,
      %get3A_184 = vector.shape_cast %get3A_183 : vector<1x16xf32> to vector<16xf32>
      %add3A_185 = arith.addf %get3A_180, %get3A_184 : vector<16xf32>
      %swap3A_186 = arith.index_cast %add3A_80 : i32 to index
      %swap3A_187 = arith.constant 112 : index
      %swap3A_188 = tpu.vector_load %arg10[%swap3A_186, %swap3A_187] {strides = array<i32>} : memref<40x128xf32, #tpu.memory_space<vmem>>, vector<1x16xf32>,
      %swap3A_189 = vector.shape_cast %swap3A_188 : vector<1x16xf32> to vector<16xf32>
      %swap3A_190 = vector.shape_cast %add3A_185 : vector<16xf32> to vector<1x16xf32>
      tpu.vector_store %arg10[%swap3A_186, %swap3A_187], %swap3A_190 {strides = array<i32>} : memref<40x128xf32, #tpu.memory_space<vmem>>, vector<1x16xf32>,
    }
    %scan3A_51 = arith.constant 40 : i32
    %add3A_52 = arith.constant 4960 : i32
    %add3A_53 = arith.addi %mul3A_2, %add3A_52 : i32
    %dma_start3A_54 = arith.constant 0 : i32
    %dma_start3A_55 = tpu.memref_slice %arg7[%add3A_53, %dma_start3A_54] : memref<160000x128xf32, #tpu.memory_space<hbm>> -> memref<40x128xf32, #tpu.memory_space<hbm>>
    %dma_start3A_56 = arith.constant 0 : i32
    %dma_start3A_57 = tpu.memref_slice %arg7[%add3A_53, %dma_start3A_56] : memref<160000x128xf32, #tpu.memory_space<hbm>> -> memref<40x128xf32, #tpu.memory_space<hbm>>
    tpu.enqueue_dma source(%arg10 : memref<40x128xf32, #tpu.memory_space<vmem>>) target(%dma_start3A_57 : memref<40x128xf32, #tpu.memory_space<hbm>>) target_semaphore(%arg16 : memref<!tpu.dma_semaphore, #tpu.memory_space<semaphore_mem>>)
    %dma_wait3A_58 = arith.constant 0 : i32
    %dma_wait3A_59 = tpu.memref_slice %arg7[%mul3A_2, %dma_wait3A_58] : memref<160000x128xf32, #tpu.memory_space<hbm>> -> memref<40x128xf32, #tpu.memory_space<hbm>>
    %dma_wait3A_60 = arith.constant 0 : i32
    %dma_wait3A_61 = tpu.memref_slice %arg7[%mul3A_2, %dma_wait3A_60] : memref<160000x128xf32, #tpu.memory_space<hbm>> -> memref<40x128xf32, #tpu.memory_space<hbm>>
    tpu.wait_dma2 semaphore(%arg16 : memref<!tpu.dma_semaphore, #tpu.memory_space<semaphore_mem>>) src(%arg10 : memref<40x128xf32, #tpu.memory_space<vmem>>) dst(%dma_wait3A_61 : memref<40x128xf32, #tpu.memory_space<hbm>>)
    %dma_wait3A_62 = arith.constant 0 : i32
    %dma_wait3A_63 = arith.constant 0 : i32
    %dma_wait3A_64 = tpu.memref_slice %arg8[%dma_wait3A_62, %dma_wait3A_63] : memref<125x40xi32, #tpu.memory_space<vmem>> -> memref<1x40xi32, #tpu.memory_space<vmem>>
    %dma_wait3A_65 = tpu.memref_squeeze %dma_wait3A_64 : memref<1x40xi32, #tpu.memory_space<vmem>> -> memref<40xi32, #tpu.memory_space<vmem>>
    %dma_wait3A_66 = arith.constant 0 : i32
    %dma_wait3A_67 = arith.constant 0 : i32
    %dma_wait3A_68 = tpu.memref_slice %arg2[%dma_wait3A_66, %dma_wait3A_67] : memref<10000x128xf32, #tpu.memory_space<hbm>> -> memref<10000x128xf32, #tpu.memory_space<hbm>>
    tpu.wait_indirect_dma semaphore(%arg15 : memref<!tpu.dma_semaphore, #tpu.memory_space<semaphore_mem>>) src(%dma_wait3A_68 : memref<10000x128xf32, #tpu.memory_space<hbm>>) dst(%arg12 : memref<40x128xf32, #tpu.memory_space<vmem>>)
    %dma_wait3A_69 = arith.constant 0 : i32
    %dma_wait3A_70 = arith.constant 0 : i32
    %dma_wait3A_71 = tpu.memref_slice %arg9[%dma_wait3A_69, %dma_wait3A_70] : memref<125x40xi32, #tpu.memory_space<vmem>> -> memref<1x40xi32, #tpu.memory_space<vmem>>
    %dma_wait3A_72 = tpu.memref_squeeze %dma_wait3A_71 : memref<1x40xi32, #tpu.memory_space<vmem>> -> memref<40xi32, #tpu.memory_space<vmem>>
    %dma_wait3A_73 = arith.constant 0 : i32
    %dma_wait3A_74 = arith.constant 0 : i32
    %dma_wait3A_75 = tpu.memref_slice %arg3[%dma_wait3A_73, %dma_wait3A_74] : memref<10000x128xf32, #tpu.memory_space<hbm>> -> memref<10000x128xf32, #tpu.memory_space<hbm>>
    tpu.wait_indirect_dma semaphore(%arg15 : memref<!tpu.dma_semaphore, #tpu.memory_space<semaphore_mem>>) src(%dma_wait3A_75 : memref<10000x128xf32, #tpu.memory_space<hbm>>) dst(%arg13 : memref<40x128xf32, #tpu.memory_space<vmem>>)
    return
  }
}

module attributes {stable_mosaic.version = 14 : i64} {
  func.func @_prelude_body(%arg0: i32, %arg1: memref<2000x128xf32, #tpu.memory_space<vmem>>, %arg2: memref<128x256xf32, #tpu.memory_space<vmem>>, %arg3: memref<2000x128xf32, #tpu.memory_space<vmem>>, %arg4: memref<2000x128xf32, #tpu.memory_space<vmem>>) attributes {dimension_semantics = [#tpu.dimension_semantics<arbitrary>], iteration_bounds = array<i64: 5>, scalar_prefetch = 0 : i64, scratch_operands = 0 : i64, tpu.core_type = #tpu.core_type<tc>, window_params = [{transform_indices = @transform_0, window_bounds = array<i64: 2000, 128>}, {pipeline_mode = #tpu.pipeline_mode<synchronous>, transform_indices = @transform_1, window_bounds = array<i64: 128, 256>}, {transform_indices = @transform_2, window_bounds = array<i64: 2000, 128>}, {transform_indices = @transform_3, window_bounds = array<i64: 2000, 128>}]} {
    %get3A = arith.constant 0 : index
    %get3A_0 = arith.constant 0 : index
    %get3A_1 = vector.load %arg1[%get3A, %get3A_0] : memref<2000x128xf32, #tpu.memory_space<vmem>>, vector<2000x128xf32>
    %get3A_2 = arith.constant 0 : index
    %get3A_3 = arith.constant 0 : index
    %get3A_4 = vector.load %arg2[%get3A_2, %get3A_3] : memref<128x256xf32, #tpu.memory_space<vmem>>, vector<128x256xf32>
    %dot_general3A = arith.constant dense<0.000000e+00> : vector<2000x256xf32>
    %dot_general3A_5 = tpu.matmul %get3A_1, %get3A_4, %dot_general3A {dimension_numbers = #tpu.dot_dimension_numbers<[1], [0], [0], [1], [0, 0, 1, 1], [], []>, transpose_lhs_hint = false} : vector<2000x128xf32>, vector<128x256xf32>, vector<2000x256xf32> -> vector<2000x256xf32>
    %slice3A = vector.extract_strided_slice %dot_general3A_5 {offsets = [0, 0], sizes = [2000, 128], strides = [1, 1]} : vector<2000x256xf32> to vector<2000x128xf32>
    %swap3A = arith.constant 0 : index
    %swap3A_6 = arith.constant 0 : index
    %swap3A_7 = vector.load %arg3[%swap3A, %swap3A_6] : memref<2000x128xf32, #tpu.memory_space<vmem>>, vector<2000x128xf32>
    tpu.vector_store %arg3[%swap3A, %swap3A_6], %slice3A {strides = array<i32>} : memref<2000x128xf32, #tpu.memory_space<vmem>>, vector<2000x128xf32>,
    %slice3A_8 = vector.extract_strided_slice %dot_general3A_5 {offsets = [0, 128], sizes = [2000, 128], strides = [1, 1]} : vector<2000x256xf32> to vector<2000x128xf32>
    %swap3A_9 = arith.constant 0 : index
    %swap3A_10 = arith.constant 0 : index
    %swap3A_11 = vector.load %arg4[%swap3A_9, %swap3A_10] : memref<2000x128xf32, #tpu.memory_space<vmem>>, vector<2000x128xf32>
    tpu.vector_store %arg4[%swap3A_9, %swap3A_10], %slice3A_8 {strides = array<i32>} : memref<2000x128xf32, #tpu.memory_space<vmem>>, vector<2000x128xf32>,
    return
  }
  func.func @transform_0(%arg0: i32) -> (i32, i32) {
    %c0_i32 = arith.constant 0 : i32
    %c0_i32_0 = arith.constant 0 : i32
    return %arg0, %c0_i32 : i32, i32
  }
  func.func @transform_1(%arg0: i32) -> (i32, i32) {
    %c0_i32 = arith.constant 0 : i32
    %c0_i32_0 = arith.constant 0 : i32
    %c0_i32_1 = arith.constant 0 : i32
    return %c0_i32, %c0_i32_0 : i32, i32
  }
  func.func @transform_2(%arg0: i32) -> (i32, i32) {
    %c0_i32 = arith.constant 0 : i32
    %c0_i32_0 = arith.constant 0 : i32
    return %arg0, %c0_i32 : i32, i32
  }
  func.func @transform_3(%arg0: i32) -> (i32, i32) {
    %c0_i32 = arith.constant 0 : i32
    %c0_i32_0 = arith.constant 0 : i32
    return %arg0, %c0_i32 : i32, i32
  }
}

module attributes {stable_mosaic.version = 14 : i64} {
  func.func @_msg_body(%arg0: i32, %arg1: memref<1280x16xf32, #tpu.memory_space<vmem>>, %arg2: memref<1280x128xf32, #tpu.memory_space<vmem>>, %arg3: memref<16x128xf32, #tpu.memory_space<vmem>>, %arg4: memref<1x128xf32, #tpu.memory_space<vmem>>, %arg5: memref<128x128xf32, #tpu.memory_space<vmem>>, %arg6: memref<1x128xf32, #tpu.memory_space<vmem>>, %arg7: memref<128x128xf32, #tpu.memory_space<vmem>>, %arg8: memref<1x128xf32, #tpu.memory_space<vmem>>, %arg9: memref<128x16xf32, #tpu.memory_space<vmem>>, %arg10: memref<1x1xf32, #tpu.memory_space<vmem>>, %arg11: memref<1280x128xf32, #tpu.memory_space<vmem>>, %arg12: memref<1x10x128xf32, #tpu.memory_space<vmem>>) attributes {dimension_semantics = [#tpu.dimension_semantics<arbitrary>], iteration_bounds = array<i64: 125>, scalar_prefetch = 0 : i64, scratch_operands = 0 : i64, tpu.core_type = #tpu.core_type<tc>, window_params = [{transform_indices = @transform_0, window_bounds = array<i64: 1280, 16>}, {transform_indices = @transform_1, window_bounds = array<i64: 1280, 128>}, {pipeline_mode = #tpu.pipeline_mode<synchronous>, transform_indices = @transform_2, window_bounds = array<i64: 16, 128>}, {pipeline_mode = #tpu.pipeline_mode<synchronous>, transform_indices = @transform_3, window_bounds = array<i64: 1, 128>}, {pipeline_mode = #tpu.pipeline_mode<synchronous>, transform_indices = @transform_4, window_bounds = array<i64: 128, 128>}, {pipeline_mode = #tpu.pipeline_mode<synchronous>, transform_indices = @transform_5, window_bounds = array<i64: 1, 128>}, {pipeline_mode = #tpu.pipeline_mode<synchronous>, transform_indices = @transform_6, window_bounds = array<i64: 128, 128>}, {pipeline_mode = #tpu.pipeline_mode<synchronous>, transform_indices = @transform_7, window_bounds = array<i64: 1, 128>}, {pipeline_mode = #tpu.pipeline_mode<synchronous>, transform_indices = @transform_8, window_bounds = array<i64: 128, 16>}, {pipeline_mode = #tpu.pipeline_mode<synchronous>, transform_indices = @transform_9, window_bounds = array<i64: 1, 1>}, {transform_indices = @transform_10, window_bounds = array<i64: 1280, 128>}, {transform_indices = @transform_11, window_bounds = array<i64: 1, 10, 128>}]} {
    %get3A = arith.constant 0 : index
    %get3A_0 = arith.constant 0 : index
    %get3A_1 = vector.load %arg2[%get3A, %get3A_0] : memref<1280x128xf32, #tpu.memory_space<vmem>>, vector<1280x128xf32>
    %get3A_2 = arith.constant 0 : index
    %get3A_3 = arith.constant 0 : index
    %get3A_4 = vector.load %arg1[%get3A_2, %get3A_3] : memref<1280x16xf32, #tpu.memory_space<vmem>>, vector<1280x16xf32>
    %get3A_5 = arith.constant 0 : index
    %get3A_6 = arith.constant 0 : index
    %get3A_7 = vector.load %arg3[%get3A_5, %get3A_6] : memref<16x128xf32, #tpu.memory_space<vmem>>, vector<16x128xf32>
    %dot_general3A = arith.constant dense<0.000000e+00> : vector<1280x128xf32>
    %dot_general3A_8 = tpu.matmul %get3A_4, %get3A_7, %dot_general3A {dimension_numbers = #tpu.dot_dimension_numbers<[1], [0], [0], [1], [0, 0, 1, 1], [], []>, transpose_lhs_hint = false} : vector<1280x16xf32>, vector<16x128xf32>, vector<1280x128xf32> -> vector<1280x128xf32>
    %add3A = arith.addf %get3A_1, %dot_general3A_8 : vector<1280x128xf32>
    %get3A_9 = arith.constant 0 : index
    %get3A_10 = arith.constant 0 : index
    %get3A_11 = vector.load %arg4[%get3A_9, %get3A_10] : memref<1x128xf32, #tpu.memory_space<vmem>>, vector<1x128xf32>
    %add3A_12 = vector.broadcast %get3A_11 : vector<1x128xf32> to vector<1280x128xf32>
    %add3A_13 = arith.addf %add3A, %add3A_12 : vector<1280x128xf32>
    %max3A = arith.constant 0.000000e+00 : f32
    %max3A_14 = vector.broadcast %max3A : f32 to vector<1280x128xf32>
    %max3A_15 = arith.maximumf %add3A_13, %max3A_14 : vector<1280x128xf32>
    %get3A_16 = arith.constant 0 : index
    %get3A_17 = arith.constant 0 : index
    %get3A_18 = vector.load %arg5[%get3A_16, %get3A_17] : memref<128x128xf32, #tpu.memory_space<vmem>>, vector<128x128xf32>
    %dot_general3A_19 = arith.constant dense<0.000000e+00> : vector<1280x128xf32>
    %dot_general3A_20 = tpu.matmul %max3A_15, %get3A_18, %dot_general3A_19 {dimension_numbers = #tpu.dot_dimension_numbers<[1], [0], [0], [1], [0, 0, 1, 1], [], []>, transpose_lhs_hint = false} : vector<1280x128xf32>, vector<128x128xf32>, vector<1280x128xf32> -> vector<1280x128xf32>
    %get3A_21 = arith.constant 0 : index
    %get3A_22 = arith.constant 0 : index
    %get3A_23 = vector.load %arg6[%get3A_21, %get3A_22] : memref<1x128xf32, #tpu.memory_space<vmem>>, vector<1x128xf32>
    %add3A_24 = vector.broadcast %get3A_23 : vector<1x128xf32> to vector<1280x128xf32>
    %add3A_25 = arith.addf %dot_general3A_20, %add3A_24 : vector<1280x128xf32>
    %get3A_26 = arith.constant 0 : index
    %get3A_27 = arith.constant 0 : index
    %get3A_28 = vector.load %arg7[%get3A_26, %get3A_27] : memref<128x128xf32, #tpu.memory_space<vmem>>, vector<128x128xf32>
    %dot_general3A_29 = arith.constant dense<0.000000e+00> : vector<1280x128xf32>
    %dot_general3A_30 = tpu.matmul %add3A_25, %get3A_28, %dot_general3A_29 {dimension_numbers = #tpu.dot_dimension_numbers<[1], [0], [0], [1], [0, 0, 1, 1], [], []>, transpose_lhs_hint = false} : vector<1280x128xf32>, vector<128x128xf32>, vector<1280x128xf32> -> vector<1280x128xf32>
    %get3A_31 = arith.constant 0 : index
    %get3A_32 = arith.constant 0 : index
    %get3A_33 = vector.load %arg8[%get3A_31, %get3A_32] : memref<1x128xf32, #tpu.memory_space<vmem>>, vector<1x128xf32>
    %add3A_34 = vector.broadcast %get3A_33 : vector<1x128xf32> to vector<1280x128xf32>
    %add3A_35 = arith.addf %dot_general3A_30, %add3A_34 : vector<1280x128xf32>
    %max3A_36 = arith.constant 0.000000e+00 : f32
    %max3A_37 = vector.broadcast %max3A_36 : f32 to vector<1280x128xf32>
    %max3A_38 = arith.maximumf %add3A_35, %max3A_37 : vector<1280x128xf32>
    %get3A_39 = arith.constant 0 : index
    %get3A_40 = arith.constant 0 : index
    %get3A_41 = vector.load %arg9[%get3A_39, %get3A_40] : memref<128x16xf32, #tpu.memory_space<vmem>>, vector<128x16xf32>
    %dot_general3A_42 = arith.constant dense<0.000000e+00> : vector<1280x16xf32>
    %dot_general3A_43 = tpu.matmul %max3A_38, %get3A_41, %dot_general3A_42 {dimension_numbers = #tpu.dot_dimension_numbers<[1], [0], [0], [1], [0, 0, 1, 1], [], []>, transpose_lhs_hint = false} : vector<1280x128xf32>, vector<128x16xf32>, vector<1280x16xf32> -> vector<1280x16xf32>
    %get3A_44 = arith.constant 0 : index
    %get3A_45 = arith.constant 0 : index
    %get3A_46 = vector.load %arg10[%get3A_44, %get3A_45] : memref<1x1xf32, #tpu.memory_space<vmem>>, vector<1x1xf32>
    %add3A_47 = vector.broadcast %get3A_46 : vector<1x1xf32> to vector<1280x16xf32>
    %add3A_48 = arith.addf %dot_general3A_43, %add3A_47 : vector<1280x16xf32>
    %exp3A = math.exp %add3A_48 : vector<1280x16xf32>
    %slice3A = vector.extract_strided_slice %exp3A {offsets = [0, 0], sizes = [1280, 1], strides = [1, 1]} : vector<1280x16xf32> to vector<1280x1xf32>
    %mul3A = vector.broadcast %slice3A : vector<1280x1xf32> to vector<1280x128xf32>
    %mul3A_49 = arith.mulf %mul3A, %add3A_25 : vector<1280x128xf32>
    %swap3A = arith.constant 0 : index
    %swap3A_50 = arith.constant 0 : index
    %swap3A_51 = vector.load %arg11[%swap3A, %swap3A_50] : memref<1280x128xf32, #tpu.memory_space<vmem>>, vector<1280x128xf32>
    tpu.vector_store %arg11[%swap3A, %swap3A_50], %mul3A_49 {strides = array<i32>} : memref<1280x128xf32, #tpu.memory_space<vmem>>, vector<1280x128xf32>,
    %slice3A_52 = vector.extract_strided_slice %exp3A {offsets = [0, 0], sizes = [1280, 1], strides = [1, 1]} : vector<1280x16xf32> to vector<1280x1xf32>
    %reshape3A = vector.shape_cast %slice3A_52 : vector<1280x1xf32> to vector<1x10x128xf32>
    %swap3A_53 = arith.constant 0 : index
    %swap3A_54 = arith.constant 0 : index
    %swap3A_55 = arith.constant 0 : index
    %swap3A_56 = vector.load %arg12[%swap3A_53, %swap3A_54, %swap3A_55] : memref<1x10x128xf32, #tpu.memory_space<vmem>>, vector<1x10x128xf32>
    tpu.vector_store %arg12[%swap3A_53, %swap3A_54, %swap3A_55], %reshape3A {strides = array<i32>} : memref<1x10x128xf32, #tpu.memory_space<vmem>>, vector<1x10x128xf32>,
    return
  }
  func.func @transform_0(%arg0: i32) -> (i32, i32) {
    %c0_i32 = arith.constant 0 : i32
    %c0_i32_0 = arith.constant 0 : i32
    return %arg0, %c0_i32 : i32, i32
  }
  func.func @transform_1(%arg0: i32) -> (i32, i32) {
    %c0_i32 = arith.constant 0 : i32
    %c0_i32_0 = arith.constant 0 : i32
    return %arg0, %c0_i32 : i32, i32
  }
  func.func @transform_2(%arg0: i32) -> (i32, i32) {
    %c0_i32 = arith.constant 0 : i32
    %c0_i32_0 = arith.constant 0 : i32
    %c0_i32_1 = arith.constant 0 : i32
    return %c0_i32, %c0_i32_0 : i32, i32
  }
  func.func @transform_3(%arg0: i32) -> (i32, i32) {
    %c0_i32 = arith.constant 0 : i32
    %c0_i32_0 = arith.constant 0 : i32
    %c0_i32_1 = arith.constant 0 : i32
    return %c0_i32, %c0_i32_0 : i32, i32
  }
  func.func @transform_4(%arg0: i32) -> (i32, i32) {
    %c0_i32 = arith.constant 0 : i32
    %c0_i32_0 = arith.constant 0 : i32
    %c0_i32_1 = arith.constant 0 : i32
    return %c0_i32, %c0_i32_0 : i32, i32
  }
  func.func @transform_5(%arg0: i32) -> (i32, i32) {
    %c0_i32 = arith.constant 0 : i32
    %c0_i32_0 = arith.constant 0 : i32
    %c0_i32_1 = arith.constant 0 : i32
    return %c0_i32, %c0_i32_0 : i32, i32
  }
  func.func @transform_6(%arg0: i32) -> (i32, i32) {
    %c0_i32 = arith.constant 0 : i32
    %c0_i32_0 = arith.constant 0 : i32
    %c0_i32_1 = arith.constant 0 : i32
    return %c0_i32, %c0_i32_0 : i32, i32
  }
  func.func @transform_7(%arg0: i32) -> (i32, i32) {
    %c0_i32 = arith.constant 0 : i32
    %c0_i32_0 = arith.constant 0 : i32
    %c0_i32_1 = arith.constant 0 : i32
    return %c0_i32, %c0_i32_0 : i32, i32
  }
  func.func @transform_8(%arg0: i32) -> (i32, i32) {
    %c0_i32 = arith.constant 0 : i32
    %c0_i32_0 = arith.constant 0 : i32
    %c0_i32_1 = arith.constant 0 : i32
    return %c0_i32, %c0_i32_0 : i32, i32
  }
  func.func @transform_9(%arg0: i32) -> (i32, i32) {
    %c0_i32 = arith.constant 0 : i32
    %c0_i32_0 = arith.constant 0 : i32
    %c0_i32_1 = arith.constant 0 : i32
    return %c0_i32, %c0_i32_0 : i32, i32
  }
  func.func @transform_10(%arg0: i32) -> (i32, i32) {
    %c0_i32 = arith.constant 0 : i32
    %c0_i32_0 = arith.constant 0 : i32
    return %arg0, %c0_i32 : i32, i32
  }
  func.func @transform_11(%arg0: i32) -> (i32, i32, i32) {
    %c0_i32 = arith.constant 0 : i32
    %c0_i32_0 = arith.constant 0 : i32
    %c0_i32_1 = arith.constant 0 : i32
    return %arg0, %c0_i32, %c0_i32_0 : i32, i32, i32
  }
}

module attributes {stable_mosaic.version = 14 : i64} {
  func.func @_upd_body(%arg0: i32, %arg1: memref<2000x128xf32, #tpu.memory_space<vmem>>, %arg2: memref<2x2000x128xf32, #tpu.memory_space<vmem>>, %arg3: memref<2x2000x128xf32, #tpu.memory_space<vmem>>, %arg4: memref<2000x64xf32, #tpu.memory_space<vmem>>, %arg5: memref<64x1xf32, #tpu.memory_space<vmem>>, %arg6: memref<128x128xf32, #tpu.memory_space<vmem>>, %arg7: memref<128x128xf32, #tpu.memory_space<vmem>>, %arg8: memref<1x128xf32, #tpu.memory_space<vmem>>, %arg9: memref<128x128xf32, #tpu.memory_space<vmem>>, %arg10: memref<1x128xf32, #tpu.memory_space<vmem>>, %arg11: memref<2000x128xf32, #tpu.memory_space<vmem>>) attributes {dimension_semantics = [#tpu.dimension_semantics<arbitrary>], iteration_bounds = array<i64: 5>, scalar_prefetch = 0 : i64, scratch_operands = 0 : i64, tpu.core_type = #tpu.core_type<tc>, window_params = [{transform_indices = @transform_0, window_bounds = array<i64: 2000, 128>}, {transform_indices = @transform_1, window_bounds = array<i64: 2, 2000, 128>}, {transform_indices = @transform_2, window_bounds = array<i64: 2, 2000, 128>}, {transform_indices = @transform_3, window_bounds = array<i64: 2000, 64>}, {pipeline_mode = #tpu.pipeline_mode<synchronous>, transform_indices = @transform_4, window_bounds = array<i64: 64, 1>}, {pipeline_mode = #tpu.pipeline_mode<synchronous>, transform_indices = @transform_5, window_bounds = array<i64: 128, 128>}, {pipeline_mode = #tpu.pipeline_mode<synchronous>, transform_indices = @transform_6, window_bounds = array<i64: 128, 128>}, {pipeline_mode = #tpu.pipeline_mode<synchronous>, transform_indices = @transform_7, window_bounds = array<i64: 1, 128>}, {pipeline_mode = #tpu.pipeline_mode<synchronous>, transform_indices = @transform_8, window_bounds = array<i64: 128, 128>}, {pipeline_mode = #tpu.pipeline_mode<synchronous>, transform_indices = @transform_9, window_bounds = array<i64: 1, 128>}, {transform_indices = @transform_10, window_bounds = array<i64: 2000, 128>}]} {
    %get3A = arith.constant 0 : index
    %get3A_0 = arith.constant 0 : index
    %get3A_1 = arith.constant 0 : index
    %get3A_2 = vector.load %arg2[%get3A, %get3A_0, %get3A_1] : memref<2x2000x128xf32, #tpu.memory_space<vmem>>, vector<2x2000x128xf32>
    %get3A_3 = arith.constant 0 : index
    %get3A_4 = arith.constant 0 : index
    %get3A_5 = arith.constant 0 : index
    %get3A_6 = vector.load %arg3[%get3A_3, %get3A_4, %get3A_5] : memref<2x2000x128xf32, #tpu.memory_space<vmem>>, vector<2x2000x128xf32>
    %slice3A = vector.extract_strided_slice %get3A_2 {offsets = [0, 0, 0], sizes = [1, 2000, 128], strides = [1, 1, 1]} : vector<2x2000x128xf32> to vector<1x2000x128xf32>
    %squeeze3A = vector.shape_cast %slice3A : vector<1x2000x128xf32> to vector<2000x128xf32>
    %slice3A_7 = vector.extract_strided_slice %get3A_2 {offsets = [1, 0, 0], sizes = [1, 2000, 128], strides = [1, 1, 1]} : vector<2x2000x128xf32> to vector<1x2000x128xf32>
    %squeeze3A_8 = vector.shape_cast %slice3A_7 : vector<1x2000x128xf32> to vector<2000x128xf32>
    %add3A = arith.addf %squeeze3A, %squeeze3A_8 : vector<2000x128xf32>
    %slice3A_9 = vector.extract_strided_slice %get3A_6 {offsets = [0, 0, 0], sizes = [1, 2000, 128], strides = [1, 1, 1]} : vector<2x2000x128xf32> to vector<1x2000x128xf32>
    %squeeze3A_10 = vector.shape_cast %slice3A_9 : vector<1x2000x128xf32> to vector<2000x128xf32>
    %slice3A_11 = vector.extract_strided_slice %get3A_6 {offsets = [1, 0, 0], sizes = [1, 2000, 128], strides = [1, 1, 1]} : vector<2x2000x128xf32> to vector<1x2000x128xf32>
    %squeeze3A_12 = vector.shape_cast %slice3A_11 : vector<1x2000x128xf32> to vector<2000x128xf32>
    %add3A_13 = arith.addf %squeeze3A_10, %squeeze3A_12 : vector<2000x128xf32>
    %add3A_14 = arith.addf %add3A, %add3A_13 : vector<2000x128xf32>
    %get3A_15 = arith.constant 0 : index
    %get3A_16 = arith.constant 0 : index
    %get3A_17 = vector.load %arg4[%get3A_15, %get3A_16] : memref<2000x64xf32, #tpu.memory_space<vmem>>, vector<2000x64xf32>
    %get3A_18 = arith.constant 0 : index
    %get3A_19 = arith.constant 0 : index
    %get3A_20 = vector.load %arg5[%get3A_18, %get3A_19] : memref<64x1xf32, #tpu.memory_space<vmem>>, vector<64x1xf32>
    %dot_general3A = arith.constant dense<0.000000e+00> : vector<2000x1xf32>
    %dot_general3A_21 = tpu.matmul %get3A_17, %get3A_20, %dot_general3A {dimension_numbers = #tpu.dot_dimension_numbers<[1], [0], [0], [1], [0, 0, 1, 1], [], []>, transpose_lhs_hint = false} : vector<2000x64xf32>, vector<64x1xf32>, vector<2000x1xf32> -> vector<2000x1xf32>
    %gt3A = arith.constant 0.000000e+00 : f32
    %gt3A_22 = vector.broadcast %gt3A : f32 to vector<2000x1xf32>
    %gt3A_23 = arith.cmpf ogt, %dot_general3A_21, %gt3A_22 : vector<2000x1xf32>
    %div3A = vector.broadcast %dot_general3A_21 : vector<2000x1xf32> to vector<2000x128xf32>
    %div3A_24 = arith.divf %add3A_14, %div3A : vector<2000x128xf32>
    %jit3A = arith.constant 0.000000e+00 : f32
    %broadcast_in_dim3A = vector.shape_cast %gt3A_23 : vector<2000x1xi1> to vector<2000x1xi1>
    %broadcast_in_dim3A_25 = vector.broadcast %broadcast_in_dim3A : vector<2000x1xi1> to vector<2000x128xi1>
    %broadcast_in_dim3A_26 = vector.broadcast %jit3A : f32 to vector<2000x128xf32>
    %select_n3A = arith.select %broadcast_in_dim3A_25, %div3A_24, %broadcast_in_dim3A_26 : vector<2000x128xi1>, vector<2000x128xf32>
    %get3A_27 = arith.constant 0 : index
    %get3A_28 = arith.constant 0 : index
    %get3A_29 = vector.load %arg1[%get3A_27, %get3A_28] : memref<2000x128xf32, #tpu.memory_space<vmem>>, vector<2000x128xf32>
    %get3A_30 = arith.constant 0 : index
    %get3A_31 = arith.constant 0 : index
    %get3A_32 = vector.load %arg6[%get3A_30, %get3A_31] : memref<128x128xf32, #tpu.memory_space<vmem>>, vector<128x128xf32>
    %dot_general3A_33 = arith.constant dense<0.000000e+00> : vector<2000x128xf32>
    %dot_general3A_34 = tpu.matmul %get3A_29, %get3A_32, %dot_general3A_33 {dimension_numbers = #tpu.dot_dimension_numbers<[1], [0], [0], [1], [0, 0, 1, 1], [], []>, transpose_lhs_hint = false} : vector<2000x128xf32>, vector<128x128xf32>, vector<2000x128xf32> -> vector<2000x128xf32>
    %get3A_35 = arith.constant 0 : index
    %get3A_36 = arith.constant 0 : index
    %get3A_37 = vector.load %arg7[%get3A_35, %get3A_36] : memref<128x128xf32, #tpu.memory_space<vmem>>, vector<128x128xf32>
    %dot_general3A_38 = arith.constant dense<0.000000e+00> : vector<2000x128xf32>
    %dot_general3A_39 = tpu.matmul %select_n3A, %get3A_37, %dot_general3A_38 {dimension_numbers = #tpu.dot_dimension_numbers<[1], [0], [0], [1], [0, 0, 1, 1], [], []>, transpose_lhs_hint = false} : vector<2000x128xf32>, vector<128x128xf32>, vector<2000x128xf32> -> vector<2000x128xf32>
    %add3A_40 = arith.addf %dot_general3A_34, %dot_general3A_39 : vector<2000x128xf32>
    %get3A_41 = arith.constant 0 : index
    %get3A_42 = arith.constant 0 : index
    %get3A_43 = vector.load %arg8[%get3A_41, %get3A_42] : memref<1x128xf32, #tpu.memory_space<vmem>>, vector<1x128xf32>
    %add3A_44 = vector.broadcast %get3A_43 : vector<1x128xf32> to vector<2000x128xf32>
    %add3A_45 = arith.addf %add3A_40, %add3A_44 : vector<2000x128xf32>
    %max3A = arith.constant 0.000000e+00 : f32
    %max3A_46 = vector.broadcast %max3A : f32 to vector<2000x128xf32>
    %max3A_47 = arith.maximumf %add3A_45, %max3A_46 : vector<2000x128xf32>
    %get3A_48 = arith.constant 0 : index
    %get3A_49 = arith.constant 0 : index
    %get3A_50 = vector.load %arg9[%get3A_48, %get3A_49] : memref<128x128xf32, #tpu.memory_space<vmem>>, vector<128x128xf32>
    %dot_general3A_51 = arith.constant dense<0.000000e+00> : vector<2000x128xf32>
    %dot_general3A_52 = tpu.matmul %max3A_47, %get3A_50, %dot_general3A_51 {dimension_numbers = #tpu.dot_dimension_numbers<[1], [0], [0], [1], [0, 0, 1, 1], [], []>, transpose_lhs_hint = false} : vector<2000x128xf32>, vector<128x128xf32>, vector<2000x128xf32> -> vector<2000x128xf32>
    %get3A_53 = arith.constant 0 : index
    %get3A_54 = arith.constant 0 : index
    %get3A_55 = vector.load %arg10[%get3A_53, %get3A_54] : memref<1x128xf32, #tpu.memory_space<vmem>>, vector<1x128xf32>
    %add3A_56 = vector.broadcast %get3A_55 : vector<1x128xf32> to vector<2000x128xf32>
    %add3A_57 = arith.addf %dot_general3A_52, %add3A_56 : vector<2000x128xf32>
    %swap3A = arith.constant 0 : index
    %swap3A_58 = arith.constant 0 : index
    %swap3A_59 = vector.load %arg11[%swap3A, %swap3A_58] : memref<2000x128xf32, #tpu.memory_space<vmem>>, vector<2000x128xf32>
    tpu.vector_store %arg11[%swap3A, %swap3A_58], %add3A_57 {strides = array<i32>} : memref<2000x128xf32, #tpu.memory_space<vmem>>, vector<2000x128xf32>,
    return
  }
  func.func @transform_0(%arg0: i32) -> (i32, i32) {
    %c0_i32 = arith.constant 0 : i32
    %c0_i32_0 = arith.constant 0 : i32
    return %arg0, %c0_i32 : i32, i32
  }
  func.func @transform_1(%arg0: i32) -> (i32, i32, i32) {
    %c0_i32 = arith.constant 0 : i32
    %c0_i32_0 = arith.constant 0 : i32
    %c0_i32_1 = arith.constant 0 : i32
    return %c0_i32, %arg0, %c0_i32_0 : i32, i32, i32
  }
  func.func @transform_2(%arg0: i32) -> (i32, i32, i32) {
    %c0_i32 = arith.constant 0 : i32
    %c0_i32_0 = arith.constant 0 : i32
    %c0_i32_1 = arith.constant 0 : i32
    return %c0_i32, %arg0, %c0_i32_0 : i32, i32, i32
  }
  func.func @transform_3(%arg0: i32) -> (i32, i32) {
    %c0_i32 = arith.constant 0 : i32
    %c0_i32_0 = arith.constant 0 : i32
    return %arg0, %c0_i32 : i32, i32
  }
  func.func @transform_4(%arg0: i32) -> (i32, i32) {
    %c0_i32 = arith.constant 0 : i32
    %c0_i32_0 = arith.constant 0 : i32
    %c0_i32_1 = arith.constant 0 : i32
    return %c0_i32, %c0_i32_0 : i32, i32
  }
  func.func @transform_5(%arg0: i32) -> (i32, i32) {
    %c0_i32 = arith.constant 0 : i32
    %c0_i32_0 = arith.constant 0 : i32
    %c0_i32_1 = arith.constant 0 : i32
    return %c0_i32, %c0_i32_0 : i32, i32
  }
  func.func @transform_6(%arg0: i32) -> (i32, i32) {
    %c0_i32 = arith.constant 0 : i32
    %c0_i32_0 = arith.constant 0 : i32
    %c0_i32_1 = arith.constant 0 : i32
    return %c0_i32, %c0_i32_0 : i32, i32
  }
  func.func @transform_7(%arg0: i32) -> (i32, i32) {
    %c0_i32 = arith.constant 0 : i32
    %c0_i32_0 = arith.constant 0 : i32
    %c0_i32_1 = arith.constant 0 : i32
    return %c0_i32, %c0_i32_0 : i32, i32
  }
  func.func @transform_8(%arg0: i32) -> (i32, i32) {
    %c0_i32 = arith.constant 0 : i32
    %c0_i32_0 = arith.constant 0 : i32
    %c0_i32_1 = arith.constant 0 : i32
    return %c0_i32, %c0_i32_0 : i32, i32
  }
  func.func @transform_9(%arg0: i32) -> (i32, i32) {
    %c0_i32 = arith.constant 0 : i32
    %c0_i32_0 = arith.constant 0 : i32
    %c0_i32_1 = arith.constant 0 : i32
    return %c0_i32, %c0_i32_0 : i32, i32
  }
  func.func @transform_10(%arg0: i32) -> (i32, i32) {
    %c0_i32 = arith.constant 0 : i32
    %c0_i32_0 = arith.constant 0 : i32
    return %arg0, %c0_i32 : i32, i32
  }
}

</mosaic_0001>

<sc_bundles>
// kernel: kernel.10.cloned.1.call-start
scs
__scs_entry_jumppad:
0x0: {  	(pc) =	sbr.rel $0x88, $3  }
0x1: {  	(tag) =	ssettag $0x0;
	lr =	simm.s32 $0x1  }
0x2: {  	[smem:$0x3F91] =	sst lr;
	_ =	strace $0xD0000000  }
0x3: {  	_ = 	snop  }
0x4: {  	_ = 	snop  }
0x5: {  	_ = 	snop  }
0x6: {  	_ = 	snop  }
0x7: {  	_ = 	snop  }
__scs_overlays_trampoline_lowered:
0x8: {  	[smem:$0x3FA0] =	sst s0  }
0x9: {  	[smem:$0x3FA1] =	sst s1  }
0xa: {  	[smem:$0x3FA2] =	sst s2  }
0xb: {  	[smem:$0x3FA3] =	sst s3  }
0xc: {  	[smem:$0x3FA4] =	sst s4  }
0xd: {  	[smem:$0x3FA5] =	sst s5  }
0xe: {  	[smem:$0x3FA6] =	sst s6  }
0xf: {  	[smem:$0x3FA7] =	sst s7  }
0x10: {  	[smem:$0x3FA8] =	sst s8  }
0x11: {  	[smem:$0x3FA9] =	sst s9;
	s0 =	simm.s32 @!p0 $0x0  }
0x12: {  	s1 =	sld [smem:$0x3F8F];
	s0 =	simm.s32 @p0 $0x1  }
0x13: {  	[smem:$0x3FAA] =	sst s0;
	s0 =	simm.s32 @!p1 $0x0  }
0x14: {  	s2 =	sld [smem:$0x3F8E];
	s0 =	simm.s32 @p1 $0x1  }
0x15: {  	[smem:$0x3FAB] =	sst s0;
	s0 =	simm.s32 @!p2 $0x0  }
0x16: {  	s3 =	sld [smem:$0x3FDB];
	s0 =	simm.s32 @p2 $0x1  }
0x17: {  	s4 =	simm.s32 $0x1BF5;
	[smem:$0x3FAD] =	sst s0  }
0x18: {  	s0 =	sld [smem:$0x3F90];
	_ =	swait.ge [sflag:s4], $0x0  }
0x19: {  	s7 =	sld [smem:$0x3F91]  }
0x1a: {  	s8 =	sadd.s32 $0xFFFFE003, lr  }
0x1b: {  	s9 =	sadd.s32 $0xFFFFFEF7, lr;
	s5 =	simm.s32 $0xFFFFFFFF;
	p2 =	slt.u32 s8, $0xFFFFF086  }
0x1c: {  	p1 =	slt.u32 s9, $0xF7A;
	s5 =	simm.s32 @!p2 $0x0  }
0x1d: {  	s5 =	simm.s32 @p1 $0x1;
	p0 =	seq.s32 s7, s2  }
0x1e: {  	s7 =	smul.u32 @!p0 $0xF7A, s2;
	p2 =	seq.s32 @!p0 s5, $0x0  }
0x1f: {  	s9 =	smul.u32 $0xF7A, s1;
	s8 =	simm.s32 @!p0 $0x1BF5;
	p2 =	por !p2, p0  }
0x20: {  	[sflag:s8] =	ssyncset.s32 @!p0 $0xFFFFF086;
	s6 =	sadd.s32 @!p0 s3, s7;
	s7 =	simm.s32 @!p0 $0x108  }
0x21: {  	s3 =	sadd.s32 s3, s9;
	s6 =	sadd.s32 @!p0 $0x88, s6;
	s7 =	simm.s32 @p2 $0x1082  }
0x22: {  	[simem:s7], [sflag:s8] =	dma.local @!p0 [hbm:s6], $0xF7A  }
0x23: {  	s9 =	sor.u32 $0xD0000000, s2;
	s6 =	simm.s32 $0x108;
	_ =	swait.ge @!p0 [sflag:s8], $0x0  }
0x24: {  	s3 =	sadd.s32 $0x88, s3;
	s6 =	simm.s32 @!p1 $0x1082;
	[sflag:s4] =	ssyncset.s32 $0xFFFFF086  }
0x25: {  	[simem:s6], [sflag:s4] =	dma.local [hbm:s3], $0xF7A  }
0x26: {  	[smem:$0x3F91] =	sst s1;
	(tag) =	ssettag s2;
	_ =	strace s9  }
0x27: {  	s1 =	sld [smem:$0x3FA1]  }
0x28: {  	s2 =	sld [smem:$0x3FA2]  }
0x29: {  	s4 =	sld [smem:$0x3FA4]  }
0x2a: {  	p0 =	seq.s32 s5, $0x0;
	s5 =	sld [smem:$0x3FA5]  }
0x2b: {  	s6 =	sld [smem:$0x3FA6]  }
0x2c: {  	s7 =	sld [smem:$0x3FA7]  }
0x2d: {  	s3 =	simm.s32 $0x108;
	s8 =	sld [smem:$0x3FA8]  }
0x2e: {  	s3 =	simm.s32 @!p0 $0x1082;
	s9 =	sld [smem:$0x3FA9]  }
0x2f: {  	lr =	sadd.s32 s0, s3;
	s0 =	sld [smem:$0x3FA0]  }
0x30: {  	s3 =	sld [smem:$0x3FA3]  }
0x31: {  	[smem:$0x3FAC] =	sst s10  }
0x32: {  	s10 =	sld [smem:$0x3FAA];
	_ =	sdelay $0x3  }
0x33: {  	p0 =	seq.s32 s10, $0x1;
	s10 =	sld [smem:$0x3FAC];
	_ =	sdelay $0x3  }
0x34: {  	[smem:$0x3FAC] =	sst s10  }
0x35: {  	s10 =	sld [smem:$0x3FAB];
	_ =	sdelay $0x3  }
0x36: {  	p1 =	seq.s32 s10, $0x1;
	s10 =	sld [smem:$0x3FAC];
	_ =	sdelay $0x3  }
0x37: {  	[smem:$0x3FAC] =	sst s10  }
0x38: {  	s10 =	sld [smem:$0x3FAD]  }
0x39: {  	_ = 	snop;
	(pc) =	sbr.ind lr, $3  }
0x3a: {  	_ = 	snop  }
0x3b: {  	_ = 	snop  }
0x3c: {  	p2 =	seq.s32 s10, $0x1;
	s10 =	sld [smem:$0x3FAC]  }
0x3d: {  	_ =	shalt  }
0x3e: {  	_ =	shalt  }
0x3f: {  	_ =	shalt  }
0x40: {  	_ =	shalt  }
0x41: {  	_ =	shalt  }
0x42: {  	_ =	shalt  }
0x43: {  	_ =	shalt  }
0x44: {  	_ =	shalt  }
0x45: {  	_ =	shalt  }
0x46: {  	_ =	shalt  }
0x47: {  	_ =	shalt  }
0x48: {  	_ =	shalt  }
0x49: {  	_ =	shalt  }
0x4a: {  	_ =	shalt  }
0x4b: {  	_ =	shalt  }
0x4c: {  	_ =	shalt  }
0x4d: {  	_ =	shalt  }
0x4e: {  	_ =	shalt  }
0x4f: {  	_ =	shalt  }
0x50: {  	_ =	shalt  }
0x51: {  	_ =	shalt  }
0x52: {  	_ =	shalt  }
0x53: {  	_ =	shalt  }
0x54: {  	_ =	shalt  }
0x55: {  	_ =	shalt  }
0x56: {  	_ =	shalt  }
0x57: {  	_ =	shalt  }
0x58: {  	_ =	shalt  }
0x59: {  	_ =	shalt  }
0x5a: {  	_ =	shalt  }
0x5b: {  	_ =	shalt  }
0x5c: {  	_ =	shalt  }
0x5d: {  	_ =	shalt  }
0x5e: {  	_ =	shalt  }
0x5f: {  	_ =	shalt  }
0x60: {  	_ =	shalt  }
0x61: {  	_ =	shalt  }
0x62: {  	_ =	shalt  }
0x63: {  	_ =	shalt  }
0x64: {  	_ =	shalt  }
0x65: {  	_ =	shalt  }
0x66: {  	_ =	shalt  }
0x67: {  	_ =	shalt  }
0x68: {  	_ =	shalt  }
0x69: {  	_ =	shalt  }
0x6a: {  	_ =	shalt  }
0x6b: {  	_ =	shalt  }
0x6c: {  	_ =	shalt  }
0x6d: {  	_ =	shalt  }
0x6e: {  	_ =	shalt  }
0x6f: {  	_ =	shalt  }
0x70: {  	_ =	shalt  }
0x71: {  	_ =	shalt  }
0x72: {  	_ =	shalt  }
0x73: {  	_ =	shalt  }
0x74: {  	_ =	shalt  }
0x75: {  	_ =	shalt  }
0x76: {  	_ =	shalt  }
0x77: {  	_ =	shalt  }
0x78: {  	_ =	shalt  }
0x79: {  	_ =	shalt  }
0x7a: {  	_ =	shalt  }
0x7b: {  	_ =	shalt  }
0x7c: {  	_ =	shalt  }
0x7d: {  	_ =	shalt  }
0x7e: {  	_ =	shalt  }
0x7f: {  	_ =	shalt  }
0x80: {  	_ =	shalt  }
0x81: {  	_ =	shalt  }
0x82: {  	_ =	shalt  }
0x83: {  	_ =	shalt  }
0x84: {  	_ =	shalt  }
0x85: {  	_ =	shalt  }
0x86: {  	_ =	shalt  }
0x87: {  	_ =	shalt  }
.Lfunc_end0:
.L_simem_size_0:
called_computation_lowered:
.L_overlay_start_0:
0x88: {  	s2 =	sld [smem:$0x3FD9]  }
0x89: {  	s3 =	sld [smem:$0x3FFE];
	_ =	sdelay $0x1  }
0x8a: {  	s1 =	srdreg.scid  }
0x8b: {  	s0 =	sand.u32 $0x1, s1  }
0x8c: {  	s17 =	sshll.u32 s0, $0xA;
	s2 =	sadd.s32 s3, s2  }
0x8d: {  	s2 =	sadd.s32 s2, s17  }
0x8e: {  	[smem:$0x3FB8] =	sst s2  }
0x8f: {  	_ = 	snop  }
0x90: {  	s2 =	sld [smem:$0x3FD0];
	(tm) =	ssettm $0x1  }
0x91: {  	s18 =	sld [smem:$0x3FFB];
	_ =	sdelay $0x3  }
0x92: {  	_ =	strace s18  }
0x93: {  	s3 =	sld [smem:$0x3FFC];
	_ =	sdelay $0x3  }
0x94: {  	_ =	strace s3  }
0x95: {  	s3 =	sld [smem:$0x3FFD];
	_ =	sdelay $0x3  }
0x96: {  	_ =	strace s3  }
0x97: {  	_ =	strace $0x8FFFFFFF  }
0x98: {  	s19 =	sld [smem:$0x3FDB];
	_ =	sdelay $0x1  }
0x99: {  	s4 =	simm.s32 $_scs_section_size  }
0x9a: {  	s5 =	simm.s32 $_size__tile_overlayer_lowered;
	s6 =	simm.s32 $_tile_overlayer_lowered  }
0x9b: {  	s22 =	simm.s32 $0x1BFF;
	s21 =	sshll.u32 s6, $0x1;
	s3 =	sadd.s32 s4, s19  }
0x9c: {  	s7 =	simm.s32 $0x0;
	s20 =	sshll.u32 s5, $0x1;
	s5 =	sadd.s32 s21, s3  }
0x9d: {  	[timem:s7], [sflag:s22] =	dma.local [hbm:s5], s20  }
0x9e: {  	_ =	swait.ge [sflag:s22], s20  }
0x9f: {  	s4 =	ssub.s32 $0x0, s20;
	[sflag:s22] =	ssyncset.done $0x0  }
0xa0: {  	[sflag:s22] =	ssyncadd.s32 s4;
	_ =	sdelay $0x1  }
0xa1: {  	s23 =	simm.s32 $0x1B8B  }
0xa2: {  	_ =	swait.ge [sflag:s23], $0x1  }
0xa3: {  	[sflag:s23] =	ssyncset.done $0x0  }
0xa4: {  	s25 =	simm.s32 $0x1B8E;
	s24 =	sld [smem:$0x3FFE];
	[sflag:s23] =	ssyncadd.s32 $0xFFFFFFFF  }
0xa5: {  	s26 =	simm.s32 $execute0_lowered;
	[smem:$0x3FD2] =	sst s25  }
0xa6: {  	s5 =	sshll.u32 s26, $0x1;
	_ =	strace $0x80000046;
	[dreg:$0x1] =	wrdreg $0xFFFFFFFF  }
0xa7: {  	s28 =	simm.s32 $_size_execute0_lowered;
	s3 =	sadd.s32 s3, s5;
	[dreg:$0x0] =	wrdreg $0x0  }
0xa8: {  	s5 =	sshll.u32 s28, $0x1;
	[dreg:$0x2] =	wrdreg s3  }
0xa9: {  	[dreg:$0x3] =	wrdreg s5  }
0xaa: {  	[dreg:$0x4] =	wrdreg $0xC0  }
0xab: {  	_ =	task [dreg:s7], $0x5FFFF  }
0xac: {  	[dreg:$0x1] =	wrdreg $0xFFFFFFFF  }
0xad: {  	[dreg:$0x0] =	wrdreg $0x60  }
0xae: {  	[dreg:$0x2] =	wrdreg s2  }
0xaf: {  	[dreg:$0x3] =	wrdreg s24  }
0xb0: {  	[dreg:$0x4] =	wrdreg $0x9  }
0xb1: {  	_ =	task.clear_ibuf [dreg:s7], $0x5FFFF;
	_ =	strace $0x90000046  }
0xb2: {  	s29 =	simm.s32 $0x9;
	_ =	strace $0x80000048  }
0xb3: {  	_ =	swait.ge [sflag:s29], $0x1  }
0xb4: {  	[sflag:s29] =	ssyncadd.s32 $0xFFFFFFFF  }
0xb5: {  	_ =	strace $0x90000048  }
0xb6: {  	_ =	sfence  }
0xb7: {  	s30 =	sld [smem:$0x0];
	_ =	sdelay $0x2  }
0xb8: {  	s31 =	sshll.u32 s1, $0xD;
	s1 =	sshrl.u32 s1, $0x2  }
0xb9: {  	s3 =	sand.u32 $0x4000, s31;
	s1 =	sadd.s32 s1, s30  }
0xba: {  	s0 =	sor.u32 s3, s0;
	s1 =	sshll.u32 s1, $0x11  }
0xbb: {  	s0 =	sor.u32 s1, s0  }
0xbc: {  	s0 =	sadd.s32 $0x8F2B, s0  }
0xbd: {  	[sflag:s0] =	ssyncadd.remote.s32 $0x1  }
0xbe: {  	_ =	sfence.sel $0xFFFF  }
0xbf: {  	[dreg:$0x0] =	wrdreg $0xFFFFFFFF;
	(pc) =	sbr.abs _section_cstart, $3  }
0xc0: {  	[dreg:$0x1] =	wrdreg $0xFFFFFFFF  }
0xc1: {  	_ =	task.clear_ibuf [dreg:s7], $0x2FFFF;
	_ =	strace $0x9FFFFFFF  }
0xc2: {  	(tm) =	ssettm $0x7FFFFFFF  }
0xc3: {  	_ =	shalt  }
tec
execute0_lowered:
.L_overlay_start_1:
0x0: {  	(tag) =	ssettag $0x1  }
0x1: {  	s2 =	rddreg [dreg:$0x0];
	s1 =	srdreg.scid  }
0x2: {  	s0 =	stileid.u32;
	s6 =	rddreg [dreg:$0x1]  }
0x3: {  	s3 =	simm.s32 $0x0;
	s12 =	simm.s32 $0x5;
	s13 =	simm.s32 $0x1388  }
0x4: {  	s14 =	simm.s32 $0x28;
	s15 =	simm.s32 $0x2710;
	s16 =	simm.s32 $0x3B10  }
0x5: {  	s17 =	simm.s32 $0x4F10;
	s18 =	simm.s32 $0x13B0;
	s19 =	simm.s32 $0x6310  }
0x6: {  	s20 =	simm.s32 $0x1;
	s21 =	simm.s32 $0x3;
	s22 =	simm.s32 $0x2  }
0x7: {  	s23 =	simm.s32 $0x4;
	s7 =	sand.u32 $0x1, s1;
	s4 =	sshll.u32 s0, $0x1  }
0x8: {  	s24 =	simm.s32 $0x0;
	s1 =	rddreg [dreg:$0x2];
	s8 =	sor.u32 s7, s4  }
0x9: {  	[smem:$0x7FF] =	sst s3;
	s7 =	ssub.s32 $0x2, s7;
	s4 =	smul.u32 $0x1388, s8  }
0xa: {  	s5 =	sadd.s32 $0x1AC00, s6;
	s8 =	smul.u32 $0x9C400, s8;
	s10 =	sshrl.u32 s7, $0x1  }
0xb: {  	_ =	strace $0x80000047;
	s11 =	ssub.s32 s7, s10;
	s9 =	sshrl.u32 s4, $0x3  }
0xc: {  	s31 =	sshrl.u32 s8, $0x3;
	s9 =	sadd.s32 s9, s6;
	s6 =	sadd.s32 $0x41E00, s6  }
0xd: {  	s11 =	smax.u32 s11, $0x1;
	s7 =	sadd.s32 $0x6C00, s9;
	s10 =	sadd.s32 s6, s31  }
0xe: {  	s8 =	sadd.s32 $0x10C00, s9;
	s9 =	sadd.s32 $0x28, s4;
	s10 =	sadd.s32 $0x13600, s10  }
.LBB2_1:
0xf: {  	[tilespmem:s3], [sflag:$0x5] =	stream.linear.gather [hbm4b:s7+s3], $0x1388, $0x38;
	[tilespmem:$0x7710] =	vst v63  }
0x10: {  	_ =	swait.ge [sflag:s12], $0x1388  }
0x11: {  	[sflag:s12] =	ssyncset.done $0x0  }
0x12: {  	[sflag:s12] =	ssyncadd.s32 $0xFFFFEC78  }
0x13: {  	[tilespmem:s13], [sflag:$0x5] =	stream.linear.gather [hbm4b:s8+s3], $0x1388, $0x38;
	[tilespmem:$0x7710] =	vst v63  }
0x14: {  	_ =	swait.ge [sflag:s12], $0x1388  }
0x15: {  	[sflag:s12] =	ssyncset.done $0x0  }
0x16: {  	[sflag:s12] =	ssyncadd.s32 $0xFFFFEC78  }
0x17: {  	[tilespmem:s15], [sflag:$0x1] =	stream.indirect.gather [hbm4b:s2+s14], $0x80, s3, s14, $0xb8;
	[tilespmem:$0x7710] =	vst v63  }
0x18: {  	_ = 	snop  }
0x19: {  	[tilespmem:s16], [sflag:$0x1] =	stream.indirect.gather [hbm4b:s5+s14], $0x80, s13, s14, $0xb8;
	[tilespmem:$0x7710] =	vst v63  }
0x1a: {  	_ = 	snop  }
0x1b: {  	[tilespmem:s17], [sflag:$0x2] =	stream.indirect.gather [hbm4b:s2+s14], $0x80, s14, s14, $0xb8;
	[tilespmem:$0x7710] =	vst v63  }
0x1c: {  	s25 =	simm.s32 $0x0  }
0x1d: {  	[tilespmem:s19], [sflag:$0x2] =	stream.indirect.gather [hbm4b:s5+s14], $0x80, s18, s14, $0xb8;
	[tilespmem:$0x7710] =	vst v63  }
.LBB2_2:
0x1e: {  	_ =	swait.ge [sflag:s20], $0x1400  }
0x1f: {  	[sflag:s20] =	ssyncset.done $0x0  }
0x20: {  	[sflag:s20] =	ssyncadd.s32 $0xFFFFEC00  }
0x21: {  	_ =	swait.ge [sflag:s20], $0x1400  }
0x22: {  	[sflag:s20] =	ssyncset.done $0x0  }
0x23: {  	s28 =	simm.s32 $0x0;
	[sflag:s20] =	ssyncadd.s32 $0xFFFFEC00  }
0x24: {  	v6 =	vld [tilespmem:s28+$0x3B10]  }
0x25: {  	v11 =	vld [tilespmem:s28+$0x3B20]  }
0x26: {  	v5 =	vld [tilespmem:s28+$0x3B30]  }
0x27: {  	v4 =	vld [tilespmem:s28+$0x3B40]  }
0x28: {  	v3 =	vld [tilespmem:s28+$0x3B50]  }
0x29: {  	v2 =	vld [tilespmem:s28+$0x3B60]  }
0x2a: {  	v1 =	vld [tilespmem:s28+$0x3B70]  }
0x2b: {  	v0 =	vld [tilespmem:s28+$0x3B80]  }
0x2c: {  	v12 =	vld [tilespmem:s28+$0x2710]  }
0x2d: {  	v13 =	vld [tilespmem:s28+$0x2720]  }
0x2e: {  	v10 =	vld [tilespmem:s28+$0x2730]  }
0x2f: {  	v9 =	vld [tilespmem:s28+$0x2740]  }
0x30: {  	v8 =	vld [tilespmem:s28+$0x2750]  }
0x31: {  	v7 =	vld [tilespmem:s28+$0x2760];
	v12 =	vadd.f32 v6, v12  }
0x32: {  	s26 =	simm.s32 $0x200;
	v11 =	vadd.f32 v11, v13;
	v6 =	vld [tilespmem:s28+$0x2770]  }
.LBB2_3:
0x33: {  	s29 =	sshra.s32 s26, $0x2;
	p0 =	sne.s32 s26, $0x4E00;
	[tilespmem:s28+$0x2710] =	vst v12;
	v5 =	vadd.f32 v5, v10;
	v10 =	vld [tilespmem:s28+$0x2780]  }
0x34: {  	v12 =	vld [tilespmem:s29+$0x3B10];
	[tilespmem:s28+$0x2720] =	vst v11;
	v4 =	vadd.f32 v4, v9  }
0x35: {  	v11 =	vld [tilespmem:s29+$0x3B20];
	[tilespmem:s28+$0x2730] =	vst v5;
	v3 =	vadd.f32 v3, v8  }
0x36: {  	v5 =	vld [tilespmem:s29+$0x3B30];
	[tilespmem:s28+$0x2740] =	vst v4;
	v2 =	vadd.f32 v2, v7  }
0x37: {  	v4 =	vld [tilespmem:s29+$0x3B40];
	[tilespmem:s28+$0x2750] =	vst v3;
	v1 =	vadd.f32 v1, v6  }
0x38: {  	v3 =	vld [tilespmem:s29+$0x3B50];
	[tilespmem:s28+$0x2760] =	vst v2;
	v0 =	vadd.f32 v0, v10  }
0x39: {  	v2 =	vld [tilespmem:s29+$0x3B60];
	[tilespmem:s28+$0x2770] =	vst v1  }
0x3a: {  	v1 =	vld [tilespmem:s29+$0x3B70];
	[tilespmem:s28+$0x2780] =	vst v0;
	s28 =	smov.u32 s29  }
0x3b: {  	v0 =	vld [tilespmem:s28+$0x3B80]  }
0x3c: {  	v6 =	vld [tilespmem:s28+$0x2710]  }
0x3d: {  	v13 =	vld [tilespmem:s28+$0x2720]  }
.Ltmp0:
0x3e: {  	v10 =	vld [tilespmem:s28+$0x2730];
	(pc) =	sbr.rel @p0 .LBB2_3-.Ltmp0, $4  }
0x3f: {  	v9 =	vld [tilespmem:s28+$0x2740]  }
0x40: {  	v8 =	vld [tilespmem:s28+$0x2750]  }
0x41: {  	v12 =	vadd.f32 v12, v6;
	v7 =	vld [tilespmem:s28+$0x2760]  }
0x42: {  	s26 =	sadd.s32 $0x200, s26;
	v11 =	vadd.f32 v11, v13;
	v6 =	vld [tilespmem:s28+$0x2770]  }
0x43: {  	[tilespmem:s28+$0x2710] =	vst v12;
	v5 =	vadd.f32 v5, v10;
	v10 =	vld [tilespmem:s28+$0x2780]  }
0x44: {  	[tilespmem:s28+$0x2720] =	vst v11;
	v4 =	vadd.f32 v4, v9  }
0x45: {  	[tilespmem:s28+$0x2730] =	vst v5;
	v3 =	vadd.f32 v3, v8  }
0x46: {  	s26 =	smul.u32 $0x50, s25;
	[tilespmem:s28+$0x2740] =	vst v4;
	v2 =	vadd.f32 v2, v7  }
0x47: {  	[tilespmem:s28+$0x2750] =	vst v3;
	v1 =	vadd.f32 v1, v6  }
0x48: {  	s29 =	sadd.s32 s4, s26;
	[tilespmem:s28+$0x2760] =	vst v2;
	v0 =	vadd.f32 v0, v10  }
0x49: {  	s29 =	sshll.u32 s29, $0x4;
	[tilespmem:s28+$0x2770] =	vst v1  }
0x4a: {  	[tilespmem:s28+$0x2780] =	vst v0;
	s28 =	sadd.s32 s6, s29;
	s29 =	simm.s32 $0x0  }
0x4b: {  	[hbm4b:s28+s29] =	stream.linear.scatter [tilespmem:s15], [sflag:$0x3], $0x1400, $0x38;
	[tilespmem:$0x7710] =	vst v63  }
0x4c: {  	_ =	swait.ge [sflag:s21], $0x1400  }
0x4d: {  	[sflag:s21] =	ssyncset.done $0x0  }
0x4e: {  	s28 =	sadd.s32 $0x50, s26;
	[sflag:s21] =	ssyncadd.s32 $0xFFFFEC00  }
0x4f: {  	[tilespmem:s15], [sflag:$0x1] =	stream.indirect.gather [hbm4b:s2+s14], $0x80, s28, s14, $0xb8;
	[tilespmem:$0x7710] =	vst v63  }
0x50: {  	s28 =	sadd.s32 $0x13D8, s26  }
0x51: {  	[tilespmem:s16], [sflag:$0x1] =	stream.indirect.gather [hbm4b:s5+s14], $0x80, s28, s14, $0xb8;
	[tilespmem:$0x7710] =	vst v63  }
0x52: {  	_ =	swait.ge [sflag:s22], $0x1400  }
0x53: {  	[sflag:s22] =	ssyncset.done $0x0  }
0x54: {  	[sflag:s22] =	ssyncadd.s32 $0xFFFFEC00  }
0x55: {  	_ =	swait.ge [sflag:s22], $0x1400  }
0x56: {  	[sflag:s22] =	ssyncset.done $0x0  }
0x57: {  	s28 =	simm.s32 $0x0;
	[sflag:s22] =	ssyncadd.s32 $0xFFFFEC00  }
0x58: {  	v7 =	vld [tilespmem:s28+$0x6310]  }
0x59: {  	v11 =	vld [tilespmem:s28+$0x6320]  }
0x5a: {  	v5 =	vld [tilespmem:s28+$0x6330]  }
0x5b: {  	v4 =	vld [tilespmem:s28+$0x6340]  }
0x5c: {  	v3 =	vld [tilespmem:s28+$0x6350]  }
0x5d: {  	v2 =	vld [tilespmem:s28+$0x6360]  }
0x5e: {  	v1 =	vld [tilespmem:s28+$0x6370]  }
0x5f: {  	v0 =	vld [tilespmem:s28+$0x6380]  }
0x60: {  	v12 =	vld [tilespmem:s28+$0x4F10]  }
0x61: {  	v13 =	vld [tilespmem:s28+$0x4F20]  }
0x62: {  	v10 =	vld [tilespmem:s28+$0x4F30]  }
0x63: {  	v9 =	vld [tilespmem:s28+$0x4F40]  }
0x64: {  	v8 =	vld [tilespmem:s28+$0x4F50]  }
0x65: {  	v6 =	vld [tilespmem:s28+$0x4F60];
	v12 =	vadd.f32 v7, v12  }
0x66: {  	s29 =	simm.s32 $0x200;
	v11 =	vadd.f32 v11, v13;
	v7 =	vld [tilespmem:s28+$0x4F70]  }
.LBB2_5:
0x67: {  	s30 =	sshra.s32 s29, $0x2;
	p0 =	sne.s32 s29, $0x4E00;
	[tilespmem:s28+$0x4F10] =	vst v12;
	v5 =	vadd.f32 v5, v10;
	v10 =	vld [tilespmem:s28+$0x4F80]  }
0x68: {  	v12 =	vld [tilespmem:s30+$0x6310];
	[tilespmem:s28+$0x4F20] =	vst v11;
	v4 =	vadd.f32 v4, v9  }
0x69: {  	v11 =	vld [tilespmem:s30+$0x6320];
	[tilespmem:s28+$0x4F30] =	vst v5;
	v3 =	vadd.f32 v3, v8  }
0x6a: {  	v5 =	vld [tilespmem:s30+$0x6330];
	[tilespmem:s28+$0x4F40] =	vst v4;
	v2 =	vadd.f32 v2, v6  }
0x6b: {  	v4 =	vld [tilespmem:s30+$0x6340];
	[tilespmem:s28+$0x4F50] =	vst v3;
	v1 =	vadd.f32 v1, v7  }
0x6c: {  	v3 =	vld [tilespmem:s30+$0x6350];
	[tilespmem:s28+$0x4F60] =	vst v2;
	v0 =	vadd.f32 v0, v10  }
0x6d: {  	v2 =	vld [tilespmem:s30+$0x6360];
	[tilespmem:s28+$0x4F70] =	vst v1  }
0x6e: {  	v1 =	vld [tilespmem:s30+$0x6370];
	[tilespmem:s28+$0x4F80] =	vst v0;
	s28 =	smov.u32 s30  }
0x6f: {  	v0 =	vld [tilespmem:s28+$0x6380]  }
0x70: {  	v6 =	vld [tilespmem:s28+$0x4F10]  }
0x71: {  	v7 =	vld [tilespmem:s28+$0x4F20]  }
.Ltmp1:
0x72: {  	v10 =	vld [tilespmem:s28+$0x4F30];
	(pc) =	sbr.rel @p0 .LBB2_5-.Ltmp1, $4  }
0x73: {  	v9 =	vld [tilespmem:s28+$0x4F40]  }
0x74: {  	v8 =	vld [tilespmem:s28+$0x4F50]  }
0x75: {  	v12 =	vadd.f32 v12, v6;
	v6 =	vld [tilespmem:s28+$0x4F60]  }
0x76: {  	s29 =	sadd.s32 $0x200, s29;
	v11 =	vadd.f32 v11, v7;
	v7 =	vld [tilespmem:s28+$0x4F70]  }
0x77: {  	[tilespmem:s28+$0x4F10] =	vst v12;
	v5 =	vadd.f32 v5, v10;
	v63 =	vld [tilespmem:s28+$0x4F80]  }
0x78: {  	[tilespmem:s28+$0x4F20] =	vst v11;
	v4 =	vadd.f32 v4, v9  }
0x79: {  	[tilespmem:s28+$0x4F30] =	vst v5;
	v3 =	vadd.f32 v3, v8  }
0x7a: {  	[tilespmem:s28+$0x4F40] =	vst v4;
	v2 =	vadd.f32 v2, v6  }
0x7b: {  	s26 =	sadd.s32 s26, s9;
	[tilespmem:s28+$0x4F50] =	vst v3;
	v1 =	vadd.f32 v1, v7  }
0x7c: {  	s26 =	sshll.u32 s26, $0x4;
	[tilespmem:s28+$0x4F60] =	vst v2;
	v0 =	vadd.f32 v0, v63  }
0x7d: {  	s29 =	sshll.u32 s25, $0x1;
	s26 =	sand.u32 $0x1FFFFF80, s26;
	[tilespmem:s28+$0x4F70] =	vst v1  }
0x7e: {  	s25 =	sadd.s32 $0x1, s25;
	s30 =	smin.u32 s29, $0x79;
	s26 =	sadd.s32 s6, s26;
	[tilespmem:s28+$0x4F80] =	vst v0  }
0x7f: {  	[hbm4b:s26+s3] =	stream.linear.scatter [tilespmem:s17], [sflag:$0x4], $0x1400, $0x38;
	[tilespmem:$0x7710] =	vst v63  }
0x80: {  	p0 =	sne.s32 s25, $0x3E;
	s26 =	smul.u32 $0x28, s30;
	_ =	swait.ge [sflag:s23], $0x1400  }
.Ltmp2:
0x81: {  	[sflag:s23] =	ssyncset.done $0x0;
	(pc) =	sbr.rel @p0 .LBB2_2-.Ltmp2, $4  }
0x82: {  	s31 =	sadd.s32 $0x78, s26;
	[sflag:s23] =	ssyncadd.s32 $0xFFFFEC00  }
0x83: {  	[tilespmem:s17], [sflag:$0x2] =	stream.indirect.gather [hbm4b:s2+s14], $0x80, s31, s14, $0xb8;
	[tilespmem:$0x7710] =	vst v63  }
0x84: {  	s26 =	sadd.s32 $0x1400, s26  }
0x85: {  	[tilespmem:s19], [sflag:$0x2] =	stream.indirect.gather [hbm4b:s5+s14], $0x80, s26, s14, $0xb8;
	[tilespmem:$0x7710] =	vst v63  }
0x86: {  	_ =	swait.ge [sflag:s20], $0x1400  }
0x87: {  	[sflag:s20] =	ssyncset.done $0x0  }
0x88: {  	[sflag:s20] =	ssyncadd.s32 $0xFFFFEC00  }
0x89: {  	_ =	swait.ge [sflag:s20], $0x1400  }
0x8a: {  	[sflag:s20] =	ssyncset.done $0x0  }
0x8b: {  	s25 =	simm.s32 $0x0;
	[sflag:s20] =	ssyncadd.s32 $0xFFFFEC00  }
0x8c: {  	v7 =	vld [tilespmem:s25+$0x3B10]  }
0x8d: {  	v11 =	vld [tilespmem:s25+$0x3B20]  }
0x8e: {  	v5 =	vld [tilespmem:s25+$0x3B30]  }
0x8f: {  	v4 =	vld [tilespmem:s25+$0x3B40]  }
0x90: {  	v3 =	vld [tilespmem:s25+$0x3B50]  }
0x91: {  	v2 =	vld [tilespmem:s25+$0x3B60]  }
0x92: {  	v1 =	vld [tilespmem:s25+$0x3B70]  }
0x93: {  	v0 =	vld [tilespmem:s25+$0x3B80]  }
0x94: {  	v12 =	vld [tilespmem:s25+$0x2710]  }
0x95: {  	v13 =	vld [tilespmem:s25+$0x2720]  }
0x96: {  	v10 =	vld [tilespmem:s25+$0x2730]  }
0x97: {  	v9 =	vld [tilespmem:s25+$0x2740]  }
0x98: {  	v8 =	vld [tilespmem:s25+$0x2750]  }
0x99: {  	v6 =	vld [tilespmem:s25+$0x2760];
	v12 =	vadd.f32 v7, v12  }
0x9a: {  	s26 =	simm.s32 $0x200;
	v11 =	vadd.f32 v11, v13;
	v7 =	vld [tilespmem:s25+$0x2770]  }
.LBB2_8:
0x9b: {  	s28 =	sshra.s32 s26, $0x2;
	p0 =	sne.s32 s26, $0x4E00;
	[tilespmem:s25+$0x2710] =	vst v12;
	v5 =	vadd.f32 v5, v10;
	v10 =	vld [tilespmem:s25+$0x2780]  }
0x9c: {  	v12 =	vld [tilespmem:s28+$0x3B10];
	[tilespmem:s25+$0x2720] =	vst v11;
	v4 =	vadd.f32 v4, v9  }
0x9d: {  	v11 =	vld [tilespmem:s28+$0x3B20];
	[tilespmem:s25+$0x2730] =	vst v5;
	v3 =	vadd.f32 v3, v8  }
0x9e: {  	v5 =	vld [tilespmem:s28+$0x3B30];
	[tilespmem:s25+$0x2740] =	vst v4;
	v2 =	vadd.f32 v2, v6  }
0x9f: {  	v4 =	vld [tilespmem:s28+$0x3B40];
	[tilespmem:s25+$0x2750] =	vst v3;
	v1 =	vadd.f32 v1, v7  }
0xa0: {  	v3 =	vld [tilespmem:s28+$0x3B50];
	[tilespmem:s25+$0x2760] =	vst v2;
	v0 =	vadd.f32 v0, v10  }
0xa1: {  	v2 =	vld [tilespmem:s28+$0x3B60];
	[tilespmem:s25+$0x2770] =	vst v1  }
0xa2: {  	v1 =	vld [tilespmem:s28+$0x3B70];
	[tilespmem:s25+$0x2780] =	vst v0;
	s25 =	smov.u32 s28  }
0xa3: {  	v0 =	vld [tilespmem:s25+$0x3B80]  }
0xa4: {  	v6 =	vld [tilespmem:s25+$0x2710]  }
0xa5: {  	v7 =	vld [tilespmem:s25+$0x2720]  }
.Ltmp3:
0xa6: {  	v10 =	vld [tilespmem:s25+$0x2730];
	(pc) =	sbr.rel @p0 .LBB2_8-.Ltmp3, $4  }
0xa7: {  	v9 =	vld [tilespmem:s25+$0x2740]  }
0xa8: {  	v8 =	vld [tilespmem:s25+$0x2750]  }
0xa9: {  	v12 =	vadd.f32 v12, v6;
	v6 =	vld [tilespmem:s25+$0x2760]  }
0xaa: {  	s26 =	sadd.s32 $0x200, s26;
	v11 =	vadd.f32 v11, v7;
	v7 =	vld [tilespmem:s25+$0x2770]  }
0xab: {  	[tilespmem:s25+$0x2710] =	vst v12;
	v5 =	vadd.f32 v5, v10;
	v63 =	vld [tilespmem:s25+$0x2780]  }
0xac: {  	[tilespmem:s25+$0x2720] =	vst v11;
	v4 =	vadd.f32 v4, v9  }
0xad: {  	[tilespmem:s25+$0x2730] =	vst v5;
	v3 =	vadd.f32 v3, v8  }
0xae: {  	[tilespmem:s25+$0x2740] =	vst v4;
	v2 =	vadd.f32 v2, v6  }
0xaf: {  	[tilespmem:s25+$0x2750] =	vst v3;
	v1 =	vadd.f32 v1, v7  }
0xb0: {  	[tilespmem:s25+$0x2760] =	vst v2;
	v0 =	vadd.f32 v0, v63  }
0xb1: {  	[tilespmem:s25+$0x2770] =	vst v1  }
0xb2: {  	[tilespmem:s25+$0x2780] =	vst v0  }
0xb3: {  	[hbm4b:s10+s3] =	stream.linear.scatter [tilespmem:s15], [sflag:$0x3], $0x1400, $0x38;
	[tilespmem:$0x7710] =	vst v63  }
0xb4: {  	_ =	swait.ge [sflag:s21], $0x1400  }
0xb5: {  	[sflag:s21] =	ssyncset.done $0x0  }
0xb6: {  	s24 =	sadd.s32 $0x1, s24;
	[sflag:s21] =	ssyncadd.s32 $0xFFFFEC00  }
0xb7: {  	p0 =	sne.s32 s24, s11;
	_ =	swait.ge [sflag:s22], $0x1400  }
.Ltmp4:
0xb8: {  	[sflag:s22] =	ssyncset.done $0x0;
	(pc) =	sbr.rel @p0 .LBB2_1-.Ltmp4, $4  }
0xb9: {  	[sflag:s22] =	ssyncadd.s32 $0xFFFFEC00  }
0xba: {  	_ =	swait.ge [sflag:s22], $0x1400  }
0xbb: {  	[sflag:s22] =	ssyncset.done $0x0  }
0xbc: {  	[sflag:s22] =	ssyncadd.s32 $0xFFFFEC00  }
0xbd: {  	_ =	sfence.sel $0x180000  }
0xbe: {  	[bflag:$0x0] =	sbarrier.arrive $0xFFFF  }
0xbf: {  	p0 =	sne.s32 s0, $0x0;
	_ =	strace $0x90000047  }
0xc0: {  	s0 =	sadd.s32 @!p0 $0x100000, s1;
	[bflag:$0x2] =	sbarrier.arrive $0xFFFF  }
0xc1: {  	[sflag:s0] =	ssyncadd.tile.s32 @!p0 $0x1;
	_ =	shalt  }
.Lfunc_end2:
_tile_overlayer_lowered:
.L_overlay_start_2:
0xc2: {  	(tag) =	ssettag $0x2  }
0xc3: {  	s0 =	rddreg [dreg:$0x0];
	s2 =	stileid.u32  }
0xc4: {  	s1 =	rddreg [dreg:$0x1];
	p0 =	sne.s32 s2, $0x0  }
0xc5: {  	s3 =	rddreg [dreg:$0x2];
	[bflag:$0x3] =	sbarrier.arrive $0xFFFF;
	s2 =	simm.s32 @!p0 $0x1C05  }
0xc6: {  	[timem:s3], [sflag:s2] =	dma.local @!p0 [hbm:s0], s1  }
0xc7: {  	s0 =	simm.s32 @!p0 $0x5  }
0xc8: {  	_ =	swait.ge @!p0 [sflag:s0], s1  }
0xc9: {  	s1 =	ssub.s32 @!p0 $0x0, s1;
	[sflag:s0] =	ssyncset.done @!p0 $0x0  }
0xca: {  	[sflag:s0] =	ssyncadd.s32 @!p0 s1  }
0xcb: {  	[bflag:$0x3] =	sbarrier.arrive $0xFFFF  }
0xcc: {  	_ =	shalt  }

// kernel: kernel.13.cloned.1.call-start
scs
__scs_entry_jumppad:
0x0: {  	(pc) =	sbr.rel $0x88, $3  }
0x1: {  	(tag) =	ssettag $0x0;
	lr =	simm.s32 $0x1  }
0x2: {  	[smem:$0x3F91] =	sst lr;
	_ =	strace $0xD0000000  }
0x3: {  	_ = 	snop  }
0x4: {  	_ = 	snop  }
0x5: {  	_ = 	snop  }
0x6: {  	_ = 	snop  }
0x7: {  	_ = 	snop  }
__scs_overlays_trampoline_lowered:
0x8: {  	[smem:$0x3FA0] =	sst s0  }
0x9: {  	[smem:$0x3FA1] =	sst s1  }
0xa: {  	[smem:$0x3FA2] =	sst s2  }
0xb: {  	[smem:$0x3FA3] =	sst s3  }
0xc: {  	[smem:$0x3FA4] =	sst s4  }
0xd: {  	[smem:$0x3FA5] =	sst s5  }
0xe: {  	[smem:$0x3FA6] =	sst s6  }
0xf: {  	[smem:$0x3FA7] =	sst s7  }
0x10: {  	[smem:$0x3FA8] =	sst s8  }
0x11: {  	[smem:$0x3FA9] =	sst s9;
	s0 =	simm.s32 @!p0 $0x0  }
0x12: {  	s1 =	sld [smem:$0x3F8F];
	s0 =	simm.s32 @p0 $0x1  }
0x13: {  	[smem:$0x3FAA] =	sst s0;
	s0 =	simm.s32 @!p1 $0x0  }
0x14: {  	s2 =	sld [smem:$0x3F8E];
	s0 =	simm.s32 @p1 $0x1  }
0x15: {  	[smem:$0x3FAB] =	sst s0;
	s0 =	simm.s32 @!p2 $0x0  }
0x16: {  	s3 =	sld [smem:$0x3FDB];
	s0 =	simm.s32 @p2 $0x1  }
0x17: {  	s4 =	simm.s32 $0x1BF5;
	[smem:$0x3FAD] =	sst s0  }
0x18: {  	s0 =	sld [smem:$0x3F90];
	_ =	swait.ge [sflag:s4], $0x0  }
0x19: {  	s7 =	sld [smem:$0x3F91]  }
0x1a: {  	s8 =	sadd.s32 $0xFFFFE003, lr  }
0x1b: {  	s9 =	sadd.s32 $0xFFFFFEF7, lr;
	s5 =	simm.s32 $0xFFFFFFFF;
	p2 =	slt.u32 s8, $0xFFFFF086  }
0x1c: {  	p1 =	slt.u32 s9, $0xF7A;
	s5 =	simm.s32 @!p2 $0x0  }
0x1d: {  	s5 =	simm.s32 @p1 $0x1;
	p0 =	seq.s32 s7, s2  }
0x1e: {  	s7 =	smul.u32 @!p0 $0xF7A, s2;
	p2 =	seq.s32 @!p0 s5, $0x0  }
0x1f: {  	s9 =	smul.u32 $0xF7A, s1;
	s8 =	simm.s32 @!p0 $0x1BF5;
	p2 =	por !p2, p0  }
0x20: {  	[sflag:s8] =	ssyncset.s32 @!p0 $0xFFFFF086;
	s6 =	sadd.s32 @!p0 s3, s7;
	s7 =	simm.s32 @!p0 $0x108  }
0x21: {  	s3 =	sadd.s32 s3, s9;
	s6 =	sadd.s32 @!p0 $0x88, s6;
	s7 =	simm.s32 @p2 $0x1082  }
0x22: {  	[simem:s7], [sflag:s8] =	dma.local @!p0 [hbm:s6], $0xF7A  }
0x23: {  	s9 =	sor.u32 $0xD0000000, s2;
	s6 =	simm.s32 $0x108;
	_ =	swait.ge @!p0 [sflag:s8], $0x0  }
0x24: {  	s3 =	sadd.s32 $0x88, s3;
	s6 =	simm.s32 @!p1 $0x1082;
	[sflag:s4] =	ssyncset.s32 $0xFFFFF086  }
0x25: {  	[simem:s6], [sflag:s4] =	dma.local [hbm:s3], $0xF7A  }
0x26: {  	[smem:$0x3F91] =	sst s1;
	(tag) =	ssettag s2;
	_ =	strace s9  }
0x27: {  	s1 =	sld [smem:$0x3FA1]  }
0x28: {  	s2 =	sld [smem:$0x3FA2]  }
0x29: {  	s4 =	sld [smem:$0x3FA4]  }
0x2a: {  	p0 =	seq.s32 s5, $0x0;
	s5 =	sld [smem:$0x3FA5]  }
0x2b: {  	s6 =	sld [smem:$0x3FA6]  }
0x2c: {  	s7 =	sld [smem:$0x3FA7]  }
0x2d: {  	s3 =	simm.s32 $0x108;
	s8 =	sld [smem:$0x3FA8]  }
0x2e: {  	s3 =	simm.s32 @!p0 $0x1082;
	s9 =	sld [smem:$0x3FA9]  }
0x2f: {  	lr =	sadd.s32 s0, s3;
	s0 =	sld [smem:$0x3FA0]  }
0x30: {  	s3 =	sld [smem:$0x3FA3]  }
0x31: {  	[smem:$0x3FAC] =	sst s10  }
0x32: {  	s10 =	sld [smem:$0x3FAA];
	_ =	sdelay $0x3  }
0x33: {  	p0 =	seq.s32 s10, $0x1;
	s10 =	sld [smem:$0x3FAC];
	_ =	sdelay $0x3  }
0x34: {  	[smem:$0x3FAC] =	sst s10  }
0x35: {  	s10 =	sld [smem:$0x3FAB];
	_ =	sdelay $0x3  }
0x36: {  	p1 =	seq.s32 s10, $0x1;
	s10 =	sld [smem:$0x3FAC];
	_ =	sdelay $0x3  }
0x37: {  	[smem:$0x3FAC] =	sst s10  }
0x38: {  	s10 =	sld [smem:$0x3FAD]  }
0x39: {  	_ = 	snop;
	(pc) =	sbr.ind lr, $3  }
0x3a: {  	_ = 	snop  }
0x3b: {  	_ = 	snop  }
0x3c: {  	p2 =	seq.s32 s10, $0x1;
	s10 =	sld [smem:$0x3FAC]  }
0x3d: {  	_ =	shalt  }
0x3e: {  	_ =	shalt  }
0x3f: {  	_ =	shalt  }
0x40: {  	_ =	shalt  }
0x41: {  	_ =	shalt  }
0x42: {  	_ =	shalt  }
0x43: {  	_ =	shalt  }
0x44: {  	_ =	shalt  }
0x45: {  	_ =	shalt  }
0x46: {  	_ =	shalt  }
0x47: {  	_ =	shalt  }
0x48: {  	_ =	shalt  }
0x49: {  	_ =	shalt  }
0x4a: {  	_ =	shalt  }
0x4b: {  	_ =	shalt  }
0x4c: {  	_ =	shalt  }
0x4d: {  	_ =	shalt  }
0x4e: {  	_ =	shalt  }
0x4f: {  	_ =	shalt  }
0x50: {  	_ =	shalt  }
0x51: {  	_ =	shalt  }
0x52: {  	_ =	shalt  }
0x53: {  	_ =	shalt  }
0x54: {  	_ =	shalt  }
0x55: {  	_ =	shalt  }
0x56: {  	_ =	shalt  }
0x57: {  	_ =	shalt  }
0x58: {  	_ =	shalt  }
0x59: {  	_ =	shalt  }
0x5a: {  	_ =	shalt  }
0x5b: {  	_ =	shalt  }
0x5c: {  	_ =	shalt  }
0x5d: {  	_ =	shalt  }
0x5e: {  	_ =	shalt  }
0x5f: {  	_ =	shalt  }
0x60: {  	_ =	shalt  }
0x61: {  	_ =	shalt  }
0x62: {  	_ =	shalt  }
0x63: {  	_ =	shalt  }
0x64: {  	_ =	shalt  }
0x65: {  	_ =	shalt  }
0x66: {  	_ =	shalt  }
0x67: {  	_ =	shalt  }
0x68: {  	_ =	shalt  }
0x69: {  	_ =	shalt  }
0x6a: {  	_ =	shalt  }
0x6b: {  	_ =	shalt  }
0x6c: {  	_ =	shalt  }
0x6d: {  	_ =	shalt  }
0x6e: {  	_ =	shalt  }
0x6f: {  	_ =	shalt  }
0x70: {  	_ =	shalt  }
0x71: {  	_ =	shalt  }
0x72: {  	_ =	shalt  }
0x73: {  	_ =	shalt  }
0x74: {  	_ =	shalt  }
0x75: {  	_ =	shalt  }
0x76: {  	_ =	shalt  }
0x77: {  	_ =	shalt  }
0x78: {  	_ =	shalt  }
0x79: {  	_ =	shalt  }
0x7a: {  	_ =	shalt  }
0x7b: {  	_ =	shalt  }
0x7c: {  	_ =	shalt  }
0x7d: {  	_ =	shalt  }
0x7e: {  	_ =	shalt  }
0x7f: {  	_ =	shalt  }
0x80: {  	_ =	shalt  }
0x81: {  	_ =	shalt  }
0x82: {  	_ =	shalt  }
0x83: {  	_ =	shalt  }
0x84: {  	_ =	shalt  }
0x85: {  	_ =	shalt  }
0x86: {  	_ =	shalt  }
0x87: {  	_ =	shalt  }
.Lfunc_end0:
.L_simem_size_0:
called_computation.1_lowered:
.L_overlay_start_0:
0x88: {  	s2 =	sld [smem:$0x3FD9]  }
0x89: {  	s3 =	sld [smem:$0x3FFE];
	_ =	sdelay $0x1  }
0x8a: {  	s1 =	srdreg.scid  }
0x8b: {  	s0 =	sand.u32 $0x1, s1  }
0x8c: {  	s17 =	sshll.u32 s0, $0xA;
	s2 =	sadd.s32 s3, s2  }
0x8d: {  	s2 =	sadd.s32 s2, s17  }
0x8e: {  	[smem:$0x3FB8] =	sst s2  }
0x8f: {  	_ = 	snop  }
0x90: {  	s2 =	sld [smem:$0x3FD0];
	(tm) =	ssettm $0x1  }
0x91: {  	s18 =	sld [smem:$0x3FFB];
	_ =	sdelay $0x3  }
0x92: {  	_ =	strace s18  }
0x93: {  	s3 =	sld [smem:$0x3FFC];
	_ =	sdelay $0x3  }
0x94: {  	_ =	strace s3  }
0x95: {  	s3 =	sld [smem:$0x3FFD];
	_ =	sdelay $0x3  }
0x96: {  	_ =	strace s3  }
0x97: {  	_ =	strace $0x8FFFFFFF  }
0x98: {  	s19 =	sld [smem:$0x3FDB];
	_ =	sdelay $0x1  }
0x99: {  	s4 =	simm.s32 $_scs_section_size  }
0x9a: {  	s5 =	simm.s32 $_size__tile_overlayer_lowered;
	s6 =	simm.s32 $_tile_overlayer_lowered  }
0x9b: {  	s22 =	simm.s32 $0x1BFF;
	s21 =	sshll.u32 s6, $0x1;
	s3 =	sadd.s32 s4, s19  }
0x9c: {  	s7 =	simm.s32 $0x0;
	s20 =	sshll.u32 s5, $0x1;
	s5 =	sadd.s32 s21, s3  }
0x9d: {  	[timem:s7], [sflag:s22] =	dma.local [hbm:s5], s20  }
0x9e: {  	_ =	swait.ge [sflag:s22], s20  }
0x9f: {  	s4 =	ssub.s32 $0x0, s20;
	[sflag:s22] =	ssyncset.done $0x0  }
0xa0: {  	[sflag:s22] =	ssyncadd.s32 s4;
	_ =	sdelay $0x1  }
0xa1: {  	s23 =	simm.s32 $0x1B8B  }
0xa2: {  	_ =	swait.ge [sflag:s23], $0x1  }
0xa3: {  	[sflag:s23] =	ssyncset.done $0x0  }
0xa4: {  	s25 =	simm.s32 $0x1B8E;
	s24 =	sld [smem:$0x3FFE];
	[sflag:s23] =	ssyncadd.s32 $0xFFFFFFFF  }
0xa5: {  	s26 =	simm.s32 $execute0_lowered;
	[smem:$0x3FD2] =	sst s25  }
0xa6: {  	s5 =	sshll.u32 s26, $0x1;
	_ =	strace $0x80000049;
	[dreg:$0x1] =	wrdreg $0xFFFFFFFF  }
0xa7: {  	s28 =	simm.s32 $_size_execute0_lowered;
	s3 =	sadd.s32 s3, s5;
	[dreg:$0x0] =	wrdreg $0x0  }
0xa8: {  	s5 =	sshll.u32 s28, $0x1;
	[dreg:$0x2] =	wrdreg s3  }
0xa9: {  	[dreg:$0x3] =	wrdreg s5  }
0xaa: {  	[dreg:$0x4] =	wrdreg $0xC0  }
0xab: {  	_ =	task [dreg:s7], $0x5FFFF  }
0xac: {  	[dreg:$0x1] =	wrdreg $0xFFFFFFFF  }
0xad: {  	[dreg:$0x0] =	wrdreg $0x60  }
0xae: {  	[dreg:$0x2] =	wrdreg s2  }
0xaf: {  	[dreg:$0x3] =	wrdreg s24  }
0xb0: {  	[dreg:$0x4] =	wrdreg $0x9  }
0xb1: {  	_ =	task.clear_ibuf [dreg:s7], $0x5FFFF;
	_ =	strace $0x90000049  }
0xb2: {  	s29 =	simm.s32 $0x9;
	_ =	strace $0x8000004B  }
0xb3: {  	_ =	swait.ge [sflag:s29], $0x1  }
0xb4: {  	[sflag:s29] =	ssyncadd.s32 $0xFFFFFFFF  }
0xb5: {  	_ =	strace $0x9000004B  }
0xb6: {  	_ =	sfence  }
0xb7: {  	s30 =	sld [smem:$0x0];
	_ =	sdelay $0x2  }
0xb8: {  	s31 =	sshll.u32 s1, $0xD;
	s1 =	sshrl.u32 s1, $0x2  }
0xb9: {  	s3 =	sand.u32 $0x4000, s31;
	s1 =	sadd.s32 s1, s30  }
0xba: {  	s0 =	sor.u32 s3, s0;
	s1 =	sshll.u32 s1, $0x11  }
0xbb: {  	s0 =	sor.u32 s1, s0  }
0xbc: {  	s0 =	sadd.s32 $0x8F2B, s0  }
0xbd: {  	[sflag:s0] =	ssyncadd.remote.s32 $0x1  }
0xbe: {  	_ =	sfence.sel $0xFFFF  }
0xbf: {  	[dreg:$0x0] =	wrdreg $0xFFFFFFFF;
	(pc) =	sbr.abs _section_cstart, $3  }
0xc0: {  	[dreg:$0x1] =	wrdreg $0xFFFFFFFF  }
0xc1: {  	_ =	task.clear_ibuf [dreg:s7], $0x2FFFF;
	_ =	strace $0x9FFFFFFF  }
0xc2: {  	(tm) =	ssettm $0x7FFFFFFF  }
0xc3: {  	_ =	shalt  }
tec
execute0_lowered:
.L_overlay_start_1:
0x0: {  	(tag) =	ssettag $0x1  }
0x1: {  	s2 =	rddreg [dreg:$0x0];
	s1 =	srdreg.scid  }
0x2: {  	s0 =	stileid.u32;
	s6 =	rddreg [dreg:$0x1]  }
0x3: {  	s3 =	simm.s32 $0x0;
	s12 =	simm.s32 $0x5;
	s13 =	simm.s32 $0x1388  }
0x4: {  	s14 =	simm.s32 $0x28;
	s15 =	simm.s32 $0x2710;
	s16 =	simm.s32 $0x3B10  }
0x5: {  	s17 =	simm.s32 $0x4F10;
	s18 =	simm.s32 $0x13B0;
	s19 =	simm.s32 $0x6310  }
0x6: {  	s20 =	simm.s32 $0x1;
	s21 =	simm.s32 $0x3;
	s22 =	simm.s32 $0x2  }
0x7: {  	s23 =	simm.s32 $0x4;
	s7 =	sand.u32 $0x1, s1;
	s4 =	sshll.u32 s0, $0x1  }
0x8: {  	s24 =	simm.s32 $0x0;
	s1 =	rddreg [dreg:$0x2];
	s8 =	sor.u32 s7, s4  }
0x9: {  	[smem:$0x7FF] =	sst s3;
	s7 =	ssub.s32 $0x2, s7;
	s4 =	smul.u32 $0x1388, s8  }
0xa: {  	s5 =	sadd.s32 $0x1AC00, s6;
	s8 =	smul.u32 $0x9C400, s8;
	s10 =	sshrl.u32 s7, $0x1  }
0xb: {  	_ =	strace $0x8000004A;
	s11 =	ssub.s32 s7, s10;
	s9 =	sshrl.u32 s4, $0x3  }
0xc: {  	s31 =	sshrl.u32 s8, $0x3;
	s9 =	sadd.s32 s9, s6;
	s6 =	sadd.s32 $0x2B2E00, s6  }
0xd: {  	s11 =	smax.u32 s11, $0x1;
	s7 =	sadd.s32 $0xBC00, s9;
	s10 =	sadd.s32 s6, s31  }
0xe: {  	s8 =	sadd.s32 $0x15C00, s9;
	s9 =	sadd.s32 $0x28, s4;
	s10 =	sadd.s32 $0x13600, s10  }
.LBB2_1:
0xf: {  	[tilespmem:s3], [sflag:$0x5] =	stream.linear.gather [hbm4b:s7+s3], $0x1388, $0x38;
	[tilespmem:$0x7710] =	vst v63  }
0x10: {  	_ =	swait.ge [sflag:s12], $0x1388  }
0x11: {  	[sflag:s12] =	ssyncset.done $0x0  }
0x12: {  	[sflag:s12] =	ssyncadd.s32 $0xFFFFEC78  }
0x13: {  	[tilespmem:s13], [sflag:$0x5] =	stream.linear.gather [hbm4b:s8+s3], $0x1388, $0x38;
	[tilespmem:$0x7710] =	vst v63  }
0x14: {  	_ =	swait.ge [sflag:s12], $0x1388  }
0x15: {  	[sflag:s12] =	ssyncset.done $0x0  }
0x16: {  	[sflag:s12] =	ssyncadd.s32 $0xFFFFEC78  }
0x17: {  	[tilespmem:s15], [sflag:$0x1] =	stream.indirect.gather [hbm4b:s2+s14], $0x80, s3, s14, $0xb8;
	[tilespmem:$0x7710] =	vst v63  }
0x18: {  	_ = 	snop  }
0x19: {  	[tilespmem:s16], [sflag:$0x1] =	stream.indirect.gather [hbm4b:s5+s14], $0x80, s13, s14, $0xb8;
	[tilespmem:$0x7710] =	vst v63  }
0x1a: {  	_ = 	snop  }
0x1b: {  	[tilespmem:s17], [sflag:$0x2] =	stream.indirect.gather [hbm4b:s2+s14], $0x80, s14, s14, $0xb8;
	[tilespmem:$0x7710] =	vst v63  }
0x1c: {  	s25 =	simm.s32 $0x0  }
0x1d: {  	[tilespmem:s19], [sflag:$0x2] =	stream.indirect.gather [hbm4b:s5+s14], $0x80, s18, s14, $0xb8;
	[tilespmem:$0x7710] =	vst v63  }
.LBB2_2:
0x1e: {  	_ =	swait.ge [sflag:s20], $0x1400  }
0x1f: {  	[sflag:s20] =	ssyncset.done $0x0  }
0x20: {  	[sflag:s20] =	ssyncadd.s32 $0xFFFFEC00  }
0x21: {  	_ =	swait.ge [sflag:s20], $0x1400  }
0x22: {  	[sflag:s20] =	ssyncset.done $0x0  }
0x23: {  	s28 =	simm.s32 $0x0;
	[sflag:s20] =	ssyncadd.s32 $0xFFFFEC00  }
0x24: {  	v6 =	vld [tilespmem:s28+$0x3B10]  }
0x25: {  	v11 =	vld [tilespmem:s28+$0x3B20]  }
0x26: {  	v5 =	vld [tilespmem:s28+$0x3B30]  }
0x27: {  	v4 =	vld [tilespmem:s28+$0x3B40]  }
0x28: {  	v3 =	vld [tilespmem:s28+$0x3B50]  }
0x29: {  	v2 =	vld [tilespmem:s28+$0x3B60]  }
0x2a: {  	v1 =	vld [tilespmem:s28+$0x3B70]  }
0x2b: {  	v0 =	vld [tilespmem:s28+$0x3B80]  }
0x2c: {  	v12 =	vld [tilespmem:s28+$0x2710]  }
0x2d: {  	v13 =	vld [tilespmem:s28+$0x2720]  }
0x2e: {  	v10 =	vld [tilespmem:s28+$0x2730]  }
0x2f: {  	v9 =	vld [tilespmem:s28+$0x2740]  }
0x30: {  	v8 =	vld [tilespmem:s28+$0x2750]  }
0x31: {  	v7 =	vld [tilespmem:s28+$0x2760];
	v12 =	vadd.f32 v6, v12  }
0x32: {  	s26 =	simm.s32 $0x200;
	v11 =	vadd.f32 v11, v13;
	v6 =	vld [tilespmem:s28+$0x2770]  }
.LBB2_3:
0x33: {  	s29 =	sshra.s32 s26, $0x2;
	p0 =	sne.s32 s26, $0x4E00;
	[tilespmem:s28+$0x2710] =	vst v12;
	v5 =	vadd.f32 v5, v10;
	v10 =	vld [tilespmem:s28+$0x2780]  }
0x34: {  	v12 =	vld [tilespmem:s29+$0x3B10];
	[tilespmem:s28+$0x2720] =	vst v11;
	v4 =	vadd.f32 v4, v9  }
0x35: {  	v11 =	vld [tilespmem:s29+$0x3B20];
	[tilespmem:s28+$0x2730] =	vst v5;
	v3 =	vadd.f32 v3, v8  }
0x36: {  	v5 =	vld [tilespmem:s29+$0x3B30];
	[tilespmem:s28+$0x2740] =	vst v4;
	v2 =	vadd.f32 v2, v7  }
0x37: {  	v4 =	vld [tilespmem:s29+$0x3B40];
	[tilespmem:s28+$0x2750] =	vst v3;
	v1 =	vadd.f32 v1, v6  }
0x38: {  	v3 =	vld [tilespmem:s29+$0x3B50];
	[tilespmem:s28+$0x2760] =	vst v2;
	v0 =	vadd.f32 v0, v10  }
0x39: {  	v2 =	vld [tilespmem:s29+$0x3B60];
	[tilespmem:s28+$0x2770] =	vst v1  }
0x3a: {  	v1 =	vld [tilespmem:s29+$0x3B70];
	[tilespmem:s28+$0x2780] =	vst v0;
	s28 =	smov.u32 s29  }
0x3b: {  	v0 =	vld [tilespmem:s28+$0x3B80]  }
0x3c: {  	v6 =	vld [tilespmem:s28+$0x2710]  }
0x3d: {  	v13 =	vld [tilespmem:s28+$0x2720]  }
.Ltmp0:
0x3e: {  	v10 =	vld [tilespmem:s28+$0x2730];
	(pc) =	sbr.rel @p0 .LBB2_3-.Ltmp0, $4  }
0x3f: {  	v9 =	vld [tilespmem:s28+$0x2740]  }
0x40: {  	v8 =	vld [tilespmem:s28+$0x2750]  }
0x41: {  	v12 =	vadd.f32 v12, v6;
	v7 =	vld [tilespmem:s28+$0x2760]  }
0x42: {  	s26 =	sadd.s32 $0x200, s26;
	v11 =	vadd.f32 v11, v13;
	v6 =	vld [tilespmem:s28+$0x2770]  }
0x43: {  	[tilespmem:s28+$0x2710] =	vst v12;
	v5 =	vadd.f32 v5, v10;
	v10 =	vld [tilespmem:s28+$0x2780]  }
0x44: {  	[tilespmem:s28+$0x2720] =	vst v11;
	v4 =	vadd.f32 v4, v9  }
0x45: {  	[tilespmem:s28+$0x2730] =	vst v5;
	v3 =	vadd.f32 v3, v8  }
0x46: {  	s26 =	smul.u32 $0x50, s25;
	[tilespmem:s28+$0x2740] =	vst v4;
	v2 =	vadd.f32 v2, v7  }
0x47: {  	[tilespmem:s28+$0x2750] =	vst v3;
	v1 =	vadd.f32 v1, v6  }
0x48: {  	s29 =	sadd.s32 s4, s26;
	[tilespmem:s28+$0x2760] =	vst v2;
	v0 =	vadd.f32 v0, v10  }
0x49: {  	s29 =	sshll.u32 s29, $0x4;
	[tilespmem:s28+$0x2770] =	vst v1  }
0x4a: {  	[tilespmem:s28+$0x2780] =	vst v0;
	s28 =	sadd.s32 s6, s29;
	s29 =	simm.s32 $0x0  }
0x4b: {  	[hbm4b:s28+s29] =	stream.linear.scatter [tilespmem:s15], [sflag:$0x3], $0x1400, $0x38;
	[tilespmem:$0x7710] =	vst v63  }
0x4c: {  	_ =	swait.ge [sflag:s21], $0x1400  }
0x4d: {  	[sflag:s21] =	ssyncset.done $0x0  }
0x4e: {  	s28 =	sadd.s32 $0x50, s26;
	[sflag:s21] =	ssyncadd.s32 $0xFFFFEC00  }
0x4f: {  	[tilespmem:s15], [sflag:$0x1] =	stream.indirect.gather [hbm4b:s2+s14], $0x80, s28, s14, $0xb8;
	[tilespmem:$0x7710] =	vst v63  }
0x50: {  	s28 =	sadd.s32 $0x13D8, s26  }
0x51: {  	[tilespmem:s16], [sflag:$0x1] =	stream.indirect.gather [hbm4b:s5+s14], $0x80, s28, s14, $0xb8;
	[tilespmem:$0x7710] =	vst v63  }
0x52: {  	_ =	swait.ge [sflag:s22], $0x1400  }
0x53: {  	[sflag:s22] =	ssyncset.done $0x0  }
0x54: {  	[sflag:s22] =	ssyncadd.s32 $0xFFFFEC00  }
0x55: {  	_ =	swait.ge [sflag:s22], $0x1400  }
0x56: {  	[sflag:s22] =	ssyncset.done $0x0  }
0x57: {  	s28 =	simm.s32 $0x0;
	[sflag:s22] =	ssyncadd.s32 $0xFFFFEC00  }
0x58: {  	v7 =	vld [tilespmem:s28+$0x6310]  }
0x59: {  	v11 =	vld [tilespmem:s28+$0x6320]  }
0x5a: {  	v5 =	vld [tilespmem:s28+$0x6330]  }
0x5b: {  	v4 =	vld [tilespmem:s28+$0x6340]  }
0x5c: {  	v3 =	vld [tilespmem:s28+$0x6350]  }
0x5d: {  	v2 =	vld [tilespmem:s28+$0x6360]  }
0x5e: {  	v1 =	vld [tilespmem:s28+$0x6370]  }
0x5f: {  	v0 =	vld [tilespmem:s28+$0x6380]  }
0x60: {  	v12 =	vld [tilespmem:s28+$0x4F10]  }
0x61: {  	v13 =	vld [tilespmem:s28+$0x4F20]  }
0x62: {  	v10 =	vld [tilespmem:s28+$0x4F30]  }
0x63: {  	v9 =	vld [tilespmem:s28+$0x4F40]  }
0x64: {  	v8 =	vld [tilespmem:s28+$0x4F50]  }
0x65: {  	v6 =	vld [tilespmem:s28+$0x4F60];
	v12 =	vadd.f32 v7, v12  }
0x66: {  	s29 =	simm.s32 $0x200;
	v11 =	vadd.f32 v11, v13;
	v7 =	vld [tilespmem:s28+$0x4F70]  }
.LBB2_5:
0x67: {  	s30 =	sshra.s32 s29, $0x2;
	p0 =	sne.s32 s29, $0x4E00;
	[tilespmem:s28+$0x4F10] =	vst v12;
	v5 =	vadd.f32 v5, v10;
	v10 =	vld [tilespmem:s28+$0x4F80]  }
0x68: {  	v12 =	vld [tilespmem:s30+$0x6310];
	[tilespmem:s28+$0x4F20] =	vst v11;
	v4 =	vadd.f32 v4, v9  }
0x69: {  	v11 =	vld [tilespmem:s30+$0x6320];
	[tilespmem:s28+$0x4F30] =	vst v5;
	v3 =	vadd.f32 v3, v8  }
0x6a: {  	v5 =	vld [tilespmem:s30+$0x6330];
	[tilespmem:s28+$0x4F40] =	vst v4;
	v2 =	vadd.f32 v2, v6  }
0x6b: {  	v4 =	vld [tilespmem:s30+$0x6340];
	[tilespmem:s28+$0x4F50] =	vst v3;
	v1 =	vadd.f32 v1, v7  }
0x6c: {  	v3 =	vld [tilespmem:s30+$0x6350];
	[tilespmem:s28+$0x4F60] =	vst v2;
	v0 =	vadd.f32 v0, v10  }
0x6d: {  	v2 =	vld [tilespmem:s30+$0x6360];
	[tilespmem:s28+$0x4F70] =	vst v1  }
0x6e: {  	v1 =	vld [tilespmem:s30+$0x6370];
	[tilespmem:s28+$0x4F80] =	vst v0;
	s28 =	smov.u32 s30  }
0x6f: {  	v0 =	vld [tilespmem:s28+$0x6380]  }
0x70: {  	v6 =	vld [tilespmem:s28+$0x4F10]  }
0x71: {  	v7 =	vld [tilespmem:s28+$0x4F20]  }
.Ltmp1:
0x72: {  	v10 =	vld [tilespmem:s28+$0x4F30];
	(pc) =	sbr.rel @p0 .LBB2_5-.Ltmp1, $4  }
0x73: {  	v9 =	vld [tilespmem:s28+$0x4F40]  }
0x74: {  	v8 =	vld [tilespmem:s28+$0x4F50]  }
0x75: {  	v12 =	vadd.f32 v12, v6;
	v6 =	vld [tilespmem:s28+$0x4F60]  }
0x76: {  	s29 =	sadd.s32 $0x200, s29;
	v11 =	vadd.f32 v11, v7;
	v7 =	vld [tilespmem:s28+$0x4F70]  }
0x77: {  	[tilespmem:s28+$0x4F10] =	vst v12;
	v5 =	vadd.f32 v5, v10;
	v63 =	vld [tilespmem:s28+$0x4F80]  }
0x78: {  	[tilespmem:s28+$0x4F20] =	vst v11;
	v4 =	vadd.f32 v4, v9  }
0x79: {  	[tilespmem:s28+$0x4F30] =	vst v5;
	v3 =	vadd.f32 v3, v8  }
0x7a: {  	[tilespmem:s28+$0x4F40] =	vst v4;
	v2 =	vadd.f32 v2, v6  }
0x7b: {  	s26 =	sadd.s32 s26, s9;
	[tilespmem:s28+$0x4F50] =	vst v3;
	v1 =	vadd.f32 v1, v7  }
0x7c: {  	s26 =	sshll.u32 s26, $0x4;
	[tilespmem:s28+$0x4F60] =	vst v2;
	v0 =	vadd.f32 v0, v63  }
0x7d: {  	s29 =	sshll.u32 s25, $0x1;
	s26 =	sand.u32 $0x1FFFFF80, s26;
	[tilespmem:s28+$0x4F70] =	vst v1  }
0x7e: {  	s25 =	sadd.s32 $0x1, s25;
	s30 =	smin.u32 s29, $0x79;
	s26 =	sadd.s32 s6, s26;
	[tilespmem:s28+$0x4F80] =	vst v0  }
0x7f: {  	[hbm4b:s26+s3] =	stream.linear.scatter [tilespmem:s17], [sflag:$0x4], $0x1400, $0x38;
	[tilespmem:$0x7710] =	vst v63  }
0x80: {  	p0 =	sne.s32 s25, $0x3E;
	s26 =	smul.u32 $0x28, s30;
	_ =	swait.ge [sflag:s23], $0x1400  }
.Ltmp2:
0x81: {  	[sflag:s23] =	ssyncset.done $0x0;
	(pc) =	sbr.rel @p0 .LBB2_2-.Ltmp2, $4  }
0x82: {  	s31 =	sadd.s32 $0x78, s26;
	[sflag:s23] =	ssyncadd.s32 $0xFFFFEC00  }
0x83: {  	[tilespmem:s17], [sflag:$0x2] =	stream.indirect.gather [hbm4b:s2+s14], $0x80, s31, s14, $0xb8;
	[tilespmem:$0x7710] =	vst v63  }
0x84: {  	s26 =	sadd.s32 $0x1400, s26  }
0x85: {  	[tilespmem:s19], [sflag:$0x2] =	stream.indirect.gather [hbm4b:s5+s14], $0x80, s26, s14, $0xb8;
	[tilespmem:$0x7710] =	vst v63  }
0x86: {  	_ =	swait.ge [sflag:s20], $0x1400  }
0x87: {  	[sflag:s20] =	ssyncset.done $0x0  }
0x88: {  	[sflag:s20] =	ssyncadd.s32 $0xFFFFEC00  }
0x89: {  	_ =	swait.ge [sflag:s20], $0x1400  }
0x8a: {  	[sflag:s20] =	ssyncset.done $0x0  }
0x8b: {  	s25 =	simm.s32 $0x0;
	[sflag:s20] =	ssyncadd.s32 $0xFFFFEC00  }
0x8c: {  	v7 =	vld [tilespmem:s25+$0x3B10]  }
0x8d: {  	v11 =	vld [tilespmem:s25+$0x3B20]  }
0x8e: {  	v5 =	vld [tilespmem:s25+$0x3B30]  }
0x8f: {  	v4 =	vld [tilespmem:s25+$0x3B40]  }
0x90: {  	v3 =	vld [tilespmem:s25+$0x3B50]  }
0x91: {  	v2 =	vld [tilespmem:s25+$0x3B60]  }
0x92: {  	v1 =	vld [tilespmem:s25+$0x3B70]  }
0x93: {  	v0 =	vld [tilespmem:s25+$0x3B80]  }
0x94: {  	v12 =	vld [tilespmem:s25+$0x2710]  }
0x95: {  	v13 =	vld [tilespmem:s25+$0x2720]  }
0x96: {  	v10 =	vld [tilespmem:s25+$0x2730]  }
0x97: {  	v9 =	vld [tilespmem:s25+$0x2740]  }
0x98: {  	v8 =	vld [tilespmem:s25+$0x2750]  }
0x99: {  	v6 =	vld [tilespmem:s25+$0x2760];
	v12 =	vadd.f32 v7, v12  }
0x9a: {  	s26 =	simm.s32 $0x200;
	v11 =	vadd.f32 v11, v13;
	v7 =	vld [tilespmem:s25+$0x2770]  }
.LBB2_8:
0x9b: {  	s28 =	sshra.s32 s26, $0x2;
	p0 =	sne.s32 s26, $0x4E00;
	[tilespmem:s25+$0x2710] =	vst v12;
	v5 =	vadd.f32 v5, v10;
	v10 =	vld [tilespmem:s25+$0x2780]  }
0x9c: {  	v12 =	vld [tilespmem:s28+$0x3B10];
	[tilespmem:s25+$0x2720] =	vst v11;
	v4 =	vadd.f32 v4, v9  }
0x9d: {  	v11 =	vld [tilespmem:s28+$0x3B20];
	[tilespmem:s25+$0x2730] =	vst v5;
	v3 =	vadd.f32 v3, v8  }
0x9e: {  	v5 =	vld [tilespmem:s28+$0x3B30];
	[tilespmem:s25+$0x2740] =	vst v4;
	v2 =	vadd.f32 v2, v6  }
0x9f: {  	v4 =	vld [tilespmem:s28+$0x3B40];
	[tilespmem:s25+$0x2750] =	vst v3;
	v1 =	vadd.f32 v1, v7  }
0xa0: {  	v3 =	vld [tilespmem:s28+$0x3B50];
	[tilespmem:s25+$0x2760] =	vst v2;
	v0 =	vadd.f32 v0, v10  }
0xa1: {  	v2 =	vld [tilespmem:s28+$0x3B60];
	[tilespmem:s25+$0x2770] =	vst v1  }
0xa2: {  	v1 =	vld [tilespmem:s28+$0x3B70];
	[tilespmem:s25+$0x2780] =	vst v0;
	s25 =	smov.u32 s28  }
0xa3: {  	v0 =	vld [tilespmem:s25+$0x3B80]  }
0xa4: {  	v6 =	vld [tilespmem:s25+$0x2710]  }
0xa5: {  	v7 =	vld [tilespmem:s25+$0x2720]  }
.Ltmp3:
0xa6: {  	v10 =	vld [tilespmem:s25+$0x2730];
	(pc) =	sbr.rel @p0 .LBB2_8-.Ltmp3, $4  }
0xa7: {  	v9 =	vld [tilespmem:s25+$0x2740]  }
0xa8: {  	v8 =	vld [tilespmem:s25+$0x2750]  }
0xa9: {  	v12 =	vadd.f32 v12, v6;
	v6 =	vld [tilespmem:s25+$0x2760]  }
0xaa: {  	s26 =	sadd.s32 $0x200, s26;
	v11 =	vadd.f32 v11, v7;
	v7 =	vld [tilespmem:s25+$0x2770]  }
0xab: {  	[tilespmem:s25+$0x2710] =	vst v12;
	v5 =	vadd.f32 v5, v10;
	v63 =	vld [tilespmem:s25+$0x2780]  }
0xac: {  	[tilespmem:s25+$0x2720] =	vst v11;
	v4 =	vadd.f32 v4, v9  }
0xad: {  	[tilespmem:s25+$0x2730] =	vst v5;
	v3 =	vadd.f32 v3, v8  }
0xae: {  	[tilespmem:s25+$0x2740] =	vst v4;
	v2 =	vadd.f32 v2, v6  }
0xaf: {  	[tilespmem:s25+$0x2750] =	vst v3;
	v1 =	vadd.f32 v1, v7  }
0xb0: {  	[tilespmem:s25+$0x2760] =	vst v2;
	v0 =	vadd.f32 v0, v63  }
0xb1: {  	[tilespmem:s25+$0x2770] =	vst v1  }
0xb2: {  	[tilespmem:s25+$0x2780] =	vst v0  }
0xb3: {  	[hbm4b:s10+s3] =	stream.linear.scatter [tilespmem:s15], [sflag:$0x3], $0x1400, $0x38;
	[tilespmem:$0x7710] =	vst v63  }
0xb4: {  	_ =	swait.ge [sflag:s21], $0x1400  }
0xb5: {  	[sflag:s21] =	ssyncset.done $0x0  }
0xb6: {  	s24 =	sadd.s32 $0x1, s24;
	[sflag:s21] =	ssyncadd.s32 $0xFFFFEC00  }
0xb7: {  	p0 =	sne.s32 s24, s11;
	_ =	swait.ge [sflag:s22], $0x1400  }
.Ltmp4:
0xb8: {  	[sflag:s22] =	ssyncset.done $0x0;
	(pc) =	sbr.rel @p0 .LBB2_1-.Ltmp4, $4  }
0xb9: {  	[sflag:s22] =	ssyncadd.s32 $0xFFFFEC00  }
0xba: {  	_ =	swait.ge [sflag:s22], $0x1400  }
0xbb: {  	[sflag:s22] =	ssyncset.done $0x0  }
0xbc: {  	[sflag:s22] =	ssyncadd.s32 $0xFFFFEC00  }
0xbd: {  	_ =	sfence.sel $0x180000  }
0xbe: {  	[bflag:$0x0] =	sbarrier.arrive $0xFFFF  }
0xbf: {  	p0 =	sne.s32 s0, $0x0;
	_ =	strace $0x9000004A  }
0xc0: {  	s0 =	sadd.s32 @!p0 $0x100000, s1;
	[bflag:$0x2] =	sbarrier.arrive $0xFFFF  }
0xc1: {  	[sflag:s0] =	ssyncadd.tile.s32 @!p0 $0x1;
	_ =	shalt  }
.Lfunc_end2:
_tile_overlayer_lowered:
.L_overlay_start_2:
0xc2: {  	(tag) =	ssettag $0x2  }
0xc3: {  	s0 =	rddreg [dreg:$0x0];
	s2 =	stileid.u32  }
0xc4: {  	s1 =	rddreg [dreg:$0x1];
	p0 =	sne.s32 s2, $0x0  }
0xc5: {  	s3 =	rddreg [dreg:$0x2];
	[bflag:$0x3] =	sbarrier.arrive $0xFFFF;
	s2 =	simm.s32 @!p0 $0x1C05  }
0xc6: {  	[timem:s3], [sflag:s2] =	dma.local @!p0 [hbm:s0], s1  }
0xc7: {  	s0 =	simm.s32 @!p0 $0x5  }
0xc8: {  	_ =	swait.ge @!p0 [sflag:s0], s1  }
0xc9: {  	s1 =	ssub.s32 @!p0 $0x0, s1;
	[sflag:s0] =	ssyncset.done @!p0 $0x0  }
0xca: {  	[sflag:s0] =	ssyncadd.s32 @!p0 s1  }
0xcb: {  	[bflag:$0x3] =	sbarrier.arrive $0xFFFF  }
0xcc: {  	_ =	shalt  }

// kernel: kernel.16.cloned.1.call-start
scs
__scs_entry_jumppad:
0x0: {  	(pc) =	sbr.rel $0x88, $3  }
0x1: {  	(tag) =	ssettag $0x0;
	lr =	simm.s32 $0x1  }
0x2: {  	[smem:$0x3F91] =	sst lr;
	_ =	strace $0xD0000000  }
0x3: {  	_ = 	snop  }
0x4: {  	_ = 	snop  }
0x5: {  	_ = 	snop  }
0x6: {  	_ = 	snop  }
0x7: {  	_ = 	snop  }
__scs_overlays_trampoline_lowered:
0x8: {  	[smem:$0x3FA0] =	sst s0  }
0x9: {  	[smem:$0x3FA1] =	sst s1  }
0xa: {  	[smem:$0x3FA2] =	sst s2  }
0xb: {  	[smem:$0x3FA3] =	sst s3  }
0xc: {  	[smem:$0x3FA4] =	sst s4  }
0xd: {  	[smem:$0x3FA5] =	sst s5  }
0xe: {  	[smem:$0x3FA6] =	sst s6  }
0xf: {  	[smem:$0x3FA7] =	sst s7  }
0x10: {  	[smem:$0x3FA8] =	sst s8  }
0x11: {  	[smem:$0x3FA9] =	sst s9;
	s0 =	simm.s32 @!p0 $0x0  }
0x12: {  	s1 =	sld [smem:$0x3F8F];
	s0 =	simm.s32 @p0 $0x1  }
0x13: {  	[smem:$0x3FAA] =	sst s0;
	s0 =	simm.s32 @!p1 $0x0  }
0x14: {  	s2 =	sld [smem:$0x3F8E];
	s0 =	simm.s32 @p1 $0x1  }
0x15: {  	[smem:$0x3FAB] =	sst s0;
	s0 =	simm.s32 @!p2 $0x0  }
0x16: {  	s3 =	sld [smem:$0x3FDB];
	s0 =	simm.s32 @p2 $0x1  }
0x17: {  	s4 =	simm.s32 $0x1BF5;
	[smem:$0x3FAD] =	sst s0  }
0x18: {  	s0 =	sld [smem:$0x3F90];
	_ =	swait.ge [sflag:s4], $0x0  }
0x19: {  	s7 =	sld [smem:$0x3F91]  }
0x1a: {  	s8 =	sadd.s32 $0xFFFFE003, lr  }
0x1b: {  	s9 =	sadd.s32 $0xFFFFFEF7, lr;
	s5 =	simm.s32 $0xFFFFFFFF;
	p2 =	slt.u32 s8, $0xFFFFF086  }
0x1c: {  	p1 =	slt.u32 s9, $0xF7A;
	s5 =	simm.s32 @!p2 $0x0  }
0x1d: {  	s5 =	simm.s32 @p1 $0x1;
	p0 =	seq.s32 s7, s2  }
0x1e: {  	s7 =	smul.u32 @!p0 $0xF7A, s2;
	p2 =	seq.s32 @!p0 s5, $0x0  }
0x1f: {  	s9 =	smul.u32 $0xF7A, s1;
	s8 =	simm.s32 @!p0 $0x1BF5;
	p2 =	por !p2, p0  }
0x20: {  	[sflag:s8] =	ssyncset.s32 @!p0 $0xFFFFF086;
	s6 =	sadd.s32 @!p0 s3, s7;
	s7 =	simm.s32 @!p0 $0x108  }
0x21: {  	s3 =	sadd.s32 s3, s9;
	s6 =	sadd.s32 @!p0 $0x88, s6;
	s7 =	simm.s32 @p2 $0x1082  }
0x22: {  	[simem:s7], [sflag:s8] =	dma.local @!p0 [hbm:s6], $0xF7A  }
0x23: {  	s9 =	sor.u32 $0xD0000000, s2;
	s6 =	simm.s32 $0x108;
	_ =	swait.ge @!p0 [sflag:s8], $0x0  }
0x24: {  	s3 =	sadd.s32 $0x88, s3;
	s6 =	simm.s32 @!p1 $0x1082;
	[sflag:s4] =	ssyncset.s32 $0xFFFFF086  }
0x25: {  	[simem:s6], [sflag:s4] =	dma.local [hbm:s3], $0xF7A  }
0x26: {  	[smem:$0x3F91] =	sst s1;
	(tag) =	ssettag s2;
	_ =	strace s9  }
0x27: {  	s1 =	sld [smem:$0x3FA1]  }
0x28: {  	s2 =	sld [smem:$0x3FA2]  }
0x29: {  	s4 =	sld [smem:$0x3FA4]  }
0x2a: {  	p0 =	seq.s32 s5, $0x0;
	s5 =	sld [smem:$0x3FA5]  }
0x2b: {  	s6 =	sld [smem:$0x3FA6]  }
0x2c: {  	s7 =	sld [smem:$0x3FA7]  }
0x2d: {  	s3 =	simm.s32 $0x108;
	s8 =	sld [smem:$0x3FA8]  }
0x2e: {  	s3 =	simm.s32 @!p0 $0x1082;
	s9 =	sld [smem:$0x3FA9]  }
0x2f: {  	lr =	sadd.s32 s0, s3;
	s0 =	sld [smem:$0x3FA0]  }
0x30: {  	s3 =	sld [smem:$0x3FA3]  }
0x31: {  	[smem:$0x3FAC] =	sst s10  }
0x32: {  	s10 =	sld [smem:$0x3FAA];
	_ =	sdelay $0x3  }
0x33: {  	p0 =	seq.s32 s10, $0x1;
	s10 =	sld [smem:$0x3FAC];
	_ =	sdelay $0x3  }
0x34: {  	[smem:$0x3FAC] =	sst s10  }
0x35: {  	s10 =	sld [smem:$0x3FAB];
	_ =	sdelay $0x3  }
0x36: {  	p1 =	seq.s32 s10, $0x1;
	s10 =	sld [smem:$0x3FAC];
	_ =	sdelay $0x3  }
0x37: {  	[smem:$0x3FAC] =	sst s10  }
0x38: {  	s10 =	sld [smem:$0x3FAD]  }
0x39: {  	_ = 	snop;
	(pc) =	sbr.ind lr, $3  }
0x3a: {  	_ = 	snop  }
0x3b: {  	_ = 	snop  }
0x3c: {  	p2 =	seq.s32 s10, $0x1;
	s10 =	sld [smem:$0x3FAC]  }
0x3d: {  	_ =	shalt  }
0x3e: {  	_ =	shalt  }
0x3f: {  	_ =	shalt  }
0x40: {  	_ =	shalt  }
0x41: {  	_ =	shalt  }
0x42: {  	_ =	shalt  }
0x43: {  	_ =	shalt  }
0x44: {  	_ =	shalt  }
0x45: {  	_ =	shalt  }
0x46: {  	_ =	shalt  }
0x47: {  	_ =	shalt  }
0x48: {  	_ =	shalt  }
0x49: {  	_ =	shalt  }
0x4a: {  	_ =	shalt  }
0x4b: {  	_ =	shalt  }
0x4c: {  	_ =	shalt  }
0x4d: {  	_ =	shalt  }
0x4e: {  	_ =	shalt  }
0x4f: {  	_ =	shalt  }
0x50: {  	_ =	shalt  }
0x51: {  	_ =	shalt  }
0x52: {  	_ =	shalt  }
0x53: {  	_ =	shalt  }
0x54: {  	_ =	shalt  }
0x55: {  	_ =	shalt  }
0x56: {  	_ =	shalt  }
0x57: {  	_ =	shalt  }
0x58: {  	_ =	shalt  }
0x59: {  	_ =	shalt  }
0x5a: {  	_ =	shalt  }
0x5b: {  	_ =	shalt  }
0x5c: {  	_ =	shalt  }
0x5d: {  	_ =	shalt  }
0x5e: {  	_ =	shalt  }
0x5f: {  	_ =	shalt  }
0x60: {  	_ =	shalt  }
0x61: {  	_ =	shalt  }
0x62: {  	_ =	shalt  }
0x63: {  	_ =	shalt  }
0x64: {  	_ =	shalt  }
0x65: {  	_ =	shalt  }
0x66: {  	_ =	shalt  }
0x67: {  	_ =	shalt  }
0x68: {  	_ =	shalt  }
0x69: {  	_ =	shalt  }
0x6a: {  	_ =	shalt  }
0x6b: {  	_ =	shalt  }
0x6c: {  	_ =	shalt  }
0x6d: {  	_ =	shalt  }
0x6e: {  	_ =	shalt  }
0x6f: {  	_ =	shalt  }
0x70: {  	_ =	shalt  }
0x71: {  	_ =	shalt  }
0x72: {  	_ =	shalt  }
0x73: {  	_ =	shalt  }
0x74: {  	_ =	shalt  }
0x75: {  	_ =	shalt  }
0x76: {  	_ =	shalt  }
0x77: {  	_ =	shalt  }
0x78: {  	_ =	shalt  }
0x79: {  	_ =	shalt  }
0x7a: {  	_ =	shalt  }
0x7b: {  	_ =	shalt  }
0x7c: {  	_ =	shalt  }
0x7d: {  	_ =	shalt  }
0x7e: {  	_ =	shalt  }
0x7f: {  	_ =	shalt  }
0x80: {  	_ =	shalt  }
0x81: {  	_ =	shalt  }
0x82: {  	_ =	shalt  }
0x83: {  	_ =	shalt  }
0x84: {  	_ =	shalt  }
0x85: {  	_ =	shalt  }
0x86: {  	_ =	shalt  }
0x87: {  	_ =	shalt  }
.Lfunc_end0:
.L_simem_size_0:
called_computation.2_lowered:
.L_overlay_start_0:
0x88: {  	s2 =	sld [smem:$0x3FD9]  }
0x89: {  	s3 =	sld [smem:$0x3FFE];
	_ =	sdelay $0x1  }
0x8a: {  	s1 =	srdreg.scid  }
0x8b: {  	s0 =	sand.u32 $0x1, s1  }
0x8c: {  	s16 =	sshll.u32 s0, $0xA;
	s2 =	sadd.s32 s3, s2  }
0x8d: {  	s2 =	sadd.s32 s2, s16  }
0x8e: {  	[smem:$0x3FB8] =	sst s2  }
0x8f: {  	_ = 	snop  }
0x90: {  	(tm) =	ssettm $0x1  }
0x91: {  	s17 =	sld [smem:$0x3FFB];
	_ =	sdelay $0x3  }
0x92: {  	_ =	strace s17  }
0x93: {  	s2 =	sld [smem:$0x3FFC];
	_ =	sdelay $0x3  }
0x94: {  	_ =	strace s2  }
0x95: {  	s2 =	sld [smem:$0x3FFD];
	_ =	sdelay $0x3  }
0x96: {  	_ =	strace s2  }
0x97: {  	_ =	strace $0x8FFFFFFF  }
0x98: {  	s18 =	sld [smem:$0x3FDB];
	_ =	sdelay $0x1  }
0x99: {  	s19 =	simm.s32 $_scs_section_size  }
0x9a: {  	s4 =	simm.s32 $_size__tile_overlayer_lowered;
	s5 =	simm.s32 $_tile_overlayer_lowered  }
0x9b: {  	s22 =	simm.s32 $0x1BFF;
	s21 =	sshll.u32 s5, $0x1;
	s2 =	sadd.s32 s19, s18  }
0x9c: {  	s6 =	simm.s32 $0x0;
	s20 =	sshll.u32 s4, $0x1;
	s4 =	sadd.s32 s21, s2  }
0x9d: {  	[timem:s6], [sflag:s22] =	dma.local [hbm:s4], s20  }
0x9e: {  	_ =	swait.ge [sflag:s22], s20  }
0x9f: {  	s3 =	ssub.s32 $0x0, s20;
	[sflag:s22] =	ssyncset.done $0x0  }
0xa0: {  	[sflag:s22] =	ssyncadd.s32 s3;
	_ =	sdelay $0x1  }
0xa1: {  	s23 =	simm.s32 $0x1B8B  }
0xa2: {  	_ =	swait.ge [sflag:s23], $0x1  }
0xa3: {  	[sflag:s23] =	ssyncset.done $0x0  }
0xa4: {  	s25 =	simm.s32 $0x1B8E;
	s24 =	sld [smem:$0x3FFE];
	[sflag:s23] =	ssyncadd.s32 $0xFFFFFFFF  }
0xa5: {  	s26 =	simm.s32 $execute0_lowered;
	[smem:$0x3FD2] =	sst s25  }
0xa6: {  	s4 =	sshll.u32 s26, $0x1;
	_ =	strace $0x8000004C;
	[dreg:$0x1] =	wrdreg $0xFFFFFFFF  }
0xa7: {  	s28 =	simm.s32 $_size_execute0_lowered;
	s2 =	sadd.s32 s2, s4;
	[dreg:$0x0] =	wrdreg $0x0  }
0xa8: {  	s4 =	sshll.u32 s28, $0x1;
	[dreg:$0x2] =	wrdreg s2  }
0xa9: {  	[dreg:$0x3] =	wrdreg s4  }
0xaa: {  	[dreg:$0x4] =	wrdreg $0xC0  }
0xab: {  	_ =	task [dreg:s6], $0x5FFFF  }
0xac: {  	[dreg:$0x1] =	wrdreg $0xFFFFFFFF  }
0xad: {  	[dreg:$0x0] =	wrdreg $0x60  }
0xae: {  	[dreg:$0x2] =	wrdreg s24  }
0xaf: {  	[dreg:$0x3] =	wrdreg $0x64080  }
0xb0: {  	[dreg:$0x4] =	wrdreg $0x9  }
0xb1: {  	_ =	task.clear_ibuf [dreg:s6], $0x5FFFF;
	_ =	strace $0x9000004C  }
0xb2: {  	s29 =	simm.s32 $0x9;
	_ =	strace $0x8000004E  }
0xb3: {  	_ =	swait.ge [sflag:s29], $0x1  }
0xb4: {  	[sflag:s29] =	ssyncadd.s32 $0xFFFFFFFF  }
0xb5: {  	_ =	strace $0x9000004E  }
0xb6: {  	_ =	sfence  }
0xb7: {  	s30 =	sld [smem:$0x0];
	_ =	sdelay $0x2  }
0xb8: {  	s31 =	sshll.u32 s1, $0xD;
	s1 =	sshrl.u32 s1, $0x2  }
0xb9: {  	s3 =	sand.u32 $0x4000, s31;
	s1 =	sadd.s32 s1, s30  }
0xba: {  	s0 =	sor.u32 s3, s0;
	s1 =	sshll.u32 s1, $0x11  }
0xbb: {  	s0 =	sor.u32 s1, s0  }
0xbc: {  	s0 =	sadd.s32 $0x8F2B, s0  }
0xbd: {  	[sflag:s0] =	ssyncadd.remote.s32 $0x1  }
0xbe: {  	_ =	sfence.sel $0xFFFF  }
0xbf: {  	[dreg:$0x0] =	wrdreg $0xFFFFFFFF;
	(pc) =	sbr.abs _section_cstart, $3  }
0xc0: {  	[dreg:$0x1] =	wrdreg $0xFFFFFFFF  }
0xc1: {  	_ =	task.clear_ibuf [dreg:s6], $0x2FFFF;
	_ =	strace $0x9FFFFFFF  }
0xc2: {  	(tm) =	ssettm $0x7FFFFFFF  }
0xc3: {  	_ =	shalt  }
tec
execute0_lowered:
.L_overlay_start_1:
0x0: {  	(tag) =	ssettag $0x1  }
0x1: {  	s0 =	srdreg.scid;
	s15 =	stileid.u32  }
0x2: {  	s1 =	rddreg [dreg:$0x0];
	s8 =	smul.u32 $0x14000, s15  }
0x3: {  	s2 =	rddreg [dreg:$0x1];
	s28 =	smul.u32 $0x50000, s15  }
0x4: {  	s0 =	sand.u32 $0x1, s0;
	s3 =	sshll.u32 s15, $0x1;
	s30 =	smul.u32 $0x2710, s15  }
0x5: {  	s9 =	sadd.s32 $0x7E3000, s1;
	s4 =	sadd.s32 $0x572000, s1;
	s7 =	smul.u32 $0x140000, s0  }
0x6: {  	s5 =	sor.u32 s0, s3;
	s13 =	ssub.s32 $0x2, s0;
	s0 =	smul.u32 $0x1388, s0  }
0x7: {  	s12 =	sadd.s32 $0x7800, s1;
	s3 =	simm.s32 $0x0;
	s6 =	smul.u32 $0x1388, s5  }
0x8: {  	[smem:$0x7FF] =	sst s3;
	s21 =	smul.u32 $0x500, s5;
	s14 =	sshrl.u32 s13, $0x1  }
0x9: {  	s5 =	smul.u32 $0x13880, s5;
	s29 =	sadd.s32 s8, s2;
	_ =	strace $0x8000004D  }
0xa: {  	[dreg:$0x3] =	wrdreg s12;
	s7 =	sadd.s32 s8, s7;
	s22 =	ssub.s32 s13, s14  }
0xb: {  	s0 =	sadd.s32 s0, s30;
	s10 =	sshrl.u32 s6, $0x3;
	s7 =	sshrl.u32 s7, $0x3  }
0xc: {  	s23 =	sadd.s32 $0x28, s6;
	s5 =	sadd.s32 s9, s5;
	s6 =	sadd.s32 $0x1360, s6  }
0xd: {  	s31 =	smax.u32 s22, $0x1;
	s13 =	sadd.s32 $0xA0, s0;
	s15 =	sadd.s32 $0x78, s0  }
0xe: {  	s16 =	sadd.s32 $0x50, s0;
	s11 =	sadd.s32 s10, s1;
	s7 =	sadd.s32 s7, s1  }
0xf: {  	s1 =	sadd.s32 s21, s1;
	[dreg:$0x5] =	wrdreg s5;
	s24 =	sshll.u32 s23, $0x4  }
0x10: {  	s10 =	sadd.s32 s4, s10;
	s25 =	sshrl.u32 s23, $0x3;
	[dreg:$0xb] =	wrdreg s31  }
0x11: {  	s12 =	sshrl.u32 s6, $0x3;
	s17 =	sshrl.u32 s15, $0x3;
	[dreg:$0xe] =	wrdreg s16  }
0x12: {  	s8 =	sshll.u32 s16, $0x4;
	s11 =	sadd.s32 $0x10C00, s11;
	[dreg:$0x6] =	wrdreg s10  }
0x13: {  	s15 =	simm.s32 $0x27D0;
	s5 =	sadd.s32 s9, s24;
	[dreg:$0x4] =	wrdreg s11  }
0x14: {  	s16 =	simm.s32 $0x3BD0;
	s26 =	sadd.s32 $0x581000, s7;
	[dreg:$0x7] =	wrdreg s5  }
0x15: {  	s1 =	sadd.s32 $0x577000, s1;
	s10 =	sshll.u32 s6, $0x4;
	[dreg:$0x9] =	wrdreg s26  }
0x16: {  	s20 =	sshll.u32 s17, $0x7;
	s0 =	sadd.s32 s17, s4;
	[dreg:$0xa] =	wrdreg s1  }
0x17: {  	s18 =	sadd.s32 s8, s9;
	s24 =	sshrl.u32 s29, $0x3;
	[dreg:$0x13] =	wrdreg s0  }
0x18: {  	s17 =	simm.s32 $0x3;
	s5 =	sadd.s32 s4, s25;
	[dreg:$0x14] =	wrdreg s24  }
0x19: {  	s1 =	sadd.s32 s4, s12;
	[dreg:$0x8] =	wrdreg s5;
	s5 =	sshrl.u32 s28, $0x2  }
0x1a: {  	[dreg:$0x10] =	wrdreg s1;
	s14 =	sadd.s32 s5, s2;
	s5 =	sadd.s32 s9, s10  }
0x1b: {  	s12 =	simm.s32 $0x5;
	s11 =	sadd.s32 $0x1400, s14;
	[dreg:$0xd] =	wrdreg s5  }
0x1c: {  	s5 =	sshrl.u32 s13, $0x3;
	s21 =	sadd.s32 $0x2800, s14;
	[dreg:$0xc] =	wrdreg s11  }
0x1d: {  	s25 =	sadd.s32 $0x3C00, s14;
	s26 =	sadd.s32 $0x5000, s14;
	[dreg:$0xf] =	wrdreg s21  }
0x1e: {  	s28 =	sadd.s32 $0x6400, s14;
	s29 =	sadd.s32 $0x7800, s14;
	[dreg:$0x15] =	wrdreg s25  }
0x1f: {  	s30 =	sadd.s32 $0x8C00, s14;
	s31 =	sadd.s32 $0xA000, s14;
	[dreg:$0x16] =	wrdreg s26  }
0x20: {  	s0 =	sadd.s32 $0xB400, s14;
	s7 =	sadd.s32 $0xF000, s14;
	[dreg:$0x17] =	wrdreg s28  }
0x21: {  	s8 =	sadd.s32 $0x10400, s14;
	s10 =	sadd.s32 $0x12C00, s14;
	[dreg:$0x18] =	wrdreg s29  }
0x22: {  	s13 =	simm.s32 $0x2798;
	s19 =	sshll.u32 s5, $0x7;
	[dreg:$0x19] =	wrdreg s30  }
0x23: {  	s22 =	sadd.s32 s5, s4;
	[dreg:$0x1a] =	wrdreg s31;
	s5 =	sadd.s32 $0xC800, s14  }
0x24: {  	s11 =	simm.s32 $0x1398;
	s21 =	simm.s32 $0x28;
	s25 =	simm.s32 $0x4  }
0x25: {  	s26 =	simm.s32 $0x0;
	s6 =	sadd.s32 s19, s9;
	s19 =	sadd.s32 s20, s9  }
0x26: {  	s1 =	ssub.s32 $0xA, s22;
	s9 =	sadd.s32 $0x11800, s14;
	s20 =	simm.s32 $0x1  }
0x27: {  	s22 =	simm.s32 $0x2;
	[dreg:$0x11] =	wrdreg s1;
	s23 =	sadd.s32 $0xFFFFFB00, s6  }
0x28: {  	v0 =	vimm.f32 $0.0e+00;
	s6 =	sadd.s32 $0xDC00, s14;
	[dreg:$0x12] =	wrdreg s23;
	s23 =	simm.s32 $0x3C08  }
.LBB2_1:
0x29: {  	s1 =	simm.s32 $0x40;
	s24 =	simm.s32 $0x0  }
.LBB2_2:
0x2a: {  	p0 =	sne.s32 s1, $0x9FC0;
	[tilespmem:s24+$0x3C08] =	vst v0;
	s24 =	smov.u32 s1;
	s1 =	sadd.s32 $0x40, s1  }
.Ltmp0:
0x2b: {  	(pc) =	sbr.rel @p0 .LBB2_2-.Ltmp0, $2  }
0x2c: {  	_ =	sdelay $0x2  }
0x2d: {  	s24 =	sshra.s32 s24, $0x2  }
0x2e: {  	[tilespmem:s24+$0x3C08] =	vst v0;
	s24 =	simm.s32 $0x0;
	s1 =	rddreg [dreg:$0x3]  }
0x2f: {  	[tilespmem:s11], [sflag:$0x5] =	stream.linear.gather [hbm4b:s1+s24], $0x1400, $0x38;
	[tilespmem:$0x1A408] =	vst v63  }
0x30: {  	_ =	swait.ge [sflag:s12], $0x1400  }
0x31: {  	[sflag:s12] =	ssyncset.done $0x0  }
0x32: {  	[sflag:s12] =	ssyncadd.s32 $0xFFFFEC00  }
0x33: {  	[spmem:s14] =	stream.linear.scatter [tilespmem:s11], [sflag:$0x5], $0x1400, $0x38;
	[tilespmem:$0x1A408] =	vst v63  }
0x34: {  	_ =	swait.ge [sflag:s12], $0x1400  }
0x35: {  	[sflag:s12] =	ssyncset.done $0x0  }
0x36: {  	s28 =	rddreg [dreg:$0xc];
	[sflag:s12] =	ssyncadd.s32 $0xFFFFEC00  }
0x37: {  	[spmem:s28] =	stream.linear.scatter [tilespmem:s11], [sflag:$0x5], $0x1400, $0x38;
	[tilespmem:$0x1A408] =	vst v63  }
0x38: {  	_ =	swait.ge [sflag:s12], $0x1400  }
0x39: {  	[sflag:s12] =	ssyncset.done $0x0  }
0x3a: {  	s28 =	rddreg [dreg:$0xf];
	[sflag:s12] =	ssyncadd.s32 $0xFFFFEC00  }
0x3b: {  	[spmem:s28] =	stream.linear.scatter [tilespmem:s11], [sflag:$0x5], $0x1400, $0x38;
	[tilespmem:$0x1A408] =	vst v63  }
0x3c: {  	_ =	swait.ge [sflag:s12], $0x1400  }
0x3d: {  	[sflag:s12] =	ssyncset.done $0x0  }
0x3e: {  	s28 =	rddreg [dreg:$0x15];
	[sflag:s12] =	ssyncadd.s32 $0xFFFFEC00  }
0x3f: {  	[spmem:s28] =	stream.linear.scatter [tilespmem:s11], [sflag:$0x5], $0x1400, $0x38;
	[tilespmem:$0x1A408] =	vst v63  }
0x40: {  	_ =	swait.ge [sflag:s12], $0x1400  }
0x41: {  	[sflag:s12] =	ssyncset.done $0x0  }
0x42: {  	s28 =	rddreg [dreg:$0x16];
	[sflag:s12] =	ssyncadd.s32 $0xFFFFEC00  }
0x43: {  	[spmem:s28] =	stream.linear.scatter [tilespmem:s11], [sflag:$0x5], $0x1400, $0x38;
	[tilespmem:$0x1A408] =	vst v63  }
0x44: {  	_ =	swait.ge [sflag:s12], $0x1400  }
0x45: {  	[sflag:s12] =	ssyncset.done $0x0  }
0x46: {  	s28 =	rddreg [dreg:$0x17];
	[sflag:s12] =	ssyncadd.s32 $0xFFFFEC00  }
0x47: {  	[spmem:s28] =	stream.linear.scatter [tilespmem:s11], [sflag:$0x5], $0x1400, $0x38;
	[tilespmem:$0x1A408] =	vst v63  }
0x48: {  	_ =	swait.ge [sflag:s12], $0x1400  }
0x49: {  	[sflag:s12] =	ssyncset.done $0x0  }
0x4a: {  	s28 =	rddreg [dreg:$0x18];
	[sflag:s12] =	ssyncadd.s32 $0xFFFFEC00  }
0x4b: {  	[spmem:s28] =	stream.linear.scatter [tilespmem:s11], [sflag:$0x5], $0x1400, $0x38;
	[tilespmem:$0x1A408] =	vst v63  }
0x4c: {  	_ =	swait.ge [sflag:s12], $0x1400  }
0x4d: {  	[sflag:s12] =	ssyncset.done $0x0  }
0x4e: {  	s28 =	rddreg [dreg:$0x19];
	[sflag:s12] =	ssyncadd.s32 $0xFFFFEC00  }
0x4f: {  	[spmem:s28] =	stream.linear.scatter [tilespmem:s11], [sflag:$0x5], $0x1400, $0x38;
	[tilespmem:$0x1A408] =	vst v63  }
0x50: {  	_ =	swait.ge [sflag:s12], $0x1400  }
0x51: {  	[sflag:s12] =	ssyncset.done $0x0  }
0x52: {  	s28 =	rddreg [dreg:$0x1a];
	[sflag:s12] =	ssyncadd.s32 $0xFFFFEC00  }
0x53: {  	[spmem:s28] =	stream.linear.scatter [tilespmem:s11], [sflag:$0x5], $0x1400, $0x38;
	[tilespmem:$0x1A408] =	vst v63  }
0x54: {  	_ =	swait.ge [sflag:s12], $0x1400  }
0x55: {  	[sflag:s12] =	ssyncset.done $0x0  }
0x56: {  	[sflag:s12] =	ssyncadd.s32 $0xFFFFEC00  }
0x57: {  	[spmem:s0] =	stream.linear.scatter [tilespmem:s11], [sflag:$0x5], $0x1400, $0x38;
	[tilespmem:$0x1A408] =	vst v63  }
0x58: {  	_ =	swait.ge [sflag:s12], $0x1400  }
0x59: {  	[sflag:s12] =	ssyncset.done $0x0  }
0x5a: {  	[sflag:s12] =	ssyncadd.s32 $0xFFFFEC00  }
0x5b: {  	[spmem:s5] =	stream.linear.scatter [tilespmem:s11], [sflag:$0x5], $0x1400, $0x38;
	[tilespmem:$0x1A408] =	vst v63  }
0x5c: {  	_ =	swait.ge [sflag:s12], $0x1400  }
0x5d: {  	[sflag:s12] =	ssyncset.done $0x0  }
0x5e: {  	[sflag:s12] =	ssyncadd.s32 $0xFFFFEC00  }
0x5f: {  	[spmem:s6] =	stream.linear.scatter [tilespmem:s11], [sflag:$0x5], $0x1400, $0x38;
	[tilespmem:$0x1A408] =	vst v63  }
0x60: {  	_ =	swait.ge [sflag:s12], $0x1400  }
0x61: {  	[sflag:s12] =	ssyncset.done $0x0  }
0x62: {  	[sflag:s12] =	ssyncadd.s32 $0xFFFFEC00  }
0x63: {  	[spmem:s7] =	stream.linear.scatter [tilespmem:s11], [sflag:$0x5], $0x1400, $0x38;
	[tilespmem:$0x1A408] =	vst v63  }
0x64: {  	_ =	swait.ge [sflag:s12], $0x1400  }
0x65: {  	[sflag:s12] =	ssyncset.done $0x0  }
0x66: {  	[sflag:s12] =	ssyncadd.s32 $0xFFFFEC00  }
0x67: {  	[spmem:s8] =	stream.linear.scatter [tilespmem:s11], [sflag:$0x5], $0x1400, $0x38;
	[tilespmem:$0x1A408] =	vst v63  }
0x68: {  	_ =	swait.ge [sflag:s12], $0x1400  }
0x69: {  	[sflag:s12] =	ssyncset.done $0x0  }
0x6a: {  	[sflag:s12] =	ssyncadd.s32 $0xFFFFEC00  }
0x6b: {  	[spmem:s9] =	stream.linear.scatter [tilespmem:s11], [sflag:$0x5], $0x1400, $0x38;
	[tilespmem:$0x1A408] =	vst v63  }
0x6c: {  	_ =	swait.ge [sflag:s12], $0x1400  }
0x6d: {  	[sflag:s12] =	ssyncset.done $0x0  }
0x6e: {  	[sflag:s12] =	ssyncadd.s32 $0xFFFFEC00  }
0x6f: {  	[spmem:s10] =	stream.linear.scatter [tilespmem:s11], [sflag:$0x5], $0x1400, $0x38;
	[tilespmem:$0x1A408] =	vst v63  }
0x70: {  	_ =	swait.ge [sflag:s12], $0x1400  }
0x71: {  	[sflag:s12] =	ssyncset.done $0x0  }
0x72: {  	s28 =	rddreg [dreg:$0x4];
	[sflag:s12] =	ssyncadd.s32 $0xFFFFEC00  }
0x73: {  	[tilespmem:s24], [sflag:$0x5] =	stream.linear.gather [hbm4b:s28+s24], $0x1388, $0x38;
	[tilespmem:$0x1A408] =	vst v63  }
0x74: {  	_ =	swait.ge [sflag:s12], $0x1388  }
0x75: {  	[sflag:s12] =	ssyncset.done $0x0  }
0x76: {  	[sflag:s12] =	ssyncadd.s32 $0xFFFFEC78  }
0x77: {  	[bflag:$0x0] =	sbarrier.arrive $0xFFFF  }
0x78: {  	s28 =	rddreg [dreg:$0x5]  }
0x79: {  	s30 =	rddreg [dreg:$0x13]  }
0x7a: {  	s31 =	rddreg [dreg:$0xe]  }
0x7b: {  	s29 =	rddreg [dreg:$0x11]  }
0x7c: {  	[tilespmem:s11], [sflag:$0x1] =	stream.linear.gather [hbm4b:s28+s24], $0x1400, $0x38;
	[tilespmem:$0x1A408] =	vst v63  }
0x7d: {  	s28 =	rddreg [dreg:$0x6]  }
0x7e: {  	[tilespmem:s13], [sflag:$0x1] =	stream.linear.gather [hbm4b:s28+s24], $0x28, $0x38;
	[tilespmem:$0x1A408] =	vst v63  }
0x7f: {  	s28 =	rddreg [dreg:$0x7]  }
0x80: {  	[tilespmem:s15], [sflag:$0x2] =	stream.linear.gather [hbm4b:s28+s24], $0x1400, $0x38;
	[tilespmem:$0x1A408] =	vst v63  }
0x81: {  	s1 =	simm.s32 $0x28;
	s28 =	rddreg [dreg:$0x8]  }
0x82: {  	[tilespmem:s16], [sflag:$0x2] =	stream.linear.gather [hbm4b:s28+s24], $0x28, $0x38;
	[tilespmem:$0x1A408] =	vst v63  }
.LBB2_4:
0x83: {  	_ =	swait.ge [sflag:s20], $0x1400  }
0x84: {  	[sflag:s20] =	ssyncset.done $0x0  }
0x85: {  	[sflag:s20] =	ssyncadd.s32 $0xFFFFEC00  }
0x86: {  	_ =	swait.ge [sflag:s20], $0x28  }
0x87: {  	[sflag:s20] =	ssyncset.done $0x0  }
0x88: {  	s28 =	smov.u32 s1;
	s1 =	sadd.s32 $0xFFFFFFD8, s1;
	[sflag:s20] =	ssyncadd.s32 $0xFFFFFFD8  }
0x89: {  	[spmem:s2] =	stream.indirect.scatter.add.f32 [tilespmem:s11], [sflag:$0x3], $0x80, s1, s21, $0xb8;
	[tilespmem:$0x1A408] =	vst v63  }
0x8a: {  	v1 =	vld [tilespmem:s28+$0xFFFFFFD8];
	_ =	sdelay $0x2  }
0x8b: {  	v2 =	vld [tilespmem:$0x2798];
	_ =	sdelay $0x4  }
0x8c: {  	[tilespmem:v1+s23+$0x0] =	vst.idx.add.f32.msk $0xffff, v2  }
0x8d: {  	v1 =	vld [tilespmem:s28+$0xFFFFFFE8];
	_ =	sdelay $0x2  }
0x8e: {  	v2 =	vld [tilespmem:$0x27A8];
	_ =	sdelay $0x4  }
0x8f: {  	[tilespmem:v1+s23+$0x0] =	vst.idx.add.f32.msk $0xffff, v2  }
0x90: {  	v1 =	vld [tilespmem:s28+$0xFFFFFFF8];
	_ =	sdelay $0x2  }
0x91: {  	v2 =	vld [tilespmem:$0x27B8];
	_ =	sdelay $0x4  }
0x92: {  	[tilespmem:v1+s23+$0x0] =	vst.idx.add.f32.msk $0xff, v2  }
0x93: {  	_ =	swait.ge [sflag:s17], $0x1400  }
0x94: {  	[sflag:s17] =	ssyncset.done $0x0  }
0x95: {  	s1 =	sadd.s32 s24, s18;
	[sflag:s17] =	ssyncadd.s32 $0xFFFFEC00  }
0x96: {  	[tilespmem:s11], [sflag:$0x1] =	stream.linear.gather [hbm4b:s1+s3], $0x1400, $0x38;
	[tilespmem:$0x1A408] =	vst v63  }
0x97: {  	s1 =	sshrl.u32 s31, $0x3  }
0x98: {  	s1 =	sadd.s32 s4, s1  }
0x99: {  	[tilespmem:s13], [sflag:$0x1] =	stream.linear.gather [hbm4b:s1+s3], $0x28, $0x38;
	[tilespmem:$0x1A408] =	vst v63  }
0x9a: {  	_ =	swait.ge [sflag:s22], $0x1400  }
0x9b: {  	[sflag:s22] =	ssyncset.done $0x0  }
0x9c: {  	[sflag:s22] =	ssyncadd.s32 $0xFFFFEC00  }
0x9d: {  	_ =	swait.ge [sflag:s22], $0x28  }
0x9e: {  	[sflag:s22] =	ssyncset.done $0x0  }
0x9f: {  	[sflag:s22] =	ssyncadd.s32 $0xFFFFFFD8  }
0xa0: {  	[spmem:s2] =	stream.indirect.scatter.add.f32 [tilespmem:s15], [sflag:$0x4], $0x80, s28, s21, $0xb8;
	[tilespmem:$0x1A408] =	vst v63  }
0xa1: {  	v1 =	vld [tilespmem:s28+$0x0];
	_ =	sdelay $0x2  }
0xa2: {  	v2 =	vld [tilespmem:$0x3BD0];
	_ =	sdelay $0x4  }
0xa3: {  	[tilespmem:v1+s23+$0x0] =	vst.idx.add.f32.msk $0xffff, v2  }
0xa4: {  	v1 =	vld [tilespmem:s28+$0x10];
	_ =	sdelay $0x2  }
0xa5: {  	v2 =	vld [tilespmem:$0x3BE0];
	_ =	sdelay $0x4  }
0xa6: {  	[tilespmem:v1+s23+$0x0] =	vst.idx.add.f32.msk $0xffff, v2  }
0xa7: {  	v1 =	vld [tilespmem:s28+$0x20];
	_ =	sdelay $0x2  }
0xa8: {  	v2 =	vld [tilespmem:$0x3BF0];
	_ =	sdelay $0x4  }
0xa9: {  	[tilespmem:v1+s23+$0x0] =	vst.idx.add.f32.msk $0xff, v2  }
0xaa: {  	s1 =	sadd.s32 s24, s19;
	s24 =	sadd.s32 $0x500, s24;
	_ =	swait.ge [sflag:s25], $0x1400  }
0xab: {  	p0 =	sne.s32 s24, $0x13100;
	[sflag:s25] =	ssyncset.done $0x0  }
.Ltmp1:
0xac: {  	[sflag:s25] =	ssyncadd.s32 $0xFFFFEC00;
	(pc) =	sbr.rel @p0 .LBB2_4-.Ltmp1, $4  }
0xad: {  	[tilespmem:s15], [sflag:$0x2] =	stream.linear.gather [hbm4b:s1+s3], $0x1400, $0x38;
	[tilespmem:$0x1A408] =	vst v63  }
0xae: {  	s29 =	sadd.s32 $0xFFFFFFF6, s29  }
0xaf: {  	[tilespmem:s16], [sflag:$0x2] =	stream.linear.gather [hbm4b:s30+s3], $0x28, $0x38;
	[tilespmem:$0x1A408] =	vst v63  }
0xb0: {  	s31 =	sadd.s32 $0x50, s31;
	s1 =	sadd.s32 $0x50, s28;
	s30 =	sadd.s32 $0xA, s30  }
0xb1: {  	_ =	swait.ge [sflag:s20], $0x1400  }
0xb2: {  	[sflag:s20] =	ssyncset.done $0x0  }
0xb3: {  	[sflag:s20] =	ssyncadd.s32 $0xFFFFEC00  }
0xb4: {  	_ =	swait.ge [sflag:s20], $0x28  }
0xb5: {  	[sflag:s20] =	ssyncset.done $0x0  }
0xb6: {  	s30 =	sadd.s32 $0x28, s28;
	[sflag:s20] =	ssyncadd.s32 $0xFFFFFFD8  }
0xb7: {  	[spmem:s2] =	stream.indirect.scatter.add.f32 [tilespmem:s11], [sflag:$0x3], $0x80, s30, s21, $0xb8;
	[tilespmem:$0x1A408] =	vst v63  }
0xb8: {  	v1 =	vld [tilespmem:s28+$0x28];
	_ =	sdelay $0x2  }
0xb9: {  	v2 =	vld [tilespmem:$0x2798];
	_ =	sdelay $0x4  }
0xba: {  	[tilespmem:v1+s23+$0x0] =	vst.idx.add.f32.msk $0xffff, v2  }
0xbb: {  	v1 =	vld [tilespmem:s28+$0x38];
	_ =	sdelay $0x2  }
0xbc: {  	v2 =	vld [tilespmem:$0x27A8];
	_ =	sdelay $0x4  }
0xbd: {  	[tilespmem:v1+s23+$0x0] =	vst.idx.add.f32.msk $0xffff, v2  }
0xbe: {  	v1 =	vld [tilespmem:s28+$0x48];
	_ =	sdelay $0x2  }
0xbf: {  	v2 =	vld [tilespmem:$0x27B8];
	_ =	sdelay $0x4  }
0xc0: {  	[tilespmem:v1+s23+$0x0] =	vst.idx.add.f32.msk $0xff, v2  }
0xc1: {  	_ =	swait.ge [sflag:s17], $0x1400  }
0xc2: {  	[sflag:s17] =	ssyncset.done $0x0;
	s31 =	rddreg [dreg:$0x12]  }
0xc3: {  	[sflag:s17] =	ssyncadd.s32 $0xFFFFEC00;
	s24 =	sadd.s32 s24, s31  }
0xc4: {  	[tilespmem:s11], [sflag:$0x1] =	stream.linear.gather [hbm4b:s24+s3], $0x1400, $0x38;
	[tilespmem:$0x1A408] =	vst v63  }
0xc5: {  	s31 =	ssub.s32 $0x0, s29  }
0xc6: {  	[tilespmem:s13], [sflag:$0x1] =	stream.linear.gather [hbm4b:s31+s3], $0x28, $0x38;
	[tilespmem:$0x1A408] =	vst v63  }
0xc7: {  	_ =	swait.ge [sflag:s22], $0x1400  }
0xc8: {  	[sflag:s22] =	ssyncset.done $0x0  }
0xc9: {  	[sflag:s22] =	ssyncadd.s32 $0xFFFFEC00  }
0xca: {  	_ =	swait.ge [sflag:s22], $0x28  }
0xcb: {  	[sflag:s22] =	ssyncset.done $0x0  }
0xcc: {  	[sflag:s22] =	ssyncadd.s32 $0xFFFFFFD8  }
0xcd: {  	[spmem:s2] =	stream.indirect.scatter.add.f32 [tilespmem:s15], [sflag:$0x4], $0x80, s1, s21, $0xb8;
	[tilespmem:$0x1A408] =	vst v63  }
0xce: {  	v1 =	vld [tilespmem:s28+$0x50];
	_ =	sdelay $0x2  }
0xcf: {  	v2 =	vld [tilespmem:$0x3BD0];
	_ =	sdelay $0x4  }
0xd0: {  	[tilespmem:v1+s23+$0x0] =	vst.idx.add.f32.msk $0xffff, v2  }
0xd1: {  	v1 =	vld [tilespmem:s28+$0x60];
	_ =	sdelay $0x2  }
0xd2: {  	v2 =	vld [tilespmem:$0x3BE0];
	_ =	sdelay $0x4  }
0xd3: {  	[tilespmem:v1+s23+$0x0] =	vst.idx.add.f32.msk $0xffff, v2  }
0xd4: {  	v1 =	vld [tilespmem:s28+$0x70];
	_ =	sdelay $0x2  }
0xd5: {  	v2 =	vld [tilespmem:$0x3BF0];
	_ =	sdelay $0x4  }
0xd6: {  	[tilespmem:v1+s23+$0x0] =	vst.idx.add.f32.msk $0xff, v2  }
0xd7: {  	_ =	swait.ge [sflag:s25], $0x1400  }
0xd8: {  	[sflag:s25] =	ssyncset.done $0x0  }
0xd9: {  	s24 =	rddreg [dreg:$0xd];
	[sflag:s25] =	ssyncadd.s32 $0xFFFFEC00  }
0xda: {  	[tilespmem:s15], [sflag:$0x2] =	stream.linear.gather [hbm4b:s24+s3], $0x1400, $0x38;
	[tilespmem:$0x1A408] =	vst v63  }
0xdb: {  	s28 =	rddreg [dreg:$0x10]  }
0xdc: {  	[tilespmem:s16], [sflag:$0x2] =	stream.linear.gather [hbm4b:s28+s3], $0x28, $0x38;
	[tilespmem:$0x1A408] =	vst v63  }
0xdd: {  	_ =	swait.ge [sflag:s20], $0x1400  }
0xde: {  	[sflag:s20] =	ssyncset.done $0x0  }
0xdf: {  	[sflag:s20] =	ssyncadd.s32 $0xFFFFEC00  }
0xe0: {  	_ =	swait.ge [sflag:s20], $0x28  }
0xe1: {  	[sflag:s20] =	ssyncset.done $0x0  }
0xe2: {  	s29 =	simm.s32 $0x1360;
	[sflag:s20] =	ssyncadd.s32 $0xFFFFFFD8  }
0xe3: {  	[spmem:s2] =	stream.indirect.scatter.add.f32 [tilespmem:s11], [sflag:$0x3], $0x80, s29, s21, $0xb8;
	[tilespmem:$0x1A408] =	vst v63  }
0xe4: {  	v1 =	vld [tilespmem:$0x1360];
	_ =	sdelay $0x2  }
0xe5: {  	v2 =	vld [tilespmem:$0x2798];
	_ =	sdelay $0x4  }
0xe6: {  	[tilespmem:v1+s23+$0x0] =	vst.idx.add.f32.msk $0xffff, v2  }
0xe7: {  	v1 =	vld [tilespmem:$0x1370];
	_ =	sdelay $0x2  }
0xe8: {  	v2 =	vld [tilespmem:$0x27A8];
	_ =	sdelay $0x4  }
0xe9: {  	[tilespmem:v1+s23+$0x0] =	vst.idx.add.f32.msk $0xffff, v2  }
0xea: {  	v1 =	vld [tilespmem:$0x1380];
	_ =	sdelay $0x2  }
0xeb: {  	v2 =	vld [tilespmem:$0x27B8];
	_ =	sdelay $0x4  }
0xec: {  	[tilespmem:v1+s23+$0x0] =	vst.idx.add.f32.msk $0xff, v2  }
0xed: {  	_ =	swait.ge [sflag:s17], $0x1400  }
0xee: {  	[sflag:s17] =	ssyncset.done $0x0  }
0xef: {  	[sflag:s17] =	ssyncadd.s32 $0xFFFFEC00  }
0xf0: {  	_ =	swait.ge [sflag:s22], $0x1400  }
0xf1: {  	[sflag:s22] =	ssyncset.done $0x0  }
0xf2: {  	[sflag:s22] =	ssyncadd.s32 $0xFFFFEC00  }
0xf3: {  	_ =	swait.ge [sflag:s22], $0x28  }
0xf4: {  	[sflag:s22] =	ssyncset.done $0x0  }
0xf5: {  	[sflag:s22] =	ssyncadd.s32 $0xFFFFFFD8  }
0xf6: {  	s30 =	stileid.u32;
	[bflag:$0x0] =	sbarrier.arrive $0xFFFF  }
0xf7: {  	s1 =	sshll.u32 s30, $0x6;
	s31 =	rddreg [dreg:$0x9]  }
0xf8: {  	s1 =	sor.u32 $0x1C05, s1;
	s29 =	rddreg [dreg:$0x14]  }
0xf9: {  	[hbm:s31], [sflag:s1] =	dma.local [spmem:s29], $0x2800  }
0xfa: {  	_ =	swait.ge [sflag:s12], $0x2800  }
0xfb: {  	[sflag:s12] =	ssyncset.done $0x0  }
0xfc: {  	s30 =	rddreg [dreg:$0xa];
	[sflag:s12] =	ssyncadd.s32 $0xFFFFD800  }
0xfd: {  	[hbm4b:s30+s3] =	stream.linear.scatter [tilespmem:s23], [sflag:$0x5], $0x2800, $0x38;
	[tilespmem:$0x1A408] =	vst v63  }
0xfe: {  	_ =	swait.ge [sflag:s12], $0x2800  }
0xff: {  	s26 =	sadd.s32 $0x1, s26;
	s31 =	rddreg [dreg:$0xb]  }
0x100: {  	p0 =	sne.s32 s26, s31  }
.Ltmp2:
0x101: {  	_ = 	snop;
	(pc) =	sbr.rel @p0 .LBB2_1-.Ltmp2, $3  }
0x102: {  	_ =	sdelay $0x1  }
0x103: {  	[sflag:s12] =	ssyncset.done $0x0  }
0x104: {  	[sflag:s12] =	ssyncadd.s32 $0xFFFFD800  }
0x105: {  	_ =	sfence.sel $0x180000  }
0x106: {  	[bflag:$0x0] =	sbarrier.arrive $0xFFFF  }
0x107: {  	_ =	strace $0x9000004D  }
0x108: {  	s0 =	stileid.u32;
	[bflag:$0x2] =	sbarrier.arrive $0xFFFF  }
0x109: {  	p0 =	sne.s32 s0, $0x0;
	s0 =	rddreg [dreg:$0x2]  }
0x10a: {  	s0 =	sadd.s32 @!p0 $0x100000, s0  }
0x10b: {  	[sflag:s0] =	ssyncadd.tile.s32 @!p0 $0x1;
	_ =	shalt  }
.Lfunc_end2:
_tile_overlayer_lowered:
.L_overlay_start_2:
0x10c: {  	(tag) =	ssettag $0x2  }
0x10d: {  	s0 =	rddreg [dreg:$0x0];
	s2 =	stileid.u32  }
0x10e: {  	s1 =	rddreg [dreg:$0x1];
	p0 =	sne.s32 s2, $0x0  }
0x10f: {  	s3 =	rddreg [dreg:$0x2];
	[bflag:$0x3] =	sbarrier.arrive $0xFFFF;
	s2 =	simm.s32 @!p0 $0x1C05  }
0x110: {  	[timem:s3], [sflag:s2] =	dma.local @!p0 [hbm:s0], s1  }
0x111: {  	s0 =	simm.s32 @!p0 $0x5  }
0x112: {  	_ =	swait.ge @!p0 [sflag:s0], s1  }
0x113: {  	s1 =	ssub.s32 @!p0 $0x0, s1;
	[sflag:s0] =	ssyncset.done @!p0 $0x0  }
0x114: {  	[sflag:s0] =	ssyncadd.s32 @!p0 s1  }
0x115: {  	[bflag:$0x3] =	sbarrier.arrive $0xFFFF  }
0x116: {  	_ =	shalt  }

// kernel: kernel.19.cloned.1.call-start
scs
__scs_entry_jumppad:
0x0: {  	(pc) =	sbr.rel $0x88, $3  }
0x1: {  	(tag) =	ssettag $0x0;
	lr =	simm.s32 $0x1  }
0x2: {  	[smem:$0x3F91] =	sst lr;
	_ =	strace $0xD0000000  }
0x3: {  	_ = 	snop  }
0x4: {  	_ = 	snop  }
0x5: {  	_ = 	snop  }
0x6: {  	_ = 	snop  }
0x7: {  	_ = 	snop  }
__scs_overlays_trampoline_lowered:
0x8: {  	[smem:$0x3FA0] =	sst s0  }
0x9: {  	[smem:$0x3FA1] =	sst s1  }
0xa: {  	[smem:$0x3FA2] =	sst s2  }
0xb: {  	[smem:$0x3FA3] =	sst s3  }
0xc: {  	[smem:$0x3FA4] =	sst s4  }
0xd: {  	[smem:$0x3FA5] =	sst s5  }
0xe: {  	[smem:$0x3FA6] =	sst s6  }
0xf: {  	[smem:$0x3FA7] =	sst s7  }
0x10: {  	[smem:$0x3FA8] =	sst s8  }
0x11: {  	[smem:$0x3FA9] =	sst s9;
	s0 =	simm.s32 @!p0 $0x0  }
0x12: {  	s1 =	sld [smem:$0x3F8F];
	s0 =	simm.s32 @p0 $0x1  }
0x13: {  	[smem:$0x3FAA] =	sst s0;
	s0 =	simm.s32 @!p1 $0x0  }
0x14: {  	s2 =	sld [smem:$0x3F8E];
	s0 =	simm.s32 @p1 $0x1  }
0x15: {  	[smem:$0x3FAB] =	sst s0;
	s0 =	simm.s32 @!p2 $0x0  }
0x16: {  	s3 =	sld [smem:$0x3FDB];
	s0 =	simm.s32 @p2 $0x1  }
0x17: {  	s4 =	simm.s32 $0x1BF5;
	[smem:$0x3FAD] =	sst s0  }
0x18: {  	s0 =	sld [smem:$0x3F90];
	_ =	swait.ge [sflag:s4], $0x0  }
0x19: {  	s7 =	sld [smem:$0x3F91]  }
0x1a: {  	s8 =	sadd.s32 $0xFFFFE003, lr  }
0x1b: {  	s9 =	sadd.s32 $0xFFFFFEF7, lr;
	s5 =	simm.s32 $0xFFFFFFFF;
	p2 =	slt.u32 s8, $0xFFFFF086  }
0x1c: {  	p1 =	slt.u32 s9, $0xF7A;
	s5 =	simm.s32 @!p2 $0x0  }
0x1d: {  	s5 =	simm.s32 @p1 $0x1;
	p0 =	seq.s32 s7, s2  }
0x1e: {  	s7 =	smul.u32 @!p0 $0xF7A, s2;
	p2 =	seq.s32 @!p0 s5, $0x0  }
0x1f: {  	s9 =	smul.u32 $0xF7A, s1;
	s8 =	simm.s32 @!p0 $0x1BF5;
	p2 =	por !p2, p0  }
0x20: {  	[sflag:s8] =	ssyncset.s32 @!p0 $0xFFFFF086;
	s6 =	sadd.s32 @!p0 s3, s7;
	s7 =	simm.s32 @!p0 $0x108  }
0x21: {  	s3 =	sadd.s32 s3, s9;
	s6 =	sadd.s32 @!p0 $0x88, s6;
	s7 =	simm.s32 @p2 $0x1082  }
0x22: {  	[simem:s7], [sflag:s8] =	dma.local @!p0 [hbm:s6], $0xF7A  }
0x23: {  	s9 =	sor.u32 $0xD0000000, s2;
	s6 =	simm.s32 $0x108;
	_ =	swait.ge @!p0 [sflag:s8], $0x0  }
0x24: {  	s3 =	sadd.s32 $0x88, s3;
	s6 =	simm.s32 @!p1 $0x1082;
	[sflag:s4] =	ssyncset.s32 $0xFFFFF086  }
0x25: {  	[simem:s6], [sflag:s4] =	dma.local [hbm:s3], $0xF7A  }
0x26: {  	[smem:$0x3F91] =	sst s1;
	(tag) =	ssettag s2;
	_ =	strace s9  }
0x27: {  	s1 =	sld [smem:$0x3FA1]  }
0x28: {  	s2 =	sld [smem:$0x3FA2]  }
0x29: {  	s4 =	sld [smem:$0x3FA4]  }
0x2a: {  	p0 =	seq.s32 s5, $0x0;
	s5 =	sld [smem:$0x3FA5]  }
0x2b: {  	s6 =	sld [smem:$0x3FA6]  }
0x2c: {  	s7 =	sld [smem:$0x3FA7]  }
0x2d: {  	s3 =	simm.s32 $0x108;
	s8 =	sld [smem:$0x3FA8]  }
0x2e: {  	s3 =	simm.s32 @!p0 $0x1082;
	s9 =	sld [smem:$0x3FA9]  }
0x2f: {  	lr =	sadd.s32 s0, s3;
	s0 =	sld [smem:$0x3FA0]  }
0x30: {  	s3 =	sld [smem:$0x3FA3]  }
0x31: {  	[smem:$0x3FAC] =	sst s10  }
0x32: {  	s10 =	sld [smem:$0x3FAA];
	_ =	sdelay $0x3  }
0x33: {  	p0 =	seq.s32 s10, $0x1;
	s10 =	sld [smem:$0x3FAC];
	_ =	sdelay $0x3  }
0x34: {  	[smem:$0x3FAC] =	sst s10  }
0x35: {  	s10 =	sld [smem:$0x3FAB];
	_ =	sdelay $0x3  }
0x36: {  	p1 =	seq.s32 s10, $0x1;
	s10 =	sld [smem:$0x3FAC];
	_ =	sdelay $0x3  }
0x37: {  	[smem:$0x3FAC] =	sst s10  }
0x38: {  	s10 =	sld [smem:$0x3FAD]  }
0x39: {  	_ = 	snop;
	(pc) =	sbr.ind lr, $3  }
0x3a: {  	_ = 	snop  }
0x3b: {  	_ = 	snop  }
0x3c: {  	p2 =	seq.s32 s10, $0x1;
	s10 =	sld [smem:$0x3FAC]  }
0x3d: {  	_ =	shalt  }
0x3e: {  	_ =	shalt  }
0x3f: {  	_ =	shalt  }
0x40: {  	_ =	shalt  }
0x41: {  	_ =	shalt  }
0x42: {  	_ =	shalt  }
0x43: {  	_ =	shalt  }
0x44: {  	_ =	shalt  }
0x45: {  	_ =	shalt  }
0x46: {  	_ =	shalt  }
0x47: {  	_ =	shalt  }
0x48: {  	_ =	shalt  }
0x49: {  	_ =	shalt  }
0x4a: {  	_ =	shalt  }
0x4b: {  	_ =	shalt  }
0x4c: {  	_ =	shalt  }
0x4d: {  	_ =	shalt  }
0x4e: {  	_ =	shalt  }
0x4f: {  	_ =	shalt  }
0x50: {  	_ =	shalt  }
0x51: {  	_ =	shalt  }
0x52: {  	_ =	shalt  }
0x53: {  	_ =	shalt  }
0x54: {  	_ =	shalt  }
0x55: {  	_ =	shalt  }
0x56: {  	_ =	shalt  }
0x57: {  	_ =	shalt  }
0x58: {  	_ =	shalt  }
0x59: {  	_ =	shalt  }
0x5a: {  	_ =	shalt  }
0x5b: {  	_ =	shalt  }
0x5c: {  	_ =	shalt  }
0x5d: {  	_ =	shalt  }
0x5e: {  	_ =	shalt  }
0x5f: {  	_ =	shalt  }
0x60: {  	_ =	shalt  }
0x61: {  	_ =	shalt  }
0x62: {  	_ =	shalt  }
0x63: {  	_ =	shalt  }
0x64: {  	_ =	shalt  }
0x65: {  	_ =	shalt  }
0x66: {  	_ =	shalt  }
0x67: {  	_ =	shalt  }
0x68: {  	_ =	shalt  }
0x69: {  	_ =	shalt  }
0x6a: {  	_ =	shalt  }
0x6b: {  	_ =	shalt  }
0x6c: {  	_ =	shalt  }
0x6d: {  	_ =	shalt  }
0x6e: {  	_ =	shalt  }
0x6f: {  	_ =	shalt  }
0x70: {  	_ =	shalt  }
0x71: {  	_ =	shalt  }
0x72: {  	_ =	shalt  }
0x73: {  	_ =	shalt  }
0x74: {  	_ =	shalt  }
0x75: {  	_ =	shalt  }
0x76: {  	_ =	shalt  }
0x77: {  	_ =	shalt  }
0x78: {  	_ =	shalt  }
0x79: {  	_ =	shalt  }
0x7a: {  	_ =	shalt  }
0x7b: {  	_ =	shalt  }
0x7c: {  	_ =	shalt  }
0x7d: {  	_ =	shalt  }
0x7e: {  	_ =	shalt  }
0x7f: {  	_ =	shalt  }
0x80: {  	_ =	shalt  }
0x81: {  	_ =	shalt  }
0x82: {  	_ =	shalt  }
0x83: {  	_ =	shalt  }
0x84: {  	_ =	shalt  }
0x85: {  	_ =	shalt  }
0x86: {  	_ =	shalt  }
0x87: {  	_ =	shalt  }
.Lfunc_end0:
.L_simem_size_0:
called_computation.3_lowered:
.L_overlay_start_0:
0x88: {  	s2 =	sld [smem:$0x3FD9]  }
0x89: {  	s3 =	sld [smem:$0x3FFE];
	_ =	sdelay $0x1  }
0x8a: {  	s1 =	srdreg.scid  }
0x8b: {  	s0 =	sand.u32 $0x1, s1  }
0x8c: {  	s17 =	sshll.u32 s0, $0xA;
	s2 =	sadd.s32 s3, s2  }
0x8d: {  	s2 =	sadd.s32 s2, s17  }
0x8e: {  	[smem:$0x3FB8] =	sst s2  }
0x8f: {  	_ = 	snop  }
0x90: {  	s2 =	sld [smem:$0x3FD0];
	(tm) =	ssettm $0x1  }
0x91: {  	s18 =	sld [smem:$0x3FFB];
	_ =	sdelay $0x3  }
0x92: {  	_ =	strace s18  }
0x93: {  	s3 =	sld [smem:$0x3FFC];
	_ =	sdelay $0x3  }
0x94: {  	_ =	strace s3  }
0x95: {  	s3 =	sld [smem:$0x3FFD];
	_ =	sdelay $0x3  }
0x96: {  	_ =	strace s3  }
0x97: {  	_ =	strace $0x8FFFFFFF  }
0x98: {  	s19 =	sld [smem:$0x3FDB];
	_ =	sdelay $0x1  }
0x99: {  	s4 =	simm.s32 $_scs_section_size  }
0x9a: {  	s5 =	simm.s32 $_size__tile_overlayer_lowered;
	s6 =	simm.s32 $_tile_overlayer_lowered  }
0x9b: {  	s22 =	simm.s32 $0x1BFF;
	s21 =	sshll.u32 s6, $0x1;
	s3 =	sadd.s32 s4, s19  }
0x9c: {  	s7 =	simm.s32 $0x0;
	s20 =	sshll.u32 s5, $0x1;
	s5 =	sadd.s32 s21, s3  }
0x9d: {  	[timem:s7], [sflag:s22] =	dma.local [hbm:s5], s20  }
0x9e: {  	_ =	swait.ge [sflag:s22], s20  }
0x9f: {  	s4 =	ssub.s32 $0x0, s20;
	[sflag:s22] =	ssyncset.done $0x0  }
0xa0: {  	[sflag:s22] =	ssyncadd.s32 s4;
	_ =	sdelay $0x1  }
0xa1: {  	s23 =	simm.s32 $0x1B8B  }
0xa2: {  	_ =	swait.ge [sflag:s23], $0x1  }
0xa3: {  	[sflag:s23] =	ssyncset.done $0x0  }
0xa4: {  	s25 =	simm.s32 $0x1B8E;
	s24 =	sld [smem:$0x3FFE];
	[sflag:s23] =	ssyncadd.s32 $0xFFFFFFFF  }
0xa5: {  	s26 =	simm.s32 $execute0_lowered;
	[smem:$0x3FD2] =	sst s25  }
0xa6: {  	s5 =	sshll.u32 s26, $0x1;
	_ =	strace $0x8000004F;
	[dreg:$0x1] =	wrdreg $0xFFFFFFFF  }
0xa7: {  	s28 =	simm.s32 $_size_execute0_lowered;
	s3 =	sadd.s32 s3, s5;
	[dreg:$0x0] =	wrdreg $0x0  }
0xa8: {  	s5 =	sshll.u32 s28, $0x1;
	[dreg:$0x2] =	wrdreg s3  }
0xa9: {  	[dreg:$0x3] =	wrdreg s5  }
0xaa: {  	[dreg:$0x4] =	wrdreg $0xC0  }
0xab: {  	_ =	task [dreg:s7], $0x5FFFF  }
0xac: {  	[dreg:$0x1] =	wrdreg $0xFFFFFFFF  }
0xad: {  	[dreg:$0x0] =	wrdreg $0x60  }
0xae: {  	[dreg:$0x2] =	wrdreg s24  }
0xaf: {  	[dreg:$0x3] =	wrdreg s2  }
0xb0: {  	[dreg:$0x4] =	wrdreg $0x64080  }
0xb1: {  	[dreg:$0x5] =	wrdreg $0x9  }
0xb2: {  	_ =	task.clear_ibuf [dreg:s7], $0x6FFFF;
	_ =	strace $0x9000004F  }
0xb3: {  	s29 =	simm.s32 $0x9;
	_ =	strace $0x80000051  }
0xb4: {  	_ =	swait.ge [sflag:s29], $0x1  }
0xb5: {  	[sflag:s29] =	ssyncadd.s32 $0xFFFFFFFF  }
0xb6: {  	_ =	strace $0x90000051  }
0xb7: {  	_ =	sfence  }
0xb8: {  	s30 =	sld [smem:$0x0];
	_ =	sdelay $0x2  }
0xb9: {  	s31 =	sshll.u32 s1, $0xD;
	s1 =	sshrl.u32 s1, $0x2  }
0xba: {  	s3 =	sand.u32 $0x4000, s31;
	s1 =	sadd.s32 s1, s30  }
0xbb: {  	s0 =	sor.u32 s3, s0;
	s1 =	sshll.u32 s1, $0x11  }
0xbc: {  	s0 =	sor.u32 s1, s0  }
0xbd: {  	s0 =	sadd.s32 $0x8F2B, s0  }
0xbe: {  	[sflag:s0] =	ssyncadd.remote.s32 $0x1  }
0xbf: {  	_ =	sfence.sel $0xFFFF  }
0xc0: {  	[dreg:$0x0] =	wrdreg $0xFFFFFFFF;
	(pc) =	sbr.abs _section_cstart, $3  }
0xc1: {  	[dreg:$0x1] =	wrdreg $0xFFFFFFFF  }
0xc2: {  	_ =	task.clear_ibuf [dreg:s7], $0x2FFFF;
	_ =	strace $0x9FFFFFFF  }
0xc3: {  	(tm) =	ssettm $0x7FFFFFFF  }
tec
execute0_lowered:
.L_overlay_start_1:
0x0: {  	(tag) =	ssettag $0x1  }
0x1: {  	s0 =	srdreg.scid  }
0x2: {  	s15 =	stileid.u32;
	s1 =	rddreg [dreg:$0x0]  }
0x3: {  	s5 =	rddreg [dreg:$0x1];
	s3 =	simm.s32 $0x0;
	s9 =	smul.u32 $0x14000, s15  }
0x4: {  	s0 =	sand.u32 $0x1, s0;
	s2 =	sshll.u32 s15, $0x1;
	s29 =	smul.u32 $0x50000, s15  }
0x5: {  	[smem:$0x7FF] =	sst s3;
	s10 =	sadd.s32 $0xA54000, s1;
	s30 =	smul.u32 $0x2710, s15  }
0x6: {  	s4 =	sadd.s32 $0x7C00, s1;
	s13 =	sadd.s32 $0x7800, s1;
	s8 =	smul.u32 $0x140000, s0  }
0x7: {  	s6 =	sor.u32 s0, s2;
	s22 =	ssub.s32 $0x2, s0;
	s0 =	smul.u32 $0x1388, s0  }
0x8: {  	s2 =	rddreg [dreg:$0x2];
	_ =	strace $0x80000050;
	s7 =	smul.u32 $0x1388, s6  }
0x9: {  	[dreg:$0x4] =	wrdreg s13;
	s23 =	sshrl.u32 s22, $0x1;
	s14 =	smul.u32 $0x13880, s6  }
0xa: {  	s6 =	smul.u32 $0x500, s6;
	s8 =	sadd.s32 s9, s8;
	s9 =	sadd.s32 s9, s2  }
0xb: {  	s0 =	sadd.s32 s0, s30;
	s11 =	sshrl.u32 s7, $0x3;
	s8 =	sshrl.u32 s8, $0x3  }
0xc: {  	s24 =	sadd.s32 $0x28, s7;
	s25 =	sadd.s32 s10, s14;
	s5 =	sadd.s32 s5, s6  }
0xd: {  	s31 =	sadd.s32 $0x1360, s7;
	s15 =	sadd.s32 $0x78, s0;
	s16 =	sadd.s32 $0x50, s0  }
0xe: {  	s12 =	sadd.s32 s11, s1;
	s1 =	sadd.s32 s8, s1;
	s8 =	ssub.s32 s22, s23  }
0xf: {  	[dreg:$0x6] =	wrdreg s25;
	s11 =	sadd.s32 s4, s11;
	s26 =	sshll.u32 s24, $0x4  }
0x10: {  	s28 =	sshrl.u32 s24, $0x3;
	[dreg:$0xb] =	wrdreg s5;
	s13 =	sshrl.u32 s31, $0x3  }
0x11: {  	s5 =	sadd.s32 $0xA0, s0;
	s17 =	sshrl.u32 s15, $0x3;
	[dreg:$0xf] =	wrdreg s16  }
0x12: {  	s7 =	sshll.u32 s16, $0x4;
	s24 =	sshrl.u32 s9, $0x3;
	s15 =	simm.s32 $0x27D0  }
0x13: {  	s16 =	simm.s32 $0x3BD0;
	s12 =	sadd.s32 $0x15C00, s12;
	[dreg:$0x7] =	wrdreg s11  }
0x14: {  	s11 =	sadd.s32 s10, s26;
	s1 =	sadd.s32 $0x5D1000, s1;
	[dreg:$0x15] =	wrdreg s24  }
0x15: {  	s8 =	smax.u32 s8, $0x1;
	s5 =	sshrl.u32 s5, $0x3;
	[dreg:$0x5] =	wrdreg s12  }
0x16: {  	s20 =	sshll.u32 s17, $0x7;
	s18 =	sadd.s32 s7, s10;
	[dreg:$0x8] =	wrdreg s11  }
0x17: {  	s0 =	sadd.s32 s17, s4;
	s17 =	simm.s32 $0x3;
	[dreg:$0xa] =	wrdreg s1  }
0x18: {  	s11 =	sadd.s32 s4, s28;
	s1 =	sshrl.u32 s29, $0x2;
	[dreg:$0xc] =	wrdreg s8  }
0x19: {  	s19 =	sshll.u32 s5, $0x7;
	s22 =	sadd.s32 s5, s4;
	[dreg:$0x14] =	wrdreg s0  }
0x1a: {  	[dreg:$0x9] =	wrdreg s11;
	s14 =	sadd.s32 s1, s2;
	s11 =	sshll.u32 s31, $0x4  }
0x1b: {  	s6 =	sadd.s32 s19, s10;
	s19 =	sadd.s32 s20, s10;
	s12 =	sadd.s32 $0x1400, s14  }
0x1c: {  	s20 =	simm.s32 $0x1;
	s1 =	sadd.s32 s10, s11;
	[dreg:$0xd] =	wrdreg s12  }
0x1d: {  	s21 =	sadd.s32 $0x2800, s14;
	s23 =	sadd.s32 $0xFFFFFB00, s6;
	[dreg:$0xe] =	wrdreg s1  }
0x1e: {  	s25 =	sadd.s32 $0x3C00, s14;
	s26 =	sadd.s32 $0x5000, s14;
	[dreg:$0x10] =	wrdreg s21  }
0x1f: {  	s28 =	sadd.s32 $0x6400, s14;
	s29 =	sadd.s32 $0x7800, s14;
	[dreg:$0x13] =	wrdreg s23  }
0x20: {  	s30 =	sadd.s32 $0x8C00, s14;
	s31 =	sadd.s32 $0xA000, s14;
	[dreg:$0x16] =	wrdreg s25  }
0x21: {  	s0 =	sadd.s32 $0xB400, s14;
	s5 =	sadd.s32 $0xC800, s14;
	[dreg:$0x17] =	wrdreg s26  }
0x22: {  	s6 =	sadd.s32 $0xDC00, s14;
	s7 =	sadd.s32 $0xF000, s14;
	[dreg:$0x18] =	wrdreg s28  }
0x23: {  	s8 =	sadd.s32 $0x10400, s14;
	s9 =	sadd.s32 $0x11800, s14;
	[dreg:$0x19] =	wrdreg s29  }
0x24: {  	s10 =	sadd.s32 $0x12C00, s14;
	s11 =	simm.s32 $0x1398;
	[dreg:$0x1a] =	wrdreg s30  }
0x25: {  	s1 =	sadd.s32 s4, s13;
	[dreg:$0x1b] =	wrdreg s31;
	s12 =	simm.s32 $0x5  }
0x26: {  	s13 =	simm.s32 $0x2798;
	s21 =	simm.s32 $0x28;
	s23 =	simm.s32 $0x3C08  }
0x27: {  	s25 =	simm.s32 $0x4;
	[dreg:$0x11] =	wrdreg s1;
	s1 =	ssub.s32 $0xA, s22  }
0x28: {  	v0 =	vimm.f32 $0.0e+00;
	s26 =	simm.s32 $0x0;
	s22 =	simm.s32 $0x2;
	[dreg:$0x12] =	wrdreg s1  }
.LBB2_1:
0x29: {  	s1 =	simm.s32 $0x40;
	s24 =	simm.s32 $0x0  }
.LBB2_2:
0x2a: {  	p0 =	sne.s32 s1, $0x9FC0;
	[tilespmem:s24+$0x3C08] =	vst v0;
	s24 =	smov.u32 s1;
	s1 =	sadd.s32 $0x40, s1  }
.Ltmp0:
0x2b: {  	(pc) =	sbr.rel @p0 .LBB2_2-.Ltmp0, $2  }
0x2c: {  	_ =	sdelay $0x2  }
0x2d: {  	s24 =	sshra.s32 s24, $0x2  }
0x2e: {  	[tilespmem:s24+$0x3C08] =	vst v0;
	s24 =	simm.s32 $0x0;
	s1 =	rddreg [dreg:$0x4]  }
0x2f: {  	[tilespmem:s11], [sflag:$0x5] =	stream.linear.gather [hbm4b:s1+s24], $0x1400, $0x38;
	[tilespmem:$0x1A408] =	vst v63  }
0x30: {  	_ =	swait.ge [sflag:s12], $0x1400  }
0x31: {  	[sflag:s12] =	ssyncset.done $0x0  }
0x32: {  	[sflag:s12] =	ssyncadd.s32 $0xFFFFEC00  }
0x33: {  	[spmem:s14] =	stream.linear.scatter [tilespmem:s11], [sflag:$0x5], $0x1400, $0x38;
	[tilespmem:$0x1A408] =	vst v63  }
0x34: {  	_ =	swait.ge [sflag:s12], $0x1400  }
0x35: {  	[sflag:s12] =	ssyncset.done $0x0  }
0x36: {  	s28 =	rddreg [dreg:$0xd];
	[sflag:s12] =	ssyncadd.s32 $0xFFFFEC00  }
0x37: {  	[spmem:s28] =	stream.linear.scatter [tilespmem:s11], [sflag:$0x5], $0x1400, $0x38;
	[tilespmem:$0x1A408] =	vst v63  }
0x38: {  	_ =	swait.ge [sflag:s12], $0x1400  }
0x39: {  	[sflag:s12] =	ssyncset.done $0x0  }
0x3a: {  	s28 =	rddreg [dreg:$0x10];
	[sflag:s12] =	ssyncadd.s32 $0xFFFFEC00  }
0x3b: {  	[spmem:s28] =	stream.linear.scatter [tilespmem:s11], [sflag:$0x5], $0x1400, $0x38;
	[tilespmem:$0x1A408] =	vst v63  }
0x3c: {  	_ =	swait.ge [sflag:s12], $0x1400  }
0x3d: {  	[sflag:s12] =	ssyncset.done $0x0  }
0x3e: {  	s28 =	rddreg [dreg:$0x16];
	[sflag:s12] =	ssyncadd.s32 $0xFFFFEC00  }
0x3f: {  	[spmem:s28] =	stream.linear.scatter [tilespmem:s11], [sflag:$0x5], $0x1400, $0x38;
	[tilespmem:$0x1A408] =	vst v63  }
0x40: {  	_ =	swait.ge [sflag:s12], $0x1400  }
0x41: {  	[sflag:s12] =	ssyncset.done $0x0  }
0x42: {  	s28 =	rddreg [dreg:$0x17];
	[sflag:s12] =	ssyncadd.s32 $0xFFFFEC00  }
0x43: {  	[spmem:s28] =	stream.linear.scatter [tilespmem:s11], [sflag:$0x5], $0x1400, $0x38;
	[tilespmem:$0x1A408] =	vst v63  }
0x44: {  	_ =	swait.ge [sflag:s12], $0x1400  }
0x45: {  	[sflag:s12] =	ssyncset.done $0x0  }
0x46: {  	s28 =	rddreg [dreg:$0x18];
	[sflag:s12] =	ssyncadd.s32 $0xFFFFEC00  }
0x47: {  	[spmem:s28] =	stream.linear.scatter [tilespmem:s11], [sflag:$0x5], $0x1400, $0x38;
	[tilespmem:$0x1A408] =	vst v63  }
0x48: {  	_ =	swait.ge [sflag:s12], $0x1400  }
0x49: {  	[sflag:s12] =	ssyncset.done $0x0  }
0x4a: {  	s28 =	rddreg [dreg:$0x19];
	[sflag:s12] =	ssyncadd.s32 $0xFFFFEC00  }
0x4b: {  	[spmem:s28] =	stream.linear.scatter [tilespmem:s11], [sflag:$0x5], $0x1400, $0x38;
	[tilespmem:$0x1A408] =	vst v63  }
0x4c: {  	_ =	swait.ge [sflag:s12], $0x1400  }
0x4d: {  	[sflag:s12] =	ssyncset.done $0x0  }
0x4e: {  	s28 =	rddreg [dreg:$0x1a];
	[sflag:s12] =	ssyncadd.s32 $0xFFFFEC00  }
0x4f: {  	[spmem:s28] =	stream.linear.scatter [tilespmem:s11], [sflag:$0x5], $0x1400, $0x38;
	[tilespmem:$0x1A408] =	vst v63  }
0x50: {  	_ =	swait.ge [sflag:s12], $0x1400  }
0x51: {  	[sflag:s12] =	ssyncset.done $0x0  }
0x52: {  	s28 =	rddreg [dreg:$0x1b];
	[sflag:s12] =	ssyncadd.s32 $0xFFFFEC00  }
0x53: {  	[spmem:s28] =	stream.linear.scatter [tilespmem:s11], [sflag:$0x5], $0x1400, $0x38;
	[tilespmem:$0x1A408] =	vst v63  }
0x54: {  	_ =	swait.ge [sflag:s12], $0x1400  }
0x55: {  	[sflag:s12] =	ssyncset.done $0x0  }
0x56: {  	[sflag:s12] =	ssyncadd.s32 $0xFFFFEC00  }
0x57: {  	[spmem:s0] =	stream.linear.scatter [tilespmem:s11], [sflag:$0x5], $0x1400, $0x38;
	[tilespmem:$0x1A408] =	vst v63  }
0x58: {  	_ =	swait.ge [sflag:s12], $0x1400  }
0x59: {  	[sflag:s12] =	ssyncset.done $0x0  }
0x5a: {  	[sflag:s12] =	ssyncadd.s32 $0xFFFFEC00  }
0x5b: {  	[spmem:s5] =	stream.linear.scatter [tilespmem:s11], [sflag:$0x5], $0x1400, $0x38;
	[tilespmem:$0x1A408] =	vst v63  }
0x5c: {  	_ =	swait.ge [sflag:s12], $0x1400  }
0x5d: {  	[sflag:s12] =	ssyncset.done $0x0  }
0x5e: {  	[sflag:s12] =	ssyncadd.s32 $0xFFFFEC00  }
0x5f: {  	[spmem:s6] =	stream.linear.scatter [tilespmem:s11], [sflag:$0x5], $0x1400, $0x38;
	[tilespmem:$0x1A408] =	vst v63  }
0x60: {  	_ =	swait.ge [sflag:s12], $0x1400  }
0x61: {  	[sflag:s12] =	ssyncset.done $0x0  }
0x62: {  	[sflag:s12] =	ssyncadd.s32 $0xFFFFEC00  }
0x63: {  	[spmem:s7] =	stream.linear.scatter [tilespmem:s11], [sflag:$0x5], $0x1400, $0x38;
	[tilespmem:$0x1A408] =	vst v63  }
0x64: {  	_ =	swait.ge [sflag:s12], $0x1400  }
0x65: {  	[sflag:s12] =	ssyncset.done $0x0  }
0x66: {  	[sflag:s12] =	ssyncadd.s32 $0xFFFFEC00  }
0x67: {  	[spmem:s8] =	stream.linear.scatter [tilespmem:s11], [sflag:$0x5], $0x1400, $0x38;
	[tilespmem:$0x1A408] =	vst v63  }
0x68: {  	_ =	swait.ge [sflag:s12], $0x1400  }
0x69: {  	[sflag:s12] =	ssyncset.done $0x0  }
0x6a: {  	[sflag:s12] =	ssyncadd.s32 $0xFFFFEC00  }
0x6b: {  	[spmem:s9] =	stream.linear.scatter [tilespmem:s11], [sflag:$0x5], $0x1400, $0x38;
	[tilespmem:$0x1A408] =	vst v63  }
0x6c: {  	_ =	swait.ge [sflag:s12], $0x1400  }
0x6d: {  	[sflag:s12] =	ssyncset.done $0x0  }
0x6e: {  	[sflag:s12] =	ssyncadd.s32 $0xFFFFEC00  }
0x6f: {  	[spmem:s10] =	stream.linear.scatter [tilespmem:s11], [sflag:$0x5], $0x1400, $0x38;
	[tilespmem:$0x1A408] =	vst v63  }
0x70: {  	_ =	swait.ge [sflag:s12], $0x1400  }
0x71: {  	[sflag:s12] =	ssyncset.done $0x0  }
0x72: {  	s28 =	rddreg [dreg:$0x5];
	[sflag:s12] =	ssyncadd.s32 $0xFFFFEC00  }
0x73: {  	[tilespmem:s24], [sflag:$0x5] =	stream.linear.gather [hbm4b:s28+s24], $0x1388, $0x38;
	[tilespmem:$0x1A408] =	vst v63  }
0x74: {  	_ =	swait.ge [sflag:s12], $0x1388  }
0x75: {  	[sflag:s12] =	ssyncset.done $0x0  }
0x76: {  	[sflag:s12] =	ssyncadd.s32 $0xFFFFEC78  }
0x77: {  	[bflag:$0x0] =	sbarrier.arrive $0xFFFF  }
0x78: {  	s28 =	rddreg [dreg:$0x6]  }
0x79: {  	s30 =	rddreg [dreg:$0x14]  }
0x7a: {  	s31 =	rddreg [dreg:$0xf]  }
0x7b: {  	s29 =	rddreg [dreg:$0x12]  }
0x7c: {  	[tilespmem:s11], [sflag:$0x1] =	stream.linear.gather [hbm4b:s28+s24], $0x1400, $0x38;
	[tilespmem:$0x1A408] =	vst v63  }
0x7d: {  	s28 =	rddreg [dreg:$0x7]  }
0x7e: {  	[tilespmem:s13], [sflag:$0x1] =	stream.linear.gather [hbm4b:s28+s24], $0x28, $0x38;
	[tilespmem:$0x1A408] =	vst v63  }
0x7f: {  	s28 =	rddreg [dreg:$0x8]  }
0x80: {  	[tilespmem:s15], [sflag:$0x2] =	stream.linear.gather [hbm4b:s28+s24], $0x1400, $0x38;
	[tilespmem:$0x1A408] =	vst v63  }
0x81: {  	s1 =	simm.s32 $0x28;
	s28 =	rddreg [dreg:$0x9]  }
0x82: {  	[tilespmem:s16], [sflag:$0x2] =	stream.linear.gather [hbm4b:s28+s24], $0x28, $0x38;
	[tilespmem:$0x1A408] =	vst v63  }
.LBB2_4:
0x83: {  	_ =	swait.ge [sflag:s20], $0x1400  }
0x84: {  	[sflag:s20] =	ssyncset.done $0x0  }
0x85: {  	[sflag:s20] =	ssyncadd.s32 $0xFFFFEC00  }
0x86: {  	_ =	swait.ge [sflag:s20], $0x28  }
0x87: {  	[sflag:s20] =	ssyncset.done $0x0  }
0x88: {  	s28 =	smov.u32 s1;
	s1 =	sadd.s32 $0xFFFFFFD8, s1;
	[sflag:s20] =	ssyncadd.s32 $0xFFFFFFD8  }
0x89: {  	[spmem:s2] =	stream.indirect.scatter.add.f32 [tilespmem:s11], [sflag:$0x3], $0x80, s1, s21, $0xb8;
	[tilespmem:$0x1A408] =	vst v63  }
0x8a: {  	v1 =	vld [tilespmem:s28+$0xFFFFFFD8];
	_ =	sdelay $0x2  }
0x8b: {  	v2 =	vld [tilespmem:$0x2798];
	_ =	sdelay $0x4  }
0x8c: {  	[tilespmem:v1+s23+$0x0] =	vst.idx.add.f32.msk $0xffff, v2  }
0x8d: {  	v1 =	vld [tilespmem:s28+$0xFFFFFFE8];
	_ =	sdelay $0x2  }
0x8e: {  	v2 =	vld [tilespmem:$0x27A8];
	_ =	sdelay $0x4  }
0x8f: {  	[tilespmem:v1+s23+$0x0] =	vst.idx.add.f32.msk $0xffff, v2  }
0x90: {  	v1 =	vld [tilespmem:s28+$0xFFFFFFF8];
	_ =	sdelay $0x2  }
0x91: {  	v2 =	vld [tilespmem:$0x27B8];
	_ =	sdelay $0x4  }
0x92: {  	[tilespmem:v1+s23+$0x0] =	vst.idx.add.f32.msk $0xff, v2  }
0x93: {  	_ =	swait.ge [sflag:s17], $0x1400  }
0x94: {  	[sflag:s17] =	ssyncset.done $0x0  }
0x95: {  	s1 =	sadd.s32 s24, s18;
	[sflag:s17] =	ssyncadd.s32 $0xFFFFEC00  }
0x96: {  	[tilespmem:s11], [sflag:$0x1] =	stream.linear.gather [hbm4b:s1+s3], $0x1400, $0x38;
	[tilespmem:$0x1A408] =	vst v63  }
0x97: {  	s1 =	sshrl.u32 s31, $0x3  }
0x98: {  	s1 =	sadd.s32 s4, s1  }
0x99: {  	[tilespmem:s13], [sflag:$0x1] =	stream.linear.gather [hbm4b:s1+s3], $0x28, $0x38;
	[tilespmem:$0x1A408] =	vst v63  }
0x9a: {  	_ =	swait.ge [sflag:s22], $0x1400  }
0x9b: {  	[sflag:s22] =	ssyncset.done $0x0  }
0x9c: {  	[sflag:s22] =	ssyncadd.s32 $0xFFFFEC00  }
0x9d: {  	_ =	swait.ge [sflag:s22], $0x28  }
0x9e: {  	[sflag:s22] =	ssyncset.done $0x0  }
0x9f: {  	[sflag:s22] =	ssyncadd.s32 $0xFFFFFFD8  }
0xa0: {  	[spmem:s2] =	stream.indirect.scatter.add.f32 [tilespmem:s15], [sflag:$0x4], $0x80, s28, s21, $0xb8;
	[tilespmem:$0x1A408] =	vst v63  }
0xa1: {  	v1 =	vld [tilespmem:s28+$0x0];
	_ =	sdelay $0x2  }
0xa2: {  	v2 =	vld [tilespmem:$0x3BD0];
	_ =	sdelay $0x4  }
0xa3: {  	[tilespmem:v1+s23+$0x0] =	vst.idx.add.f32.msk $0xffff, v2  }
0xa4: {  	v1 =	vld [tilespmem:s28+$0x10];
	_ =	sdelay $0x2  }
0xa5: {  	v2 =	vld [tilespmem:$0x3BE0];
	_ =	sdelay $0x4  }
0xa6: {  	[tilespmem:v1+s23+$0x0] =	vst.idx.add.f32.msk $0xffff, v2  }
0xa7: {  	v1 =	vld [tilespmem:s28+$0x20];
	_ =	sdelay $0x2  }
0xa8: {  	v2 =	vld [tilespmem:$0x3BF0];
	_ =	sdelay $0x4  }
0xa9: {  	[tilespmem:v1+s23+$0x0] =	vst.idx.add.f32.msk $0xff, v2  }
0xaa: {  	s1 =	sadd.s32 s24, s19;
	s24 =	sadd.s32 $0x500, s24;
	_ =	swait.ge [sflag:s25], $0x1400  }
0xab: {  	p0 =	sne.s32 s24, $0x13100;
	[sflag:s25] =	ssyncset.done $0x0  }
.Ltmp1:
0xac: {  	[sflag:s25] =	ssyncadd.s32 $0xFFFFEC00;
	(pc) =	sbr.rel @p0 .LBB2_4-.Ltmp1, $4  }
0xad: {  	[tilespmem:s15], [sflag:$0x2] =	stream.linear.gather [hbm4b:s1+s3], $0x1400, $0x38;
	[tilespmem:$0x1A408] =	vst v63  }
0xae: {  	s29 =	sadd.s32 $0xFFFFFFF6, s29  }
0xaf: {  	[tilespmem:s16], [sflag:$0x2] =	stream.linear.gather [hbm4b:s30+s3], $0x28, $0x38;
	[tilespmem:$0x1A408] =	vst v63  }
0xb0: {  	s31 =	sadd.s32 $0x50, s31;
	s1 =	sadd.s32 $0x50, s28;
	s30 =	sadd.s32 $0xA, s30  }
0xb1: {  	_ =	swait.ge [sflag:s20], $0x1400  }
0xb2: {  	[sflag:s20] =	ssyncset.done $0x0  }
0xb3: {  	[sflag:s20] =	ssyncadd.s32 $0xFFFFEC00  }
0xb4: {  	_ =	swait.ge [sflag:s20], $0x28  }
0xb5: {  	[sflag:s20] =	ssyncset.done $0x0  }
0xb6: {  	s30 =	sadd.s32 $0x28, s28;
	[sflag:s20] =	ssyncadd.s32 $0xFFFFFFD8  }
0xb7: {  	[spmem:s2] =	stream.indirect.scatter.add.f32 [tilespmem:s11], [sflag:$0x3], $0x80, s30, s21, $0xb8;
	[tilespmem:$0x1A408] =	vst v63  }
0xb8: {  	v1 =	vld [tilespmem:s28+$0x28];
	_ =	sdelay $0x2  }
0xb9: {  	v2 =	vld [tilespmem:$0x2798];
	_ =	sdelay $0x4  }
0xba: {  	[tilespmem:v1+s23+$0x0] =	vst.idx.add.f32.msk $0xffff, v2  }
0xbb: {  	v1 =	vld [tilespmem:s28+$0x38];
	_ =	sdelay $0x2  }
0xbc: {  	v2 =	vld [tilespmem:$0x27A8];
	_ =	sdelay $0x4  }
0xbd: {  	[tilespmem:v1+s23+$0x0] =	vst.idx.add.f32.msk $0xffff, v2  }
0xbe: {  	v1 =	vld [tilespmem:s28+$0x48];
	_ =	sdelay $0x2  }
0xbf: {  	v2 =	vld [tilespmem:$0x27B8];
	_ =	sdelay $0x4  }
0xc0: {  	[tilespmem:v1+s23+$0x0] =	vst.idx.add.f32.msk $0xff, v2  }
0xc1: {  	_ =	swait.ge [sflag:s17], $0x1400  }
0xc2: {  	[sflag:s17] =	ssyncset.done $0x0;
	s31 =	rddreg [dreg:$0x13]  }
0xc3: {  	[sflag:s17] =	ssyncadd.s32 $0xFFFFEC00;
	s24 =	sadd.s32 s24, s31  }
0xc4: {  	[tilespmem:s11], [sflag:$0x1] =	stream.linear.gather [hbm4b:s24+s3], $0x1400, $0x38;
	[tilespmem:$0x1A408] =	vst v63  }
0xc5: {  	s31 =	ssub.s32 $0x0, s29  }
0xc6: {  	[tilespmem:s13], [sflag:$0x1] =	stream.linear.gather [hbm4b:s31+s3], $0x28, $0x38;
	[tilespmem:$0x1A408] =	vst v63  }
0xc7: {  	_ =	swait.ge [sflag:s22], $0x1400  }
0xc8: {  	[sflag:s22] =	ssyncset.done $0x0  }
0xc9: {  	[sflag:s22] =	ssyncadd.s32 $0xFFFFEC00  }
0xca: {  	_ =	swait.ge [sflag:s22], $0x28  }
0xcb: {  	[sflag:s22] =	ssyncset.done $0x0  }
0xcc: {  	[sflag:s22] =	ssyncadd.s32 $0xFFFFFFD8  }
0xcd: {  	[spmem:s2] =	stream.indirect.scatter.add.f32 [tilespmem:s15], [sflag:$0x4], $0x80, s1, s21, $0xb8;
	[tilespmem:$0x1A408] =	vst v63  }
0xce: {  	v1 =	vld [tilespmem:s28+$0x50];
	_ =	sdelay $0x2  }
0xcf: {  	v2 =	vld [tilespmem:$0x3BD0];
	_ =	sdelay $0x4  }
0xd0: {  	[tilespmem:v1+s23+$0x0] =	vst.idx.add.f32.msk $0xffff, v2  }
0xd1: {  	v1 =	vld [tilespmem:s28+$0x60];
	_ =	sdelay $0x2  }
0xd2: {  	v2 =	vld [tilespmem:$0x3BE0];
	_ =	sdelay $0x4  }
0xd3: {  	[tilespmem:v1+s23+$0x0] =	vst.idx.add.f32.msk $0xffff, v2  }
0xd4: {  	v1 =	vld [tilespmem:s28+$0x70];
	_ =	sdelay $0x2  }
0xd5: {  	v2 =	vld [tilespmem:$0x3BF0];
	_ =	sdelay $0x4  }
0xd6: {  	[tilespmem:v1+s23+$0x0] =	vst.idx.add.f32.msk $0xff, v2  }
0xd7: {  	_ =	swait.ge [sflag:s25], $0x1400  }
0xd8: {  	[sflag:s25] =	ssyncset.done $0x0  }
0xd9: {  	s24 =	rddreg [dreg:$0xe];
	[sflag:s25] =	ssyncadd.s32 $0xFFFFEC00  }
0xda: {  	[tilespmem:s15], [sflag:$0x2] =	stream.linear.gather [hbm4b:s24+s3], $0x1400, $0x38;
	[tilespmem:$0x1A408] =	vst v63  }
0xdb: {  	s28 =	rddreg [dreg:$0x11]  }
0xdc: {  	[tilespmem:s16], [sflag:$0x2] =	stream.linear.gather [hbm4b:s28+s3], $0x28, $0x38;
	[tilespmem:$0x1A408] =	vst v63  }
0xdd: {  	_ =	swait.ge [sflag:s20], $0x1400  }
0xde: {  	[sflag:s20] =	ssyncset.done $0x0  }
0xdf: {  	[sflag:s20] =	ssyncadd.s32 $0xFFFFEC00  }
0xe0: {  	_ =	swait.ge [sflag:s20], $0x28  }
0xe1: {  	[sflag:s20] =	ssyncset.done $0x0  }
0xe2: {  	s29 =	simm.s32 $0x1360;
	[sflag:s20] =	ssyncadd.s32 $0xFFFFFFD8  }
0xe3: {  	[spmem:s2] =	stream.indirect.scatter.add.f32 [tilespmem:s11], [sflag:$0x3], $0x80, s29, s21, $0xb8;
	[tilespmem:$0x1A408] =	vst v63  }
0xe4: {  	v1 =	vld [tilespmem:$0x1360];
	_ =	sdelay $0x2  }
0xe5: {  	v2 =	vld [tilespmem:$0x2798];
	_ =	sdelay $0x4  }
0xe6: {  	[tilespmem:v1+s23+$0x0] =	vst.idx.add.f32.msk $0xffff, v2  }
0xe7: {  	v1 =	vld [tilespmem:$0x1370];
	_ =	sdelay $0x2  }
0xe8: {  	v2 =	vld [tilespmem:$0x27A8];
	_ =	sdelay $0x4  }
0xe9: {  	[tilespmem:v1+s23+$0x0] =	vst.idx.add.f32.msk $0xffff, v2  }
0xea: {  	v1 =	vld [tilespmem:$0x1380];
	_ =	sdelay $0x2  }
0xeb: {  	v2 =	vld [tilespmem:$0x27B8];
	_ =	sdelay $0x4  }
0xec: {  	[tilespmem:v1+s23+$0x0] =	vst.idx.add.f32.msk $0xff, v2  }
0xed: {  	_ =	swait.ge [sflag:s17], $0x1400  }
0xee: {  	[sflag:s17] =	ssyncset.done $0x0  }
0xef: {  	[sflag:s17] =	ssyncadd.s32 $0xFFFFEC00  }
0xf0: {  	_ =	swait.ge [sflag:s22], $0x1400  }
0xf1: {  	[sflag:s22] =	ssyncset.done $0x0  }
0xf2: {  	[sflag:s22] =	ssyncadd.s32 $0xFFFFEC00  }
0xf3: {  	_ =	swait.ge [sflag:s22], $0x28  }
0xf4: {  	[sflag:s22] =	ssyncset.done $0x0  }
0xf5: {  	[sflag:s22] =	ssyncadd.s32 $0xFFFFFFD8  }
0xf6: {  	s30 =	stileid.u32;
	[bflag:$0x0] =	sbarrier.arrive $0xFFFF  }
0xf7: {  	s1 =	sshll.u32 s30, $0x6;
	s31 =	rddreg [dreg:$0xa]  }
0xf8: {  	s1 =	sor.u32 $0x1C05, s1;
	s29 =	rddreg [dreg:$0x15]  }
0xf9: {  	[hbm:s31], [sflag:s1] =	dma.local [spmem:s29], $0x2800  }
0xfa: {  	_ =	swait.ge [sflag:s12], $0x2800  }
0xfb: {  	[sflag:s12] =	ssyncset.done $0x0  }
0xfc: {  	s30 =	rddreg [dreg:$0xb];
	[sflag:s12] =	ssyncadd.s32 $0xFFFFD800  }
0xfd: {  	[hbm4b:s30+s3] =	stream.linear.scatter [tilespmem:s23], [sflag:$0x5], $0x2800, $0x38;
	[tilespmem:$0x1A408] =	vst v63  }
0xfe: {  	_ =	swait.ge [sflag:s12], $0x2800  }
0xff: {  	s26 =	sadd.s32 $0x1, s26;
	s31 =	rddreg [dreg:$0xc]  }
0x100: {  	p0 =	sne.s32 s26, s31  }
.Ltmp2:
0x101: {  	_ = 	snop;
	(pc) =	sbr.rel @p0 .LBB2_1-.Ltmp2, $3  }
0x102: {  	_ =	sdelay $0x1  }
0x103: {  	[sflag:s12] =	ssyncset.done $0x0  }
0x104: {  	[sflag:s12] =	ssyncadd.s32 $0xFFFFD800  }
0x105: {  	_ =	sfence.sel $0x180000  }
0x106: {  	[bflag:$0x0] =	sbarrier.arrive $0xFFFF  }
0x107: {  	_ =	strace $0x90000050  }
0x108: {  	s0 =	stileid.u32;
	[bflag:$0x2] =	sbarrier.arrive $0xFFFF  }
0x109: {  	p0 =	sne.s32 s0, $0x0;
	s0 =	rddreg [dreg:$0x3]  }
0x10a: {  	s0 =	sadd.s32 @!p0 $0x100000, s0  }
0x10b: {  	[sflag:s0] =	ssyncadd.tile.s32 @!p0 $0x1;
	_ =	shalt  }
.Lfunc_end2:
_tile_overlayer_lowered:
.L_overlay_start_2:
0x10c: {  	(tag) =	ssettag $0x2  }
0x10d: {  	s0 =	rddreg [dreg:$0x0];
	s2 =	stileid.u32  }
0x10e: {  	s1 =	rddreg [dreg:$0x1];
	p0 =	sne.s32 s2, $0x0  }
0x10f: {  	s3 =	rddreg [dreg:$0x2];
	[bflag:$0x3] =	sbarrier.arrive $0xFFFF;
	s2 =	simm.s32 @!p0 $0x1C05  }
0x110: {  	[timem:s3], [sflag:s2] =	dma.local @!p0 [hbm:s0], s1  }
0x111: {  	s0 =	simm.s32 @!p0 $0x5  }
0x112: {  	_ =	swait.ge @!p0 [sflag:s0], s1  }
0x113: {  	s1 =	ssub.s32 @!p0 $0x0, s1;
	[sflag:s0] =	ssyncset.done @!p0 $0x0  }
0x114: {  	[sflag:s0] =	ssyncadd.s32 @!p0 s1  }
0x115: {  	[bflag:$0x3] =	sbarrier.arrive $0xFFFF  }
0x116: {  	_ =	shalt  }

</sc_bundles>
